<compile_context>
chip_gen: v7x
topology: tpu7x:2x2x1
jax: 0.10.2.dev20260603
libtpu: 0.0.44.dev20260713+nightly
codegen_flags: <defaults>
</compile_context>

<pallas_src>
import functools

import jax
import jax.numpy as jnp
from jax import lax
from jax.experimental import pallas as pl
from jax.experimental.pallas import tpu as pltpu
from jax.experimental.pallas import tpu_sc as plsc

_BATCH = 4096
_NUM_GROUP = 2
_TAU = 0.2
_SAMP = _BATCH // _NUM_GROUP

_NC = 2
_NS = 16
_NW = _NC * _NS
_BPW = _BATCH // _NW
_CH = 16


def _sample_indices(batch_group, batch_group_others):
    key = jax.random.key(42)
    per_group_idx = []
    positions = jnp.arange(_BATCH)
    for i in range(_NUM_GROUP):
        mask = batch_group == i
        idx_g = jnp.nonzero(mask, size=_BATCH, fill_value=0)[0]
        n_c = jnp.sum(mask)
        n_c_f = n_c.astype(jnp.float32)
        weights_list = []
        for j in range(4):
            n = jnp.sum(mask & (batch_group_others == j)).astype(jnp.float32)
            weights_list.append((n / n_c_f) ** _TAU)
        tot = sum(weights_list)
        weights_list = [w / tot for w in weights_list]
        group_others = batch_group_others[idx_g]
        w_arr = jnp.stack(weights_list).astype(jnp.float32)[group_others]
        w_arr = jnp.where(positions < n_c, w_arr, 0.0)
        probs = w_arr / w_arr.sum()
        key, sub = jax.random.split(key)
        sel = jax.random.choice(sub, _BATCH, shape=(_SAMP,), replace=True, p=probs)
        per_group_idx.append(idx_g[sel])
    key, sub = jax.random.split(key)
    perm = jax.random.permutation(sub, _BATCH)
    gather_idx = jnp.concatenate(per_group_idx, axis=0)[perm]
    return gather_idx


_mesh = plsc.VectorSubcoreMesh(core_axis_name="c", subcore_axis_name="s")


@functools.partial(
    pl.kernel,
    mesh=_mesh,
    out_type=(
        jax.ShapeDtypeStruct((_BATCH, 2048), jnp.float32),
        jax.ShapeDtypeStruct((_BATCH, 1024), jnp.float32),
        jax.ShapeDtypeStruct((_BATCH, 768), jnp.float32),
        jax.ShapeDtypeStruct((_BATCH, 128), jnp.int32),
    ),
    scratch_types=[
        pltpu.VMEM((_BPW,), jnp.int32),
        pltpu.VMEM((_CH, 2048), jnp.float32),
        pltpu.VMEM((_CH, 1024), jnp.float32),
        pltpu.VMEM((_CH, 768), jnp.float32),
        pltpu.VMEM((_BPW, 128), jnp.int32),
        pltpu.SemaphoreType.DMA,
        pltpu.SemaphoreType.DMA,
        pltpu.SemaphoreType.DMA,
        pltpu.SemaphoreType.DMA,
    ],
)
def _sc_gather(video_hbm, audio_hbm, text_hbm, tg_hbm, gidx_hbm,
               out_v, out_a, out_t, out_tg,
               idx_v, vbuf, abuf, tbuf, tg_buf,
               sem_v, sem_a, sem_t, sem_tg):
    wid = lax.axis_index("s") * _NC + lax.axis_index("c")
    base = wid * _BPW

    pltpu.sync_copy(gidx_hbm.at[pl.ds(base, _BPW)], idx_v)

    ctg = pltpu.async_copy(tg_hbm.at[idx_v], tg_buf, sem_tg)
    ctg.wait()
    pltpu.sync_copy(tg_buf, out_tg.at[pl.ds(base, _BPW)])

    for c in range(_BPW // _CH):
        ivec = idx_v[pl.ds(c * _CH, _CH)]
        cv = pltpu.async_copy(video_hbm.at[ivec], vbuf, sem_v)
        ca = pltpu.async_copy(audio_hbm.at[ivec], abuf, sem_a)
        ct = pltpu.async_copy(text_hbm.at[ivec], tbuf, sem_t)
        cv.wait()
        ca.wait()
        ct.wait()
        row = base + c * _CH
        pltpu.sync_copy(vbuf, out_v.at[pl.ds(row, _CH)])
        pltpu.sync_copy(abuf, out_a.at[pl.ds(row, _CH)])
        pltpu.sync_copy(tbuf, out_t.at[pl.ds(row, _CH)])


def kernel(batch_video, batch_audio, batch_text, batch_target, batch_group,
           batch_group_others):
    gidx = _sample_indices(batch_group, batch_group_others).astype(jnp.int32)
    tg_packed = jnp.pad(
        jnp.stack([batch_target, batch_group], axis=-1), ((0, 0), (0, 126)))
    video, audio, text, tg_out = _sc_gather(
        batch_video, batch_audio, batch_text, tg_packed, gidx)
    return (video, audio, text, tg_out[:, 0], tg_out[:, 1])

# --- scband reference (transcript-rebuilt; emitter-appended) ---
"""Pipeline reference for scband-video-weighted-over-under-sampling-12378095747674 (READ-ONLY COPY).

The authoritative reference and input builder live on the scoring server;
editing this copy changes nothing except your own understanding.
"""

import jax, jax.numpy as jnp
import numpy as np

BATCH = 4096
NUM_GROUP = 2
TAU = 0.2
SAMP = BATCH // NUM_GROUP


def setup_inputs(seed: int = 0) -> dict:
    key = jax.random.key(seed)
    k1, k2, k3, k4, k5, k6 = jax.random.split(key, 6)
    return {
        "batch_video": jax.random.normal(k1, (BATCH, 2048), dtype=jnp.float32),
        "batch_audio": jax.random.normal(k2, (BATCH, 1024), dtype=jnp.float32),
        "batch_text": jax.random.normal(k3, (BATCH, 768), dtype=jnp.float32),
        "batch_target": jax.random.randint(k4, (BATCH,), 0, 100, dtype=jnp.int32),
        "batch_group": jax.random.randint(k5, (BATCH,), 0, NUM_GROUP, dtype=jnp.int32),
        "batch_group_others": jax.random.randint(k6, (BATCH,), 0, 4, dtype=jnp.int32),
    }


def _compute_gather_indices(batch_group, batch_group_others):
    # Replicates the torch module's weighted over/under-sampling index logic.
    key = jax.random.key(42)
    per_group_idx = []
    positions = jnp.arange(BATCH)
    for i in range(NUM_GROUP):
        mask = batch_group == i
        idx_g = jnp.nonzero(mask, size=BATCH, fill_value=0)[0]
        n_c = jnp.sum(mask)
        n_c_f = n_c.astype(jnp.float32)
        weights_list = []
        for j in range(4):
            n = jnp.sum(mask & (batch_group_others == j)).astype(jnp.float32)
            weights_list.append((n / n_c_f) ** TAU)
        tot = sum(weights_list)
        weights_list = [w / tot for w in weights_list]
        group_others = batch_group_others[idx_g]
        w_arr = jnp.stack(weights_list).astype(jnp.float32)[group_others]
        w_arr = jnp.where(positions < n_c, w_arr, 0.0)
        probs = w_arr / w_arr.sum()
        key, sub = jax.random.split(key)
        sel = jax.random.choice(sub, BATCH, shape=(SAMP,), replace=True, p=probs)
        per_group_idx.append(idx_g[sel])
    key, sub = jax.random.split(key)
    perm = jax.random.permutation(sub, BATCH)
    gather_idx = jnp.concatenate(per_group_idx, axis=0)[perm]
    return gather_idx


def reference(batch_video, batch_audio, batch_text, batch_target, batch_group, batch_group_others):
    gidx = _compute_gather_indices(batch_group, batch_group_others)
    video = jnp.take(batch_video, gidx, axis=0)
    audio = jnp.take(batch_audio, gidx, axis=0)
    text = jnp.take(batch_text, gidx, axis=0)
    target = jnp.take(batch_target, gidx, axis=0)
    group = jnp.take(batch_group, gidx, axis=0)
    return (video, audio, text, target, group)

if __name__ == "__main__":
    import jax
    _d = setup_inputs()
    print(jax.jit(kernel)(*tuple(_d.values())))

</pallas_src>

<mosaic_0001>
#map = affine_map<(d0, d1) -> (0, 0)>
#map1 = affine_map<(d0, d1) -> (0)>
module attributes {stable_mosaic.version = 14 : i64} {
  func.func @_sc_gather(%arg0: i32, %arg1: i32, %arg2: memref<4096x2048xf32, #tpu.memory_space<hbm>>, %arg3: memref<4096x1024xf32, #tpu.memory_space<hbm>>, %arg4: memref<4096x768xf32, #tpu.memory_space<hbm>>, %arg5: memref<4096x128xi32, #tpu.memory_space<hbm>>, %arg6: memref<4096xi32, #tpu.memory_space<hbm>>, %arg7: memref<4096x2048xf32, #tpu.memory_space<hbm>>, %arg8: memref<4096x1024xf32, #tpu.memory_space<hbm>>, %arg9: memref<4096x768xf32, #tpu.memory_space<hbm>>, %arg10: memref<4096x128xi32, #tpu.memory_space<hbm>>, %arg11: memref<128xi32, #tpu.memory_space<vmem>>, %arg12: memref<16x2048xf32, #tpu.memory_space<vmem>>, %arg13: memref<16x1024xf32, #tpu.memory_space<vmem>>, %arg14: memref<16x768xf32, #tpu.memory_space<vmem>>, %arg15: memref<128x128xi32, #tpu.memory_space<vmem>>, %arg16: memref<!tpu.dma_semaphore, #tpu.memory_space<semaphore_mem>>, %arg17: memref<!tpu.dma_semaphore, #tpu.memory_space<semaphore_mem>>, %arg18: memref<!tpu.dma_semaphore, #tpu.memory_space<semaphore_mem>>, %arg19: memref<!tpu.dma_semaphore, #tpu.memory_space<semaphore_mem>>) attributes {dimension_semantics = [#tpu.dimension_semantics<core_parallel>, #tpu.dimension_semantics<subcore_parallel>], iteration_bounds = array<i64: 2, 16>, scalar_prefetch = 0 : i64, scratch_operands = 9 : i64, tpu.core_type = #tpu.core_type<sc_vector_subcore>, window_params = [{transform_indices = #map}, {transform_indices = #map}, {transform_indices = #map}, {transform_indices = #map}, {transform_indices = #map1}, {transform_indices = #map}, {transform_indices = #map}, {transform_indices = #map}, {transform_indices = #map}]} {
    %mul3A = arith.constant 2 : i32
    %mul3A_0 = arith.muli %arg1, %mul3A : i32
    %add3A = arith.addi %mul3A_0, %arg0 : i32
    %mul3A_1 = arith.constant 128 : i32
    %mul3A_2 = arith.muli %add3A, %mul3A_1 : i32
    "tpu.region"() ({
      %run_scoped3A = tpu.sem_alloc : memref<!tpu.dma_semaphore, #tpu.memory_space<semaphore_mem>>
      %dma_start3A_190 = tpu.memref_slice %arg6[%mul3A_2] : memref<4096xi32, #tpu.memory_space<hbm>> -> memref<128xi32, #tpu.memory_space<hbm>>
      %dma_start3A_191 = tpu.memref_slice %arg6[%mul3A_2] : memref<4096xi32, #tpu.memory_space<hbm>> -> memref<128xi32, #tpu.memory_space<hbm>>
      tpu.enqueue_dma source(%dma_start3A_191 : memref<128xi32, #tpu.memory_space<hbm>>) target(%arg11 : memref<128xi32, #tpu.memory_space<vmem>>) target_semaphore(%run_scoped3A : memref<!tpu.dma_semaphore, #tpu.memory_space<semaphore_mem>>)
      %dma_wait3A_192 = tpu.memref_slice %arg6[%mul3A_2] : memref<4096xi32, #tpu.memory_space<hbm>> -> memref<128xi32, #tpu.memory_space<hbm>>
      %dma_wait3A_193 = tpu.memref_slice %arg6[%mul3A_2] : memref<4096xi32, #tpu.memory_space<hbm>> -> memref<128xi32, #tpu.memory_space<hbm>>
      tpu.wait_dma2 semaphore(%run_scoped3A : memref<!tpu.dma_semaphore, #tpu.memory_space<semaphore_mem>>) src(%dma_wait3A_193 : memref<128xi32, #tpu.memory_space<hbm>>) dst(%arg11 : memref<128xi32, #tpu.memory_space<vmem>>)
      tpu.yield
    }) : () -> ()
    %dma_start3A = arith.constant 0 : i32
    %dma_start3A_3 = arith.constant 0 : i32
    %dma_start3A_4 = tpu.memref_slice %arg5[%dma_start3A, %dma_start3A_3] : memref<4096x128xi32, #tpu.memory_space<hbm>> -> memref<4096x128xi32, #tpu.memory_space<hbm>>
    tpu.enqueue_indirect_dma source(%dma_start3A_4 : memref<4096x128xi32, #tpu.memory_space<hbm>>) target(%arg15 : memref<128x128xi32, #tpu.memory_space<vmem>>) offsets(%arg11 : memref<128xi32, #tpu.memory_space<vmem>>) semaphore(%arg19 : memref<!tpu.dma_semaphore, #tpu.memory_space<semaphore_mem>>)
    %dma_wait3A = arith.constant 0 : i32
    %dma_wait3A_5 = arith.constant 0 : i32
    %dma_wait3A_6 = tpu.memref_slice %arg5[%dma_wait3A, %dma_wait3A_5] : memref<4096x128xi32, #tpu.memory_space<hbm>> -> memref<4096x128xi32, #tpu.memory_space<hbm>>
    tpu.wait_indirect_dma semaphore(%arg19 : memref<!tpu.dma_semaphore, #tpu.memory_space<semaphore_mem>>) src(%dma_wait3A_6 : memref<4096x128xi32, #tpu.memory_space<hbm>>) dst(%arg15 : memref<128x128xi32, #tpu.memory_space<vmem>>)
    "tpu.region"() ({
      %run_scoped3A = tpu.sem_alloc : memref<!tpu.dma_semaphore, #tpu.memory_space<semaphore_mem>>
      %dma_start3A_190 = arith.constant 0 : i32
      %dma_start3A_191 = tpu.memref_slice %arg10[%mul3A_2, %dma_start3A_190] : memref<4096x128xi32, #tpu.memory_space<hbm>> -> memref<128x128xi32, #tpu.memory_space<hbm>>
      %dma_start3A_192 = arith.constant 0 : i32
      %dma_start3A_193 = tpu.memref_slice %arg10[%mul3A_2, %dma_start3A_192] : memref<4096x128xi32, #tpu.memory_space<hbm>> -> memref<128x128xi32, #tpu.memory_space<hbm>>
      tpu.enqueue_dma source(%arg15 : memref<128x128xi32, #tpu.memory_space<vmem>>) target(%dma_start3A_193 : memref<128x128xi32, #tpu.memory_space<hbm>>) target_semaphore(%run_scoped3A : memref<!tpu.dma_semaphore, #tpu.memory_space<semaphore_mem>>)
      %dma_wait3A_194 = arith.constant 0 : i32
      %dma_wait3A_195 = tpu.memref_slice %arg10[%mul3A_2, %dma_wait3A_194] : memref<4096x128xi32, #tpu.memory_space<hbm>> -> memref<128x128xi32, #tpu.memory_space<hbm>>
      %dma_wait3A_196 = arith.constant 0 : i32
      %dma_wait3A_197 = tpu.memref_slice %arg10[%mul3A_2, %dma_wait3A_196] : memref<4096x128xi32, #tpu.memory_space<hbm>> -> memref<128x128xi32, #tpu.memory_space<hbm>>
      tpu.wait_dma2 semaphore(%run_scoped3A : memref<!tpu.dma_semaphore, #tpu.memory_space<semaphore_mem>>) src(%arg15 : memref<128x128xi32, #tpu.memory_space<vmem>>) dst(%dma_wait3A_197 : memref<128x128xi32, #tpu.memory_space<hbm>>)
      tpu.yield
    }) : () -> ()
    %get3A = arith.constant 0 : index
    %get3A_7 = tpu.vector_load %arg11[%get3A] {strides = array<i32>} : memref<128xi32, #tpu.memory_space<vmem>>, vector<16xi32>,
    %get3A_8 = vector.shape_cast %get3A_7 : vector<16xi32> to vector<16xi32>
    %dma_start3A_9 = arith.constant 0 : i32
    %dma_start3A_10 = arith.constant 0 : i32
    %dma_start3A_11 = tpu.memref_slice %arg2[%dma_start3A_9, %dma_start3A_10] : memref<4096x2048xf32, #tpu.memory_space<hbm>> -> memref<4096x2048xf32, #tpu.memory_space<hbm>>
    tpu.enqueue_indirect_dma source(%dma_start3A_11 : memref<4096x2048xf32, #tpu.memory_space<hbm>>) target(%arg12 : memref<16x2048xf32, #tpu.memory_space<vmem>>) offsets(%get3A_8 : vector<16xi32>) semaphore(%arg16 : memref<!tpu.dma_semaphore, #tpu.memory_space<semaphore_mem>>)
    %dma_start3A_12 = arith.constant 0 : i32
    %dma_start3A_13 = arith.constant 0 : i32
    %dma_start3A_14 = tpu.memref_slice %arg3[%dma_start3A_12, %dma_start3A_13] : memref<4096x1024xf32, #tpu.memory_space<hbm>> -> memref<4096x1024xf32, #tpu.memory_space<hbm>>
    tpu.enqueue_indirect_dma source(%dma_start3A_14 : memref<4096x1024xf32, #tpu.memory_space<hbm>>) target(%arg13 : memref<16x1024xf32, #tpu.memory_space<vmem>>) offsets(%get3A_8 : vector<16xi32>) semaphore(%arg17 : memref<!tpu.dma_semaphore, #tpu.memory_space<semaphore_mem>>)
    %dma_start3A_15 = arith.constant 0 : i32
    %dma_start3A_16 = arith.constant 0 : i32
    %dma_start3A_17 = tpu.memref_slice %arg4[%dma_start3A_15, %dma_start3A_16] : memref<4096x768xf32, #tpu.memory_space<hbm>> -> memref<4096x768xf32, #tpu.memory_space<hbm>>
    tpu.enqueue_indirect_dma source(%dma_start3A_17 : memref<4096x768xf32, #tpu.memory_space<hbm>>) target(%arg14 : memref<16x768xf32, #tpu.memory_space<vmem>>) offsets(%get3A_8 : vector<16xi32>) semaphore(%arg18 : memref<!tpu.dma_semaphore, #tpu.memory_space<semaphore_mem>>)
    %dma_wait3A_18 = arith.constant 0 : i32
    %dma_wait3A_19 = arith.constant 0 : i32
    %dma_wait3A_20 = tpu.memref_slice %arg2[%dma_wait3A_18, %dma_wait3A_19] : memref<4096x2048xf32, #tpu.memory_space<hbm>> -> memref<4096x2048xf32, #tpu.memory_space<hbm>>
    tpu.wait_indirect_dma semaphore(%arg16 : memref<!tpu.dma_semaphore, #tpu.memory_space<semaphore_mem>>) src(%dma_wait3A_20 : memref<4096x2048xf32, #tpu.memory_space<hbm>>) dst(%arg12 : memref<16x2048xf32, #tpu.memory_space<vmem>>)
    %dma_wait3A_21 = arith.constant 0 : i32
    %dma_wait3A_22 = arith.constant 0 : i32
    %dma_wait3A_23 = tpu.memref_slice %arg3[%dma_wait3A_21, %dma_wait3A_22] : memref<4096x1024xf32, #tpu.memory_space<hbm>> -> memref<4096x1024xf32, #tpu.memory_space<hbm>>
    tpu.wait_indirect_dma semaphore(%arg17 : memref<!tpu.dma_semaphore, #tpu.memory_space<semaphore_mem>>) src(%dma_wait3A_23 : memref<4096x1024xf32, #tpu.memory_space<hbm>>) dst(%arg13 : memref<16x1024xf32, #tpu.memory_space<vmem>>)
    %dma_wait3A_24 = arith.constant 0 : i32
    %dma_wait3A_25 = arith.constant 0 : i32
    %dma_wait3A_26 = tpu.memref_slice %arg4[%dma_wait3A_24, %dma_wait3A_25] : memref<4096x768xf32, #tpu.memory_space<hbm>> -> memref<4096x768xf32, #tpu.memory_space<hbm>>
    tpu.wait_indirect_dma semaphore(%arg18 : memref<!tpu.dma_semaphore, #tpu.memory_space<semaphore_mem>>) src(%dma_wait3A_26 : memref<4096x768xf32, #tpu.memory_space<hbm>>) dst(%arg14 : memref<16x768xf32, #tpu.memory_space<vmem>>)
    %add3A_27 = arith.constant 0 : i32
    %add3A_28 = arith.addi %mul3A_2, %add3A_27 : i32
    "tpu.region"() ({
      %run_scoped3A = tpu.sem_alloc : memref<!tpu.dma_semaphore, #tpu.memory_space<semaphore_mem>>
      %dma_start3A_190 = arith.constant 0 : i32
      %dma_start3A_191 = tpu.memref_slice %arg7[%add3A_28, %dma_start3A_190] : memref<4096x2048xf32, #tpu.memory_space<hbm>> -> memref<16x2048xf32, #tpu.memory_space<hbm>>
      %dma_start3A_192 = arith.constant 0 : i32
      %dma_start3A_193 = tpu.memref_slice %arg7[%add3A_28, %dma_start3A_192] : memref<4096x2048xf32, #tpu.memory_space<hbm>> -> memref<16x2048xf32, #tpu.memory_space<hbm>>
      tpu.enqueue_dma source(%arg12 : memref<16x2048xf32, #tpu.memory_space<vmem>>) target(%dma_start3A_193 : memref<16x2048xf32, #tpu.memory_space<hbm>>) target_semaphore(%run_scoped3A : memref<!tpu.dma_semaphore, #tpu.memory_space<semaphore_mem>>)
      %dma_wait3A_194 = arith.constant 0 : i32
      %dma_wait3A_195 = tpu.memref_slice %arg7[%add3A_28, %dma_wait3A_194] : memref<4096x2048xf32, #tpu.memory_space<hbm>> -> memref<16x2048xf32, #tpu.memory_space<hbm>>
      %dma_wait3A_196 = arith.constant 0 : i32
      %dma_wait3A_197 = tpu.memref_slice %arg7[%add3A_28, %dma_wait3A_196] : memref<4096x2048xf32, #tpu.memory_space<hbm>> -> memref<16x2048xf32, #tpu.memory_space<hbm>>
      tpu.wait_dma2 semaphore(%run_scoped3A : memref<!tpu.dma_semaphore, #tpu.memory_space<semaphore_mem>>) src(%arg12 : memref<16x2048xf32, #tpu.memory_space<vmem>>) dst(%dma_wait3A_197 : memref<16x2048xf32, #tpu.memory_space<hbm>>)
      tpu.yield
    }) : () -> ()
    "tpu.region"() ({
      %run_scoped3A = tpu.sem_alloc : memref<!tpu.dma_semaphore, #tpu.memory_space<semaphore_mem>>
      %dma_start3A_190 = arith.constant 0 : i32
      %dma_start3A_191 = tpu.memref_slice %arg8[%add3A_28, %dma_start3A_190] : memref<4096x1024xf32, #tpu.memory_space<hbm>> -> memref<16x1024xf32, #tpu.memory_space<hbm>>
      %dma_start3A_192 = arith.constant 0 : i32
      %dma_start3A_193 = tpu.memref_slice %arg8[%add3A_28, %dma_start3A_192] : memref<4096x1024xf32, #tpu.memory_space<hbm>> -> memref<16x1024xf32, #tpu.memory_space<hbm>>
      tpu.enqueue_dma source(%arg13 : memref<16x1024xf32, #tpu.memory_space<vmem>>) target(%dma_start3A_193 : memref<16x1024xf32, #tpu.memory_space<hbm>>) target_semaphore(%run_scoped3A : memref<!tpu.dma_semaphore, #tpu.memory_space<semaphore_mem>>)
      %dma_wait3A_194 = arith.constant 0 : i32
      %dma_wait3A_195 = tpu.memref_slice %arg8[%add3A_28, %dma_wait3A_194] : memref<4096x1024xf32, #tpu.memory_space<hbm>> -> memref<16x1024xf32, #tpu.memory_space<hbm>>
      %dma_wait3A_196 = arith.constant 0 : i32
      %dma_wait3A_197 = tpu.memref_slice %arg8[%add3A_28, %dma_wait3A_196] : memref<4096x1024xf32, #tpu.memory_space<hbm>> -> memref<16x1024xf32, #tpu.memory_space<hbm>>
      tpu.wait_dma2 semaphore(%run_scoped3A : memref<!tpu.dma_semaphore, #tpu.memory_space<semaphore_mem>>) src(%arg13 : memref<16x1024xf32, #tpu.memory_space<vmem>>) dst(%dma_wait3A_197 : memref<16x1024xf32, #tpu.memory_space<hbm>>)
      tpu.yield
    }) : () -> ()
    "tpu.region"() ({
      %run_scoped3A = tpu.sem_alloc : memref<!tpu.dma_semaphore, #tpu.memory_space<semaphore_mem>>
      %dma_start3A_190 = arith.constant 0 : i32
      %dma_start3A_191 = tpu.memref_slice %arg9[%add3A_28, %dma_start3A_190] : memref<4096x768xf32, #tpu.memory_space<hbm>> -> memref<16x768xf32, #tpu.memory_space<hbm>>
      %dma_start3A_192 = arith.constant 0 : i32
      %dma_start3A_193 = tpu.memref_slice %arg9[%add3A_28, %dma_start3A_192] : memref<4096x768xf32, #tpu.memory_space<hbm>> -> memref<16x768xf32, #tpu.memory_space<hbm>>
      tpu.enqueue_dma source(%arg14 : memref<16x768xf32, #tpu.memory_space<vmem>>) target(%dma_start3A_193 : memref<16x768xf32, #tpu.memory_space<hbm>>) target_semaphore(%run_scoped3A : memref<!tpu.dma_semaphore, #tpu.memory_space<semaphore_mem>>)
      %dma_wait3A_194 = arith.constant 0 : i32
      %dma_wait3A_195 = tpu.memref_slice %arg9[%add3A_28, %dma_wait3A_194] : memref<4096x768xf32, #tpu.memory_space<hbm>> -> memref<16x768xf32, #tpu.memory_space<hbm>>
      %dma_wait3A_196 = arith.constant 0 : i32
      %dma_wait3A_197 = tpu.memref_slice %arg9[%add3A_28, %dma_wait3A_196] : memref<4096x768xf32, #tpu.memory_space<hbm>> -> memref<16x768xf32, #tpu.memory_space<hbm>>
      tpu.wait_dma2 semaphore(%run_scoped3A : memref<!tpu.dma_semaphore, #tpu.memory_space<semaphore_mem>>) src(%arg14 : memref<16x768xf32, #tpu.memory_space<vmem>>) dst(%dma_wait3A_197 : memref<16x768xf32, #tpu.memory_space<hbm>>)
      tpu.yield
    }) : () -> ()
    %get3A_29 = arith.constant 16 : index
    %get3A_30 = tpu.vector_load %arg11[%get3A_29] {strides = array<i32>} : memref<128xi32, #tpu.memory_space<vmem>>, vector<16xi32>,
    %get3A_31 = vector.shape_cast %get3A_30 : vector<16xi32> to vector<16xi32>
    %dma_start3A_32 = arith.constant 0 : i32
    %dma_start3A_33 = arith.constant 0 : i32
    %dma_start3A_34 = tpu.memref_slice %arg2[%dma_start3A_32, %dma_start3A_33] : memref<4096x2048xf32, #tpu.memory_space<hbm>> -> memref<4096x2048xf32, #tpu.memory_space<hbm>>
    tpu.enqueue_indirect_dma source(%dma_start3A_34 : memref<4096x2048xf32, #tpu.memory_space<hbm>>) target(%arg12 : memref<16x2048xf32, #tpu.memory_space<vmem>>) offsets(%get3A_31 : vector<16xi32>) semaphore(%arg16 : memref<!tpu.dma_semaphore, #tpu.memory_space<semaphore_mem>>)
    %dma_start3A_35 = arith.constant 0 : i32
    %dma_start3A_36 = arith.constant 0 : i32
    %dma_start3A_37 = tpu.memref_slice %arg3[%dma_start3A_35, %dma_start3A_36] : memref<4096x1024xf32, #tpu.memory_space<hbm>> -> memref<4096x1024xf32, #tpu.memory_space<hbm>>
    tpu.enqueue_indirect_dma source(%dma_start3A_37 : memref<4096x1024xf32, #tpu.memory_space<hbm>>) target(%arg13 : memref<16x1024xf32, #tpu.memory_space<vmem>>) offsets(%get3A_31 : vector<16xi32>) semaphore(%arg17 : memref<!tpu.dma_semaphore, #tpu.memory_space<semaphore_mem>>)
    %dma_start3A_38 = arith.constant 0 : i32
    %dma_start3A_39 = arith.constant 0 : i32
    %dma_start3A_40 = tpu.memref_slice %arg4[%dma_start3A_38, %dma_start3A_39] : memref<4096x768xf32, #tpu.memory_space<hbm>> -> memref<4096x768xf32, #tpu.memory_space<hbm>>
    tpu.enqueue_indirect_dma source(%dma_start3A_40 : memref<4096x768xf32, #tpu.memory_space<hbm>>) target(%arg14 : memref<16x768xf32, #tpu.memory_space<vmem>>) offsets(%get3A_31 : vector<16xi32>) semaphore(%arg18 : memref<!tpu.dma_semaphore, #tpu.memory_space<semaphore_mem>>)
    %dma_wait3A_41 = arith.constant 0 : i32
    %dma_wait3A_42 = arith.constant 0 : i32
    %dma_wait3A_43 = tpu.memref_slice %arg2[%dma_wait3A_41, %dma_wait3A_42] : memref<4096x2048xf32, #tpu.memory_space<hbm>> -> memref<4096x2048xf32, #tpu.memory_space<hbm>>
    tpu.wait_indirect_dma semaphore(%arg16 : memref<!tpu.dma_semaphore, #tpu.memory_space<semaphore_mem>>) src(%dma_wait3A_43 : memref<4096x2048xf32, #tpu.memory_space<hbm>>) dst(%arg12 : memref<16x2048xf32, #tpu.memory_space<vmem>>)
    %dma_wait3A_44 = arith.constant 0 : i32
    %dma_wait3A_45 = arith.constant 0 : i32
    %dma_wait3A_46 = tpu.memref_slice %arg3[%dma_wait3A_44, %dma_wait3A_45] : memref<4096x1024xf32, #tpu.memory_space<hbm>> -> memref<4096x1024xf32, #tpu.memory_space<hbm>>
    tpu.wait_indirect_dma semaphore(%arg17 : memref<!tpu.dma_semaphore, #tpu.memory_space<semaphore_mem>>) src(%dma_wait3A_46 : memref<4096x1024xf32, #tpu.memory_space<hbm>>) dst(%arg13 : memref<16x1024xf32, #tpu.memory_space<vmem>>)
    %dma_wait3A_47 = arith.constant 0 : i32
    %dma_wait3A_48 = arith.constant 0 : i32
    %dma_wait3A_49 = tpu.memref_slice %arg4[%dma_wait3A_47, %dma_wait3A_48] : memref<4096x768xf32, #tpu.memory_space<hbm>> -> memref<4096x768xf32, #tpu.memory_space<hbm>>
    tpu.wait_indirect_dma semaphore(%arg18 : memref<!tpu.dma_semaphore, #tpu.memory_space<semaphore_mem>>) src(%dma_wait3A_49 : memref<4096x768xf32, #tpu.memory_space<hbm>>) dst(%arg14 : memref<16x768xf32, #tpu.memory_space<vmem>>)
    %add3A_50 = arith.constant 16 : i32
    %add3A_51 = arith.addi %mul3A_2, %add3A_50 : i32
    "tpu.region"() ({
      %run_scoped3A = tpu.sem_alloc : memref<!tpu.dma_semaphore, #tpu.memory_space<semaphore_mem>>
      %dma_start3A_190 = arith.constant 0 : i32
      %dma_start3A_191 = tpu.memref_slice %arg7[%add3A_51, %dma_start3A_190] : memref<4096x2048xf32, #tpu.memory_space<hbm>> -> memref<16x2048xf32, #tpu.memory_space<hbm>>
      %dma_start3A_192 = arith.constant 0 : i32
      %dma_start3A_193 = tpu.memref_slice %arg7[%add3A_51, %dma_start3A_192] : memref<4096x2048xf32, #tpu.memory_space<hbm>> -> memref<16x2048xf32, #tpu.memory_space<hbm>>
      tpu.enqueue_dma source(%arg12 : memref<16x2048xf32, #tpu.memory_space<vmem>>) target(%dma_start3A_193 : memref<16x2048xf32, #tpu.memory_space<hbm>>) target_semaphore(%run_scoped3A : memref<!tpu.dma_semaphore, #tpu.memory_space<semaphore_mem>>)
      %dma_wait3A_194 = arith.constant 0 : i32
      %dma_wait3A_195 = tpu.memref_slice %arg7[%add3A_51, %dma_wait3A_194] : memref<4096x2048xf32, #tpu.memory_space<hbm>> -> memref<16x2048xf32, #tpu.memory_space<hbm>>
      %dma_wait3A_196 = arith.constant 0 : i32
      %dma_wait3A_197 = tpu.memref_slice %arg7[%add3A_51, %dma_wait3A_196] : memref<4096x2048xf32, #tpu.memory_space<hbm>> -> memref<16x2048xf32, #tpu.memory_space<hbm>>
      tpu.wait_dma2 semaphore(%run_scoped3A : memref<!tpu.dma_semaphore, #tpu.memory_space<semaphore_mem>>) src(%arg12 : memref<16x2048xf32, #tpu.memory_space<vmem>>) dst(%dma_wait3A_197 : memref<16x2048xf32, #tpu.memory_space<hbm>>)
      tpu.yield
    }) : () -> ()
    "tpu.region"() ({
      %run_scoped3A = tpu.sem_alloc : memref<!tpu.dma_semaphore, #tpu.memory_space<semaphore_mem>>
      %dma_start3A_190 = arith.constant 0 : i32
      %dma_start3A_191 = tpu.memref_slice %arg8[%add3A_51, %dma_start3A_190] : memref<4096x1024xf32, #tpu.memory_space<hbm>> -> memref<16x1024xf32, #tpu.memory_space<hbm>>
      %dma_start3A_192 = arith.constant 0 : i32
      %dma_start3A_193 = tpu.memref_slice %arg8[%add3A_51, %dma_start3A_192] : memref<4096x1024xf32, #tpu.memory_space<hbm>> -> memref<16x1024xf32, #tpu.memory_space<hbm>>
      tpu.enqueue_dma source(%arg13 : memref<16x1024xf32, #tpu.memory_space<vmem>>) target(%dma_start3A_193 : memref<16x1024xf32, #tpu.memory_space<hbm>>) target_semaphore(%run_scoped3A : memref<!tpu.dma_semaphore, #tpu.memory_space<semaphore_mem>>)
      %dma_wait3A_194 = arith.constant 0 : i32
      %dma_wait3A_195 = tpu.memref_slice %arg8[%add3A_51, %dma_wait3A_194] : memref<4096x1024xf32, #tpu.memory_space<hbm>> -> memref<16x1024xf32, #tpu.memory_space<hbm>>
      %dma_wait3A_196 = arith.constant 0 : i32
      %dma_wait3A_197 = tpu.memref_slice %arg8[%add3A_51, %dma_wait3A_196] : memref<4096x1024xf32, #tpu.memory_space<hbm>> -> memref<16x1024xf32, #tpu.memory_space<hbm>>
      tpu.wait_dma2 semaphore(%run_scoped3A : memref<!tpu.dma_semaphore, #tpu.memory_space<semaphore_mem>>) src(%arg13 : memref<16x1024xf32, #tpu.memory_space<vmem>>) dst(%dma_wait3A_197 : memref<16x1024xf32, #tpu.memory_space<hbm>>)
      tpu.yield
    }) : () -> ()
    "tpu.region"() ({
      %run_scoped3A = tpu.sem_alloc : memref<!tpu.dma_semaphore, #tpu.memory_space<semaphore_mem>>
      %dma_start3A_190 = arith.constant 0 : i32
      %dma_start3A_191 = tpu.memref_slice %arg9[%add3A_51, %dma_start3A_190] : memref<4096x768xf32, #tpu.memory_space<hbm>> -> memref<16x768xf32, #tpu.memory_space<hbm>>
      %dma_start3A_192 = arith.constant 0 : i32
      %dma_start3A_193 = tpu.memref_slice %arg9[%add3A_51, %dma_start3A_192] : memref<4096x768xf32, #tpu.memory_space<hbm>> -> memref<16x768xf32, #tpu.memory_space<hbm>>
      tpu.enqueue_dma source(%arg14 : memref<16x768xf32, #tpu.memory_space<vmem>>) target(%dma_start3A_193 : memref<16x768xf32, #tpu.memory_space<hbm>>) target_semaphore(%run_scoped3A : memref<!tpu.dma_semaphore, #tpu.memory_space<semaphore_mem>>)
      %dma_wait3A_194 = arith.constant 0 : i32
      %dma_wait3A_195 = tpu.memref_slice %arg9[%add3A_51, %dma_wait3A_194] : memref<4096x768xf32, #tpu.memory_space<hbm>> -> memref<16x768xf32, #tpu.memory_space<hbm>>
      %dma_wait3A_196 = arith.constant 0 : i32
      %dma_wait3A_197 = tpu.memref_slice %arg9[%add3A_51, %dma_wait3A_196] : memref<4096x768xf32, #tpu.memory_space<hbm>> -> memref<16x768xf32, #tpu.memory_space<hbm>>
      tpu.wait_dma2 semaphore(%run_scoped3A : memref<!tpu.dma_semaphore, #tpu.memory_space<semaphore_mem>>) src(%arg14 : memref<16x768xf32, #tpu.memory_space<vmem>>) dst(%dma_wait3A_197 : memref<16x768xf32, #tpu.memory_space<hbm>>)
      tpu.yield
    }) : () -> ()
    %get3A_52 = arith.constant 32 : index
    %get3A_53 = tpu.vector_load %arg11[%get3A_52] {strides = array<i32>} : memref<128xi32, #tpu.memory_space<vmem>>, vector<16xi32>,
    %get3A_54 = vector.shape_cast %get3A_53 : vector<16xi32> to vector<16xi32>
    %dma_start3A_55 = arith.constant 0 : i32
    %dma_start3A_56 = arith.constant 0 : i32
    %dma_start3A_57 = tpu.memref_slice %arg2[%dma_start3A_55, %dma_start3A_56] : memref<4096x2048xf32, #tpu.memory_space<hbm>> -> memref<4096x2048xf32, #tpu.memory_space<hbm>>
    tpu.enqueue_indirect_dma source(%dma_start3A_57 : memref<4096x2048xf32, #tpu.memory_space<hbm>>) target(%arg12 : memref<16x2048xf32, #tpu.memory_space<vmem>>) offsets(%get3A_54 : vector<16xi32>) semaphore(%arg16 : memref<!tpu.dma_semaphore, #tpu.memory_space<semaphore_mem>>)
    %dma_start3A_58 = arith.constant 0 : i32
    %dma_start3A_59 = arith.constant 0 : i32
    %dma_start3A_60 = tpu.memref_slice %arg3[%dma_start3A_58, %dma_start3A_59] : memref<4096x1024xf32, #tpu.memory_space<hbm>> -> memref<4096x1024xf32, #tpu.memory_space<hbm>>
    tpu.enqueue_indirect_dma source(%dma_start3A_60 : memref<4096x1024xf32, #tpu.memory_space<hbm>>) target(%arg13 : memref<16x1024xf32, #tpu.memory_space<vmem>>) offsets(%get3A_54 : vector<16xi32>) semaphore(%arg17 : memref<!tpu.dma_semaphore, #tpu.memory_space<semaphore_mem>>)
    %dma_start3A_61 = arith.constant 0 : i32
    %dma_start3A_62 = arith.constant 0 : i32
    %dma_start3A_63 = tpu.memref_slice %arg4[%dma_start3A_61, %dma_start3A_62] : memref<4096x768xf32, #tpu.memory_space<hbm>> -> memref<4096x768xf32, #tpu.memory_space<hbm>>
    tpu.enqueue_indirect_dma source(%dma_start3A_63 : memref<4096x768xf32, #tpu.memory_space<hbm>>) target(%arg14 : memref<16x768xf32, #tpu.memory_space<vmem>>) offsets(%get3A_54 : vector<16xi32>) semaphore(%arg18 : memref<!tpu.dma_semaphore, #tpu.memory_space<semaphore_mem>>)
    %dma_wait3A_64 = arith.constant 0 : i32
    %dma_wait3A_65 = arith.constant 0 : i32
    %dma_wait3A_66 = tpu.memref_slice %arg2[%dma_wait3A_64, %dma_wait3A_65] : memref<4096x2048xf32, #tpu.memory_space<hbm>> -> memref<4096x2048xf32, #tpu.memory_space<hbm>>
    tpu.wait_indirect_dma semaphore(%arg16 : memref<!tpu.dma_semaphore, #tpu.memory_space<semaphore_mem>>) src(%dma_wait3A_66 : memref<4096x2048xf32, #tpu.memory_space<hbm>>) dst(%arg12 : memref<16x2048xf32, #tpu.memory_space<vmem>>)
    %dma_wait3A_67 = arith.constant 0 : i32
    %dma_wait3A_68 = arith.constant 0 : i32
    %dma_wait3A_69 = tpu.memref_slice %arg3[%dma_wait3A_67, %dma_wait3A_68] : memref<4096x1024xf32, #tpu.memory_space<hbm>> -> memref<4096x1024xf32, #tpu.memory_space<hbm>>
    tpu.wait_indirect_dma semaphore(%arg17 : memref<!tpu.dma_semaphore, #tpu.memory_space<semaphore_mem>>) src(%dma_wait3A_69 : memref<4096x1024xf32, #tpu.memory_space<hbm>>) dst(%arg13 : memref<16x1024xf32, #tpu.memory_space<vmem>>)
    %dma_wait3A_70 = arith.constant 0 : i32
    %dma_wait3A_71 = arith.constant 0 : i32
    %dma_wait3A_72 = tpu.memref_slice %arg4[%dma_wait3A_70, %dma_wait3A_71] : memref<4096x768xf32, #tpu.memory_space<hbm>> -> memref<4096x768xf32, #tpu.memory_space<hbm>>
    tpu.wait_indirect_dma semaphore(%arg18 : memref<!tpu.dma_semaphore, #tpu.memory_space<semaphore_mem>>) src(%dma_wait3A_72 : memref<4096x768xf32, #tpu.memory_space<hbm>>) dst(%arg14 : memref<16x768xf32, #tpu.memory_space<vmem>>)
    %add3A_73 = arith.constant 32 : i32
    %add3A_74 = arith.addi %mul3A_2, %add3A_73 : i32
    "tpu.region"() ({
      %run_scoped3A = tpu.sem_alloc : memref<!tpu.dma_semaphore, #tpu.memory_space<semaphore_mem>>
      %dma_start3A_190 = arith.constant 0 : i32
      %dma_start3A_191 = tpu.memref_slice %arg7[%add3A_74, %dma_start3A_190] : memref<4096x2048xf32, #tpu.memory_space<hbm>> -> memref<16x2048xf32, #tpu.memory_space<hbm>>
      %dma_start3A_192 = arith.constant 0 : i32
      %dma_start3A_193 = tpu.memref_slice %arg7[%add3A_74, %dma_start3A_192] : memref<4096x2048xf32, #tpu.memory_space<hbm>> -> memref<16x2048xf32, #tpu.memory_space<hbm>>
      tpu.enqueue_dma source(%arg12 : memref<16x2048xf32, #tpu.memory_space<vmem>>) target(%dma_start3A_193 : memref<16x2048xf32, #tpu.memory_space<hbm>>) target_semaphore(%run_scoped3A : memref<!tpu.dma_semaphore, #tpu.memory_space<semaphore_mem>>)
      %dma_wait3A_194 = arith.constant 0 : i32
      %dma_wait3A_195 = tpu.memref_slice %arg7[%add3A_74, %dma_wait3A_194] : memref<4096x2048xf32, #tpu.memory_space<hbm>> -> memref<16x2048xf32, #tpu.memory_space<hbm>>
      %dma_wait3A_196 = arith.constant 0 : i32
      %dma_wait3A_197 = tpu.memref_slice %arg7[%add3A_74, %dma_wait3A_196] : memref<4096x2048xf32, #tpu.memory_space<hbm>> -> memref<16x2048xf32, #tpu.memory_space<hbm>>
      tpu.wait_dma2 semaphore(%run_scoped3A : memref<!tpu.dma_semaphore, #tpu.memory_space<semaphore_mem>>) src(%arg12 : memref<16x2048xf32, #tpu.memory_space<vmem>>) dst(%dma_wait3A_197 : memref<16x2048xf32, #tpu.memory_space<hbm>>)
      tpu.yield
    }) : () -> ()
    "tpu.region"() ({
      %run_scoped3A = tpu.sem_alloc : memref<!tpu.dma_semaphore, #tpu.memory_space<semaphore_mem>>
      %dma_start3A_190 = arith.constant 0 : i32
      %dma_start3A_191 = tpu.memref_slice %arg8[%add3A_74, %dma_start3A_190] : memref<4096x1024xf32, #tpu.memory_space<hbm>> -> memref<16x1024xf32, #tpu.memory_space<hbm>>
      %dma_start3A_192 = arith.constant 0 : i32
      %dma_start3A_193 = tpu.memref_slice %arg8[%add3A_74, %dma_start3A_192] : memref<4096x1024xf32, #tpu.memory_space<hbm>> -> memref<16x1024xf32, #tpu.memory_space<hbm>>
      tpu.enqueue_dma source(%arg13 : memref<16x1024xf32, #tpu.memory_space<vmem>>) target(%dma_start3A_193 : memref<16x1024xf32, #tpu.memory_space<hbm>>) target_semaphore(%run_scoped3A : memref<!tpu.dma_semaphore, #tpu.memory_space<semaphore_mem>>)
      %dma_wait3A_194 = arith.constant 0 : i32
      %dma_wait3A_195 = tpu.memref_slice %arg8[%add3A_74, %dma_wait3A_194] : memref<4096x1024xf32, #tpu.memory_space<hbm>> -> memref<16x1024xf32, #tpu.memory_space<hbm>>
      %dma_wait3A_196 = arith.constant 0 : i32
      %dma_wait3A_197 = tpu.memref_slice %arg8[%add3A_74, %dma_wait3A_196] : memref<4096x1024xf32, #tpu.memory_space<hbm>> -> memref<16x1024xf32, #tpu.memory_space<hbm>>
      tpu.wait_dma2 semaphore(%run_scoped3A : memref<!tpu.dma_semaphore, #tpu.memory_space<semaphore_mem>>) src(%arg13 : memref<16x1024xf32, #tpu.memory_space<vmem>>) dst(%dma_wait3A_197 : memref<16x1024xf32, #tpu.memory_space<hbm>>)
      tpu.yield
    }) : () -> ()
    "tpu.region"() ({
      %run_scoped3A = tpu.sem_alloc : memref<!tpu.dma_semaphore, #tpu.memory_space<semaphore_mem>>
      %dma_start3A_190 = arith.constant 0 : i32
      %dma_start3A_191 = tpu.memref_slice %arg9[%add3A_74, %dma_start3A_190] : memref<4096x768xf32, #tpu.memory_space<hbm>> -> memref<16x768xf32, #tpu.memory_space<hbm>>
      %dma_start3A_192 = arith.constant 0 : i32
      %dma_start3A_193 = tpu.memref_slice %arg9[%add3A_74, %dma_start3A_192] : memref<4096x768xf32, #tpu.memory_space<hbm>> -> memref<16x768xf32, #tpu.memory_space<hbm>>
      tpu.enqueue_dma source(%arg14 : memref<16x768xf32, #tpu.memory_space<vmem>>) target(%dma_start3A_193 : memref<16x768xf32, #tpu.memory_space<hbm>>) target_semaphore(%run_scoped3A : memref<!tpu.dma_semaphore, #tpu.memory_space<semaphore_mem>>)
      %dma_wait3A_194 = arith.constant 0 : i32
      %dma_wait3A_195 = tpu.memref_slice %arg9[%add3A_74, %dma_wait3A_194] : memref<4096x768xf32, #tpu.memory_space<hbm>> -> memref<16x768xf32, #tpu.memory_space<hbm>>
      %dma_wait3A_196 = arith.constant 0 : i32
      %dma_wait3A_197 = tpu.memref_slice %arg9[%add3A_74, %dma_wait3A_196] : memref<4096x768xf32, #tpu.memory_space<hbm>> -> memref<16x768xf32, #tpu.memory_space<hbm>>
      tpu.wait_dma2 semaphore(%run_scoped3A : memref<!tpu.dma_semaphore, #tpu.memory_space<semaphore_mem>>) src(%arg14 : memref<16x768xf32, #tpu.memory_space<vmem>>) dst(%dma_wait3A_197 : memref<16x768xf32, #tpu.memory_space<hbm>>)
      tpu.yield
    }) : () -> ()
    %get3A_75 = arith.constant 48 : index
    %get3A_76 = tpu.vector_load %arg11[%get3A_75] {strides = array<i32>} : memref<128xi32, #tpu.memory_space<vmem>>, vector<16xi32>,
    %get3A_77 = vector.shape_cast %get3A_76 : vector<16xi32> to vector<16xi32>
    %dma_start3A_78 = arith.constant 0 : i32
    %dma_start3A_79 = arith.constant 0 : i32
    %dma_start3A_80 = tpu.memref_slice %arg2[%dma_start3A_78, %dma_start3A_79] : memref<4096x2048xf32, #tpu.memory_space<hbm>> -> memref<4096x2048xf32, #tpu.memory_space<hbm>>
    tpu.enqueue_indirect_dma source(%dma_start3A_80 : memref<4096x2048xf32, #tpu.memory_space<hbm>>) target(%arg12 : memref<16x2048xf32, #tpu.memory_space<vmem>>) offsets(%get3A_77 : vector<16xi32>) semaphore(%arg16 : memref<!tpu.dma_semaphore, #tpu.memory_space<semaphore_mem>>)
    %dma_start3A_81 = arith.constant 0 : i32
    %dma_start3A_82 = arith.constant 0 : i32
    %dma_start3A_83 = tpu.memref_slice %arg3[%dma_start3A_81, %dma_start3A_82] : memref<4096x1024xf32, #tpu.memory_space<hbm>> -> memref<4096x1024xf32, #tpu.memory_space<hbm>>
    tpu.enqueue_indirect_dma source(%dma_start3A_83 : memref<4096x1024xf32, #tpu.memory_space<hbm>>) target(%arg13 : memref<16x1024xf32, #tpu.memory_space<vmem>>) offsets(%get3A_77 : vector<16xi32>) semaphore(%arg17 : memref<!tpu.dma_semaphore, #tpu.memory_space<semaphore_mem>>)
    %dma_start3A_84 = arith.constant 0 : i32
    %dma_start3A_85 = arith.constant 0 : i32
    %dma_start3A_86 = tpu.memref_slice %arg4[%dma_start3A_84, %dma_start3A_85] : memref<4096x768xf32, #tpu.memory_space<hbm>> -> memref<4096x768xf32, #tpu.memory_space<hbm>>
    tpu.enqueue_indirect_dma source(%dma_start3A_86 : memref<4096x768xf32, #tpu.memory_space<hbm>>) target(%arg14 : memref<16x768xf32, #tpu.memory_space<vmem>>) offsets(%get3A_77 : vector<16xi32>) semaphore(%arg18 : memref<!tpu.dma_semaphore, #tpu.memory_space<semaphore_mem>>)
    %dma_wait3A_87 = arith.constant 0 : i32
    %dma_wait3A_88 = arith.constant 0 : i32
    %dma_wait3A_89 = tpu.memref_slice %arg2[%dma_wait3A_87, %dma_wait3A_88] : memref<4096x2048xf32, #tpu.memory_space<hbm>> -> memref<4096x2048xf32, #tpu.memory_space<hbm>>
    tpu.wait_indirect_dma semaphore(%arg16 : memref<!tpu.dma_semaphore, #tpu.memory_space<semaphore_mem>>) src(%dma_wait3A_89 : memref<4096x2048xf32, #tpu.memory_space<hbm>>) dst(%arg12 : memref<16x2048xf32, #tpu.memory_space<vmem>>)
    %dma_wait3A_90 = arith.constant 0 : i32
    %dma_wait3A_91 = arith.constant 0 : i32
    %dma_wait3A_92 = tpu.memref_slice %arg3[%dma_wait3A_90, %dma_wait3A_91] : memref<4096x1024xf32, #tpu.memory_space<hbm>> -> memref<4096x1024xf32, #tpu.memory_space<hbm>>
    tpu.wait_indirect_dma semaphore(%arg17 : memref<!tpu.dma_semaphore, #tpu.memory_space<semaphore_mem>>) src(%dma_wait3A_92 : memref<4096x1024xf32, #tpu.memory_space<hbm>>) dst(%arg13 : memref<16x1024xf32, #tpu.memory_space<vmem>>)
    %dma_wait3A_93 = arith.constant 0 : i32
    %dma_wait3A_94 = arith.constant 0 : i32
    %dma_wait3A_95 = tpu.memref_slice %arg4[%dma_wait3A_93, %dma_wait3A_94] : memref<4096x768xf32, #tpu.memory_space<hbm>> -> memref<4096x768xf32, #tpu.memory_space<hbm>>
    tpu.wait_indirect_dma semaphore(%arg18 : memref<!tpu.dma_semaphore, #tpu.memory_space<semaphore_mem>>) src(%dma_wait3A_95 : memref<4096x768xf32, #tpu.memory_space<hbm>>) dst(%arg14 : memref<16x768xf32, #tpu.memory_space<vmem>>)
    %add3A_96 = arith.constant 48 : i32
    %add3A_97 = arith.addi %mul3A_2, %add3A_96 : i32
    "tpu.region"() ({
      %run_scoped3A = tpu.sem_alloc : memref<!tpu.dma_semaphore, #tpu.memory_space<semaphore_mem>>
      %dma_start3A_190 = arith.constant 0 : i32
      %dma_start3A_191 = tpu.memref_slice %arg7[%add3A_97, %dma_start3A_190] : memref<4096x2048xf32, #tpu.memory_space<hbm>> -> memref<16x2048xf32, #tpu.memory_space<hbm>>
      %dma_start3A_192 = arith.constant 0 : i32
      %dma_start3A_193 = tpu.memref_slice %arg7[%add3A_97, %dma_start3A_192] : memref<4096x2048xf32, #tpu.memory_space<hbm>> -> memref<16x2048xf32, #tpu.memory_space<hbm>>
      tpu.enqueue_dma source(%arg12 : memref<16x2048xf32, #tpu.memory_space<vmem>>) target(%dma_start3A_193 : memref<16x2048xf32, #tpu.memory_space<hbm>>) target_semaphore(%run_scoped3A : memref<!tpu.dma_semaphore, #tpu.memory_space<semaphore_mem>>)
      %dma_wait3A_194 = arith.constant 0 : i32
      %dma_wait3A_195 = tpu.memref_slice %arg7[%add3A_97, %dma_wait3A_194] : memref<4096x2048xf32, #tpu.memory_space<hbm>> -> memref<16x2048xf32, #tpu.memory_space<hbm>>
      %dma_wait3A_196 = arith.constant 0 : i32
      %dma_wait3A_197 = tpu.memref_slice %arg7[%add3A_97, %dma_wait3A_196] : memref<4096x2048xf32, #tpu.memory_space<hbm>> -> memref<16x2048xf32, #tpu.memory_space<hbm>>
      tpu.wait_dma2 semaphore(%run_scoped3A : memref<!tpu.dma_semaphore, #tpu.memory_space<semaphore_mem>>) src(%arg12 : memref<16x2048xf32, #tpu.memory_space<vmem>>) dst(%dma_wait3A_197 : memref<16x2048xf32, #tpu.memory_space<hbm>>)
      tpu.yield
    }) : () -> ()
    "tpu.region"() ({
      %run_scoped3A = tpu.sem_alloc : memref<!tpu.dma_semaphore, #tpu.memory_space<semaphore_mem>>
      %dma_start3A_190 = arith.constant 0 : i32
      %dma_start3A_191 = tpu.memref_slice %arg8[%add3A_97, %dma_start3A_190] : memref<4096x1024xf32, #tpu.memory_space<hbm>> -> memref<16x1024xf32, #tpu.memory_space<hbm>>
      %dma_start3A_192 = arith.constant 0 : i32
      %dma_start3A_193 = tpu.memref_slice %arg8[%add3A_97, %dma_start3A_192] : memref<4096x1024xf32, #tpu.memory_space<hbm>> -> memref<16x1024xf32, #tpu.memory_space<hbm>>
      tpu.enqueue_dma source(%arg13 : memref<16x1024xf32, #tpu.memory_space<vmem>>) target(%dma_start3A_193 : memref<16x1024xf32, #tpu.memory_space<hbm>>) target_semaphore(%run_scoped3A : memref<!tpu.dma_semaphore, #tpu.memory_space<semaphore_mem>>)
      %dma_wait3A_194 = arith.constant 0 : i32
      %dma_wait3A_195 = tpu.memref_slice %arg8[%add3A_97, %dma_wait3A_194] : memref<4096x1024xf32, #tpu.memory_space<hbm>> -> memref<16x1024xf32, #tpu.memory_space<hbm>>
      %dma_wait3A_196 = arith.constant 0 : i32
      %dma_wait3A_197 = tpu.memref_slice %arg8[%add3A_97, %dma_wait3A_196] : memref<4096x1024xf32, #tpu.memory_space<hbm>> -> memref<16x1024xf32, #tpu.memory_space<hbm>>
      tpu.wait_dma2 semaphore(%run_scoped3A : memref<!tpu.dma_semaphore, #tpu.memory_space<semaphore_mem>>) src(%arg13 : memref<16x1024xf32, #tpu.memory_space<vmem>>) dst(%dma_wait3A_197 : memref<16x1024xf32, #tpu.memory_space<hbm>>)
      tpu.yield
    }) : () -> ()
    "tpu.region"() ({
      %run_scoped3A = tpu.sem_alloc : memref<!tpu.dma_semaphore, #tpu.memory_space<semaphore_mem>>
      %dma_start3A_190 = arith.constant 0 : i32
      %dma_start3A_191 = tpu.memref_slice %arg9[%add3A_97, %dma_start3A_190] : memref<4096x768xf32, #tpu.memory_space<hbm>> -> memref<16x768xf32, #tpu.memory_space<hbm>>
      %dma_start3A_192 = arith.constant 0 : i32
      %dma_start3A_193 = tpu.memref_slice %arg9[%add3A_97, %dma_start3A_192] : memref<4096x768xf32, #tpu.memory_space<hbm>> -> memref<16x768xf32, #tpu.memory_space<hbm>>
      tpu.enqueue_dma source(%arg14 : memref<16x768xf32, #tpu.memory_space<vmem>>) target(%dma_start3A_193 : memref<16x768xf32, #tpu.memory_space<hbm>>) target_semaphore(%run_scoped3A : memref<!tpu.dma_semaphore, #tpu.memory_space<semaphore_mem>>)
      %dma_wait3A_194 = arith.constant 0 : i32
      %dma_wait3A_195 = tpu.memref_slice %arg9[%add3A_97, %dma_wait3A_194] : memref<4096x768xf32, #tpu.memory_space<hbm>> -> memref<16x768xf32, #tpu.memory_space<hbm>>
      %dma_wait3A_196 = arith.constant 0 : i32
      %dma_wait3A_197 = tpu.memref_slice %arg9[%add3A_97, %dma_wait3A_196] : memref<4096x768xf32, #tpu.memory_space<hbm>> -> memref<16x768xf32, #tpu.memory_space<hbm>>
      tpu.wait_dma2 semaphore(%run_scoped3A : memref<!tpu.dma_semaphore, #tpu.memory_space<semaphore_mem>>) src(%arg14 : memref<16x768xf32, #tpu.memory_space<vmem>>) dst(%dma_wait3A_197 : memref<16x768xf32, #tpu.memory_space<hbm>>)
      tpu.yield
    }) : () -> ()
    %get3A_98 = arith.constant 64 : index
    %get3A_99 = tpu.vector_load %arg11[%get3A_98] {strides = array<i32>} : memref<128xi32, #tpu.memory_space<vmem>>, vector<16xi32>,
    %get3A_100 = vector.shape_cast %get3A_99 : vector<16xi32> to vector<16xi32>
    %dma_start3A_101 = arith.constant 0 : i32
    %dma_start3A_102 = arith.constant 0 : i32
    %dma_start3A_103 = tpu.memref_slice %arg2[%dma_start3A_101, %dma_start3A_102] : memref<4096x2048xf32, #tpu.memory_space<hbm>> -> memref<4096x2048xf32, #tpu.memory_space<hbm>>
    tpu.enqueue_indirect_dma source(%dma_start3A_103 : memref<4096x2048xf32, #tpu.memory_space<hbm>>) target(%arg12 : memref<16x2048xf32, #tpu.memory_space<vmem>>) offsets(%get3A_100 : vector<16xi32>) semaphore(%arg16 : memref<!tpu.dma_semaphore, #tpu.memory_space<semaphore_mem>>)
    %dma_start3A_104 = arith.constant 0 : i32
    %dma_start3A_105 = arith.constant 0 : i32
    %dma_start3A_106 = tpu.memref_slice %arg3[%dma_start3A_104, %dma_start3A_105] : memref<4096x1024xf32, #tpu.memory_space<hbm>> -> memref<4096x1024xf32, #tpu.memory_space<hbm>>
    tpu.enqueue_indirect_dma source(%dma_start3A_106 : memref<4096x1024xf32, #tpu.memory_space<hbm>>) target(%arg13 : memref<16x1024xf32, #tpu.memory_space<vmem>>) offsets(%get3A_100 : vector<16xi32>) semaphore(%arg17 : memref<!tpu.dma_semaphore, #tpu.memory_space<semaphore_mem>>)
    %dma_start3A_107 = arith.constant 0 : i32
    %dma_start3A_108 = arith.constant 0 : i32
    %dma_start3A_109 = tpu.memref_slice %arg4[%dma_start3A_107, %dma_start3A_108] : memref<4096x768xf32, #tpu.memory_space<hbm>> -> memref<4096x768xf32, #tpu.memory_space<hbm>>
    tpu.enqueue_indirect_dma source(%dma_start3A_109 : memref<4096x768xf32, #tpu.memory_space<hbm>>) target(%arg14 : memref<16x768xf32, #tpu.memory_space<vmem>>) offsets(%get3A_100 : vector<16xi32>) semaphore(%arg18 : memref<!tpu.dma_semaphore, #tpu.memory_space<semaphore_mem>>)
    %dma_wait3A_110 = arith.constant 0 : i32
    %dma_wait3A_111 = arith.constant 0 : i32
    %dma_wait3A_112 = tpu.memref_slice %arg2[%dma_wait3A_110, %dma_wait3A_111] : memref<4096x2048xf32, #tpu.memory_space<hbm>> -> memref<4096x2048xf32, #tpu.memory_space<hbm>>
    tpu.wait_indirect_dma semaphore(%arg16 : memref<!tpu.dma_semaphore, #tpu.memory_space<semaphore_mem>>) src(%dma_wait3A_112 : memref<4096x2048xf32, #tpu.memory_space<hbm>>) dst(%arg12 : memref<16x2048xf32, #tpu.memory_space<vmem>>)
    %dma_wait3A_113 = arith.constant 0 : i32
    %dma_wait3A_114 = arith.constant 0 : i32
    %dma_wait3A_115 = tpu.memref_slice %arg3[%dma_wait3A_113, %dma_wait3A_114] : memref<4096x1024xf32, #tpu.memory_space<hbm>> -> memref<4096x1024xf32, #tpu.memory_space<hbm>>
    tpu.wait_indirect_dma semaphore(%arg17 : memref<!tpu.dma_semaphore, #tpu.memory_space<semaphore_mem>>) src(%dma_wait3A_115 : memref<4096x1024xf32, #tpu.memory_space<hbm>>) dst(%arg13 : memref<16x1024xf32, #tpu.memory_space<vmem>>)
    %dma_wait3A_116 = arith.constant 0 : i32
    %dma_wait3A_117 = arith.constant 0 : i32
    %dma_wait3A_118 = tpu.memref_slice %arg4[%dma_wait3A_116, %dma_wait3A_117] : memref<4096x768xf32, #tpu.memory_space<hbm>> -> memref<4096x768xf32, #tpu.memory_space<hbm>>
    tpu.wait_indirect_dma semaphore(%arg18 : memref<!tpu.dma_semaphore, #tpu.memory_space<semaphore_mem>>) src(%dma_wait3A_118 : memref<4096x768xf32, #tpu.memory_space<hbm>>) dst(%arg14 : memref<16x768xf32, #tpu.memory_space<vmem>>)
    %add3A_119 = arith.constant 64 : i32
    %add3A_120 = arith.addi %mul3A_2, %add3A_119 : i32
    "tpu.region"() ({
      %run_scoped3A = tpu.sem_alloc : memref<!tpu.dma_semaphore, #tpu.memory_space<semaphore_mem>>
      %dma_start3A_190 = arith.constant 0 : i32
      %dma_start3A_191 = tpu.memref_slice %arg7[%add3A_120, %dma_start3A_190] : memref<4096x2048xf32, #tpu.memory_space<hbm>> -> memref<16x2048xf32, #tpu.memory_space<hbm>>
      %dma_start3A_192 = arith.constant 0 : i32
      %dma_start3A_193 = tpu.memref_slice %arg7[%add3A_120, %dma_start3A_192] : memref<4096x2048xf32, #tpu.memory_space<hbm>> -> memref<16x2048xf32, #tpu.memory_space<hbm>>
      tpu.enqueue_dma source(%arg12 : memref<16x2048xf32, #tpu.memory_space<vmem>>) target(%dma_start3A_193 : memref<16x2048xf32, #tpu.memory_space<hbm>>) target_semaphore(%run_scoped3A : memref<!tpu.dma_semaphore, #tpu.memory_space<semaphore_mem>>)
      %dma_wait3A_194 = arith.constant 0 : i32
      %dma_wait3A_195 = tpu.memref_slice %arg7[%add3A_120, %dma_wait3A_194] : memref<4096x2048xf32, #tpu.memory_space<hbm>> -> memref<16x2048xf32, #tpu.memory_space<hbm>>
      %dma_wait3A_196 = arith.constant 0 : i32
      %dma_wait3A_197 = tpu.memref_slice %arg7[%add3A_120, %dma_wait3A_196] : memref<4096x2048xf32, #tpu.memory_space<hbm>> -> memref<16x2048xf32, #tpu.memory_space<hbm>>
      tpu.wait_dma2 semaphore(%run_scoped3A : memref<!tpu.dma_semaphore, #tpu.memory_space<semaphore_mem>>) src(%arg12 : memref<16x2048xf32, #tpu.memory_space<vmem>>) dst(%dma_wait3A_197 : memref<16x2048xf32, #tpu.memory_space<hbm>>)
      tpu.yield
    }) : () -> ()
    "tpu.region"() ({
      %run_scoped3A = tpu.sem_alloc : memref<!tpu.dma_semaphore, #tpu.memory_space<semaphore_mem>>
      %dma_start3A_190 = arith.constant 0 : i32
      %dma_start3A_191 = tpu.memref_slice %arg8[%add3A_120, %dma_start3A_190] : memref<4096x1024xf32, #tpu.memory_space<hbm>> -> memref<16x1024xf32, #tpu.memory_space<hbm>>
      %dma_start3A_192 = arith.constant 0 : i32
      %dma_start3A_193 = tpu.memref_slice %arg8[%add3A_120, %dma_start3A_192] : memref<4096x1024xf32, #tpu.memory_space<hbm>> -> memref<16x1024xf32, #tpu.memory_space<hbm>>
      tpu.enqueue_dma source(%arg13 : memref<16x1024xf32, #tpu.memory_space<vmem>>) target(%dma_start3A_193 : memref<16x1024xf32, #tpu.memory_space<hbm>>) target_semaphore(%run_scoped3A : memref<!tpu.dma_semaphore, #tpu.memory_space<semaphore_mem>>)
      %dma_wait3A_194 = arith.constant 0 : i32
      %dma_wait3A_195 = tpu.memref_slice %arg8[%add3A_120, %dma_wait3A_194] : memref<4096x1024xf32, #tpu.memory_space<hbm>> -> memref<16x1024xf32, #tpu.memory_space<hbm>>
      %dma_wait3A_196 = arith.constant 0 : i32
      %dma_wait3A_197 = tpu.memref_slice %arg8[%add3A_120, %dma_wait3A_196] : memref<4096x1024xf32, #tpu.memory_space<hbm>> -> memref<16x1024xf32, #tpu.memory_space<hbm>>
      tpu.wait_dma2 semaphore(%run_scoped3A : memref<!tpu.dma_semaphore, #tpu.memory_space<semaphore_mem>>) src(%arg13 : memref<16x1024xf32, #tpu.memory_space<vmem>>) dst(%dma_wait3A_197 : memref<16x1024xf32, #tpu.memory_space<hbm>>)
      tpu.yield
    }) : () -> ()
    "tpu.region"() ({
      %run_scoped3A = tpu.sem_alloc : memref<!tpu.dma_semaphore, #tpu.memory_space<semaphore_mem>>
      %dma_start3A_190 = arith.constant 0 : i32
      %dma_start3A_191 = tpu.memref_slice %arg9[%add3A_120, %dma_start3A_190] : memref<4096x768xf32, #tpu.memory_space<hbm>> -> memref<16x768xf32, #tpu.memory_space<hbm>>
      %dma_start3A_192 = arith.constant 0 : i32
      %dma_start3A_193 = tpu.memref_slice %arg9[%add3A_120, %dma_start3A_192] : memref<4096x768xf32, #tpu.memory_space<hbm>> -> memref<16x768xf32, #tpu.memory_space<hbm>>
      tpu.enqueue_dma source(%arg14 : memref<16x768xf32, #tpu.memory_space<vmem>>) target(%dma_start3A_193 : memref<16x768xf32, #tpu.memory_space<hbm>>) target_semaphore(%run_scoped3A : memref<!tpu.dma_semaphore, #tpu.memory_space<semaphore_mem>>)
      %dma_wait3A_194 = arith.constant 0 : i32
      %dma_wait3A_195 = tpu.memref_slice %arg9[%add3A_120, %dma_wait3A_194] : memref<4096x768xf32, #tpu.memory_space<hbm>> -> memref<16x768xf32, #tpu.memory_space<hbm>>
      %dma_wait3A_196 = arith.constant 0 : i32
      %dma_wait3A_197 = tpu.memref_slice %arg9[%add3A_120, %dma_wait3A_196] : memref<4096x768xf32, #tpu.memory_space<hbm>> -> memref<16x768xf32, #tpu.memory_space<hbm>>
      tpu.wait_dma2 semaphore(%run_scoped3A : memref<!tpu.dma_semaphore, #tpu.memory_space<semaphore_mem>>) src(%arg14 : memref<16x768xf32, #tpu.memory_space<vmem>>) dst(%dma_wait3A_197 : memref<16x768xf32, #tpu.memory_space<hbm>>)
      tpu.yield
    }) : () -> ()
    %get3A_121 = arith.constant 80 : index
    %get3A_122 = tpu.vector_load %arg11[%get3A_121] {strides = array<i32>} : memref<128xi32, #tpu.memory_space<vmem>>, vector<16xi32>,
    %get3A_123 = vector.shape_cast %get3A_122 : vector<16xi32> to vector<16xi32>
    %dma_start3A_124 = arith.constant 0 : i32
    %dma_start3A_125 = arith.constant 0 : i32
    %dma_start3A_126 = tpu.memref_slice %arg2[%dma_start3A_124, %dma_start3A_125] : memref<4096x2048xf32, #tpu.memory_space<hbm>> -> memref<4096x2048xf32, #tpu.memory_space<hbm>>
    tpu.enqueue_indirect_dma source(%dma_start3A_126 : memref<4096x2048xf32, #tpu.memory_space<hbm>>) target(%arg12 : memref<16x2048xf32, #tpu.memory_space<vmem>>) offsets(%get3A_123 : vector<16xi32>) semaphore(%arg16 : memref<!tpu.dma_semaphore, #tpu.memory_space<semaphore_mem>>)
    %dma_start3A_127 = arith.constant 0 : i32
    %dma_start3A_128 = arith.constant 0 : i32
    %dma_start3A_129 = tpu.memref_slice %arg3[%dma_start3A_127, %dma_start3A_128] : memref<4096x1024xf32, #tpu.memory_space<hbm>> -> memref<4096x1024xf32, #tpu.memory_space<hbm>>
    tpu.enqueue_indirect_dma source(%dma_start3A_129 : memref<4096x1024xf32, #tpu.memory_space<hbm>>) target(%arg13 : memref<16x1024xf32, #tpu.memory_space<vmem>>) offsets(%get3A_123 : vector<16xi32>) semaphore(%arg17 : memref<!tpu.dma_semaphore, #tpu.memory_space<semaphore_mem>>)
    %dma_start3A_130 = arith.constant 0 : i32
    %dma_start3A_131 = arith.constant 0 : i32
    %dma_start3A_132 = tpu.memref_slice %arg4[%dma_start3A_130, %dma_start3A_131] : memref<4096x768xf32, #tpu.memory_space<hbm>> -> memref<4096x768xf32, #tpu.memory_space<hbm>>
    tpu.enqueue_indirect_dma source(%dma_start3A_132 : memref<4096x768xf32, #tpu.memory_space<hbm>>) target(%arg14 : memref<16x768xf32, #tpu.memory_space<vmem>>) offsets(%get3A_123 : vector<16xi32>) semaphore(%arg18 : memref<!tpu.dma_semaphore, #tpu.memory_space<semaphore_mem>>)
    %dma_wait3A_133 = arith.constant 0 : i32
    %dma_wait3A_134 = arith.constant 0 : i32
    %dma_wait3A_135 = tpu.memref_slice %arg2[%dma_wait3A_133, %dma_wait3A_134] : memref<4096x2048xf32, #tpu.memory_space<hbm>> -> memref<4096x2048xf32, #tpu.memory_space<hbm>>
    tpu.wait_indirect_dma semaphore(%arg16 : memref<!tpu.dma_semaphore, #tpu.memory_space<semaphore_mem>>) src(%dma_wait3A_135 : memref<4096x2048xf32, #tpu.memory_space<hbm>>) dst(%arg12 : memref<16x2048xf32, #tpu.memory_space<vmem>>)
    %dma_wait3A_136 = arith.constant 0 : i32
    %dma_wait3A_137 = arith.constant 0 : i32
    %dma_wait3A_138 = tpu.memref_slice %arg3[%dma_wait3A_136, %dma_wait3A_137] : memref<4096x1024xf32, #tpu.memory_space<hbm>> -> memref<4096x1024xf32, #tpu.memory_space<hbm>>
    tpu.wait_indirect_dma semaphore(%arg17 : memref<!tpu.dma_semaphore, #tpu.memory_space<semaphore_mem>>) src(%dma_wait3A_138 : memref<4096x1024xf32, #tpu.memory_space<hbm>>) dst(%arg13 : memref<16x1024xf32, #tpu.memory_space<vmem>>)
    %dma_wait3A_139 = arith.constant 0 : i32
    %dma_wait3A_140 = arith.constant 0 : i32
    %dma_wait3A_141 = tpu.memref_slice %arg4[%dma_wait3A_139, %dma_wait3A_140] : memref<4096x768xf32, #tpu.memory_space<hbm>> -> memref<4096x768xf32, #tpu.memory_space<hbm>>
    tpu.wait_indirect_dma semaphore(%arg18 : memref<!tpu.dma_semaphore, #tpu.memory_space<semaphore_mem>>) src(%dma_wait3A_141 : memref<4096x768xf32, #tpu.memory_space<hbm>>) dst(%arg14 : memref<16x768xf32, #tpu.memory_space<vmem>>)
    %add3A_142 = arith.constant 80 : i32
    %add3A_143 = arith.addi %mul3A_2, %add3A_142 : i32
    "tpu.region"() ({
      %run_scoped3A = tpu.sem_alloc : memref<!tpu.dma_semaphore, #tpu.memory_space<semaphore_mem>>
      %dma_start3A_190 = arith.constant 0 : i32
      %dma_start3A_191 = tpu.memref_slice %arg7[%add3A_143, %dma_start3A_190] : memref<4096x2048xf32, #tpu.memory_space<hbm>> -> memref<16x2048xf32, #tpu.memory_space<hbm>>
      %dma_start3A_192 = arith.constant 0 : i32
      %dma_start3A_193 = tpu.memref_slice %arg7[%add3A_143, %dma_start3A_192] : memref<4096x2048xf32, #tpu.memory_space<hbm>> -> memref<16x2048xf32, #tpu.memory_space<hbm>>
      tpu.enqueue_dma source(%arg12 : memref<16x2048xf32, #tpu.memory_space<vmem>>) target(%dma_start3A_193 : memref<16x2048xf32, #tpu.memory_space<hbm>>) target_semaphore(%run_scoped3A : memref<!tpu.dma_semaphore, #tpu.memory_space<semaphore_mem>>)
      %dma_wait3A_194 = arith.constant 0 : i32
      %dma_wait3A_195 = tpu.memref_slice %arg7[%add3A_143, %dma_wait3A_194] : memref<4096x2048xf32, #tpu.memory_space<hbm>> -> memref<16x2048xf32, #tpu.memory_space<hbm>>
      %dma_wait3A_196 = arith.constant 0 : i32
      %dma_wait3A_197 = tpu.memref_slice %arg7[%add3A_143, %dma_wait3A_196] : memref<4096x2048xf32, #tpu.memory_space<hbm>> -> memref<16x2048xf32, #tpu.memory_space<hbm>>
      tpu.wait_dma2 semaphore(%run_scoped3A : memref<!tpu.dma_semaphore, #tpu.memory_space<semaphore_mem>>) src(%arg12 : memref<16x2048xf32, #tpu.memory_space<vmem>>) dst(%dma_wait3A_197 : memref<16x2048xf32, #tpu.memory_space<hbm>>)
      tpu.yield
    }) : () -> ()
    "tpu.region"() ({
      %run_scoped3A = tpu.sem_alloc : memref<!tpu.dma_semaphore, #tpu.memory_space<semaphore_mem>>
      %dma_start3A_190 = arith.constant 0 : i32
      %dma_start3A_191 = tpu.memref_slice %arg8[%add3A_143, %dma_start3A_190] : memref<4096x1024xf32, #tpu.memory_space<hbm>> -> memref<16x1024xf32, #tpu.memory_space<hbm>>
      %dma_start3A_192 = arith.constant 0 : i32
      %dma_start3A_193 = tpu.memref_slice %arg8[%add3A_143, %dma_start3A_192] : memref<4096x1024xf32, #tpu.memory_space<hbm>> -> memref<16x1024xf32, #tpu.memory_space<hbm>>
      tpu.enqueue_dma source(%arg13 : memref<16x1024xf32, #tpu.memory_space<vmem>>) target(%dma_start3A_193 : memref<16x1024xf32, #tpu.memory_space<hbm>>) target_semaphore(%run_scoped3A : memref<!tpu.dma_semaphore, #tpu.memory_space<semaphore_mem>>)
      %dma_wait3A_194 = arith.constant 0 : i32
      %dma_wait3A_195 = tpu.memref_slice %arg8[%add3A_143, %dma_wait3A_194] : memref<4096x1024xf32, #tpu.memory_space<hbm>> -> memref<16x1024xf32, #tpu.memory_space<hbm>>
      %dma_wait3A_196 = arith.constant 0 : i32
      %dma_wait3A_197 = tpu.memref_slice %arg8[%add3A_143, %dma_wait3A_196] : memref<4096x1024xf32, #tpu.memory_space<hbm>> -> memref<16x1024xf32, #tpu.memory_space<hbm>>
      tpu.wait_dma2 semaphore(%run_scoped3A : memref<!tpu.dma_semaphore, #tpu.memory_space<semaphore_mem>>) src(%arg13 : memref<16x1024xf32, #tpu.memory_space<vmem>>) dst(%dma_wait3A_197 : memref<16x1024xf32, #tpu.memory_space<hbm>>)
      tpu.yield
    }) : () -> ()
    "tpu.region"() ({
      %run_scoped3A = tpu.sem_alloc : memref<!tpu.dma_semaphore, #tpu.memory_space<semaphore_mem>>
      %dma_start3A_190 = arith.constant 0 : i32
      %dma_start3A_191 = tpu.memref_slice %arg9[%add3A_143, %dma_start3A_190] : memref<4096x768xf32, #tpu.memory_space<hbm>> -> memref<16x768xf32, #tpu.memory_space<hbm>>
      %dma_start3A_192 = arith.constant 0 : i32
      %dma_start3A_193 = tpu.memref_slice %arg9[%add3A_143, %dma_start3A_192] : memref<4096x768xf32, #tpu.memory_space<hbm>> -> memref<16x768xf32, #tpu.memory_space<hbm>>
      tpu.enqueue_dma source(%arg14 : memref<16x768xf32, #tpu.memory_space<vmem>>) target(%dma_start3A_193 : memref<16x768xf32, #tpu.memory_space<hbm>>) target_semaphore(%run_scoped3A : memref<!tpu.dma_semaphore, #tpu.memory_space<semaphore_mem>>)
      %dma_wait3A_194 = arith.constant 0 : i32
      %dma_wait3A_195 = tpu.memref_slice %arg9[%add3A_143, %dma_wait3A_194] : memref<4096x768xf32, #tpu.memory_space<hbm>> -> memref<16x768xf32, #tpu.memory_space<hbm>>
      %dma_wait3A_196 = arith.constant 0 : i32
      %dma_wait3A_197 = tpu.memref_slice %arg9[%add3A_143, %dma_wait3A_196] : memref<4096x768xf32, #tpu.memory_space<hbm>> -> memref<16x768xf32, #tpu.memory_space<hbm>>
      tpu.wait_dma2 semaphore(%run_scoped3A : memref<!tpu.dma_semaphore, #tpu.memory_space<semaphore_mem>>) src(%arg14 : memref<16x768xf32, #tpu.memory_space<vmem>>) dst(%dma_wait3A_197 : memref<16x768xf32, #tpu.memory_space<hbm>>)
      tpu.yield
    }) : () -> ()
    %get3A_144 = arith.constant 96 : index
    %get3A_145 = tpu.vector_load %arg11[%get3A_144] {strides = array<i32>} : memref<128xi32, #tpu.memory_space<vmem>>, vector<16xi32>,
    %get3A_146 = vector.shape_cast %get3A_145 : vector<16xi32> to vector<16xi32>
    %dma_start3A_147 = arith.constant 0 : i32
    %dma_start3A_148 = arith.constant 0 : i32
    %dma_start3A_149 = tpu.memref_slice %arg2[%dma_start3A_147, %dma_start3A_148] : memref<4096x2048xf32, #tpu.memory_space<hbm>> -> memref<4096x2048xf32, #tpu.memory_space<hbm>>
    tpu.enqueue_indirect_dma source(%dma_start3A_149 : memref<4096x2048xf32, #tpu.memory_space<hbm>>) target(%arg12 : memref<16x2048xf32, #tpu.memory_space<vmem>>) offsets(%get3A_146 : vector<16xi32>) semaphore(%arg16 : memref<!tpu.dma_semaphore, #tpu.memory_space<semaphore_mem>>)
    %dma_start3A_150 = arith.constant 0 : i32
    %dma_start3A_151 = arith.constant 0 : i32
    %dma_start3A_152 = tpu.memref_slice %arg3[%dma_start3A_150, %dma_start3A_151] : memref<4096x1024xf32, #tpu.memory_space<hbm>> -> memref<4096x1024xf32, #tpu.memory_space<hbm>>
    tpu.enqueue_indirect_dma source(%dma_start3A_152 : memref<4096x1024xf32, #tpu.memory_space<hbm>>) target(%arg13 : memref<16x1024xf32, #tpu.memory_space<vmem>>) offsets(%get3A_146 : vector<16xi32>) semaphore(%arg17 : memref<!tpu.dma_semaphore, #tpu.memory_space<semaphore_mem>>)
    %dma_start3A_153 = arith.constant 0 : i32
    %dma_start3A_154 = arith.constant 0 : i32
    %dma_start3A_155 = tpu.memref_slice %arg4[%dma_start3A_153, %dma_start3A_154] : memref<4096x768xf32, #tpu.memory_space<hbm>> -> memref<4096x768xf32, #tpu.memory_space<hbm>>
    tpu.enqueue_indirect_dma source(%dma_start3A_155 : memref<4096x768xf32, #tpu.memory_space<hbm>>) target(%arg14 : memref<16x768xf32, #tpu.memory_space<vmem>>) offsets(%get3A_146 : vector<16xi32>) semaphore(%arg18 : memref<!tpu.dma_semaphore, #tpu.memory_space<semaphore_mem>>)
    %dma_wait3A_156 = arith.constant 0 : i32
    %dma_wait3A_157 = arith.constant 0 : i32
    %dma_wait3A_158 = tpu.memref_slice %arg2[%dma_wait3A_156, %dma_wait3A_157] : memref<4096x2048xf32, #tpu.memory_space<hbm>> -> memref<4096x2048xf32, #tpu.memory_space<hbm>>
    tpu.wait_indirect_dma semaphore(%arg16 : memref<!tpu.dma_semaphore, #tpu.memory_space<semaphore_mem>>) src(%dma_wait3A_158 : memref<4096x2048xf32, #tpu.memory_space<hbm>>) dst(%arg12 : memref<16x2048xf32, #tpu.memory_space<vmem>>)
    %dma_wait3A_159 = arith.constant 0 : i32
    %dma_wait3A_160 = arith.constant 0 : i32
    %dma_wait3A_161 = tpu.memref_slice %arg3[%dma_wait3A_159, %dma_wait3A_160] : memref<4096x1024xf32, #tpu.memory_space<hbm>> -> memref<4096x1024xf32, #tpu.memory_space<hbm>>
    tpu.wait_indirect_dma semaphore(%arg17 : memref<!tpu.dma_semaphore, #tpu.memory_space<semaphore_mem>>) src(%dma_wait3A_161 : memref<4096x1024xf32, #tpu.memory_space<hbm>>) dst(%arg13 : memref<16x1024xf32, #tpu.memory_space<vmem>>)
    %dma_wait3A_162 = arith.constant 0 : i32
    %dma_wait3A_163 = arith.constant 0 : i32
    %dma_wait3A_164 = tpu.memref_slice %arg4[%dma_wait3A_162, %dma_wait3A_163] : memref<4096x768xf32, #tpu.memory_space<hbm>> -> memref<4096x768xf32, #tpu.memory_space<hbm>>
    tpu.wait_indirect_dma semaphore(%arg18 : memref<!tpu.dma_semaphore, #tpu.memory_space<semaphore_mem>>) src(%dma_wait3A_164 : memref<4096x768xf32, #tpu.memory_space<hbm>>) dst(%arg14 : memref<16x768xf32, #tpu.memory_space<vmem>>)
    %add3A_165 = arith.constant 96 : i32
    %add3A_166 = arith.addi %mul3A_2, %add3A_165 : i32
    "tpu.region"() ({
      %run_scoped3A = tpu.sem_alloc : memref<!tpu.dma_semaphore, #tpu.memory_space<semaphore_mem>>
      %dma_start3A_190 = arith.constant 0 : i32
      %dma_start3A_191 = tpu.memref_slice %arg7[%add3A_166, %dma_start3A_190] : memref<4096x2048xf32, #tpu.memory_space<hbm>> -> memref<16x2048xf32, #tpu.memory_space<hbm>>
      %dma_start3A_192 = arith.constant 0 : i32
      %dma_start3A_193 = tpu.memref_slice %arg7[%add3A_166, %dma_start3A_192] : memref<4096x2048xf32, #tpu.memory_space<hbm>> -> memref<16x2048xf32, #tpu.memory_space<hbm>>
      tpu.enqueue_dma source(%arg12 : memref<16x2048xf32, #tpu.memory_space<vmem>>) target(%dma_start3A_193 : memref<16x2048xf32, #tpu.memory_space<hbm>>) target_semaphore(%run_scoped3A : memref<!tpu.dma_semaphore, #tpu.memory_space<semaphore_mem>>)
      %dma_wait3A_194 = arith.constant 0 : i32
      %dma_wait3A_195 = tpu.memref_slice %arg7[%add3A_166, %dma_wait3A_194] : memref<4096x2048xf32, #tpu.memory_space<hbm>> -> memref<16x2048xf32, #tpu.memory_space<hbm>>
      %dma_wait3A_196 = arith.constant 0 : i32
      %dma_wait3A_197 = tpu.memref_slice %arg7[%add3A_166, %dma_wait3A_196] : memref<4096x2048xf32, #tpu.memory_space<hbm>> -> memref<16x2048xf32, #tpu.memory_space<hbm>>
      tpu.wait_dma2 semaphore(%run_scoped3A : memref<!tpu.dma_semaphore, #tpu.memory_space<semaphore_mem>>) src(%arg12 : memref<16x2048xf32, #tpu.memory_space<vmem>>) dst(%dma_wait3A_197 : memref<16x2048xf32, #tpu.memory_space<hbm>>)
      tpu.yield
    }) : () -> ()
    "tpu.region"() ({
      %run_scoped3A = tpu.sem_alloc : memref<!tpu.dma_semaphore, #tpu.memory_space<semaphore_mem>>
      %dma_start3A_190 = arith.constant 0 : i32
      %dma_start3A_191 = tpu.memref_slice %arg8[%add3A_166, %dma_start3A_190] : memref<4096x1024xf32, #tpu.memory_space<hbm>> -> memref<16x1024xf32, #tpu.memory_space<hbm>>
      %dma_start3A_192 = arith.constant 0 : i32
      %dma_start3A_193 = tpu.memref_slice %arg8[%add3A_166, %dma_start3A_192] : memref<4096x1024xf32, #tpu.memory_space<hbm>> -> memref<16x1024xf32, #tpu.memory_space<hbm>>
      tpu.enqueue_dma source(%arg13 : memref<16x1024xf32, #tpu.memory_space<vmem>>) target(%dma_start3A_193 : memref<16x1024xf32, #tpu.memory_space<hbm>>) target_semaphore(%run_scoped3A : memref<!tpu.dma_semaphore, #tpu.memory_space<semaphore_mem>>)
      %dma_wait3A_194 = arith.constant 0 : i32
      %dma_wait3A_195 = tpu.memref_slice %arg8[%add3A_166, %dma_wait3A_194] : memref<4096x1024xf32, #tpu.memory_space<hbm>> -> memref<16x1024xf32, #tpu.memory_space<hbm>>
      %dma_wait3A_196 = arith.constant 0 : i32
      %dma_wait3A_197 = tpu.memref_slice %arg8[%add3A_166, %dma_wait3A_196] : memref<4096x1024xf32, #tpu.memory_space<hbm>> -> memref<16x1024xf32, #tpu.memory_space<hbm>>
      tpu.wait_dma2 semaphore(%run_scoped3A : memref<!tpu.dma_semaphore, #tpu.memory_space<semaphore_mem>>) src(%arg13 : memref<16x1024xf32, #tpu.memory_space<vmem>>) dst(%dma_wait3A_197 : memref<16x1024xf32, #tpu.memory_space<hbm>>)
      tpu.yield
    }) : () -> ()
    "tpu.region"() ({
      %run_scoped3A = tpu.sem_alloc : memref<!tpu.dma_semaphore, #tpu.memory_space<semaphore_mem>>
      %dma_start3A_190 = arith.constant 0 : i32
      %dma_start3A_191 = tpu.memref_slice %arg9[%add3A_166, %dma_start3A_190] : memref<4096x768xf32, #tpu.memory_space<hbm>> -> memref<16x768xf32, #tpu.memory_space<hbm>>
      %dma_start3A_192 = arith.constant 0 : i32
      %dma_start3A_193 = tpu.memref_slice %arg9[%add3A_166, %dma_start3A_192] : memref<4096x768xf32, #tpu.memory_space<hbm>> -> memref<16x768xf32, #tpu.memory_space<hbm>>
      tpu.enqueue_dma source(%arg14 : memref<16x768xf32, #tpu.memory_space<vmem>>) target(%dma_start3A_193 : memref<16x768xf32, #tpu.memory_space<hbm>>) target_semaphore(%run_scoped3A : memref<!tpu.dma_semaphore, #tpu.memory_space<semaphore_mem>>)
      %dma_wait3A_194 = arith.constant 0 : i32
      %dma_wait3A_195 = tpu.memref_slice %arg9[%add3A_166, %dma_wait3A_194] : memref<4096x768xf32, #tpu.memory_space<hbm>> -> memref<16x768xf32, #tpu.memory_space<hbm>>
      %dma_wait3A_196 = arith.constant 0 : i32
      %dma_wait3A_197 = tpu.memref_slice %arg9[%add3A_166, %dma_wait3A_196] : memref<4096x768xf32, #tpu.memory_space<hbm>> -> memref<16x768xf32, #tpu.memory_space<hbm>>
      tpu.wait_dma2 semaphore(%run_scoped3A : memref<!tpu.dma_semaphore, #tpu.memory_space<semaphore_mem>>) src(%arg14 : memref<16x768xf32, #tpu.memory_space<vmem>>) dst(%dma_wait3A_197 : memref<16x768xf32, #tpu.memory_space<hbm>>)
      tpu.yield
    }) : () -> ()
    %get3A_167 = arith.constant 112 : index
    %get3A_168 = tpu.vector_load %arg11[%get3A_167] {strides = array<i32>} : memref<128xi32, #tpu.memory_space<vmem>>, vector<16xi32>,
    %get3A_169 = vector.shape_cast %get3A_168 : vector<16xi32> to vector<16xi32>
    %dma_start3A_170 = arith.constant 0 : i32
    %dma_start3A_171 = arith.constant 0 : i32
    %dma_start3A_172 = tpu.memref_slice %arg2[%dma_start3A_170, %dma_start3A_171] : memref<4096x2048xf32, #tpu.memory_space<hbm>> -> memref<4096x2048xf32, #tpu.memory_space<hbm>>
    tpu.enqueue_indirect_dma source(%dma_start3A_172 : memref<4096x2048xf32, #tpu.memory_space<hbm>>) target(%arg12 : memref<16x2048xf32, #tpu.memory_space<vmem>>) offsets(%get3A_169 : vector<16xi32>) semaphore(%arg16 : memref<!tpu.dma_semaphore, #tpu.memory_space<semaphore_mem>>)
    %dma_start3A_173 = arith.constant 0 : i32
    %dma_start3A_174 = arith.constant 0 : i32
    %dma_start3A_175 = tpu.memref_slice %arg3[%dma_start3A_173, %dma_start3A_174] : memref<4096x1024xf32, #tpu.memory_space<hbm>> -> memref<4096x1024xf32, #tpu.memory_space<hbm>>
    tpu.enqueue_indirect_dma source(%dma_start3A_175 : memref<4096x1024xf32, #tpu.memory_space<hbm>>) target(%arg13 : memref<16x1024xf32, #tpu.memory_space<vmem>>) offsets(%get3A_169 : vector<16xi32>) semaphore(%arg17 : memref<!tpu.dma_semaphore, #tpu.memory_space<semaphore_mem>>)
    %dma_start3A_176 = arith.constant 0 : i32
    %dma_start3A_177 = arith.constant 0 : i32
    %dma_start3A_178 = tpu.memref_slice %arg4[%dma_start3A_176, %dma_start3A_177] : memref<4096x768xf32, #tpu.memory_space<hbm>> -> memref<4096x768xf32, #tpu.memory_space<hbm>>
    tpu.enqueue_indirect_dma source(%dma_start3A_178 : memref<4096x768xf32, #tpu.memory_space<hbm>>) target(%arg14 : memref<16x768xf32, #tpu.memory_space<vmem>>) offsets(%get3A_169 : vector<16xi32>) semaphore(%arg18 : memref<!tpu.dma_semaphore, #tpu.memory_space<semaphore_mem>>)
    %dma_wait3A_179 = arith.constant 0 : i32
    %dma_wait3A_180 = arith.constant 0 : i32
    %dma_wait3A_181 = tpu.memref_slice %arg2[%dma_wait3A_179, %dma_wait3A_180] : memref<4096x2048xf32, #tpu.memory_space<hbm>> -> memref<4096x2048xf32, #tpu.memory_space<hbm>>
    tpu.wait_indirect_dma semaphore(%arg16 : memref<!tpu.dma_semaphore, #tpu.memory_space<semaphore_mem>>) src(%dma_wait3A_181 : memref<4096x2048xf32, #tpu.memory_space<hbm>>) dst(%arg12 : memref<16x2048xf32, #tpu.memory_space<vmem>>)
    %dma_wait3A_182 = arith.constant 0 : i32
    %dma_wait3A_183 = arith.constant 0 : i32
    %dma_wait3A_184 = tpu.memref_slice %arg3[%dma_wait3A_182, %dma_wait3A_183] : memref<4096x1024xf32, #tpu.memory_space<hbm>> -> memref<4096x1024xf32, #tpu.memory_space<hbm>>
    tpu.wait_indirect_dma semaphore(%arg17 : memref<!tpu.dma_semaphore, #tpu.memory_space<semaphore_mem>>) src(%dma_wait3A_184 : memref<4096x1024xf32, #tpu.memory_space<hbm>>) dst(%arg13 : memref<16x1024xf32, #tpu.memory_space<vmem>>)
    %dma_wait3A_185 = arith.constant 0 : i32
    %dma_wait3A_186 = arith.constant 0 : i32
    %dma_wait3A_187 = tpu.memref_slice %arg4[%dma_wait3A_185, %dma_wait3A_186] : memref<4096x768xf32, #tpu.memory_space<hbm>> -> memref<4096x768xf32, #tpu.memory_space<hbm>>
    tpu.wait_indirect_dma semaphore(%arg18 : memref<!tpu.dma_semaphore, #tpu.memory_space<semaphore_mem>>) src(%dma_wait3A_187 : memref<4096x768xf32, #tpu.memory_space<hbm>>) dst(%arg14 : memref<16x768xf32, #tpu.memory_space<vmem>>)
    %add3A_188 = arith.constant 112 : i32
    %add3A_189 = arith.addi %mul3A_2, %add3A_188 : i32
    "tpu.region"() ({
      %run_scoped3A = tpu.sem_alloc : memref<!tpu.dma_semaphore, #tpu.memory_space<semaphore_mem>>
      %dma_start3A_190 = arith.constant 0 : i32
      %dma_start3A_191 = tpu.memref_slice %arg7[%add3A_189, %dma_start3A_190] : memref<4096x2048xf32, #tpu.memory_space<hbm>> -> memref<16x2048xf32, #tpu.memory_space<hbm>>
      %dma_start3A_192 = arith.constant 0 : i32
      %dma_start3A_193 = tpu.memref_slice %arg7[%add3A_189, %dma_start3A_192] : memref<4096x2048xf32, #tpu.memory_space<hbm>> -> memref<16x2048xf32, #tpu.memory_space<hbm>>
      tpu.enqueue_dma source(%arg12 : memref<16x2048xf32, #tpu.memory_space<vmem>>) target(%dma_start3A_193 : memref<16x2048xf32, #tpu.memory_space<hbm>>) target_semaphore(%run_scoped3A : memref<!tpu.dma_semaphore, #tpu.memory_space<semaphore_mem>>)
      %dma_wait3A_194 = arith.constant 0 : i32
      %dma_wait3A_195 = tpu.memref_slice %arg7[%add3A_189, %dma_wait3A_194] : memref<4096x2048xf32, #tpu.memory_space<hbm>> -> memref<16x2048xf32, #tpu.memory_space<hbm>>
      %dma_wait3A_196 = arith.constant 0 : i32
      %dma_wait3A_197 = tpu.memref_slice %arg7[%add3A_189, %dma_wait3A_196] : memref<4096x2048xf32, #tpu.memory_space<hbm>> -> memref<16x2048xf32, #tpu.memory_space<hbm>>
      tpu.wait_dma2 semaphore(%run_scoped3A : memref<!tpu.dma_semaphore, #tpu.memory_space<semaphore_mem>>) src(%arg12 : memref<16x2048xf32, #tpu.memory_space<vmem>>) dst(%dma_wait3A_197 : memref<16x2048xf32, #tpu.memory_space<hbm>>)
      tpu.yield
    }) : () -> ()
    "tpu.region"() ({
      %run_scoped3A = tpu.sem_alloc : memref<!tpu.dma_semaphore, #tpu.memory_space<semaphore_mem>>
      %dma_start3A_190 = arith.constant 0 : i32
      %dma_start3A_191 = tpu.memref_slice %arg8[%add3A_189, %dma_start3A_190] : memref<4096x1024xf32, #tpu.memory_space<hbm>> -> memref<16x1024xf32, #tpu.memory_space<hbm>>
      %dma_start3A_192 = arith.constant 0 : i32
      %dma_start3A_193 = tpu.memref_slice %arg8[%add3A_189, %dma_start3A_192] : memref<4096x1024xf32, #tpu.memory_space<hbm>> -> memref<16x1024xf32, #tpu.memory_space<hbm>>
      tpu.enqueue_dma source(%arg13 : memref<16x1024xf32, #tpu.memory_space<vmem>>) target(%dma_start3A_193 : memref<16x1024xf32, #tpu.memory_space<hbm>>) target_semaphore(%run_scoped3A : memref<!tpu.dma_semaphore, #tpu.memory_space<semaphore_mem>>)
      %dma_wait3A_194 = arith.constant 0 : i32
      %dma_wait3A_195 = tpu.memref_slice %arg8[%add3A_189, %dma_wait3A_194] : memref<4096x1024xf32, #tpu.memory_space<hbm>> -> memref<16x1024xf32, #tpu.memory_space<hbm>>
      %dma_wait3A_196 = arith.constant 0 : i32
      %dma_wait3A_197 = tpu.memref_slice %arg8[%add3A_189, %dma_wait3A_196] : memref<4096x1024xf32, #tpu.memory_space<hbm>> -> memref<16x1024xf32, #tpu.memory_space<hbm>>
      tpu.wait_dma2 semaphore(%run_scoped3A : memref<!tpu.dma_semaphore, #tpu.memory_space<semaphore_mem>>) src(%arg13 : memref<16x1024xf32, #tpu.memory_space<vmem>>) dst(%dma_wait3A_197 : memref<16x1024xf32, #tpu.memory_space<hbm>>)
      tpu.yield
    }) : () -> ()
    "tpu.region"() ({
      %run_scoped3A = tpu.sem_alloc : memref<!tpu.dma_semaphore, #tpu.memory_space<semaphore_mem>>
      %dma_start3A_190 = arith.constant 0 : i32
      %dma_start3A_191 = tpu.memref_slice %arg9[%add3A_189, %dma_start3A_190] : memref<4096x768xf32, #tpu.memory_space<hbm>> -> memref<16x768xf32, #tpu.memory_space<hbm>>
      %dma_start3A_192 = arith.constant 0 : i32
      %dma_start3A_193 = tpu.memref_slice %arg9[%add3A_189, %dma_start3A_192] : memref<4096x768xf32, #tpu.memory_space<hbm>> -> memref<16x768xf32, #tpu.memory_space<hbm>>
      tpu.enqueue_dma source(%arg14 : memref<16x768xf32, #tpu.memory_space<vmem>>) target(%dma_start3A_193 : memref<16x768xf32, #tpu.memory_space<hbm>>) target_semaphore(%run_scoped3A : memref<!tpu.dma_semaphore, #tpu.memory_space<semaphore_mem>>)
      %dma_wait3A_194 = arith.constant 0 : i32
      %dma_wait3A_195 = tpu.memref_slice %arg9[%add3A_189, %dma_wait3A_194] : memref<4096x768xf32, #tpu.memory_space<hbm>> -> memref<16x768xf32, #tpu.memory_space<hbm>>
      %dma_wait3A_196 = arith.constant 0 : i32
      %dma_wait3A_197 = tpu.memref_slice %arg9[%add3A_189, %dma_wait3A_196] : memref<4096x768xf32, #tpu.memory_space<hbm>> -> memref<16x768xf32, #tpu.memory_space<hbm>>
      tpu.wait_dma2 semaphore(%run_scoped3A : memref<!tpu.dma_semaphore, #tpu.memory_space<semaphore_mem>>) src(%arg14 : memref<16x768xf32, #tpu.memory_space<vmem>>) dst(%dma_wait3A_197 : memref<16x768xf32, #tpu.memory_space<hbm>>)
      tpu.yield
    }) : () -> ()
    return
  }
}

</mosaic_0001>

<sc_bundles>
// kernel: gather_offload_async_start.1
scs
__scs_entry_jumppad:
0x0: {  	(pc) =	sbr.rel $0x88, $3  }
0x1: {  	(tag) =	ssettag $0x0;
	lr =	simm.s32 $0x1  }
0x2: {  	[smem:$0x3F9B] =	sst lr;
	_ =	strace $0xD0000000  }
0x3: {  	_ = 	snop  }
0x4: {  	_ = 	snop  }
0x5: {  	_ = 	snop  }
0x6: {  	_ = 	snop  }
0x7: {  	_ = 	snop  }
__scs_overlays_trampoline_lowered:
0x8: {  	[smem:$0x3FAA] =	sst s0  }
0x9: {  	[smem:$0x3FAB] =	sst s1  }
0xa: {  	[smem:$0x3FAC] =	sst s2  }
0xb: {  	[smem:$0x3FAD] =	sst s3  }
0xc: {  	[smem:$0x3FAE] =	sst s4  }
0xd: {  	[smem:$0x3FAF] =	sst s5  }
0xe: {  	[smem:$0x3FB0] =	sst s6  }
0xf: {  	[smem:$0x3FB1] =	sst s7  }
0x10: {  	[smem:$0x3FB2] =	sst s8  }
0x11: {  	[smem:$0x3FB3] =	sst s9;
	s0 =	simm.s32 @!p0 $0x0  }
0x12: {  	s1 =	sld [smem:$0x3F99];
	s0 =	simm.s32 @p0 $0x1  }
0x13: {  	[smem:$0x3FB4] =	sst s0;
	s0 =	simm.s32 @!p1 $0x0  }
0x14: {  	s2 =	sld [smem:$0x3F98];
	s0 =	simm.s32 @p1 $0x1  }
0x15: {  	[smem:$0x3FB5] =	sst s0;
	s0 =	simm.s32 @!p2 $0x0  }
0x16: {  	s3 =	sld [smem:$0x3FDB];
	s0 =	simm.s32 @p2 $0x1  }
0x17: {  	s4 =	simm.s32 $0x1BF5;
	[smem:$0x3FB7] =	sst s0  }
0x18: {  	s0 =	sld [smem:$0x3F9A];
	_ =	swait.ge [sflag:s4], $0x0  }
0x19: {  	s7 =	sld [smem:$0x3F9B]  }
0x1a: {  	s8 =	sadd.s32 $0xFFFFE003, lr  }
0x1b: {  	s9 =	sadd.s32 $0xFFFFFEF7, lr;
	s5 =	simm.s32 $0xFFFFFFFF;
	p2 =	slt.u32 s8, $0xFFFFF086  }
0x1c: {  	p1 =	slt.u32 s9, $0xF7A;
	s5 =	simm.s32 @!p2 $0x0  }
0x1d: {  	s5 =	simm.s32 @p1 $0x1;
	p0 =	seq.s32 s7, s2  }
0x1e: {  	s7 =	smul.u32 @!p0 $0xF7A, s2;
	p2 =	seq.s32 @!p0 s5, $0x0  }
0x1f: {  	s9 =	smul.u32 $0xF7A, s1;
	s8 =	simm.s32 @!p0 $0x1BF5;
	p2 =	por !p2, p0  }
0x20: {  	[sflag:s8] =	ssyncset.s32 @!p0 $0xFFFFF086;
	s6 =	sadd.s32 @!p0 s3, s7;
	s7 =	simm.s32 @!p0 $0x108  }
0x21: {  	s3 =	sadd.s32 s3, s9;
	s6 =	sadd.s32 @!p0 $0x88, s6;
	s7 =	simm.s32 @p2 $0x1082  }
0x22: {  	[simem:s7], [sflag:s8] =	dma.local @!p0 [hbm:s6], $0xF7A  }
0x23: {  	s9 =	sor.u32 $0xD0000000, s2;
	s6 =	simm.s32 $0x108;
	_ =	swait.ge @!p0 [sflag:s8], $0x0  }
0x24: {  	s3 =	sadd.s32 $0x88, s3;
	s6 =	simm.s32 @!p1 $0x1082;
	[sflag:s4] =	ssyncset.s32 $0xFFFFF086  }
0x25: {  	[simem:s6], [sflag:s4] =	dma.local [hbm:s3], $0xF7A  }
0x26: {  	[smem:$0x3F9B] =	sst s1;
	(tag) =	ssettag s2;
	_ =	strace s9  }
0x27: {  	s1 =	sld [smem:$0x3FAB]  }
0x28: {  	s2 =	sld [smem:$0x3FAC]  }
0x29: {  	s4 =	sld [smem:$0x3FAE]  }
0x2a: {  	p0 =	seq.s32 s5, $0x0;
	s5 =	sld [smem:$0x3FAF]  }
0x2b: {  	s6 =	sld [smem:$0x3FB0]  }
0x2c: {  	s7 =	sld [smem:$0x3FB1]  }
0x2d: {  	s3 =	simm.s32 $0x108;
	s8 =	sld [smem:$0x3FB2]  }
0x2e: {  	s3 =	simm.s32 @!p0 $0x1082;
	s9 =	sld [smem:$0x3FB3]  }
0x2f: {  	lr =	sadd.s32 s0, s3;
	s0 =	sld [smem:$0x3FAA]  }
0x30: {  	s3 =	sld [smem:$0x3FAD]  }
0x31: {  	[smem:$0x3FB6] =	sst s10  }
0x32: {  	s10 =	sld [smem:$0x3FB4];
	_ =	sdelay $0x3  }
0x33: {  	p0 =	seq.s32 s10, $0x1;
	s10 =	sld [smem:$0x3FB6];
	_ =	sdelay $0x3  }
0x34: {  	[smem:$0x3FB6] =	sst s10  }
0x35: {  	s10 =	sld [smem:$0x3FB5];
	_ =	sdelay $0x3  }
0x36: {  	p1 =	seq.s32 s10, $0x1;
	s10 =	sld [smem:$0x3FB6];
	_ =	sdelay $0x3  }
0x37: {  	[smem:$0x3FB6] =	sst s10  }
0x38: {  	s10 =	sld [smem:$0x3FB7]  }
0x39: {  	_ = 	snop;
	(pc) =	sbr.ind lr, $3  }
0x3a: {  	_ = 	snop  }
0x3b: {  	_ = 	snop  }
0x3c: {  	p2 =	seq.s32 s10, $0x1;
	s10 =	sld [smem:$0x3FB6]  }
0x3d: {  	_ =	shalt  }
0x3e: {  	_ =	shalt  }
0x3f: {  	_ =	shalt  }
0x40: {  	_ =	shalt  }
0x41: {  	_ =	shalt  }
0x42: {  	_ =	shalt  }
0x43: {  	_ =	shalt  }
0x44: {  	_ =	shalt  }
0x45: {  	_ =	shalt  }
0x46: {  	_ =	shalt  }
0x47: {  	_ =	shalt  }
0x48: {  	_ =	shalt  }
0x49: {  	_ =	shalt  }
0x4a: {  	_ =	shalt  }
0x4b: {  	_ =	shalt  }
0x4c: {  	_ =	shalt  }
0x4d: {  	_ =	shalt  }
0x4e: {  	_ =	shalt  }
0x4f: {  	_ =	shalt  }
0x50: {  	_ =	shalt  }
0x51: {  	_ =	shalt  }
0x52: {  	_ =	shalt  }
0x53: {  	_ =	shalt  }
0x54: {  	_ =	shalt  }
0x55: {  	_ =	shalt  }
0x56: {  	_ =	shalt  }
0x57: {  	_ =	shalt  }
0x58: {  	_ =	shalt  }
0x59: {  	_ =	shalt  }
0x5a: {  	_ =	shalt  }
0x5b: {  	_ =	shalt  }
0x5c: {  	_ =	shalt  }
0x5d: {  	_ =	shalt  }
0x5e: {  	_ =	shalt  }
0x5f: {  	_ =	shalt  }
0x60: {  	_ =	shalt  }
0x61: {  	_ =	shalt  }
0x62: {  	_ =	shalt  }
0x63: {  	_ =	shalt  }
0x64: {  	_ =	shalt  }
0x65: {  	_ =	shalt  }
0x66: {  	_ =	shalt  }
0x67: {  	_ =	shalt  }
0x68: {  	_ =	shalt  }
0x69: {  	_ =	shalt  }
0x6a: {  	_ =	shalt  }
0x6b: {  	_ =	shalt  }
0x6c: {  	_ =	shalt  }
0x6d: {  	_ =	shalt  }
0x6e: {  	_ =	shalt  }
0x6f: {  	_ =	shalt  }
0x70: {  	_ =	shalt  }
0x71: {  	_ =	shalt  }
0x72: {  	_ =	shalt  }
0x73: {  	_ =	shalt  }
0x74: {  	_ =	shalt  }
0x75: {  	_ =	shalt  }
0x76: {  	_ =	shalt  }
0x77: {  	_ =	shalt  }
0x78: {  	_ =	shalt  }
0x79: {  	_ =	shalt  }
0x7a: {  	_ =	shalt  }
0x7b: {  	_ =	shalt  }
0x7c: {  	_ =	shalt  }
0x7d: {  	_ =	shalt  }
0x7e: {  	_ =	shalt  }
0x7f: {  	_ =	shalt  }
0x80: {  	_ =	shalt  }
0x81: {  	_ =	shalt  }
0x82: {  	_ =	shalt  }
0x83: {  	_ =	shalt  }
0x84: {  	_ =	shalt  }
0x85: {  	_ =	shalt  }
0x86: {  	_ =	shalt  }
0x87: {  	_ =	shalt  }
.Lfunc_end0:
.L_simem_size_0:
called_computation.3_lowered:
.L_overlay_start_0:
0x88: {  	s2 =	sld [smem:$0x3FD9]  }
0x89: {  	s3 =	sld [smem:$0x3FFE];
	_ =	sdelay $0x1  }
0x8a: {  	s1 =	srdreg.scid  }
0x8b: {  	s0 =	sand.u32 $0x1, s1  }
0x8c: {  	s14 =	sshll.u32 s0, $0xA;
	s2 =	sadd.s32 s3, s2  }
0x8d: {  	s2 =	sadd.s32 s2, s14  }
0x8e: {  	[smem:$0x3FC2] =	sst s2  }
0x8f: {  	_ = 	snop  }
0x90: {  	s2 =	sld [smem:$0x3FD0];
	_ =	sdelay $0x2  }
0x91: {  	s15 =	simm.s32 $0xB;
	s4 =	simm.s32 $0x10  }
0x92: {  	[smem:s4], [sflag:s15] =	dma.local [hbm:s2], $0x1  }
0x93: {  	_ =	swait.eq [sflag:s15], $0x1  }
0x94: {  	[sflag:s15] =	ssyncset.done $0x0  }
0x95: {  	[sflag:s15] =	ssyncadd.s32 $0xFFFFFFFF  }
0x96: {  	s16 =	sld [smem:$0x14];
	(tm) =	ssettm $0x1  }
0x97: {  	s17 =	sld [smem:$0x3FFB];
	_ =	sdelay $0x3  }
0x98: {  	_ =	strace s17  }
0x99: {  	s3 =	sld [smem:$0x3FFC];
	_ =	sdelay $0x3  }
0x9a: {  	_ =	strace s3  }
0x9b: {  	s3 =	sld [smem:$0x3FFD];
	_ =	sdelay $0x3  }
0x9c: {  	_ =	strace s3  }
0x9d: {  	_ =	strace $0x8FFFFFFF  }
0x9e: {  	s18 =	sld [smem:$0x3FDB];
	_ =	sdelay $0x1  }
0x9f: {  	s19 =	simm.s32 $_scs_section_size  }
0xa0: {  	s5 =	simm.s32 $_size__tile_overlayer_lowered;
	s6 =	simm.s32 $_tile_overlayer_lowered  }
0xa1: {  	s22 =	simm.s32 $0x1BFF;
	s21 =	sshll.u32 s6, $0x1;
	s3 =	sadd.s32 s19, s18  }
0xa2: {  	s7 =	simm.s32 $0x0;
	s20 =	sshll.u32 s5, $0x1;
	s5 =	sadd.s32 s21, s3  }
0xa3: {  	[timem:s7], [sflag:s22] =	dma.local [hbm:s5], s20  }
0xa4: {  	_ =	swait.ge [sflag:s22], s20  }
0xa5: {  	s4 =	ssub.s32 $0x0, s20;
	[sflag:s22] =	ssyncset.done $0x0  }
0xa6: {  	[sflag:s22] =	ssyncadd.s32 s4;
	_ =	sdelay $0x1  }
0xa7: {  	s23 =	simm.s32 $0x1B8B  }
0xa8: {  	_ =	swait.ge [sflag:s23], $0x1  }
0xa9: {  	[sflag:s23] =	ssyncset.done $0x0  }
0xaa: {  	s25 =	simm.s32 $0x1B8E;
	s24 =	sld [smem:$0x3FFE];
	[sflag:s23] =	ssyncadd.s32 $0xFFFFFFFF  }
0xab: {  	s26 =	simm.s32 $execute0_lowered;
	[smem:$0x3FD2] =	sst s25  }
0xac: {  	s5 =	sshll.u32 s26, $0x1;
	_ =	strace $0x80000064;
	[dreg:$0x1] =	wrdreg $0xFFFFFFFF  }
0xad: {  	s28 =	simm.s32 $_size_execute0_lowered;
	s3 =	sadd.s32 s3, s5;
	[dreg:$0x0] =	wrdreg $0x0  }
0xae: {  	s5 =	sshll.u32 s28, $0x1;
	[dreg:$0x2] =	wrdreg s3  }
0xaf: {  	[dreg:$0x3] =	wrdreg s5  }
0xb0: {  	[dreg:$0x4] =	wrdreg $0xC0  }
0xb1: {  	_ =	task [dreg:s7], $0x5FFFF  }
0xb2: {  	[dreg:$0x1] =	wrdreg $0xFFFFFFFF  }
0xb3: {  	[dreg:$0x0] =	wrdreg $0x60  }
0xb4: {  	[dreg:$0x2] =	wrdreg s16  }
0xb5: {  	[dreg:$0x3] =	wrdreg s24  }
0xb6: {  	[dreg:$0x4] =	wrdreg $0x9  }
0xb7: {  	_ =	task.clear_ibuf [dreg:s7], $0x5FFFF;
	_ =	strace $0x90000064  }
0xb8: {  	s29 =	simm.s32 $0x9;
	_ =	strace $0x80000066  }
0xb9: {  	_ =	swait.ge [sflag:s29], $0x1  }
0xba: {  	[sflag:s29] =	ssyncadd.s32 $0xFFFFFFFF  }
0xbb: {  	_ =	strace $0x90000066  }
0xbc: {  	_ =	sfence  }
0xbd: {  	s30 =	sld [smem:$0x0];
	_ =	sdelay $0x2  }
0xbe: {  	s31 =	sshll.u32 s1, $0xD;
	s1 =	sshrl.u32 s1, $0x2  }
0xbf: {  	s3 =	sand.u32 $0x4000, s31;
	s1 =	sadd.s32 s1, s30  }
0xc0: {  	s0 =	sor.u32 s3, s0;
	s1 =	sshll.u32 s1, $0x11  }
0xc1: {  	s0 =	sor.u32 s1, s0  }
0xc2: {  	s0 =	sadd.s32 $0x8F2B, s0  }
0xc3: {  	[sflag:s0] =	ssyncadd.remote.s32 $0x1  }
0xc4: {  	_ =	sfence.sel $0xFFFF  }
0xc5: {  	[dreg:$0x0] =	wrdreg $0xFFFFFFFF;
	(pc) =	sbr.abs _section_cstart, $3  }
0xc6: {  	[dreg:$0x1] =	wrdreg $0xFFFFFFFF  }
0xc7: {  	_ =	task.clear_ibuf [dreg:s7], $0x2FFFF;
	_ =	strace $0x9FFFFFFF  }
0xc8: {  	(tm) =	ssettm $0x7FFFFFFF  }
0xc9: {  	_ =	shalt  }
tec
execute0_lowered:
.L_overlay_start_1:
0x0: {  	(tag) =	ssettag $0x1  }
0x1: {  	s1 =	srdreg.scid;
	s2 =	rddreg [dreg:$0x0]  }
0x2: {  	s0 =	stileid.u32;
	s6 =	rddreg [dreg:$0x1];
	s1 =	sshll.u32 s1, $0x5  }
0x3: {  	s7 =	simm.s32 $0x1;
	s3 =	sshll.u32 s0, $0x6;
	s1 =	sand.u32 $0x20, s1  }
0x4: {  	s30 =	simm.s32 $0x2;
	s31 =	simm.s32 $0x3;
	s3 =	sor.u32 s3, s1  }
0x5: {  	s11 =	simm.s32 $0x0;
	s9 =	simm.s32 $0x0;
	s5 =	ssub.s32 $0x800, s3  }
0x6: {  	s4 =	sadd.s32 $0x400, s6;
	s6 =	sadd.s32 $0x600, s6;
	s8 =	sand.u32 $0x3E0, s5  }
0x7: {  	s1 =	rddreg [dreg:$0x2];
	_ =	strace $0x80000065;
	p0 =	sne.s32 s8, $0x0  }
0x8: {  	[sflag:s7] =	ssyncpa.u1 $0x0;
	s5 =	sshrl.u32 s5, $0xA;
	s7 =	simm.s32 @!p0 $0x0  }
0x9: {  	s10 =	smov.u32 s3;
	[sflag:s30] =	ssyncpa.u1 $0x0;
	s5 =	sadd.s32 s7, s5  }
0xa: {  	[sflag:s31] =	ssyncpa.u1 $0x0;
	s8 =	simm.s32 $0x0;
	s7 =	sadd.s32 $0x1, s5  }
.LBB2_1:
0xb: {  	p0 =	sge.u32 s9, s5  }
0xc: {  	s31 =	sadd.s32 $0xFFFFFFFF, s9;
	s12 =	sxor.u32 @!p0 $0xFFFFFFFF, s8;
	s13 =	sshrl.u32 @!p0 s10, $0x3  }
0xd: {  	s14 =	sand.u32 @!p0 $0x7, s10;
	s12 =	sand.u32 @!p0 $0x20, s12;
	s13 =	sadd.s32 @!p0 s4, s13  }
0xe: {  	[tilespmem:s12], [sflag:$0x2] =	stream.linear.gather @!p0 [hbm4b:s13+s14], $0x20, $0x38;
	[tilespmem:$0x80] =	vst v63  }
0xf: {  	p0 =	sge.u32 s31, s5  }
0x10: {  	s12 =	simm.s32 @!p0 $0x2  }
0x11: {  	_ =	swait.ge @!p0 [sflag:s12], $0x20  }
0x12: {  	[sflag:s12] =	ssyncset.done @!p0 $0x0  }
0x13: {  	[sflag:s12] =	ssyncadd.s32 @!p0 $0xFFFFFFE0;
	s12 =	sand.u32 @!p0 $0x20, s8  }
0x14: {  	(ifvalue) =	ssetifvalue @!p0 $0x7FFFFFFF;
	v0 =	vld.msk @!p0 [tilespmem:s12+$0x0 ss:$0x1], $0xffff;
	_ =	sdelay $0x4  }
0x15: {  	vm0 =	vgt.s32 @!p0 v0, $0x0  }
0x16: {  	v0 =	vnsel @!p0 vm0, $0x0, v0  }
0x17: {  	v0 =	vmin.u32 @!p0 v0, $0xFFF;
	_ =	sdelay $0x2  }
0x18: {  	s14 =	simm.s32 @!p0 $0x0  }
0x19: {  	s13 =	sor.u32 @!p0 $0x40, s12;
	(ifvalue) =	ssetifvalue @!p0 $0x7FFFFFFF;
	s15 =	sor.u32 @!p0 $0x10, s12;
	vm0 =	vmmov @!p0 $0xffff  }
0x1a: {  	[tilespmem:s13], [sflag:$0x1] =	stream.indirect_vreg.gather @!p0 [hbm4b:s2+s14], $0x1, v0, vm0, $0x4038;
	[tilespmem:$0x80] =	vst v63  }
0x1b: {  	v0 =	vld.msk @!p0 [tilespmem:s15+$0x0 ss:$0x1], $0xffff;
	_ =	sdelay $0x4  }
0x1c: {  	vm1 =	vgt.s32 @!p0 v0, $0x0  }
0x1d: {  	v0 =	vnsel @!p0 vm1, $0x0, v0  }
0x1e: {  	v0 =	vmin.u32 @!p0 v0, $0xFFF;
	_ =	sdelay $0x3  }
0x1f: {  	s12 =	sor.u32 @!p0 $0x50, s12;
	(ifvalue) =	ssetifvalue @!p0 $0x7FFFFFFF  }
0x20: {  	[tilespmem:s12], [sflag:$0x1] =	stream.indirect_vreg.gather @!p0 [hbm4b:s2+s14], $0x1, v0, vm0, $0x4038;
	[tilespmem:$0x80] =	vst v63  }
0x21: {  	s12 =	simm.s32 @!p0 $0x1  }
0x22: {  	_ =	swait.ge @!p0 [sflag:s12], $0x20  }
0x23: {  	s14 =	sshrl.u32 @!p0 s11, $0x3;
	[sflag:s12] =	ssyncset.done @!p0 $0x0  }
0x24: {  	s11 =	sand.u32 @!p0 $0x7, s11;
	[sflag:s12] =	ssyncadd.s32 @!p0 $0xFFFFFFE0;
	s12 =	sadd.s32 @!p0 s6, s14  }
0x25: {  	[hbm4b:s12+s11] =	stream.linear.scatter @!p0 [tilespmem:s13], [sflag:$0x3], $0x20, $0x38;
	[tilespmem:$0x80] =	vst v63  }
0x26: {  	s13 =	sadd.s32 $0x400, s10  }
0x27: {  	p1 =	sgt.s32 s13, $0x7FF  }
0x28: {  	s13 =	smov.u32 @p1 s3;
	p1 =	sne.s32 s9, s7  }
.Ltmp0:
0x29: {  	p0 =	slt.u32 s9, $0x2;
	(pc) =	sbr.rel @p1 .LBB2_1-.Ltmp0, $4  }
0x2a: {  	s12 =	simm.s32 @!p0 $0x3  }
0x2b: {  	_ =	swait.ge @!p0 [sflag:s12], $0x20  }
0x2c: {  	s8 =	sadd.s32 $0x20, s8;
	s11 =	smov.u32 s10;
	[sflag:s12] =	ssyncset.done @!p0 $0x0  }
0x2d: {  	s9 =	sadd.s32 $0x1, s9;
	s10 =	smov.u32 s13;
	[sflag:s12] =	ssyncadd.s32 @!p0 $0xFFFFFFE0  }
0x2e: {  	_ =	sfence.sel $0x180000  }
0x2f: {  	s2 =	simm.s32 $0x2;
	[bflag:$0x0] =	sbarrier.arrive $0xFFFF  }
0x30: {  	s30 =	simm.s32 $0x3;
	[sflag:s2] =	ssyncpa.u1 $0x1  }
0x31: {  	s31 =	simm.s32 $0x1;
	[sflag:s30] =	ssyncpa.u1 $0x1  }
0x32: {  	[sflag:s31] =	ssyncpa.u1 $0x1  }
0x33: {  	p0 =	sne.s32 s0, $0x0;
	_ =	strace $0x90000065  }
0x34: {  	s0 =	sadd.s32 @!p0 $0x100000, s1;
	[bflag:$0x2] =	sbarrier.arrive $0xFFFF  }
0x35: {  	[sflag:s0] =	ssyncadd.tile.s32 @!p0 $0x1;
	_ =	shalt  }
.Lfunc_end2:
_tile_overlayer_lowered:
.L_overlay_start_2:
0x36: {  	(tag) =	ssettag $0x2  }
0x37: {  	s0 =	rddreg [dreg:$0x0];
	s2 =	stileid.u32  }
0x38: {  	s1 =	rddreg [dreg:$0x1];
	p0 =	sne.s32 s2, $0x0  }
0x39: {  	s3 =	rddreg [dreg:$0x2];
	[bflag:$0x3] =	sbarrier.arrive $0xFFFF;
	s2 =	simm.s32 @!p0 $0x1C01  }
0x3a: {  	[timem:s3], [sflag:s2] =	dma.local @!p0 [hbm:s0], s1  }
0x3b: {  	s0 =	simm.s32 @!p0 $0x1  }
0x3c: {  	_ =	swait.ge @!p0 [sflag:s0], s1  }
0x3d: {  	s1 =	ssub.s32 @!p0 $0x0, s1;
	[sflag:s0] =	ssyncset.done @!p0 $0x0  }
0x3e: {  	[sflag:s0] =	ssyncadd.s32 @!p0 s1  }
0x3f: {  	[bflag:$0x3] =	sbarrier.arrive $0xFFFF  }
0x40: {  	_ =	shalt  }

// kernel: gather_offload_async_start.2
scs
__scs_entry_jumppad:
0x0: {  	(pc) =	sbr.rel $0x88, $3  }
0x1: {  	(tag) =	ssettag $0x0;
	lr =	simm.s32 $0x1  }
0x2: {  	[smem:$0x3F9B] =	sst lr;
	_ =	strace $0xD0000000  }
0x3: {  	_ = 	snop  }
0x4: {  	_ = 	snop  }
0x5: {  	_ = 	snop  }
0x6: {  	_ = 	snop  }
0x7: {  	_ = 	snop  }
__scs_overlays_trampoline_lowered:
0x8: {  	[smem:$0x3FAA] =	sst s0  }
0x9: {  	[smem:$0x3FAB] =	sst s1  }
0xa: {  	[smem:$0x3FAC] =	sst s2  }
0xb: {  	[smem:$0x3FAD] =	sst s3  }
0xc: {  	[smem:$0x3FAE] =	sst s4  }
0xd: {  	[smem:$0x3FAF] =	sst s5  }
0xe: {  	[smem:$0x3FB0] =	sst s6  }
0xf: {  	[smem:$0x3FB1] =	sst s7  }
0x10: {  	[smem:$0x3FB2] =	sst s8  }
0x11: {  	[smem:$0x3FB3] =	sst s9;
	s0 =	simm.s32 @!p0 $0x0  }
0x12: {  	s1 =	sld [smem:$0x3F99];
	s0 =	simm.s32 @p0 $0x1  }
0x13: {  	[smem:$0x3FB4] =	sst s0;
	s0 =	simm.s32 @!p1 $0x0  }
0x14: {  	s2 =	sld [smem:$0x3F98];
	s0 =	simm.s32 @p1 $0x1  }
0x15: {  	[smem:$0x3FB5] =	sst s0;
	s0 =	simm.s32 @!p2 $0x0  }
0x16: {  	s3 =	sld [smem:$0x3FDB];
	s0 =	simm.s32 @p2 $0x1  }
0x17: {  	s4 =	simm.s32 $0x1BF5;
	[smem:$0x3FB7] =	sst s0  }
0x18: {  	s0 =	sld [smem:$0x3F9A];
	_ =	swait.ge [sflag:s4], $0x0  }
0x19: {  	s7 =	sld [smem:$0x3F9B]  }
0x1a: {  	s8 =	sadd.s32 $0xFFFFE003, lr  }
0x1b: {  	s9 =	sadd.s32 $0xFFFFFEF7, lr;
	s5 =	simm.s32 $0xFFFFFFFF;
	p2 =	slt.u32 s8, $0xFFFFF086  }
0x1c: {  	p1 =	slt.u32 s9, $0xF7A;
	s5 =	simm.s32 @!p2 $0x0  }
0x1d: {  	s5 =	simm.s32 @p1 $0x1;
	p0 =	seq.s32 s7, s2  }
0x1e: {  	s7 =	smul.u32 @!p0 $0xF7A, s2;
	p2 =	seq.s32 @!p0 s5, $0x0  }
0x1f: {  	s9 =	smul.u32 $0xF7A, s1;
	s8 =	simm.s32 @!p0 $0x1BF5;
	p2 =	por !p2, p0  }
0x20: {  	[sflag:s8] =	ssyncset.s32 @!p0 $0xFFFFF086;
	s6 =	sadd.s32 @!p0 s3, s7;
	s7 =	simm.s32 @!p0 $0x108  }
0x21: {  	s3 =	sadd.s32 s3, s9;
	s6 =	sadd.s32 @!p0 $0x88, s6;
	s7 =	simm.s32 @p2 $0x1082  }
0x22: {  	[simem:s7], [sflag:s8] =	dma.local @!p0 [hbm:s6], $0xF7A  }
0x23: {  	s9 =	sor.u32 $0xD0000000, s2;
	s6 =	simm.s32 $0x108;
	_ =	swait.ge @!p0 [sflag:s8], $0x0  }
0x24: {  	s3 =	sadd.s32 $0x88, s3;
	s6 =	simm.s32 @!p1 $0x1082;
	[sflag:s4] =	ssyncset.s32 $0xFFFFF086  }
0x25: {  	[simem:s6], [sflag:s4] =	dma.local [hbm:s3], $0xF7A  }
0x26: {  	[smem:$0x3F9B] =	sst s1;
	(tag) =	ssettag s2;
	_ =	strace s9  }
0x27: {  	s1 =	sld [smem:$0x3FAB]  }
0x28: {  	s2 =	sld [smem:$0x3FAC]  }
0x29: {  	s4 =	sld [smem:$0x3FAE]  }
0x2a: {  	p0 =	seq.s32 s5, $0x0;
	s5 =	sld [smem:$0x3FAF]  }
0x2b: {  	s6 =	sld [smem:$0x3FB0]  }
0x2c: {  	s7 =	sld [smem:$0x3FB1]  }
0x2d: {  	s3 =	simm.s32 $0x108;
	s8 =	sld [smem:$0x3FB2]  }
0x2e: {  	s3 =	simm.s32 @!p0 $0x1082;
	s9 =	sld [smem:$0x3FB3]  }
0x2f: {  	lr =	sadd.s32 s0, s3;
	s0 =	sld [smem:$0x3FAA]  }
0x30: {  	s3 =	sld [smem:$0x3FAD]  }
0x31: {  	[smem:$0x3FB6] =	sst s10  }
0x32: {  	s10 =	sld [smem:$0x3FB4];
	_ =	sdelay $0x3  }
0x33: {  	p0 =	seq.s32 s10, $0x1;
	s10 =	sld [smem:$0x3FB6];
	_ =	sdelay $0x3  }
0x34: {  	[smem:$0x3FB6] =	sst s10  }
0x35: {  	s10 =	sld [smem:$0x3FB5];
	_ =	sdelay $0x3  }
0x36: {  	p1 =	seq.s32 s10, $0x1;
	s10 =	sld [smem:$0x3FB6];
	_ =	sdelay $0x3  }
0x37: {  	[smem:$0x3FB6] =	sst s10  }
0x38: {  	s10 =	sld [smem:$0x3FB7]  }
0x39: {  	_ = 	snop;
	(pc) =	sbr.ind lr, $3  }
0x3a: {  	_ = 	snop  }
0x3b: {  	_ = 	snop  }
0x3c: {  	p2 =	seq.s32 s10, $0x1;
	s10 =	sld [smem:$0x3FB6]  }
0x3d: {  	_ =	shalt  }
0x3e: {  	_ =	shalt  }
0x3f: {  	_ =	shalt  }
0x40: {  	_ =	shalt  }
0x41: {  	_ =	shalt  }
0x42: {  	_ =	shalt  }
0x43: {  	_ =	shalt  }
0x44: {  	_ =	shalt  }
0x45: {  	_ =	shalt  }
0x46: {  	_ =	shalt  }
0x47: {  	_ =	shalt  }
0x48: {  	_ =	shalt  }
0x49: {  	_ =	shalt  }
0x4a: {  	_ =	shalt  }
0x4b: {  	_ =	shalt  }
0x4c: {  	_ =	shalt  }
0x4d: {  	_ =	shalt  }
0x4e: {  	_ =	shalt  }
0x4f: {  	_ =	shalt  }
0x50: {  	_ =	shalt  }
0x51: {  	_ =	shalt  }
0x52: {  	_ =	shalt  }
0x53: {  	_ =	shalt  }
0x54: {  	_ =	shalt  }
0x55: {  	_ =	shalt  }
0x56: {  	_ =	shalt  }
0x57: {  	_ =	shalt  }
0x58: {  	_ =	shalt  }
0x59: {  	_ =	shalt  }
0x5a: {  	_ =	shalt  }
0x5b: {  	_ =	shalt  }
0x5c: {  	_ =	shalt  }
0x5d: {  	_ =	shalt  }
0x5e: {  	_ =	shalt  }
0x5f: {  	_ =	shalt  }
0x60: {  	_ =	shalt  }
0x61: {  	_ =	shalt  }
0x62: {  	_ =	shalt  }
0x63: {  	_ =	shalt  }
0x64: {  	_ =	shalt  }
0x65: {  	_ =	shalt  }
0x66: {  	_ =	shalt  }
0x67: {  	_ =	shalt  }
0x68: {  	_ =	shalt  }
0x69: {  	_ =	shalt  }
0x6a: {  	_ =	shalt  }
0x6b: {  	_ =	shalt  }
0x6c: {  	_ =	shalt  }
0x6d: {  	_ =	shalt  }
0x6e: {  	_ =	shalt  }
0x6f: {  	_ =	shalt  }
0x70: {  	_ =	shalt  }
0x71: {  	_ =	shalt  }
0x72: {  	_ =	shalt  }
0x73: {  	_ =	shalt  }
0x74: {  	_ =	shalt  }
0x75: {  	_ =	shalt  }
0x76: {  	_ =	shalt  }
0x77: {  	_ =	shalt  }
0x78: {  	_ =	shalt  }
0x79: {  	_ =	shalt  }
0x7a: {  	_ =	shalt  }
0x7b: {  	_ =	shalt  }
0x7c: {  	_ =	shalt  }
0x7d: {  	_ =	shalt  }
0x7e: {  	_ =	shalt  }
0x7f: {  	_ =	shalt  }
0x80: {  	_ =	shalt  }
0x81: {  	_ =	shalt  }
0x82: {  	_ =	shalt  }
0x83: {  	_ =	shalt  }
0x84: {  	_ =	shalt  }
0x85: {  	_ =	shalt  }
0x86: {  	_ =	shalt  }
0x87: {  	_ =	shalt  }
.Lfunc_end0:
.L_simem_size_0:
called_computation.4_lowered:
.L_overlay_start_0:
0x88: {  	s2 =	sld [smem:$0x3FD9]  }
0x89: {  	s3 =	sld [smem:$0x3FFE];
	_ =	sdelay $0x1  }
0x8a: {  	s1 =	srdreg.scid  }
0x8b: {  	s0 =	sand.u32 $0x1, s1  }
0x8c: {  	s14 =	sshll.u32 s0, $0xA;
	s2 =	sadd.s32 s3, s2  }
0x8d: {  	s2 =	sadd.s32 s2, s14  }
0x8e: {  	[smem:$0x3FC2] =	sst s2  }
0x8f: {  	_ = 	snop  }
0x90: {  	s2 =	sld [smem:$0x3FD0];
	_ =	sdelay $0x2  }
0x91: {  	s4 =	simm.s32 $0xB;
	s5 =	simm.s32 $0x10;
	s15 =	sld [smem:$0x3FC4]  }
0x92: {  	[smem:s5], [sflag:s4] =	dma.local [hbm:s2], $0x1  }
0x93: {  	_ =	swait.eq [sflag:s4], $0x1  }
0x94: {  	[sflag:s4] =	ssyncset.done $0x0  }
0x95: {  	[sflag:s4] =	ssyncadd.s32 $0xFFFFFFFF  }
0x96: {  	s16 =	sld [smem:$0x12];
	(tm) =	ssettm $0x1  }
0x97: {  	s17 =	sld [smem:$0x3FFB];
	_ =	sdelay $0x3  }
0x98: {  	_ =	strace s17  }
0x99: {  	s4 =	sld [smem:$0x3FFC];
	_ =	sdelay $0x3  }
0x9a: {  	_ =	strace s4  }
0x9b: {  	s4 =	sld [smem:$0x3FFD];
	_ =	sdelay $0x3  }
0x9c: {  	_ =	strace s4  }
0x9d: {  	_ =	strace $0x8FFFFFFF  }
0x9e: {  	s18 =	sld [smem:$0x3FDB];
	_ =	sdelay $0x1  }
0x9f: {  	s19 =	simm.s32 $_scs_section_size  }
0xa0: {  	s6 =	simm.s32 $_size__tile_overlayer_lowered;
	s7 =	simm.s32 $_tile_overlayer_lowered  }
0xa1: {  	s22 =	simm.s32 $0x1BFF;
	s21 =	sshll.u32 s7, $0x1;
	s4 =	sadd.s32 s19, s18  }
0xa2: {  	s8 =	simm.s32 $0x0;
	s20 =	sshll.u32 s6, $0x1;
	s6 =	sadd.s32 s21, s4  }
0xa3: {  	[timem:s8], [sflag:s22] =	dma.local [hbm:s6], s20  }
0xa4: {  	_ =	swait.ge [sflag:s22], s20  }
0xa5: {  	s5 =	ssub.s32 $0x0, s20;
	[sflag:s22] =	ssyncset.done $0x0  }
0xa6: {  	[sflag:s22] =	ssyncadd.s32 s5;
	_ =	sdelay $0x1  }
0xa7: {  	s23 =	simm.s32 $0x1B8B  }
0xa8: {  	_ =	swait.ge [sflag:s23], $0x1  }
0xa9: {  	[sflag:s23] =	ssyncset.done $0x0  }
0xaa: {  	s25 =	simm.s32 $0x1B8E;
	s24 =	sld [smem:$0x3FFE];
	[sflag:s23] =	ssyncadd.s32 $0xFFFFFFFF  }
0xab: {  	s26 =	simm.s32 $execute0_lowered;
	[smem:$0x3FD2] =	sst s25  }
0xac: {  	s6 =	sshll.u32 s26, $0x1;
	_ =	strace $0x8000004F;
	[dreg:$0x1] =	wrdreg $0xFFFFFFFF  }
0xad: {  	s28 =	simm.s32 $_size_execute0_lowered;
	s4 =	sadd.s32 s4, s6;
	[dreg:$0x0] =	wrdreg $0x0  }
0xae: {  	s6 =	sshll.u32 s28, $0x1;
	[dreg:$0x2] =	wrdreg s4  }
0xaf: {  	[dreg:$0x3] =	wrdreg s6  }
0xb0: {  	[dreg:$0x4] =	wrdreg $0xC0  }
0xb1: {  	_ =	task [dreg:s8], $0x5FFFF  }
0xb2: {  	[dreg:$0x1] =	wrdreg $0xFFFFFFFF  }
0xb3: {  	[dreg:$0x0] =	wrdreg $0x60  }
0xb4: {  	[dreg:$0x2] =	wrdreg s15  }
0xb5: {  	[dreg:$0x3] =	wrdreg s16  }
0xb6: {  	[dreg:$0x4] =	wrdreg s24  }
0xb7: {  	[dreg:$0x5] =	wrdreg $0x9  }
0xb8: {  	_ =	task.clear_ibuf [dreg:s8], $0x6FFFF;
	_ =	strace $0x9000004F  }
0xb9: {  	s29 =	simm.s32 $0x9;
	_ =	strace $0x80000051  }
0xba: {  	_ =	swait.ge [sflag:s29], $0x1  }
0xbb: {  	[sflag:s29] =	ssyncadd.s32 $0xFFFFFFFF  }
0xbc: {  	_ =	strace $0x90000051  }
0xbd: {  	_ =	sfence  }
0xbe: {  	s30 =	sld [smem:$0x0];
	_ =	sdelay $0x2  }
0xbf: {  	s31 =	sshll.u32 s1, $0xD;
	s1 =	sshrl.u32 s1, $0x2  }
0xc0: {  	s3 =	sand.u32 $0x4000, s31;
	s1 =	sadd.s32 s1, s30  }
0xc1: {  	s0 =	sor.u32 s3, s0;
	s1 =	sshll.u32 s1, $0x11  }
0xc2: {  	s0 =	sor.u32 s1, s0  }
0xc3: {  	s0 =	sadd.s32 $0x8F2B, s0  }
0xc4: {  	[sflag:s0] =	ssyncadd.remote.s32 $0x1  }
0xc5: {  	_ =	sfence.sel $0xFFFF  }
0xc6: {  	[dreg:$0x0] =	wrdreg $0xFFFFFFFF;
	(pc) =	sbr.abs _section_cstart, $3  }
0xc7: {  	[dreg:$0x1] =	wrdreg $0xFFFFFFFF  }
0xc8: {  	_ =	task.clear_ibuf [dreg:s8], $0x2FFFF;
	_ =	strace $0x9FFFFFFF  }
0xc9: {  	(tm) =	ssettm $0x7FFFFFFF  }
tec
execute0_lowered:
.L_overlay_start_1:
0x0: {  	(tag) =	ssettag $0x1  }
0x1: {  	s2 =	rddreg [dreg:$0x0]  }
0x2: {  	s1 =	srdreg.scid;
	s3 =	rddreg [dreg:$0x1]  }
0x3: {  	s0 =	stileid.u32;
	s5 =	rddreg [dreg:$0x2]  }
0x4: {  	s9 =	simm.s32 $0x1;
	s10 =	simm.s32 $0x3;
	s1 =	sshll.u32 s1, $0x6  }
0x5: {  	s13 =	simm.s32 $0x0;
	s4 =	sshll.u32 s0, $0x7;
	s6 =	sand.u32 $0x40, s1  }
0x6: {  	s12 =	simm.s32 $0x0;
	s5 =	sadd.s32 $0x1200, s5;
	s4 =	sor.u32 s4, s6  }
0x7: {  	s1 =	rddreg [dreg:$0x3];
	_ =	strace $0x80000050;
	s8 =	ssub.s32 $0x1000, s4  }
.Ltmp0:
0x8: {  	s6 =	simm.s32 $0x1;
	s7 =	sand.u32 $0x7C0, s8;
	(pc) =	sbr.rel .LBB2_1-.Ltmp0, $4  }
0x9: {  	[sflag:s6] =	ssyncpa.u1 $0x0;
	s11 =	smov.u32 s4;
	p0 =	sne.s32 s7, $0x0  }
0xa: {  	s8 =	sshrl.u32 s8, $0xB;
	s7 =	simm.s32 $0x2;
	s9 =	simm.s32 @!p0 $0x0  }
0xb: {  	[sflag:s7] =	ssyncpa.u1 $0x0;
	p0 =	por $0x0, $0x0;
	s8 =	sadd.s32 s9, s8  }
0xc: {  	vm0 =	vmmov $0xffff;
	[sflag:s10] =	ssyncpa.u1 $0x0;
	s10 =	simm.s32 $0x0;
	s9 =	sadd.s32 $0x1, s8  }
.LBB2_4:
0xd: {  	v2 =	vnsel vm1, $0x0, v2  }
0xe: {  	vm1 =	vgt.s32 v0, $0x0;
	v2 =	vmin.u32 v2, $0xFFF  }
0xf: {  	v0 =	vnsel vm1, $0x0, v0  }
0x10: {  	v0 =	vmin.u32 v0, $0xFFF  }
0x11: {  	[tilespmem:s15], [sflag:$0x1] =	stream.indirect_vreg.gather [hbm4b:s2+s10], $0x1, v1, vm0, $0x4038;
	[tilespmem:$0x100] =	vst v63  }
0x12: {  	(ifvalue) =	ssetifvalue $0x7FFFFFFF  }
0x13: {  	[tilespmem:s16], [sflag:$0x1] =	stream.indirect_vreg.gather [hbm4b:s2+s10], $0x1, v2, vm0, $0x4038;
	[tilespmem:$0x100] =	vst v63  }
0x14: {  	s29 =	sadd.s32 $0x10, s16;
	(ifvalue) =	ssetifvalue $0x7FFFFFFF  }
0x15: {  	[tilespmem:s29], [sflag:$0x1] =	stream.indirect_vreg.gather [hbm4b:s2+s10], $0x1, v0, vm0, $0x4038;
	[tilespmem:$0x100] =	vst v63  }
0x16: {  	_ =	swait.ge [sflag:s6], $0x40  }
0x17: {  	s30 =	sshrl.u32 s13, $0x3;
	[sflag:s6] =	ssyncset.done $0x0  }
0x18: {  	s31 =	sand.u32 $0x7, s13;
	s15 =	sadd.s32 s5, s30;
	[sflag:s6] =	ssyncadd.s32 $0xFFFFFFC0  }
0x19: {  	[hbm4b:s15+s31] =	stream.linear.scatter [tilespmem:s14], [sflag:$0x3], $0x40, $0x38;
	[tilespmem:$0x100] =	vst v63  }
.LBB2_5:
0x1a: {  	s15 =	sadd.s32 $0x800, s11  }
0x1b: {  	p2 =	sgt.s32 s15, $0xFFF  }
0x1c: {  	s15 =	smov.u32 @p2 s4;
	p2 =	sne.s32 s12, s9  }
.Ltmp1:
0x1d: {  	p1 =	slt.u32 s12, $0x2;
	(pc) =	sbr.rel @!p2 .LBB2_6-.Ltmp1, $4  }
0x1e: {  	s14 =	simm.s32 @!p1 $0x3  }
0x1f: {  	s16 =	sadd.s32 $0x1, s12;
	_ =	swait.ge @!p1 [sflag:s14], $0x40  }
0x20: {  	s13 =	smov.u32 s11;
	p0 =	por !p0, !p0;
	[sflag:s14] =	ssyncset.done @!p1 $0x0  }
0x21: {  	s12 =	smov.u32 s16;
	s11 =	smov.u32 s15;
	[sflag:s14] =	ssyncadd.s32 @!p1 $0xFFFFFFC0  }
.LBB2_1:
0x22: {  	p1 =	sge.u32 s12, s8  }
0x23: {  	s14 =	sxor.u32 @!p1 $0xFFFFFFFF, s12  }
0x24: {  	s31 =	sadd.s32 $0xFFFFFFFF, s12;
	s15 =	sshrl.u32 @!p1 s11, $0x3;
	s14 =	sshll.u32 @!p1 s14, $0x6  }
0x25: {  	s16 =	sand.u32 @!p1 $0x7, s11;
	s15 =	sadd.s32 @!p1 s3, s15;
	s14 =	sand.u32 @!p1 $0x40, s14  }
0x26: {  	[tilespmem:s14], [sflag:$0x2] =	stream.linear.gather @!p1 [hbm4b:s15+s16], $0x40, $0x38;
	[tilespmem:$0x100] =	vst v63  }
0x27: {  	p1 =	sge.u32 s31, s8  }
.Ltmp2:
0x28: {  	_ = 	snop;
	(pc) =	sbr.rel @p1 .LBB2_5-.Ltmp2, $1  }
0x29: {  	_ =	sdelay $0x3  }
0x2a: {  	s14 =	simm.s32 $0x1  }
0x2b: {  	_ =	swait.ge [sflag:s7], $0x40;
	s14 =	simm.s32 @!p0 $0x0  }
0x2c: {  	[sflag:s7] =	ssyncset.done $0x0;
	s14 =	sshll.u32 s14, $0x6  }
0x2d: {  	[sflag:s7] =	ssyncadd.s32 $0xFFFFFFC0;
	(ifvalue) =	ssetifvalue $0x7FFFFFFF;
	v0 =	vld.msk [tilespmem:s14+$0x0 ss:$0x1], $0xffff;
	_ =	sdelay $0x4  }
0x2e: {  	s15 =	sadd.s32 $0x10, s14;
	vm1 =	vgt.s32 v0, $0x0  }
0x2f: {  	v2 =	vld.msk [tilespmem:s15+$0x0 ss:$0x1], $0xffff;
	v1 =	vnsel vm1, $0x0, v0  }
0x30: {  	v1 =	vmin.u32 v1, $0xFFF;
	_ =	sdelay $0x1  }
0x31: {  	s16 =	sshll.u32 s12, $0x6;
	s18 =	simm.s32 $0x20  }
0x32: {  	s16 =	sand.u32 $0x40, s16;
	s17 =	sadd.s32 $0x10, s15;
	s15 =	sor.u32 $0x80, s14  }
0x33: {  	s14 =	sor.u32 $0x80, s16;
	s16 =	sadd.s32 $0x10, s15;
	v0 =	vld.msk [tilespmem:s17+$0x0 ss:$0x1], $0xffff;
	vm1 =	vgt.s32 v2, $0x0;
	(ifvalue) =	ssetifvalue $0x7FFFFFFF  }
.LBB2_3:
0x34: {  	[tilespmem:s15], [sflag:$0x1] =	stream.indirect_vreg.gather [hbm4b:s2+s10], $0x1, v1, vm0, $0x4038;
	[tilespmem:$0x100] =	vst v63  }
0x35: {  	s18 =	sadd.s32 $0x10, s18  }
0x36: {  	v2 =	vnsel vm1, $0x0, v2;
	p1 =	slt.u32 s18, $0x30  }
.Ltmp3:
0x37: {  	s15 =	smov.u32 s16;
	v1 =	vmin.u32 v2, $0xFFF;
	(pc) =	sbr.rel @p1 .LBB2_3-.Ltmp3, $3  }
0x38: {  	_ =	sdelay $0x1  }
0x39: {  	s17 =	sadd.s32 $0x10, s17  }
0x3a: {  	vm1 =	vgt.s32 v0, $0x0;
	s16 =	sadd.s32 $0x10, s16;
	v2 =	vmov v0;
	(ifvalue) =	ssetifvalue $0x7FFFFFFF;
	v0 =	vld.msk [tilespmem:s17+$0x0 ss:$0x1], $0xffff  }
.Ltmp4:
0x3b: {  	_ = 	snop;
	(pc) =	sbr.rel .LBB2_4-.Ltmp4, $1  }
0x3c: {  	_ =	sdelay $0x3  }
.LBB2_6:
0x3d: {  	_ =	sfence.sel $0x180000  }
0x3e: {  	s2 =	simm.s32 $0x2;
	[bflag:$0x0] =	sbarrier.arrive $0xFFFF  }
0x3f: {  	s30 =	simm.s32 $0x3;
	[sflag:s2] =	ssyncpa.u1 $0x1  }
0x40: {  	s31 =	simm.s32 $0x1;
	[sflag:s30] =	ssyncpa.u1 $0x1  }
0x41: {  	[sflag:s31] =	ssyncpa.u1 $0x1  }
0x42: {  	p0 =	sne.s32 s0, $0x0;
	_ =	strace $0x90000050  }
0x43: {  	s0 =	sadd.s32 @!p0 $0x100000, s1;
	[bflag:$0x2] =	sbarrier.arrive $0xFFFF  }
0x44: {  	[sflag:s0] =	ssyncadd.tile.s32 @!p0 $0x1;
	_ =	shalt  }
.Lfunc_end2:
_tile_overlayer_lowered:
.L_overlay_start_2:
0x45: {  	(tag) =	ssettag $0x2  }
0x46: {  	s0 =	rddreg [dreg:$0x0];
	s2 =	stileid.u32  }
0x47: {  	s1 =	rddreg [dreg:$0x1];
	p0 =	sne.s32 s2, $0x0  }
0x48: {  	s3 =	rddreg [dreg:$0x2];
	[bflag:$0x3] =	sbarrier.arrive $0xFFFF;
	s2 =	simm.s32 @!p0 $0x1C01  }
0x49: {  	[timem:s3], [sflag:s2] =	dma.local @!p0 [hbm:s0], s1  }
0x4a: {  	s0 =	simm.s32 @!p0 $0x1  }
0x4b: {  	_ =	swait.ge @!p0 [sflag:s0], s1  }
0x4c: {  	s1 =	ssub.s32 @!p0 $0x0, s1;
	[sflag:s0] =	ssyncset.done @!p0 $0x0  }
0x4d: {  	[sflag:s0] =	ssyncadd.s32 @!p0 s1  }
0x4e: {  	[bflag:$0x3] =	sbarrier.arrive $0xFFFF  }
0x4f: {  	_ =	shalt  }

// kernel: gather_offload_async_start.3
scs
__scs_entry_jumppad:
0x0: {  	(pc) =	sbr.rel $0x88, $3  }
0x1: {  	(tag) =	ssettag $0x0;
	lr =	simm.s32 $0x1  }
0x2: {  	[smem:$0x3F9B] =	sst lr;
	_ =	strace $0xD0000000  }
0x3: {  	_ = 	snop  }
0x4: {  	_ = 	snop  }
0x5: {  	_ = 	snop  }
0x6: {  	_ = 	snop  }
0x7: {  	_ = 	snop  }
__scs_overlays_trampoline_lowered:
0x8: {  	[smem:$0x3FAA] =	sst s0  }
0x9: {  	[smem:$0x3FAB] =	sst s1  }
0xa: {  	[smem:$0x3FAC] =	sst s2  }
0xb: {  	[smem:$0x3FAD] =	sst s3  }
0xc: {  	[smem:$0x3FAE] =	sst s4  }
0xd: {  	[smem:$0x3FAF] =	sst s5  }
0xe: {  	[smem:$0x3FB0] =	sst s6  }
0xf: {  	[smem:$0x3FB1] =	sst s7  }
0x10: {  	[smem:$0x3FB2] =	sst s8  }
0x11: {  	[smem:$0x3FB3] =	sst s9;
	s0 =	simm.s32 @!p0 $0x0  }
0x12: {  	s1 =	sld [smem:$0x3F99];
	s0 =	simm.s32 @p0 $0x1  }
0x13: {  	[smem:$0x3FB4] =	sst s0;
	s0 =	simm.s32 @!p1 $0x0  }
0x14: {  	s2 =	sld [smem:$0x3F98];
	s0 =	simm.s32 @p1 $0x1  }
0x15: {  	[smem:$0x3FB5] =	sst s0;
	s0 =	simm.s32 @!p2 $0x0  }
0x16: {  	s3 =	sld [smem:$0x3FDB];
	s0 =	simm.s32 @p2 $0x1  }
0x17: {  	s4 =	simm.s32 $0x1BF5;
	[smem:$0x3FB7] =	sst s0  }
0x18: {  	s0 =	sld [smem:$0x3F9A];
	_ =	swait.ge [sflag:s4], $0x0  }
0x19: {  	s7 =	sld [smem:$0x3F9B]  }
0x1a: {  	s8 =	sadd.s32 $0xFFFFE003, lr  }
0x1b: {  	s9 =	sadd.s32 $0xFFFFFEF7, lr;
	s5 =	simm.s32 $0xFFFFFFFF;
	p2 =	slt.u32 s8, $0xFFFFF086  }
0x1c: {  	p1 =	slt.u32 s9, $0xF7A;
	s5 =	simm.s32 @!p2 $0x0  }
0x1d: {  	s5 =	simm.s32 @p1 $0x1;
	p0 =	seq.s32 s7, s2  }
0x1e: {  	s7 =	smul.u32 @!p0 $0xF7A, s2;
	p2 =	seq.s32 @!p0 s5, $0x0  }
0x1f: {  	s9 =	smul.u32 $0xF7A, s1;
	s8 =	simm.s32 @!p0 $0x1BF5;
	p2 =	por !p2, p0  }
0x20: {  	[sflag:s8] =	ssyncset.s32 @!p0 $0xFFFFF086;
	s6 =	sadd.s32 @!p0 s3, s7;
	s7 =	simm.s32 @!p0 $0x108  }
0x21: {  	s3 =	sadd.s32 s3, s9;
	s6 =	sadd.s32 @!p0 $0x88, s6;
	s7 =	simm.s32 @p2 $0x1082  }
0x22: {  	[simem:s7], [sflag:s8] =	dma.local @!p0 [hbm:s6], $0xF7A  }
0x23: {  	s9 =	sor.u32 $0xD0000000, s2;
	s6 =	simm.s32 $0x108;
	_ =	swait.ge @!p0 [sflag:s8], $0x0  }
0x24: {  	s3 =	sadd.s32 $0x88, s3;
	s6 =	simm.s32 @!p1 $0x1082;
	[sflag:s4] =	ssyncset.s32 $0xFFFFF086  }
0x25: {  	[simem:s6], [sflag:s4] =	dma.local [hbm:s3], $0xF7A  }
0x26: {  	[smem:$0x3F9B] =	sst s1;
	(tag) =	ssettag s2;
	_ =	strace s9  }
0x27: {  	s1 =	sld [smem:$0x3FAB]  }
0x28: {  	s2 =	sld [smem:$0x3FAC]  }
0x29: {  	s4 =	sld [smem:$0x3FAE]  }
0x2a: {  	p0 =	seq.s32 s5, $0x0;
	s5 =	sld [smem:$0x3FAF]  }
0x2b: {  	s6 =	sld [smem:$0x3FB0]  }
0x2c: {  	s7 =	sld [smem:$0x3FB1]  }
0x2d: {  	s3 =	simm.s32 $0x108;
	s8 =	sld [smem:$0x3FB2]  }
0x2e: {  	s3 =	simm.s32 @!p0 $0x1082;
	s9 =	sld [smem:$0x3FB3]  }
0x2f: {  	lr =	sadd.s32 s0, s3;
	s0 =	sld [smem:$0x3FAA]  }
0x30: {  	s3 =	sld [smem:$0x3FAD]  }
0x31: {  	[smem:$0x3FB6] =	sst s10  }
0x32: {  	s10 =	sld [smem:$0x3FB4];
	_ =	sdelay $0x3  }
0x33: {  	p0 =	seq.s32 s10, $0x1;
	s10 =	sld [smem:$0x3FB6];
	_ =	sdelay $0x3  }
0x34: {  	[smem:$0x3FB6] =	sst s10  }
0x35: {  	s10 =	sld [smem:$0x3FB5];
	_ =	sdelay $0x3  }
0x36: {  	p1 =	seq.s32 s10, $0x1;
	s10 =	sld [smem:$0x3FB6];
	_ =	sdelay $0x3  }
0x37: {  	[smem:$0x3FB6] =	sst s10  }
0x38: {  	s10 =	sld [smem:$0x3FB7]  }
0x39: {  	_ = 	snop;
	(pc) =	sbr.ind lr, $3  }
0x3a: {  	_ = 	snop  }
0x3b: {  	_ = 	snop  }
0x3c: {  	p2 =	seq.s32 s10, $0x1;
	s10 =	sld [smem:$0x3FB6]  }
0x3d: {  	_ =	shalt  }
0x3e: {  	_ =	shalt  }
0x3f: {  	_ =	shalt  }
0x40: {  	_ =	shalt  }
0x41: {  	_ =	shalt  }
0x42: {  	_ =	shalt  }
0x43: {  	_ =	shalt  }
0x44: {  	_ =	shalt  }
0x45: {  	_ =	shalt  }
0x46: {  	_ =	shalt  }
0x47: {  	_ =	shalt  }
0x48: {  	_ =	shalt  }
0x49: {  	_ =	shalt  }
0x4a: {  	_ =	shalt  }
0x4b: {  	_ =	shalt  }
0x4c: {  	_ =	shalt  }
0x4d: {  	_ =	shalt  }
0x4e: {  	_ =	shalt  }
0x4f: {  	_ =	shalt  }
0x50: {  	_ =	shalt  }
0x51: {  	_ =	shalt  }
0x52: {  	_ =	shalt  }
0x53: {  	_ =	shalt  }
0x54: {  	_ =	shalt  }
0x55: {  	_ =	shalt  }
0x56: {  	_ =	shalt  }
0x57: {  	_ =	shalt  }
0x58: {  	_ =	shalt  }
0x59: {  	_ =	shalt  }
0x5a: {  	_ =	shalt  }
0x5b: {  	_ =	shalt  }
0x5c: {  	_ =	shalt  }
0x5d: {  	_ =	shalt  }
0x5e: {  	_ =	shalt  }
0x5f: {  	_ =	shalt  }
0x60: {  	_ =	shalt  }
0x61: {  	_ =	shalt  }
0x62: {  	_ =	shalt  }
0x63: {  	_ =	shalt  }
0x64: {  	_ =	shalt  }
0x65: {  	_ =	shalt  }
0x66: {  	_ =	shalt  }
0x67: {  	_ =	shalt  }
0x68: {  	_ =	shalt  }
0x69: {  	_ =	shalt  }
0x6a: {  	_ =	shalt  }
0x6b: {  	_ =	shalt  }
0x6c: {  	_ =	shalt  }
0x6d: {  	_ =	shalt  }
0x6e: {  	_ =	shalt  }
0x6f: {  	_ =	shalt  }
0x70: {  	_ =	shalt  }
0x71: {  	_ =	shalt  }
0x72: {  	_ =	shalt  }
0x73: {  	_ =	shalt  }
0x74: {  	_ =	shalt  }
0x75: {  	_ =	shalt  }
0x76: {  	_ =	shalt  }
0x77: {  	_ =	shalt  }
0x78: {  	_ =	shalt  }
0x79: {  	_ =	shalt  }
0x7a: {  	_ =	shalt  }
0x7b: {  	_ =	shalt  }
0x7c: {  	_ =	shalt  }
0x7d: {  	_ =	shalt  }
0x7e: {  	_ =	shalt  }
0x7f: {  	_ =	shalt  }
0x80: {  	_ =	shalt  }
0x81: {  	_ =	shalt  }
0x82: {  	_ =	shalt  }
0x83: {  	_ =	shalt  }
0x84: {  	_ =	shalt  }
0x85: {  	_ =	shalt  }
0x86: {  	_ =	shalt  }
0x87: {  	_ =	shalt  }
.Lfunc_end0:
.L_simem_size_0:
called_computation.5_lowered:
.L_overlay_start_0:
0x88: {  	s2 =	sld [smem:$0x3FD9]  }
0x89: {  	s3 =	sld [smem:$0x3FFE];
	_ =	sdelay $0x1  }
0x8a: {  	s1 =	srdreg.scid  }
0x8b: {  	s0 =	sand.u32 $0x1, s1  }
0x8c: {  	s14 =	sshll.u32 s0, $0xA;
	s2 =	sadd.s32 s3, s2  }
0x8d: {  	s2 =	sadd.s32 s2, s14  }
0x8e: {  	[smem:$0x3FC2] =	sst s2  }
0x8f: {  	_ = 	snop  }
0x90: {  	s2 =	sld [smem:$0x3FD0];
	_ =	sdelay $0x2  }
0x91: {  	s15 =	simm.s32 $0xB;
	s4 =	simm.s32 $0x10  }
0x92: {  	[smem:s4], [sflag:s15] =	dma.local [hbm:s2], $0x1  }
0x93: {  	_ =	swait.eq [sflag:s15], $0x1  }
0x94: {  	[sflag:s15] =	ssyncset.done $0x0  }
0x95: {  	s16 =	sld [smem:$0x11];
	[sflag:s15] =	ssyncadd.s32 $0xFFFFFFFF  }
0x96: {  	s17 =	sld [smem:$0x12];
	(tm) =	ssettm $0x1  }
0x97: {  	s18 =	sld [smem:$0x3FFB];
	_ =	sdelay $0x3  }
0x98: {  	_ =	strace s18  }
0x99: {  	s4 =	sld [smem:$0x3FFC];
	_ =	sdelay $0x3  }
0x9a: {  	_ =	strace s4  }
0x9b: {  	s4 =	sld [smem:$0x3FFD];
	_ =	sdelay $0x3  }
0x9c: {  	_ =	strace s4  }
0x9d: {  	_ =	strace $0x8FFFFFFF  }
0x9e: {  	s19 =	sld [smem:$0x3FDB];
	_ =	sdelay $0x1  }
0x9f: {  	s5 =	simm.s32 $_scs_section_size  }
0xa0: {  	s6 =	simm.s32 $_size__tile_overlayer_lowered;
	s7 =	simm.s32 $_tile_overlayer_lowered  }
0xa1: {  	s22 =	simm.s32 $0x1BFF;
	s21 =	sshll.u32 s7, $0x1;
	s4 =	sadd.s32 s5, s19  }
0xa2: {  	s8 =	simm.s32 $0x0;
	s20 =	sshll.u32 s6, $0x1;
	s6 =	sadd.s32 s21, s4  }
0xa3: {  	[timem:s8], [sflag:s22] =	dma.local [hbm:s6], s20  }
0xa4: {  	_ =	swait.ge [sflag:s22], s20  }
0xa5: {  	s5 =	ssub.s32 $0x0, s20;
	[sflag:s22] =	ssyncset.done $0x0  }
0xa6: {  	[sflag:s22] =	ssyncadd.s32 s5;
	_ =	sdelay $0x1  }
0xa7: {  	s23 =	simm.s32 $0x1B8B  }
0xa8: {  	_ =	swait.ge [sflag:s23], $0x1  }
0xa9: {  	[sflag:s23] =	ssyncset.done $0x0  }
0xaa: {  	s25 =	simm.s32 $0x1B8E;
	s24 =	sld [smem:$0x3FFE];
	[sflag:s23] =	ssyncadd.s32 $0xFFFFFFFF  }
0xab: {  	s26 =	simm.s32 $execute0_lowered;
	[smem:$0x3FD2] =	sst s25  }
0xac: {  	s6 =	sshll.u32 s26, $0x1;
	_ =	strace $0x80000055;
	[dreg:$0x1] =	wrdreg $0xFFFFFFFF  }
0xad: {  	s28 =	simm.s32 $_size_execute0_lowered;
	s4 =	sadd.s32 s4, s6;
	[dreg:$0x0] =	wrdreg $0x0  }
0xae: {  	s6 =	sshll.u32 s28, $0x1;
	[dreg:$0x2] =	wrdreg s4  }
0xaf: {  	[dreg:$0x3] =	wrdreg s6  }
0xb0: {  	[dreg:$0x4] =	wrdreg $0xC0  }
0xb1: {  	_ =	task [dreg:s8], $0x5FFFF  }
0xb2: {  	[dreg:$0x1] =	wrdreg $0xFFFFFFFF  }
0xb3: {  	[dreg:$0x0] =	wrdreg $0x60  }
0xb4: {  	[dreg:$0x2] =	wrdreg s16  }
0xb5: {  	[dreg:$0x3] =	wrdreg s17  }
0xb6: {  	[dreg:$0x4] =	wrdreg s24  }
0xb7: {  	[dreg:$0x5] =	wrdreg $0x9  }
0xb8: {  	_ =	task.clear_ibuf [dreg:s8], $0x6FFFF;
	_ =	strace $0x90000055  }
0xb9: {  	s29 =	simm.s32 $0x9;
	_ =	strace $0x80000057  }
0xba: {  	_ =	swait.ge [sflag:s29], $0x1  }
0xbb: {  	[sflag:s29] =	ssyncadd.s32 $0xFFFFFFFF  }
0xbc: {  	_ =	strace $0x90000057  }
0xbd: {  	_ =	sfence  }
0xbe: {  	s30 =	sld [smem:$0x0];
	_ =	sdelay $0x2  }
0xbf: {  	s31 =	sshll.u32 s1, $0xD;
	s1 =	sshrl.u32 s1, $0x2  }
0xc0: {  	s3 =	sand.u32 $0x4000, s31;
	s1 =	sadd.s32 s1, s30  }
0xc1: {  	s0 =	sor.u32 s3, s0;
	s1 =	sshll.u32 s1, $0x11  }
0xc2: {  	s0 =	sor.u32 s1, s0  }
0xc3: {  	s0 =	sadd.s32 $0x8F2B, s0  }
0xc4: {  	[sflag:s0] =	ssyncadd.remote.s32 $0x1  }
0xc5: {  	_ =	sfence.sel $0xFFFF  }
0xc6: {  	[dreg:$0x0] =	wrdreg $0xFFFFFFFF;
	(pc) =	sbr.abs _section_cstart, $3  }
0xc7: {  	[dreg:$0x1] =	wrdreg $0xFFFFFFFF  }
0xc8: {  	_ =	task.clear_ibuf [dreg:s8], $0x2FFFF;
	_ =	strace $0x9FFFFFFF  }
0xc9: {  	(tm) =	ssettm $0x7FFFFFFF  }
tec
execute0_lowered:
.L_overlay_start_1:
0x0: {  	(tag) =	ssettag $0x1  }
0x1: {  	s1 =	srdreg.scid  }
0x2: {  	s2 =	rddreg [dreg:$0x0];
	s0 =	stileid.u32;
	s1 =	sshll.u32 s1, $0x5  }
0x3: {  	s3 =	rddreg [dreg:$0x1];
	s5 =	sshll.u32 s0, $0x6;
	s1 =	sand.u32 $0x20, s1  }
0x4: {  	s4 =	rddreg [dreg:$0x2];
	s7 =	simm.s32 $0x1;
	s5 =	sor.u32 s5, s1  }
0x5: {  	s30 =	simm.s32 $0x2;
	s31 =	simm.s32 $0x3;
	s6 =	ssub.s32 $0x800, s5  }
0x6: {  	s11 =	simm.s32 $0x0;
	s9 =	simm.s32 $0x0;
	s8 =	sand.u32 $0x3E0, s6  }
0x7: {  	s1 =	rddreg [dreg:$0x3];
	_ =	strace $0x80000056;
	p0 =	sne.s32 s8, $0x0  }
0x8: {  	[sflag:s7] =	ssyncpa.u1 $0x0;
	s6 =	sshrl.u32 s6, $0xA;
	s7 =	simm.s32 @!p0 $0x0  }
0x9: {  	s10 =	smov.u32 s5;
	[sflag:s30] =	ssyncpa.u1 $0x0;
	s6 =	sadd.s32 s7, s6  }
0xa: {  	[sflag:s31] =	ssyncpa.u1 $0x0;
	s8 =	simm.s32 $0x0;
	s7 =	sadd.s32 $0x1, s6  }
.LBB2_1:
0xb: {  	p0 =	sge.u32 s9, s6  }
0xc: {  	s31 =	sadd.s32 $0xFFFFFFFF, s9;
	s12 =	sxor.u32 @!p0 $0xFFFFFFFF, s8;
	s13 =	sshrl.u32 @!p0 s10, $0x3  }
0xd: {  	s14 =	sand.u32 @!p0 $0x7, s10;
	s12 =	sand.u32 @!p0 $0x20, s12;
	s13 =	sadd.s32 @!p0 s3, s13  }
0xe: {  	[tilespmem:s12], [sflag:$0x2] =	stream.linear.gather @!p0 [hbm4b:s13+s14], $0x20, $0x38;
	[tilespmem:$0x80] =	vst v63  }
0xf: {  	p0 =	sge.u32 s31, s6  }
0x10: {  	s12 =	simm.s32 @!p0 $0x2  }
0x11: {  	_ =	swait.ge @!p0 [sflag:s12], $0x20  }
0x12: {  	[sflag:s12] =	ssyncset.done @!p0 $0x0  }
0x13: {  	[sflag:s12] =	ssyncadd.s32 @!p0 $0xFFFFFFE0;
	s12 =	sand.u32 @!p0 $0x20, s8  }
0x14: {  	(ifvalue) =	ssetifvalue @!p0 $0x7FFFFFFF;
	v0 =	vld.msk @!p0 [tilespmem:s12+$0x0 ss:$0x1], $0xffff;
	_ =	sdelay $0x4  }
0x15: {  	vm0 =	vgt.s32 @!p0 v0, $0x0  }
0x16: {  	v0 =	vnsel @!p0 vm0, $0x0, v0  }
0x17: {  	v0 =	vmin.u32 @!p0 v0, $0xFFF;
	_ =	sdelay $0x2  }
0x18: {  	s14 =	simm.s32 @!p0 $0x0  }
0x19: {  	s13 =	sor.u32 @!p0 $0x40, s12;
	(ifvalue) =	ssetifvalue @!p0 $0x7FFFFFFF;
	s15 =	sor.u32 @!p0 $0x10, s12;
	vm0 =	vmmov @!p0 $0xffff  }
0x1a: {  	[tilespmem:s13], [sflag:$0x1] =	stream.indirect_vreg.gather @!p0 [hbm4b:s2+s14], $0x1, v0, vm0, $0x4038;
	[tilespmem:$0x80] =	vst v63  }
0x1b: {  	v0 =	vld.msk @!p0 [tilespmem:s15+$0x0 ss:$0x1], $0xffff;
	_ =	sdelay $0x4  }
0x1c: {  	vm1 =	vgt.s32 @!p0 v0, $0x0  }
0x1d: {  	v0 =	vnsel @!p0 vm1, $0x0, v0  }
0x1e: {  	v0 =	vmin.u32 @!p0 v0, $0xFFF;
	_ =	sdelay $0x3  }
0x1f: {  	s12 =	sor.u32 @!p0 $0x50, s12;
	(ifvalue) =	ssetifvalue @!p0 $0x7FFFFFFF  }
0x20: {  	[tilespmem:s12], [sflag:$0x1] =	stream.indirect_vreg.gather @!p0 [hbm4b:s2+s14], $0x1, v0, vm0, $0x4038;
	[tilespmem:$0x80] =	vst v63  }
0x21: {  	s12 =	simm.s32 @!p0 $0x1  }
0x22: {  	_ =	swait.ge @!p0 [sflag:s12], $0x20  }
0x23: {  	s14 =	sshrl.u32 @!p0 s11, $0x3;
	[sflag:s12] =	ssyncset.done @!p0 $0x0  }
0x24: {  	s11 =	sand.u32 @!p0 $0x7, s11;
	[sflag:s12] =	ssyncadd.s32 @!p0 $0xFFFFFFE0;
	s12 =	sadd.s32 @!p0 s4, s14  }
0x25: {  	[hbm4b:s12+s11] =	stream.linear.scatter @!p0 [tilespmem:s13], [sflag:$0x3], $0x20, $0x38;
	[tilespmem:$0x80] =	vst v63  }
0x26: {  	s13 =	sadd.s32 $0x400, s10  }
0x27: {  	p1 =	sgt.s32 s13, $0x7FF  }
0x28: {  	s13 =	smov.u32 @p1 s5;
	p1 =	sne.s32 s9, s7  }
.Ltmp0:
0x29: {  	p0 =	slt.u32 s9, $0x2;
	(pc) =	sbr.rel @p1 .LBB2_1-.Ltmp0, $4  }
0x2a: {  	s12 =	simm.s32 @!p0 $0x3  }
0x2b: {  	_ =	swait.ge @!p0 [sflag:s12], $0x20  }
0x2c: {  	s8 =	sadd.s32 $0x20, s8;
	s11 =	smov.u32 s10;
	[sflag:s12] =	ssyncset.done @!p0 $0x0  }
0x2d: {  	s9 =	sadd.s32 $0x1, s9;
	s10 =	smov.u32 s13;
	[sflag:s12] =	ssyncadd.s32 @!p0 $0xFFFFFFE0  }
0x2e: {  	_ =	sfence.sel $0x180000  }
0x2f: {  	s2 =	simm.s32 $0x2;
	[bflag:$0x0] =	sbarrier.arrive $0xFFFF  }
0x30: {  	s30 =	simm.s32 $0x3;
	[sflag:s2] =	ssyncpa.u1 $0x1  }
0x31: {  	s31 =	simm.s32 $0x1;
	[sflag:s30] =	ssyncpa.u1 $0x1  }
0x32: {  	[sflag:s31] =	ssyncpa.u1 $0x1  }
0x33: {  	p0 =	sne.s32 s0, $0x0;
	_ =	strace $0x90000056  }
0x34: {  	s0 =	sadd.s32 @!p0 $0x100000, s1;
	[bflag:$0x2] =	sbarrier.arrive $0xFFFF  }
0x35: {  	[sflag:s0] =	ssyncadd.tile.s32 @!p0 $0x1;
	_ =	shalt  }
.Lfunc_end2:
_tile_overlayer_lowered:
.L_overlay_start_2:
0x36: {  	(tag) =	ssettag $0x2  }
0x37: {  	s0 =	rddreg [dreg:$0x0];
	s2 =	stileid.u32  }
0x38: {  	s1 =	rddreg [dreg:$0x1];
	p0 =	sne.s32 s2, $0x0  }
0x39: {  	s3 =	rddreg [dreg:$0x2];
	[bflag:$0x3] =	sbarrier.arrive $0xFFFF;
	s2 =	simm.s32 @!p0 $0x1C01  }
0x3a: {  	[timem:s3], [sflag:s2] =	dma.local @!p0 [hbm:s0], s1  }
0x3b: {  	s0 =	simm.s32 @!p0 $0x1  }
0x3c: {  	_ =	swait.ge @!p0 [sflag:s0], s1  }
0x3d: {  	s1 =	ssub.s32 @!p0 $0x0, s1;
	[sflag:s0] =	ssyncset.done @!p0 $0x0  }
0x3e: {  	[sflag:s0] =	ssyncadd.s32 @!p0 s1  }
0x3f: {  	[bflag:$0x3] =	sbarrier.arrive $0xFFFF  }
0x40: {  	_ =	shalt  }

// kernel: gather_offload_async_start.4
scs
__scs_entry_jumppad:
0x0: {  	(pc) =	sbr.rel $0x88, $3  }
0x1: {  	(tag) =	ssettag $0x0;
	lr =	simm.s32 $0x1  }
0x2: {  	[smem:$0x3F9B] =	sst lr;
	_ =	strace $0xD0000000  }
0x3: {  	_ = 	snop  }
0x4: {  	_ = 	snop  }
0x5: {  	_ = 	snop  }
0x6: {  	_ = 	snop  }
0x7: {  	_ = 	snop  }
__scs_overlays_trampoline_lowered:
0x8: {  	[smem:$0x3FAA] =	sst s0  }
0x9: {  	[smem:$0x3FAB] =	sst s1  }
0xa: {  	[smem:$0x3FAC] =	sst s2  }
0xb: {  	[smem:$0x3FAD] =	sst s3  }
0xc: {  	[smem:$0x3FAE] =	sst s4  }
0xd: {  	[smem:$0x3FAF] =	sst s5  }
0xe: {  	[smem:$0x3FB0] =	sst s6  }
0xf: {  	[smem:$0x3FB1] =	sst s7  }
0x10: {  	[smem:$0x3FB2] =	sst s8  }
0x11: {  	[smem:$0x3FB3] =	sst s9;
	s0 =	simm.s32 @!p0 $0x0  }
0x12: {  	s1 =	sld [smem:$0x3F99];
	s0 =	simm.s32 @p0 $0x1  }
0x13: {  	[smem:$0x3FB4] =	sst s0;
	s0 =	simm.s32 @!p1 $0x0  }
0x14: {  	s2 =	sld [smem:$0x3F98];
	s0 =	simm.s32 @p1 $0x1  }
0x15: {  	[smem:$0x3FB5] =	sst s0;
	s0 =	simm.s32 @!p2 $0x0  }
0x16: {  	s3 =	sld [smem:$0x3FDB];
	s0 =	simm.s32 @p2 $0x1  }
0x17: {  	s4 =	simm.s32 $0x1BF5;
	[smem:$0x3FB7] =	sst s0  }
0x18: {  	s0 =	sld [smem:$0x3F9A];
	_ =	swait.ge [sflag:s4], $0x0  }
0x19: {  	s7 =	sld [smem:$0x3F9B]  }
0x1a: {  	s8 =	sadd.s32 $0xFFFFE003, lr  }
0x1b: {  	s9 =	sadd.s32 $0xFFFFFEF7, lr;
	s5 =	simm.s32 $0xFFFFFFFF;
	p2 =	slt.u32 s8, $0xFFFFF086  }
0x1c: {  	p1 =	slt.u32 s9, $0xF7A;
	s5 =	simm.s32 @!p2 $0x0  }
0x1d: {  	s5 =	simm.s32 @p1 $0x1;
	p0 =	seq.s32 s7, s2  }
0x1e: {  	s7 =	smul.u32 @!p0 $0xF7A, s2;
	p2 =	seq.s32 @!p0 s5, $0x0  }
0x1f: {  	s9 =	smul.u32 $0xF7A, s1;
	s8 =	simm.s32 @!p0 $0x1BF5;
	p2 =	por !p2, p0  }
0x20: {  	[sflag:s8] =	ssyncset.s32 @!p0 $0xFFFFF086;
	s6 =	sadd.s32 @!p0 s3, s7;
	s7 =	simm.s32 @!p0 $0x108  }
0x21: {  	s3 =	sadd.s32 s3, s9;
	s6 =	sadd.s32 @!p0 $0x88, s6;
	s7 =	simm.s32 @p2 $0x1082  }
0x22: {  	[simem:s7], [sflag:s8] =	dma.local @!p0 [hbm:s6], $0xF7A  }
0x23: {  	s9 =	sor.u32 $0xD0000000, s2;
	s6 =	simm.s32 $0x108;
	_ =	swait.ge @!p0 [sflag:s8], $0x0  }
0x24: {  	s3 =	sadd.s32 $0x88, s3;
	s6 =	simm.s32 @!p1 $0x1082;
	[sflag:s4] =	ssyncset.s32 $0xFFFFF086  }
0x25: {  	[simem:s6], [sflag:s4] =	dma.local [hbm:s3], $0xF7A  }
0x26: {  	[smem:$0x3F9B] =	sst s1;
	(tag) =	ssettag s2;
	_ =	strace s9  }
0x27: {  	s1 =	sld [smem:$0x3FAB]  }
0x28: {  	s2 =	sld [smem:$0x3FAC]  }
0x29: {  	s4 =	sld [smem:$0x3FAE]  }
0x2a: {  	p0 =	seq.s32 s5, $0x0;
	s5 =	sld [smem:$0x3FAF]  }
0x2b: {  	s6 =	sld [smem:$0x3FB0]  }
0x2c: {  	s7 =	sld [smem:$0x3FB1]  }
0x2d: {  	s3 =	simm.s32 $0x108;
	s8 =	sld [smem:$0x3FB2]  }
0x2e: {  	s3 =	simm.s32 @!p0 $0x1082;
	s9 =	sld [smem:$0x3FB3]  }
0x2f: {  	lr =	sadd.s32 s0, s3;
	s0 =	sld [smem:$0x3FAA]  }
0x30: {  	s3 =	sld [smem:$0x3FAD]  }
0x31: {  	[smem:$0x3FB6] =	sst s10  }
0x32: {  	s10 =	sld [smem:$0x3FB4];
	_ =	sdelay $0x3  }
0x33: {  	p0 =	seq.s32 s10, $0x1;
	s10 =	sld [smem:$0x3FB6];
	_ =	sdelay $0x3  }
0x34: {  	[smem:$0x3FB6] =	sst s10  }
0x35: {  	s10 =	sld [smem:$0x3FB5];
	_ =	sdelay $0x3  }
0x36: {  	p1 =	seq.s32 s10, $0x1;
	s10 =	sld [smem:$0x3FB6];
	_ =	sdelay $0x3  }
0x37: {  	[smem:$0x3FB6] =	sst s10  }
0x38: {  	s10 =	sld [smem:$0x3FB7]  }
0x39: {  	_ = 	snop;
	(pc) =	sbr.ind lr, $3  }
0x3a: {  	_ = 	snop  }
0x3b: {  	_ = 	snop  }
0x3c: {  	p2 =	seq.s32 s10, $0x1;
	s10 =	sld [smem:$0x3FB6]  }
0x3d: {  	_ =	shalt  }
0x3e: {  	_ =	shalt  }
0x3f: {  	_ =	shalt  }
0x40: {  	_ =	shalt  }
0x41: {  	_ =	shalt  }
0x42: {  	_ =	shalt  }
0x43: {  	_ =	shalt  }
0x44: {  	_ =	shalt  }
0x45: {  	_ =	shalt  }
0x46: {  	_ =	shalt  }
0x47: {  	_ =	shalt  }
0x48: {  	_ =	shalt  }
0x49: {  	_ =	shalt  }
0x4a: {  	_ =	shalt  }
0x4b: {  	_ =	shalt  }
0x4c: {  	_ =	shalt  }
0x4d: {  	_ =	shalt  }
0x4e: {  	_ =	shalt  }
0x4f: {  	_ =	shalt  }
0x50: {  	_ =	shalt  }
0x51: {  	_ =	shalt  }
0x52: {  	_ =	shalt  }
0x53: {  	_ =	shalt  }
0x54: {  	_ =	shalt  }
0x55: {  	_ =	shalt  }
0x56: {  	_ =	shalt  }
0x57: {  	_ =	shalt  }
0x58: {  	_ =	shalt  }
0x59: {  	_ =	shalt  }
0x5a: {  	_ =	shalt  }
0x5b: {  	_ =	shalt  }
0x5c: {  	_ =	shalt  }
0x5d: {  	_ =	shalt  }
0x5e: {  	_ =	shalt  }
0x5f: {  	_ =	shalt  }
0x60: {  	_ =	shalt  }
0x61: {  	_ =	shalt  }
0x62: {  	_ =	shalt  }
0x63: {  	_ =	shalt  }
0x64: {  	_ =	shalt  }
0x65: {  	_ =	shalt  }
0x66: {  	_ =	shalt  }
0x67: {  	_ =	shalt  }
0x68: {  	_ =	shalt  }
0x69: {  	_ =	shalt  }
0x6a: {  	_ =	shalt  }
0x6b: {  	_ =	shalt  }
0x6c: {  	_ =	shalt  }
0x6d: {  	_ =	shalt  }
0x6e: {  	_ =	shalt  }
0x6f: {  	_ =	shalt  }
0x70: {  	_ =	shalt  }
0x71: {  	_ =	shalt  }
0x72: {  	_ =	shalt  }
0x73: {  	_ =	shalt  }
0x74: {  	_ =	shalt  }
0x75: {  	_ =	shalt  }
0x76: {  	_ =	shalt  }
0x77: {  	_ =	shalt  }
0x78: {  	_ =	shalt  }
0x79: {  	_ =	shalt  }
0x7a: {  	_ =	shalt  }
0x7b: {  	_ =	shalt  }
0x7c: {  	_ =	shalt  }
0x7d: {  	_ =	shalt  }
0x7e: {  	_ =	shalt  }
0x7f: {  	_ =	shalt  }
0x80: {  	_ =	shalt  }
0x81: {  	_ =	shalt  }
0x82: {  	_ =	shalt  }
0x83: {  	_ =	shalt  }
0x84: {  	_ =	shalt  }
0x85: {  	_ =	shalt  }
0x86: {  	_ =	shalt  }
0x87: {  	_ =	shalt  }
.Lfunc_end0:
.L_simem_size_0:
called_computation.6_lowered:
.L_overlay_start_0:
0x88: {  	s2 =	sld [smem:$0x3FD9]  }
0x89: {  	s3 =	sld [smem:$0x3FFE];
	_ =	sdelay $0x1  }
0x8a: {  	s1 =	srdreg.scid  }
0x8b: {  	s0 =	sand.u32 $0x1, s1  }
0x8c: {  	s15 =	sshll.u32 s0, $0xA;
	s2 =	sadd.s32 s3, s2  }
0x8d: {  	s2 =	sadd.s32 s2, s15  }
0x8e: {  	[smem:$0x3FC2] =	sst s2  }
0x8f: {  	_ = 	snop  }
0x90: {  	s2 =	sld [smem:$0x3FD0];
	_ =	sdelay $0x2  }
0x91: {  	s4 =	simm.s32 $0xB;
	s5 =	simm.s32 $0x10;
	s16 =	sld [smem:$0x3FC4]  }
0x92: {  	[smem:s5], [sflag:s4] =	dma.local [hbm:s2], $0x1  }
0x93: {  	_ =	swait.eq [sflag:s4], $0x1  }
0x94: {  	[sflag:s4] =	ssyncset.done $0x0  }
0x95: {  	s17 =	sld [smem:$0x12];
	[sflag:s4] =	ssyncadd.s32 $0xFFFFFFFF  }
0x96: {  	s18 =	sld [smem:$0x14];
	(tm) =	ssettm $0x1  }
0x97: {  	s19 =	sld [smem:$0x3FFB];
	_ =	sdelay $0x3  }
0x98: {  	_ =	strace s19  }
0x99: {  	s5 =	sld [smem:$0x3FFC];
	_ =	sdelay $0x3  }
0x9a: {  	_ =	strace s5  }
0x9b: {  	s5 =	sld [smem:$0x3FFD];
	_ =	sdelay $0x3  }
0x9c: {  	_ =	strace s5  }
0x9d: {  	_ =	strace $0x8FFFFFFF  }
0x9e: {  	s20 =	sld [smem:$0x3FDB];
	_ =	sdelay $0x1  }
0x9f: {  	s6 =	simm.s32 $_scs_section_size  }
0xa0: {  	s7 =	simm.s32 $_size__tile_overlayer_lowered;
	s8 =	simm.s32 $_tile_overlayer_lowered  }
0xa1: {  	s23 =	simm.s32 $0x1BFF;
	s22 =	sshll.u32 s8, $0x1;
	s5 =	sadd.s32 s6, s20  }
0xa2: {  	s9 =	simm.s32 $0x0;
	s21 =	sshll.u32 s7, $0x1;
	s7 =	sadd.s32 s22, s5  }
0xa3: {  	[timem:s9], [sflag:s23] =	dma.local [hbm:s7], s21  }
0xa4: {  	_ =	swait.ge [sflag:s23], s21  }
0xa5: {  	s6 =	ssub.s32 $0x0, s21;
	[sflag:s23] =	ssyncset.done $0x0  }
0xa6: {  	[sflag:s23] =	ssyncadd.s32 s6;
	_ =	sdelay $0x1  }
0xa7: {  	s24 =	simm.s32 $0x1B8B  }
0xa8: {  	_ =	swait.ge [sflag:s24], $0x1  }
0xa9: {  	[sflag:s24] =	ssyncset.done $0x0  }
0xaa: {  	s25 =	simm.s32 $0x1B8E;
	[sflag:s24] =	ssyncadd.s32 $0xFFFFFFFF  }
0xab: {  	s26 =	simm.s32 $execute0_lowered;
	[smem:$0x3FD2] =	sst s25  }
0xac: {  	s6 =	sshll.u32 s26, $0x1;
	_ =	strace $0x80000052;
	[dreg:$0x1] =	wrdreg $0xFFFFFFFF  }
0xad: {  	s28 =	simm.s32 $_size_execute0_lowered;
	s5 =	sadd.s32 s5, s6;
	[dreg:$0x0] =	wrdreg $0x0  }
0xae: {  	s6 =	sshll.u32 s28, $0x1;
	[dreg:$0x2] =	wrdreg s5  }
0xaf: {  	[dreg:$0x3] =	wrdreg s6  }
0xb0: {  	[dreg:$0x4] =	wrdreg $0xC0  }
0xb1: {  	_ =	task [dreg:s9], $0x5FFFF  }
0xb2: {  	[dreg:$0x1] =	wrdreg $0xFFFFFFFF  }
0xb3: {  	[dreg:$0x0] =	wrdreg $0x60  }
0xb4: {  	[dreg:$0x2] =	wrdreg s16  }
0xb5: {  	[dreg:$0x3] =	wrdreg s18  }
0xb6: {  	[dreg:$0x4] =	wrdreg s17  }
0xb7: {  	[dreg:$0x5] =	wrdreg $0x9  }
0xb8: {  	_ =	task.clear_ibuf [dreg:s9], $0x6FFFF;
	_ =	strace $0x90000052  }
0xb9: {  	s29 =	simm.s32 $0x9;
	_ =	strace $0x80000054  }
0xba: {  	_ =	swait.ge [sflag:s29], $0x1  }
0xbb: {  	[sflag:s29] =	ssyncadd.s32 $0xFFFFFFFF  }
0xbc: {  	_ =	strace $0x90000054  }
0xbd: {  	_ =	sfence  }
0xbe: {  	s30 =	sld [smem:$0x0];
	_ =	sdelay $0x2  }
0xbf: {  	s31 =	sshll.u32 s1, $0xD;
	s1 =	sshrl.u32 s1, $0x2  }
0xc0: {  	s3 =	sand.u32 $0x4000, s31;
	s1 =	sadd.s32 s1, s30  }
0xc1: {  	s0 =	sor.u32 s3, s0;
	s1 =	sshll.u32 s1, $0x11  }
0xc2: {  	s0 =	sor.u32 s1, s0  }
0xc3: {  	s0 =	sadd.s32 $0x8F2B, s0  }
0xc4: {  	[sflag:s0] =	ssyncadd.remote.s32 $0x1  }
0xc5: {  	_ =	sfence.sel $0xFFFF  }
0xc6: {  	[dreg:$0x0] =	wrdreg $0xFFFFFFFF;
	(pc) =	sbr.abs _section_cstart, $3  }
0xc7: {  	[dreg:$0x1] =	wrdreg $0xFFFFFFFF  }
0xc8: {  	_ =	task.clear_ibuf [dreg:s9], $0x2FFFF;
	_ =	strace $0x9FFFFFFF  }
0xc9: {  	(tm) =	ssettm $0x7FFFFFFF  }
tec
execute0_lowered:
.L_overlay_start_1:
0x0: {  	(tag) =	ssettag $0x1  }
0x1: {  	s1 =	srdreg.scid;
	s2 =	rddreg [dreg:$0x0]  }
0x2: {  	s0 =	stileid.u32;
	s3 =	rddreg [dreg:$0x1]  }
0x3: {  	s4 =	rddreg [dreg:$0x2];
	s6 =	simm.s32 $0x1;
	s1 =	sshll.u32 s1, $0x6  }
0x4: {  	s9 =	simm.s32 $0x1;
	s5 =	sshll.u32 s0, $0x7;
	s1 =	sand.u32 $0x40, s1  }
0x5: {  	s10 =	simm.s32 $0x3;
	s13 =	simm.s32 $0x0;
	s5 =	sor.u32 s5, s1  }
0x6: {  	s12 =	simm.s32 $0x0;
	s1 =	rddreg [dreg:$0x3];
	s8 =	ssub.s32 $0x1000, s5  }
.Ltmp0:
0x7: {  	_ =	strace $0x80000053;
	s7 =	sand.u32 $0x7C0, s8;
	(pc) =	sbr.rel .LBB2_1-.Ltmp0, $4  }
0x8: {  	[sflag:s6] =	ssyncpa.u1 $0x0;
	s11 =	smov.u32 s5;
	p0 =	sne.s32 s7, $0x0  }
0x9: {  	s8 =	sshrl.u32 s8, $0xB;
	s7 =	simm.s32 $0x2;
	s9 =	simm.s32 @!p0 $0x0  }
0xa: {  	[sflag:s7] =	ssyncpa.u1 $0x0;
	p0 =	por $0x0, $0x0;
	s8 =	sadd.s32 s9, s8  }
0xb: {  	vm0 =	vmmov $0xffff;
	[sflag:s10] =	ssyncpa.u1 $0x0;
	s10 =	simm.s32 $0x0;
	s9 =	sadd.s32 $0x1, s8  }
.LBB2_4:
0xc: {  	v2 =	vnsel vm1, $0x0, v2  }
0xd: {  	vm1 =	vgt.s32 v0, $0x0;
	v2 =	vmin.u32 v2, $0xFFF  }
0xe: {  	v0 =	vnsel vm1, $0x0, v0  }
0xf: {  	v0 =	vmin.u32 v0, $0xFFF  }
0x10: {  	[tilespmem:s15], [sflag:$0x1] =	stream.indirect_vreg.gather [hbm4b:s2+s10], $0x1, v1, vm0, $0x4038;
	[tilespmem:$0x100] =	vst v63  }
0x11: {  	(ifvalue) =	ssetifvalue $0x7FFFFFFF  }
0x12: {  	[tilespmem:s16], [sflag:$0x1] =	stream.indirect_vreg.gather [hbm4b:s2+s10], $0x1, v2, vm0, $0x4038;
	[tilespmem:$0x100] =	vst v63  }
0x13: {  	s29 =	sadd.s32 $0x10, s16;
	(ifvalue) =	ssetifvalue $0x7FFFFFFF  }
0x14: {  	[tilespmem:s29], [sflag:$0x1] =	stream.indirect_vreg.gather [hbm4b:s2+s10], $0x1, v0, vm0, $0x4038;
	[tilespmem:$0x100] =	vst v63  }
0x15: {  	_ =	swait.ge [sflag:s6], $0x40  }
0x16: {  	s30 =	sshrl.u32 s13, $0x3;
	[sflag:s6] =	ssyncset.done $0x0  }
0x17: {  	s31 =	sand.u32 $0x7, s13;
	s15 =	sadd.s32 s4, s30;
	[sflag:s6] =	ssyncadd.s32 $0xFFFFFFC0  }
0x18: {  	[hbm4b:s15+s31] =	stream.linear.scatter [tilespmem:s14], [sflag:$0x3], $0x40, $0x38;
	[tilespmem:$0x100] =	vst v63  }
.LBB2_5:
0x19: {  	s15 =	sadd.s32 $0x800, s11  }
0x1a: {  	p2 =	sgt.s32 s15, $0xFFF  }
0x1b: {  	s15 =	smov.u32 @p2 s5;
	p2 =	sne.s32 s12, s9  }
.Ltmp1:
0x1c: {  	p1 =	slt.u32 s12, $0x2;
	(pc) =	sbr.rel @!p2 .LBB2_6-.Ltmp1, $4  }
0x1d: {  	s14 =	simm.s32 @!p1 $0x3  }
0x1e: {  	s16 =	sadd.s32 $0x1, s12;
	_ =	swait.ge @!p1 [sflag:s14], $0x40  }
0x1f: {  	s13 =	smov.u32 s11;
	p0 =	por !p0, !p0;
	[sflag:s14] =	ssyncset.done @!p1 $0x0  }
0x20: {  	s12 =	smov.u32 s16;
	s11 =	smov.u32 s15;
	[sflag:s14] =	ssyncadd.s32 @!p1 $0xFFFFFFC0  }
.LBB2_1:
0x21: {  	p1 =	sge.u32 s12, s8  }
0x22: {  	s14 =	sxor.u32 @!p1 $0xFFFFFFFF, s12  }
0x23: {  	s31 =	sadd.s32 $0xFFFFFFFF, s12;
	s15 =	sshrl.u32 @!p1 s11, $0x3;
	s14 =	sshll.u32 @!p1 s14, $0x6  }
0x24: {  	s16 =	sand.u32 @!p1 $0x7, s11;
	s15 =	sadd.s32 @!p1 s3, s15;
	s14 =	sand.u32 @!p1 $0x40, s14  }
0x25: {  	[tilespmem:s14], [sflag:$0x2] =	stream.linear.gather @!p1 [hbm4b:s15+s16], $0x40, $0x38;
	[tilespmem:$0x100] =	vst v63  }
0x26: {  	p1 =	sge.u32 s31, s8  }
.Ltmp2:
0x27: {  	_ = 	snop;
	(pc) =	sbr.rel @p1 .LBB2_5-.Ltmp2, $1  }
0x28: {  	_ =	sdelay $0x3  }
0x29: {  	s14 =	simm.s32 $0x1  }
0x2a: {  	_ =	swait.ge [sflag:s7], $0x40;
	s14 =	simm.s32 @!p0 $0x0  }
0x2b: {  	[sflag:s7] =	ssyncset.done $0x0;
	s14 =	sshll.u32 s14, $0x6  }
0x2c: {  	[sflag:s7] =	ssyncadd.s32 $0xFFFFFFC0;
	(ifvalue) =	ssetifvalue $0x7FFFFFFF;
	v0 =	vld.msk [tilespmem:s14+$0x0 ss:$0x1], $0xffff;
	_ =	sdelay $0x4  }
0x2d: {  	s15 =	sadd.s32 $0x10, s14;
	vm1 =	vgt.s32 v0, $0x0  }
0x2e: {  	v2 =	vld.msk [tilespmem:s15+$0x0 ss:$0x1], $0xffff;
	v1 =	vnsel vm1, $0x0, v0  }
0x2f: {  	v1 =	vmin.u32 v1, $0xFFF;
	_ =	sdelay $0x1  }
0x30: {  	s16 =	sshll.u32 s12, $0x6;
	s18 =	simm.s32 $0x20  }
0x31: {  	s16 =	sand.u32 $0x40, s16;
	s17 =	sadd.s32 $0x10, s15;
	s15 =	sor.u32 $0x80, s14  }
0x32: {  	s14 =	sor.u32 $0x80, s16;
	s16 =	sadd.s32 $0x10, s15;
	v0 =	vld.msk [tilespmem:s17+$0x0 ss:$0x1], $0xffff;
	vm1 =	vgt.s32 v2, $0x0;
	(ifvalue) =	ssetifvalue $0x7FFFFFFF  }
.LBB2_3:
0x33: {  	[tilespmem:s15], [sflag:$0x1] =	stream.indirect_vreg.gather [hbm4b:s2+s10], $0x1, v1, vm0, $0x4038;
	[tilespmem:$0x100] =	vst v63  }
0x34: {  	s18 =	sadd.s32 $0x10, s18  }
0x35: {  	v2 =	vnsel vm1, $0x0, v2;
	p1 =	slt.u32 s18, $0x30  }
.Ltmp3:
0x36: {  	s15 =	smov.u32 s16;
	v1 =	vmin.u32 v2, $0xFFF;
	(pc) =	sbr.rel @p1 .LBB2_3-.Ltmp3, $3  }
0x37: {  	_ =	sdelay $0x1  }
0x38: {  	s17 =	sadd.s32 $0x10, s17  }
0x39: {  	vm1 =	vgt.s32 v0, $0x0;
	s16 =	sadd.s32 $0x10, s16;
	v2 =	vmov v0;
	(ifvalue) =	ssetifvalue $0x7FFFFFFF;
	v0 =	vld.msk [tilespmem:s17+$0x0 ss:$0x1], $0xffff  }
.Ltmp4:
0x3a: {  	_ = 	snop;
	(pc) =	sbr.rel .LBB2_4-.Ltmp4, $1  }
0x3b: {  	_ =	sdelay $0x3  }
.LBB2_6:
0x3c: {  	_ =	sfence.sel $0x180000  }
0x3d: {  	s2 =	simm.s32 $0x2;
	[bflag:$0x0] =	sbarrier.arrive $0xFFFF  }
0x3e: {  	s30 =	simm.s32 $0x3;
	[sflag:s2] =	ssyncpa.u1 $0x1  }
0x3f: {  	s31 =	simm.s32 $0x1;
	[sflag:s30] =	ssyncpa.u1 $0x1  }
0x40: {  	[sflag:s31] =	ssyncpa.u1 $0x1  }
0x41: {  	p0 =	sne.s32 s0, $0x0;
	_ =	strace $0x90000053  }
0x42: {  	s0 =	sadd.s32 @!p0 $0x100000, s1;
	[bflag:$0x2] =	sbarrier.arrive $0xFFFF  }
0x43: {  	[sflag:s0] =	ssyncadd.tile.s32 @!p0 $0x1;
	_ =	shalt  }
.Lfunc_end2:
_tile_overlayer_lowered:
.L_overlay_start_2:
0x44: {  	(tag) =	ssettag $0x2  }
0x45: {  	s0 =	rddreg [dreg:$0x0];
	s2 =	stileid.u32  }
0x46: {  	s1 =	rddreg [dreg:$0x1];
	p0 =	sne.s32 s2, $0x0  }
0x47: {  	s3 =	rddreg [dreg:$0x2];
	[bflag:$0x3] =	sbarrier.arrive $0xFFFF;
	s2 =	simm.s32 @!p0 $0x1C01  }
0x48: {  	[timem:s3], [sflag:s2] =	dma.local @!p0 [hbm:s0], s1  }
0x49: {  	s0 =	simm.s32 @!p0 $0x1  }
0x4a: {  	_ =	swait.ge @!p0 [sflag:s0], s1  }
0x4b: {  	s1 =	ssub.s32 @!p0 $0x0, s1;
	[sflag:s0] =	ssyncset.done @!p0 $0x0  }
0x4c: {  	[sflag:s0] =	ssyncadd.s32 @!p0 s1  }
0x4d: {  	[bflag:$0x3] =	sbarrier.arrive $0xFFFF  }
0x4e: {  	_ =	shalt  }

// kernel: gather_offload_async_start.5
scs
__scs_entry_jumppad:
0x0: {  	(pc) =	sbr.rel $0x88, $3  }
0x1: {  	(tag) =	ssettag $0x0;
	lr =	simm.s32 $0x1  }
0x2: {  	[smem:$0x3F9B] =	sst lr;
	_ =	strace $0xD0000000  }
0x3: {  	_ = 	snop  }
0x4: {  	_ = 	snop  }
0x5: {  	_ = 	snop  }
0x6: {  	_ = 	snop  }
0x7: {  	_ = 	snop  }
__scs_overlays_trampoline_lowered:
0x8: {  	[smem:$0x3FAA] =	sst s0  }
0x9: {  	[smem:$0x3FAB] =	sst s1  }
0xa: {  	[smem:$0x3FAC] =	sst s2  }
0xb: {  	[smem:$0x3FAD] =	sst s3  }
0xc: {  	[smem:$0x3FAE] =	sst s4  }
0xd: {  	[smem:$0x3FAF] =	sst s5  }
0xe: {  	[smem:$0x3FB0] =	sst s6  }
0xf: {  	[smem:$0x3FB1] =	sst s7  }
0x10: {  	[smem:$0x3FB2] =	sst s8  }
0x11: {  	[smem:$0x3FB3] =	sst s9;
	s0 =	simm.s32 @!p0 $0x0  }
0x12: {  	s1 =	sld [smem:$0x3F99];
	s0 =	simm.s32 @p0 $0x1  }
0x13: {  	[smem:$0x3FB4] =	sst s0;
	s0 =	simm.s32 @!p1 $0x0  }
0x14: {  	s2 =	sld [smem:$0x3F98];
	s0 =	simm.s32 @p1 $0x1  }
0x15: {  	[smem:$0x3FB5] =	sst s0;
	s0 =	simm.s32 @!p2 $0x0  }
0x16: {  	s3 =	sld [smem:$0x3FDB];
	s0 =	simm.s32 @p2 $0x1  }
0x17: {  	s4 =	simm.s32 $0x1BF5;
	[smem:$0x3FB7] =	sst s0  }
0x18: {  	s0 =	sld [smem:$0x3F9A];
	_ =	swait.ge [sflag:s4], $0x0  }
0x19: {  	s7 =	sld [smem:$0x3F9B]  }
0x1a: {  	s8 =	sadd.s32 $0xFFFFE003, lr  }
0x1b: {  	s9 =	sadd.s32 $0xFFFFFEF7, lr;
	s5 =	simm.s32 $0xFFFFFFFF;
	p2 =	slt.u32 s8, $0xFFFFF086  }
0x1c: {  	p1 =	slt.u32 s9, $0xF7A;
	s5 =	simm.s32 @!p2 $0x0  }
0x1d: {  	s5 =	simm.s32 @p1 $0x1;
	p0 =	seq.s32 s7, s2  }
0x1e: {  	s7 =	smul.u32 @!p0 $0xF7A, s2;
	p2 =	seq.s32 @!p0 s5, $0x0  }
0x1f: {  	s9 =	smul.u32 $0xF7A, s1;
	s8 =	simm.s32 @!p0 $0x1BF5;
	p2 =	por !p2, p0  }
0x20: {  	[sflag:s8] =	ssyncset.s32 @!p0 $0xFFFFF086;
	s6 =	sadd.s32 @!p0 s3, s7;
	s7 =	simm.s32 @!p0 $0x108  }
0x21: {  	s3 =	sadd.s32 s3, s9;
	s6 =	sadd.s32 @!p0 $0x88, s6;
	s7 =	simm.s32 @p2 $0x1082  }
0x22: {  	[simem:s7], [sflag:s8] =	dma.local @!p0 [hbm:s6], $0xF7A  }
0x23: {  	s9 =	sor.u32 $0xD0000000, s2;
	s6 =	simm.s32 $0x108;
	_ =	swait.ge @!p0 [sflag:s8], $0x0  }
0x24: {  	s3 =	sadd.s32 $0x88, s3;
	s6 =	simm.s32 @!p1 $0x1082;
	[sflag:s4] =	ssyncset.s32 $0xFFFFF086  }
0x25: {  	[simem:s6], [sflag:s4] =	dma.local [hbm:s3], $0xF7A  }
0x26: {  	[smem:$0x3F9B] =	sst s1;
	(tag) =	ssettag s2;
	_ =	strace s9  }
0x27: {  	s1 =	sld [smem:$0x3FAB]  }
0x28: {  	s2 =	sld [smem:$0x3FAC]  }
0x29: {  	s4 =	sld [smem:$0x3FAE]  }
0x2a: {  	p0 =	seq.s32 s5, $0x0;
	s5 =	sld [smem:$0x3FAF]  }
0x2b: {  	s6 =	sld [smem:$0x3FB0]  }
0x2c: {  	s7 =	sld [smem:$0x3FB1]  }
0x2d: {  	s3 =	simm.s32 $0x108;
	s8 =	sld [smem:$0x3FB2]  }
0x2e: {  	s3 =	simm.s32 @!p0 $0x1082;
	s9 =	sld [smem:$0x3FB3]  }
0x2f: {  	lr =	sadd.s32 s0, s3;
	s0 =	sld [smem:$0x3FAA]  }
0x30: {  	s3 =	sld [smem:$0x3FAD]  }
0x31: {  	[smem:$0x3FB6] =	sst s10  }
0x32: {  	s10 =	sld [smem:$0x3FB4];
	_ =	sdelay $0x3  }
0x33: {  	p0 =	seq.s32 s10, $0x1;
	s10 =	sld [smem:$0x3FB6];
	_ =	sdelay $0x3  }
0x34: {  	[smem:$0x3FB6] =	sst s10  }
0x35: {  	s10 =	sld [smem:$0x3FB5];
	_ =	sdelay $0x3  }
0x36: {  	p1 =	seq.s32 s10, $0x1;
	s10 =	sld [smem:$0x3FB6];
	_ =	sdelay $0x3  }
0x37: {  	[smem:$0x3FB6] =	sst s10  }
0x38: {  	s10 =	sld [smem:$0x3FB7]  }
0x39: {  	_ = 	snop;
	(pc) =	sbr.ind lr, $3  }
0x3a: {  	_ = 	snop  }
0x3b: {  	_ = 	snop  }
0x3c: {  	p2 =	seq.s32 s10, $0x1;
	s10 =	sld [smem:$0x3FB6]  }
0x3d: {  	_ =	shalt  }
0x3e: {  	_ =	shalt  }
0x3f: {  	_ =	shalt  }
0x40: {  	_ =	shalt  }
0x41: {  	_ =	shalt  }
0x42: {  	_ =	shalt  }
0x43: {  	_ =	shalt  }
0x44: {  	_ =	shalt  }
0x45: {  	_ =	shalt  }
0x46: {  	_ =	shalt  }
0x47: {  	_ =	shalt  }
0x48: {  	_ =	shalt  }
0x49: {  	_ =	shalt  }
0x4a: {  	_ =	shalt  }
0x4b: {  	_ =	shalt  }
0x4c: {  	_ =	shalt  }
0x4d: {  	_ =	shalt  }
0x4e: {  	_ =	shalt  }
0x4f: {  	_ =	shalt  }
0x50: {  	_ =	shalt  }
0x51: {  	_ =	shalt  }
0x52: {  	_ =	shalt  }
0x53: {  	_ =	shalt  }
0x54: {  	_ =	shalt  }
0x55: {  	_ =	shalt  }
0x56: {  	_ =	shalt  }
0x57: {  	_ =	shalt  }
0x58: {  	_ =	shalt  }
0x59: {  	_ =	shalt  }
0x5a: {  	_ =	shalt  }
0x5b: {  	_ =	shalt  }
0x5c: {  	_ =	shalt  }
0x5d: {  	_ =	shalt  }
0x5e: {  	_ =	shalt  }
0x5f: {  	_ =	shalt  }
0x60: {  	_ =	shalt  }
0x61: {  	_ =	shalt  }
0x62: {  	_ =	shalt  }
0x63: {  	_ =	shalt  }
0x64: {  	_ =	shalt  }
0x65: {  	_ =	shalt  }
0x66: {  	_ =	shalt  }
0x67: {  	_ =	shalt  }
0x68: {  	_ =	shalt  }
0x69: {  	_ =	shalt  }
0x6a: {  	_ =	shalt  }
0x6b: {  	_ =	shalt  }
0x6c: {  	_ =	shalt  }
0x6d: {  	_ =	shalt  }
0x6e: {  	_ =	shalt  }
0x6f: {  	_ =	shalt  }
0x70: {  	_ =	shalt  }
0x71: {  	_ =	shalt  }
0x72: {  	_ =	shalt  }
0x73: {  	_ =	shalt  }
0x74: {  	_ =	shalt  }
0x75: {  	_ =	shalt  }
0x76: {  	_ =	shalt  }
0x77: {  	_ =	shalt  }
0x78: {  	_ =	shalt  }
0x79: {  	_ =	shalt  }
0x7a: {  	_ =	shalt  }
0x7b: {  	_ =	shalt  }
0x7c: {  	_ =	shalt  }
0x7d: {  	_ =	shalt  }
0x7e: {  	_ =	shalt  }
0x7f: {  	_ =	shalt  }
0x80: {  	_ =	shalt  }
0x81: {  	_ =	shalt  }
0x82: {  	_ =	shalt  }
0x83: {  	_ =	shalt  }
0x84: {  	_ =	shalt  }
0x85: {  	_ =	shalt  }
0x86: {  	_ =	shalt  }
0x87: {  	_ =	shalt  }
.Lfunc_end0:
.L_simem_size_0:
called_computation.7_lowered:
.L_overlay_start_0:
0x88: {  	s2 =	sld [smem:$0x3FD9]  }
0x89: {  	s3 =	sld [smem:$0x3FFE];
	_ =	sdelay $0x1  }
0x8a: {  	s1 =	srdreg.scid  }
0x8b: {  	s0 =	sand.u32 $0x1, s1  }
0x8c: {  	s15 =	sshll.u32 s0, $0xA;
	s2 =	sadd.s32 s3, s2  }
0x8d: {  	s2 =	sadd.s32 s2, s15  }
0x8e: {  	[smem:$0x3FC2] =	sst s2  }
0x8f: {  	_ = 	snop  }
0x90: {  	s2 =	sld [smem:$0x3FD0];
	_ =	sdelay $0x2  }
0x91: {  	s4 =	simm.s32 $0xB;
	s16 =	simm.s32 $0x10  }
0x92: {  	[smem:s16], [sflag:s4] =	dma.local [hbm:s2], $0x1  }
0x93: {  	_ =	swait.eq [sflag:s4], $0x1  }
0x94: {  	[sflag:s4] =	ssyncset.done $0x0  }
0x95: {  	s17 =	sld [smem:$0x13];
	[sflag:s4] =	ssyncadd.s32 $0xFFFFFFFF  }
0x96: {  	s18 =	sld [smem:$0x14];
	(tm) =	ssettm $0x1  }
0x97: {  	s19 =	sld [smem:$0x3FFB];
	_ =	sdelay $0x3  }
0x98: {  	_ =	strace s19  }
0x99: {  	s2 =	sld [smem:$0x3FFC];
	_ =	sdelay $0x3  }
0x9a: {  	_ =	strace s2  }
0x9b: {  	s2 =	sld [smem:$0x3FFD];
	_ =	sdelay $0x3  }
0x9c: {  	_ =	strace s2  }
0x9d: {  	_ =	strace $0x8FFFFFFF  }
0x9e: {  	s20 =	sld [smem:$0x3FDB];
	_ =	sdelay $0x1  }
0x9f: {  	s5 =	simm.s32 $_scs_section_size  }
0xa0: {  	s6 =	simm.s32 $_size__tile_overlayer_lowered;
	s7 =	simm.s32 $_tile_overlayer_lowered  }
0xa1: {  	s8 =	simm.s32 $0x1BFF;
	s21 =	sshll.u32 s7, $0x1;
	s5 =	sadd.s32 s5, s20  }
0xa2: {  	s22 =	simm.s32 $0x0;
	s6 =	sshll.u32 s6, $0x1;
	s7 =	sadd.s32 s21, s5  }
0xa3: {  	[timem:s22], [sflag:s8] =	dma.local [hbm:s7], s6  }
0xa4: {  	_ =	swait.ge [sflag:s8], s6  }
0xa5: {  	s6 =	ssub.s32 $0x0, s6;
	[sflag:s8] =	ssyncset.done $0x0  }
0xa6: {  	[sflag:s8] =	ssyncadd.s32 s6;
	_ =	sdelay $0x1  }
0xa7: {  	s23 =	simm.s32 $0x1B8B  }
0xa8: {  	_ =	swait.ge [sflag:s23], $0x1  }
0xa9: {  	[sflag:s23] =	ssyncset.done $0x0  }
0xaa: {  	[sflag:s23] =	ssyncadd.s32 $0xFFFFFFFF  }
0xab: {  	s6 =	sld [smem:$0x0]  }
0xac: {  	s7 =	sand.u32 $0xFFFFFFFE, s1  }
0xad: {  	p0 =	sne.s32 s1, s7  }
0xae: {  	s7 =	sshll.u32 @p0 s7, $0xE  }
0xaf: {  	s7 =	sadd.s32 @p0 $0x11B8D, s7;
	s8 =	sshll.u32 @p0 s6, $0x11  }
0xb0: {  	s7 =	sor.u32 @p0 s8, s7  }
0xb1: {  	[sflag:s7] =	ssyncadd.remote.s32 @p0 $0x1;
	_ =	sdelay $0x1  }
0xb2: {  	s7 =	simm.s32 @p0 $0x1B8D  }
0xb3: {  	_ =	swait.eq @p0 [sflag:s7], $0x1  }
0xb4: {  	[sflag:s7] =	ssyncadd.s32 @p0 $0xFFFFFFFF  }
0xb5: {  	s8 =	sshll.u32 @!p0 s1, $0xE  }
0xb6: {  	s8 =	sor.u32 @!p0 $0x4000, s8;
	s7 =	simm.s32 @!p0 $0x1B8D  }
0xb7: {  	s6 =	sshll.u32 @!p0 s6, $0x11;
	s8 =	sadd.s32 @!p0 $0x11B8D, s8;
	_ =	swait.eq @!p0 [sflag:s7], $0x1  }
0xb8: {  	s6 =	sor.u32 @!p0 s6, s8;
	[sflag:s7] =	ssyncadd.s32 @!p0 $0xFFFFFFFF  }
0xb9: {  	s25 =	simm.s32 $0x1B8E;
	s24 =	sld [smem:$0x3FFE];
	[sflag:s6] =	ssyncadd.remote.s32 @!p0 $0x1  }
0xba: {  	s26 =	simm.s32 $execute0_lowered;
	[smem:$0x3FD2] =	sst s25  }
0xbb: {  	s7 =	sshll.u32 s26, $0x1;
	_ =	strace $0x80000058;
	[dreg:$0x1] =	wrdreg $0xFFFFFFFF  }
0xbc: {  	s28 =	simm.s32 $_size_execute0_lowered;
	s5 =	sadd.s32 s5, s7;
	[dreg:$0x0] =	wrdreg $0x0  }
0xbd: {  	s7 =	sshll.u32 s28, $0x1;
	[dreg:$0x2] =	wrdreg s5  }
0xbe: {  	[dreg:$0x3] =	wrdreg s7  }
0xbf: {  	[dreg:$0x4] =	wrdreg $0xC0  }
0xc0: {  	_ =	task [dreg:s22], $0x5FFFF  }
0xc1: {  	[dreg:$0x1] =	wrdreg $0xFFFFFFFF  }
0xc2: {  	[dreg:$0x0] =	wrdreg $0x60  }
0xc3: {  	[dreg:$0x2] =	wrdreg s17  }
0xc4: {  	[dreg:$0x3] =	wrdreg s18  }
0xc5: {  	[dreg:$0x4] =	wrdreg s24  }
0xc6: {  	[dreg:$0x5] =	wrdreg $0xA  }
0xc7: {  	_ =	task.clear_ibuf [dreg:s22], $0x6FFFF;
	_ =	strace $0x90000058  }
0xc8: {  	s29 =	simm.s32 $0xA;
	_ =	strace $0x8000005A  }
0xc9: {  	_ =	swait.ge [sflag:s29], $0x1  }
0xca: {  	[sflag:s29] =	ssyncadd.s32 $0xFFFFFFFF  }
0xcb: {  	_ =	strace $0x9000005A  }
0xcc: {  	_ =	sfence  }
0xcd: {  	s30 =	sld [smem:$0x0];
	_ =	sdelay $0x2  }
0xce: {  	s31 =	sshll.u32 s1, $0xD;
	s1 =	sshrl.u32 s1, $0x2  }
0xcf: {  	s4 =	sand.u32 $0x4000, s31;
	s1 =	sadd.s32 s1, s30  }
0xd0: {  	s0 =	sor.u32 s4, s0;
	s1 =	sshll.u32 s1, $0x11  }
0xd1: {  	s0 =	sor.u32 s1, s0  }
0xd2: {  	s0 =	sadd.s32 $0x8F2B, s0  }
0xd3: {  	[sflag:s0] =	ssyncadd.remote.s32 $0x1  }
0xd4: {  	_ =	sfence.sel $0xFFFF  }
0xd5: {  	[dreg:$0x0] =	wrdreg $0xFFFFFFFF;
	(pc) =	sbr.abs _section_cstart, $3  }
0xd6: {  	[dreg:$0x1] =	wrdreg $0xFFFFFFFF  }
0xd7: {  	_ =	task.clear_ibuf [dreg:s22], $0x2FFFF;
	_ =	strace $0x9FFFFFFF  }
0xd8: {  	(tm) =	ssettm $0x7FFFFFFF  }
0xd9: {  	_ =	shalt  }
tec
execute0_lowered:
.L_overlay_start_1:
0x0: {  	(tag) =	ssettag $0x1  }
0x1: {  	s1 =	srdreg.scid;
	s2 =	rddreg [dreg:$0x0]  }
0x2: {  	s0 =	stileid.u32;
	s3 =	rddreg [dreg:$0x1];
	s1 =	sshll.u32 s1, $0x5  }
0x3: {  	s6 =	rddreg [dreg:$0x2];
	s4 =	sshll.u32 s0, $0x6;
	s1 =	sand.u32 $0x20, s1  }
0x4: {  	s7 =	simm.s32 $0x1;
	s30 =	simm.s32 $0x2;
	s4 =	sor.u32 s4, s1  }
0x5: {  	s31 =	simm.s32 $0x3;
	s11 =	simm.s32 $0x0;
	s5 =	ssub.s32 $0x800, s4  }
0x6: {  	s9 =	simm.s32 $0x0;
	s6 =	sadd.s32 $0x200, s6;
	s8 =	sand.u32 $0x3E0, s5  }
0x7: {  	s1 =	rddreg [dreg:$0x3];
	_ =	strace $0x80000059;
	p0 =	sne.s32 s8, $0x0  }
0x8: {  	[sflag:s7] =	ssyncpa.u1 $0x0;
	s5 =	sshrl.u32 s5, $0xA;
	s7 =	simm.s32 @!p0 $0x0  }
0x9: {  	s10 =	smov.u32 s4;
	[sflag:s30] =	ssyncpa.u1 $0x0;
	s5 =	sadd.s32 s7, s5  }
0xa: {  	[sflag:s31] =	ssyncpa.u1 $0x0;
	s8 =	simm.s32 $0x0;
	s7 =	sadd.s32 $0x1, s5  }
.LBB2_1:
0xb: {  	p0 =	sge.u32 s9, s5  }
0xc: {  	s31 =	sadd.s32 $0xFFFFFFFF, s9;
	s12 =	sxor.u32 @!p0 $0xFFFFFFFF, s8;
	s13 =	sshrl.u32 @!p0 s10, $0x3  }
0xd: {  	s14 =	sand.u32 @!p0 $0x7, s10;
	s12 =	sand.u32 @!p0 $0x20, s12;
	s13 =	sadd.s32 @!p0 s3, s13  }
0xe: {  	[tilespmem:s12], [sflag:$0x2] =	stream.linear.gather @!p0 [hbm4b:s13+s14], $0x20, $0x38;
	[tilespmem:$0x80] =	vst v63  }
0xf: {  	p0 =	sge.u32 s31, s5  }
0x10: {  	s12 =	simm.s32 @!p0 $0x2  }
0x11: {  	_ =	swait.ge @!p0 [sflag:s12], $0x20  }
0x12: {  	[sflag:s12] =	ssyncset.done @!p0 $0x0  }
0x13: {  	[sflag:s12] =	ssyncadd.s32 @!p0 $0xFFFFFFE0;
	s12 =	sand.u32 @!p0 $0x20, s8  }
0x14: {  	(ifvalue) =	ssetifvalue @!p0 $0x7FFFFFFF;
	v0 =	vld.msk @!p0 [tilespmem:s12+$0x0 ss:$0x1], $0xffff;
	_ =	sdelay $0x4  }
0x15: {  	vm0 =	vgt.s32 @!p0 v0, $0x0  }
0x16: {  	v0 =	vnsel @!p0 vm0, $0x0, v0  }
0x17: {  	v0 =	vmin.u32 @!p0 v0, $0xFFF;
	_ =	sdelay $0x2  }
0x18: {  	s14 =	simm.s32 @!p0 $0x0  }
0x19: {  	s13 =	sor.u32 @!p0 $0x40, s12;
	(ifvalue) =	ssetifvalue @!p0 $0x7FFFFFFF;
	s15 =	sor.u32 @!p0 $0x10, s12;
	vm0 =	vmmov @!p0 $0xffff  }
0x1a: {  	[tilespmem:s13], [sflag:$0x1] =	stream.indirect_vreg.gather @!p0 [hbm4b:s2+s14], $0x1, v0, vm0, $0x4038;
	[tilespmem:$0x80] =	vst v63  }
0x1b: {  	v0 =	vld.msk @!p0 [tilespmem:s15+$0x0 ss:$0x1], $0xffff;
	_ =	sdelay $0x4  }
0x1c: {  	vm1 =	vgt.s32 @!p0 v0, $0x0  }
0x1d: {  	v0 =	vnsel @!p0 vm1, $0x0, v0  }
0x1e: {  	v0 =	vmin.u32 @!p0 v0, $0xFFF;
	_ =	sdelay $0x3  }
0x1f: {  	s12 =	sor.u32 @!p0 $0x50, s12;
	(ifvalue) =	ssetifvalue @!p0 $0x7FFFFFFF  }
0x20: {  	[tilespmem:s12], [sflag:$0x1] =	stream.indirect_vreg.gather @!p0 [hbm4b:s2+s14], $0x1, v0, vm0, $0x4038;
	[tilespmem:$0x80] =	vst v63  }
0x21: {  	s12 =	simm.s32 @!p0 $0x1  }
0x22: {  	_ =	swait.ge @!p0 [sflag:s12], $0x20  }
0x23: {  	s14 =	sshrl.u32 @!p0 s11, $0x3;
	[sflag:s12] =	ssyncset.done @!p0 $0x0  }
0x24: {  	s11 =	sand.u32 @!p0 $0x7, s11;
	[sflag:s12] =	ssyncadd.s32 @!p0 $0xFFFFFFE0;
	s12 =	sadd.s32 @!p0 s6, s14  }
0x25: {  	[hbm4b:s12+s11] =	stream.linear.scatter @!p0 [tilespmem:s13], [sflag:$0x3], $0x20, $0x38;
	[tilespmem:$0x80] =	vst v63  }
0x26: {  	s13 =	sadd.s32 $0x400, s10  }
0x27: {  	p1 =	sgt.s32 s13, $0x7FF  }
0x28: {  	s13 =	smov.u32 @p1 s4;
	p1 =	sne.s32 s9, s7  }
.Ltmp0:
0x29: {  	p0 =	slt.u32 s9, $0x2;
	(pc) =	sbr.rel @p1 .LBB2_1-.Ltmp0, $4  }
0x2a: {  	s12 =	simm.s32 @!p0 $0x3  }
0x2b: {  	_ =	swait.ge @!p0 [sflag:s12], $0x20  }
0x2c: {  	s8 =	sadd.s32 $0x20, s8;
	s11 =	smov.u32 s10;
	[sflag:s12] =	ssyncset.done @!p0 $0x0  }
0x2d: {  	s9 =	sadd.s32 $0x1, s9;
	s10 =	smov.u32 s13;
	[sflag:s12] =	ssyncadd.s32 @!p0 $0xFFFFFFE0  }
0x2e: {  	_ =	sfence.sel $0x180000  }
0x2f: {  	s2 =	simm.s32 $0x2;
	[bflag:$0x0] =	sbarrier.arrive $0xFFFF  }
0x30: {  	s30 =	simm.s32 $0x3;
	[sflag:s2] =	ssyncpa.u1 $0x1  }
0x31: {  	s31 =	simm.s32 $0x1;
	[sflag:s30] =	ssyncpa.u1 $0x1  }
0x32: {  	[sflag:s31] =	ssyncpa.u1 $0x1  }
0x33: {  	p0 =	sne.s32 s0, $0x0;
	_ =	strace $0x90000059  }
0x34: {  	s0 =	sadd.s32 @!p0 $0x100000, s1;
	[bflag:$0x2] =	sbarrier.arrive $0xFFFF  }
0x35: {  	[sflag:s0] =	ssyncadd.tile.s32 @!p0 $0x1;
	_ =	shalt  }
.Lfunc_end2:
_tile_overlayer_lowered:
.L_overlay_start_2:
0x36: {  	(tag) =	ssettag $0x2  }
0x37: {  	s0 =	rddreg [dreg:$0x0];
	s2 =	stileid.u32  }
0x38: {  	s1 =	rddreg [dreg:$0x1];
	p0 =	sne.s32 s2, $0x0  }
0x39: {  	s3 =	rddreg [dreg:$0x2];
	[bflag:$0x3] =	sbarrier.arrive $0xFFFF;
	s2 =	simm.s32 @!p0 $0x1C01  }
0x3a: {  	[timem:s3], [sflag:s2] =	dma.local @!p0 [hbm:s0], s1  }
0x3b: {  	s0 =	simm.s32 @!p0 $0x1  }
0x3c: {  	_ =	swait.ge @!p0 [sflag:s0], s1  }
0x3d: {  	s1 =	ssub.s32 @!p0 $0x0, s1;
	[sflag:s0] =	ssyncset.done @!p0 $0x0  }
0x3e: {  	[sflag:s0] =	ssyncadd.s32 @!p0 s1  }
0x3f: {  	[bflag:$0x3] =	sbarrier.arrive $0xFFFF  }
0x40: {  	_ =	shalt  }

// kernel: gather_offload_async_start.6
scs
__scs_entry_jumppad:
0x0: {  	(pc) =	sbr.rel $0x88, $3  }
0x1: {  	(tag) =	ssettag $0x0;
	lr =	simm.s32 $0x1  }
0x2: {  	[smem:$0x3F9B] =	sst lr;
	_ =	strace $0xD0000000  }
0x3: {  	_ = 	snop  }
0x4: {  	_ = 	snop  }
0x5: {  	_ = 	snop  }
0x6: {  	_ = 	snop  }
0x7: {  	_ = 	snop  }
__scs_overlays_trampoline_lowered:
0x8: {  	[smem:$0x3FAA] =	sst s0  }
0x9: {  	[smem:$0x3FAB] =	sst s1  }
0xa: {  	[smem:$0x3FAC] =	sst s2  }
0xb: {  	[smem:$0x3FAD] =	sst s3  }
0xc: {  	[smem:$0x3FAE] =	sst s4  }
0xd: {  	[smem:$0x3FAF] =	sst s5  }
0xe: {  	[smem:$0x3FB0] =	sst s6  }
0xf: {  	[smem:$0x3FB1] =	sst s7  }
0x10: {  	[smem:$0x3FB2] =	sst s8  }
0x11: {  	[smem:$0x3FB3] =	sst s9;
	s0 =	simm.s32 @!p0 $0x0  }
0x12: {  	s1 =	sld [smem:$0x3F99];
	s0 =	simm.s32 @p0 $0x1  }
0x13: {  	[smem:$0x3FB4] =	sst s0;
	s0 =	simm.s32 @!p1 $0x0  }
0x14: {  	s2 =	sld [smem:$0x3F98];
	s0 =	simm.s32 @p1 $0x1  }
0x15: {  	[smem:$0x3FB5] =	sst s0;
	s0 =	simm.s32 @!p2 $0x0  }
0x16: {  	s3 =	sld [smem:$0x3FDB];
	s0 =	simm.s32 @p2 $0x1  }
0x17: {  	s4 =	simm.s32 $0x1BF5;
	[smem:$0x3FB7] =	sst s0  }
0x18: {  	s0 =	sld [smem:$0x3F9A];
	_ =	swait.ge [sflag:s4], $0x0  }
0x19: {  	s7 =	sld [smem:$0x3F9B]  }
0x1a: {  	s8 =	sadd.s32 $0xFFFFE003, lr  }
0x1b: {  	s9 =	sadd.s32 $0xFFFFFEF7, lr;
	s5 =	simm.s32 $0xFFFFFFFF;
	p2 =	slt.u32 s8, $0xFFFFF086  }
0x1c: {  	p1 =	slt.u32 s9, $0xF7A;
	s5 =	simm.s32 @!p2 $0x0  }
0x1d: {  	s5 =	simm.s32 @p1 $0x1;
	p0 =	seq.s32 s7, s2  }
0x1e: {  	s7 =	smul.u32 @!p0 $0xF7A, s2;
	p2 =	seq.s32 @!p0 s5, $0x0  }
0x1f: {  	s9 =	smul.u32 $0xF7A, s1;
	s8 =	simm.s32 @!p0 $0x1BF5;
	p2 =	por !p2, p0  }
0x20: {  	[sflag:s8] =	ssyncset.s32 @!p0 $0xFFFFF086;
	s6 =	sadd.s32 @!p0 s3, s7;
	s7 =	simm.s32 @!p0 $0x108  }
0x21: {  	s3 =	sadd.s32 s3, s9;
	s6 =	sadd.s32 @!p0 $0x88, s6;
	s7 =	simm.s32 @p2 $0x1082  }
0x22: {  	[simem:s7], [sflag:s8] =	dma.local @!p0 [hbm:s6], $0xF7A  }
0x23: {  	s9 =	sor.u32 $0xD0000000, s2;
	s6 =	simm.s32 $0x108;
	_ =	swait.ge @!p0 [sflag:s8], $0x0  }
0x24: {  	s3 =	sadd.s32 $0x88, s3;
	s6 =	simm.s32 @!p1 $0x1082;
	[sflag:s4] =	ssyncset.s32 $0xFFFFF086  }
0x25: {  	[simem:s6], [sflag:s4] =	dma.local [hbm:s3], $0xF7A  }
0x26: {  	[smem:$0x3F9B] =	sst s1;
	(tag) =	ssettag s2;
	_ =	strace s9  }
0x27: {  	s1 =	sld [smem:$0x3FAB]  }
0x28: {  	s2 =	sld [smem:$0x3FAC]  }
0x29: {  	s4 =	sld [smem:$0x3FAE]  }
0x2a: {  	p0 =	seq.s32 s5, $0x0;
	s5 =	sld [smem:$0x3FAF]  }
0x2b: {  	s6 =	sld [smem:$0x3FB0]  }
0x2c: {  	s7 =	sld [smem:$0x3FB1]  }
0x2d: {  	s3 =	simm.s32 $0x108;
	s8 =	sld [smem:$0x3FB2]  }
0x2e: {  	s3 =	simm.s32 @!p0 $0x1082;
	s9 =	sld [smem:$0x3FB3]  }
0x2f: {  	lr =	sadd.s32 s0, s3;
	s0 =	sld [smem:$0x3FAA]  }
0x30: {  	s3 =	sld [smem:$0x3FAD]  }
0x31: {  	[smem:$0x3FB6] =	sst s10  }
0x32: {  	s10 =	sld [smem:$0x3FB4];
	_ =	sdelay $0x3  }
0x33: {  	p0 =	seq.s32 s10, $0x1;
	s10 =	sld [smem:$0x3FB6];
	_ =	sdelay $0x3  }
0x34: {  	[smem:$0x3FB6] =	sst s10  }
0x35: {  	s10 =	sld [smem:$0x3FB5];
	_ =	sdelay $0x3  }
0x36: {  	p1 =	seq.s32 s10, $0x1;
	s10 =	sld [smem:$0x3FB6];
	_ =	sdelay $0x3  }
0x37: {  	[smem:$0x3FB6] =	sst s10  }
0x38: {  	s10 =	sld [smem:$0x3FB7]  }
0x39: {  	_ = 	snop;
	(pc) =	sbr.ind lr, $3  }
0x3a: {  	_ = 	snop  }
0x3b: {  	_ = 	snop  }
0x3c: {  	p2 =	seq.s32 s10, $0x1;
	s10 =	sld [smem:$0x3FB6]  }
0x3d: {  	_ =	shalt  }
0x3e: {  	_ =	shalt  }
0x3f: {  	_ =	shalt  }
0x40: {  	_ =	shalt  }
0x41: {  	_ =	shalt  }
0x42: {  	_ =	shalt  }
0x43: {  	_ =	shalt  }
0x44: {  	_ =	shalt  }
0x45: {  	_ =	shalt  }
0x46: {  	_ =	shalt  }
0x47: {  	_ =	shalt  }
0x48: {  	_ =	shalt  }
0x49: {  	_ =	shalt  }
0x4a: {  	_ =	shalt  }
0x4b: {  	_ =	shalt  }
0x4c: {  	_ =	shalt  }
0x4d: {  	_ =	shalt  }
0x4e: {  	_ =	shalt  }
0x4f: {  	_ =	shalt  }
0x50: {  	_ =	shalt  }
0x51: {  	_ =	shalt  }
0x52: {  	_ =	shalt  }
0x53: {  	_ =	shalt  }
0x54: {  	_ =	shalt  }
0x55: {  	_ =	shalt  }
0x56: {  	_ =	shalt  }
0x57: {  	_ =	shalt  }
0x58: {  	_ =	shalt  }
0x59: {  	_ =	shalt  }
0x5a: {  	_ =	shalt  }
0x5b: {  	_ =	shalt  }
0x5c: {  	_ =	shalt  }
0x5d: {  	_ =	shalt  }
0x5e: {  	_ =	shalt  }
0x5f: {  	_ =	shalt  }
0x60: {  	_ =	shalt  }
0x61: {  	_ =	shalt  }
0x62: {  	_ =	shalt  }
0x63: {  	_ =	shalt  }
0x64: {  	_ =	shalt  }
0x65: {  	_ =	shalt  }
0x66: {  	_ =	shalt  }
0x67: {  	_ =	shalt  }
0x68: {  	_ =	shalt  }
0x69: {  	_ =	shalt  }
0x6a: {  	_ =	shalt  }
0x6b: {  	_ =	shalt  }
0x6c: {  	_ =	shalt  }
0x6d: {  	_ =	shalt  }
0x6e: {  	_ =	shalt  }
0x6f: {  	_ =	shalt  }
0x70: {  	_ =	shalt  }
0x71: {  	_ =	shalt  }
0x72: {  	_ =	shalt  }
0x73: {  	_ =	shalt  }
0x74: {  	_ =	shalt  }
0x75: {  	_ =	shalt  }
0x76: {  	_ =	shalt  }
0x77: {  	_ =	shalt  }
0x78: {  	_ =	shalt  }
0x79: {  	_ =	shalt  }
0x7a: {  	_ =	shalt  }
0x7b: {  	_ =	shalt  }
0x7c: {  	_ =	shalt  }
0x7d: {  	_ =	shalt  }
0x7e: {  	_ =	shalt  }
0x7f: {  	_ =	shalt  }
0x80: {  	_ =	shalt  }
0x81: {  	_ =	shalt  }
0x82: {  	_ =	shalt  }
0x83: {  	_ =	shalt  }
0x84: {  	_ =	shalt  }
0x85: {  	_ =	shalt  }
0x86: {  	_ =	shalt  }
0x87: {  	_ =	shalt  }
.Lfunc_end0:
.L_simem_size_0:
called_computation.8_lowered:
.L_overlay_start_0:
0x88: {  	s2 =	sld [smem:$0x3FD9]  }
0x89: {  	s3 =	sld [smem:$0x3FFE];
	_ =	sdelay $0x1  }
0x8a: {  	s1 =	srdreg.scid  }
0x8b: {  	s0 =	sand.u32 $0x1, s1  }
0x8c: {  	s15 =	sshll.u32 s0, $0xA;
	s2 =	sadd.s32 s3, s2  }
0x8d: {  	s2 =	sadd.s32 s2, s15  }
0x8e: {  	[smem:$0x3FC2] =	sst s2  }
0x8f: {  	_ = 	snop  }
0x90: {  	s2 =	sld [smem:$0x3FD0];
	_ =	sdelay $0x2  }
0x91: {  	s16 =	simm.s32 $0xB;
	s4 =	simm.s32 $0x10  }
0x92: {  	[smem:s4], [sflag:s16] =	dma.local [hbm:s2], $0x1  }
0x93: {  	_ =	swait.eq [sflag:s16], $0x1  }
0x94: {  	s17 =	sld [smem:$0x10];
	[sflag:s16] =	ssyncset.done $0x0  }
0x95: {  	s18 =	sld [smem:$0x13];
	[sflag:s16] =	ssyncadd.s32 $0xFFFFFFFF  }
0x96: {  	s19 =	sld [smem:$0x14];
	(tm) =	ssettm $0x1  }
0x97: {  	s5 =	sld [smem:$0x3FFB];
	_ =	sdelay $0x3  }
0x98: {  	_ =	strace s5  }
0x99: {  	s5 =	sld [smem:$0x3FFC];
	_ =	sdelay $0x3  }
0x9a: {  	_ =	strace s5  }
0x9b: {  	s5 =	sld [smem:$0x3FFD];
	_ =	sdelay $0x3  }
0x9c: {  	_ =	strace s5  }
0x9d: {  	_ =	strace $0x8FFFFFFF  }
0x9e: {  	s20 =	sld [smem:$0x3FDB];
	_ =	sdelay $0x1  }
0x9f: {  	s6 =	simm.s32 $_scs_section_size  }
0xa0: {  	s7 =	simm.s32 $_size__tile_overlayer_lowered;
	s8 =	simm.s32 $_tile_overlayer_lowered  }
0xa1: {  	s23 =	simm.s32 $0x1BFF;
	s22 =	sshll.u32 s8, $0x1;
	s5 =	sadd.s32 s6, s20  }
0xa2: {  	s9 =	simm.s32 $0x0;
	s21 =	sshll.u32 s7, $0x1;
	s7 =	sadd.s32 s22, s5  }
0xa3: {  	[timem:s9], [sflag:s23] =	dma.local [hbm:s7], s21  }
0xa4: {  	_ =	swait.ge [sflag:s23], s21  }
0xa5: {  	s6 =	ssub.s32 $0x0, s21;
	[sflag:s23] =	ssyncset.done $0x0  }
0xa6: {  	[sflag:s23] =	ssyncadd.s32 s6;
	_ =	sdelay $0x1  }
0xa7: {  	s24 =	simm.s32 $0x1B8B  }
0xa8: {  	_ =	swait.ge [sflag:s24], $0x1  }
0xa9: {  	[sflag:s24] =	ssyncset.done $0x0  }
0xaa: {  	s25 =	simm.s32 $0x1B8E;
	[sflag:s24] =	ssyncadd.s32 $0xFFFFFFFF  }
0xab: {  	s26 =	simm.s32 $execute0_lowered;
	[smem:$0x3FD2] =	sst s25  }
0xac: {  	s6 =	sshll.u32 s26, $0x1;
	_ =	strace $0x8000005B;
	[dreg:$0x1] =	wrdreg $0xFFFFFFFF  }
0xad: {  	s28 =	simm.s32 $_size_execute0_lowered;
	s5 =	sadd.s32 s5, s6;
	[dreg:$0x0] =	wrdreg $0x0  }
0xae: {  	s6 =	sshll.u32 s28, $0x1;
	[dreg:$0x2] =	wrdreg s5  }
0xaf: {  	[dreg:$0x3] =	wrdreg s6  }
0xb0: {  	[dreg:$0x4] =	wrdreg $0xC0  }
0xb1: {  	_ =	task [dreg:s9], $0x5FFFF  }
0xb2: {  	[dreg:$0x1] =	wrdreg $0xFFFFFFFF  }
0xb3: {  	[dreg:$0x0] =	wrdreg $0x60  }
0xb4: {  	[dreg:$0x2] =	wrdreg s18  }
0xb5: {  	[dreg:$0x3] =	wrdreg s17  }
0xb6: {  	[dreg:$0x4] =	wrdreg s19  }
0xb7: {  	[dreg:$0x5] =	wrdreg $0x9  }
0xb8: {  	_ =	task.clear_ibuf [dreg:s9], $0x6FFFF;
	_ =	strace $0x9000005B  }
0xb9: {  	s29 =	simm.s32 $0x9;
	_ =	strace $0x8000005D  }
0xba: {  	_ =	swait.ge [sflag:s29], $0x1  }
0xbb: {  	[sflag:s29] =	ssyncadd.s32 $0xFFFFFFFF  }
0xbc: {  	_ =	strace $0x9000005D  }
0xbd: {  	_ =	sfence  }
0xbe: {  	s30 =	sld [smem:$0x0];
	_ =	sdelay $0x2  }
0xbf: {  	s31 =	sshll.u32 s1, $0xD;
	s1 =	sshrl.u32 s1, $0x2  }
0xc0: {  	s3 =	sand.u32 $0x4000, s31;
	s1 =	sadd.s32 s1, s30  }
0xc1: {  	s0 =	sor.u32 s3, s0;
	s1 =	sshll.u32 s1, $0x11  }
0xc2: {  	s0 =	sor.u32 s1, s0  }
0xc3: {  	s0 =	sadd.s32 $0x8F2B, s0  }
0xc4: {  	[sflag:s0] =	ssyncadd.remote.s32 $0x1  }
0xc5: {  	_ =	sfence.sel $0xFFFF  }
0xc6: {  	[dreg:$0x0] =	wrdreg $0xFFFFFFFF;
	(pc) =	sbr.abs _section_cstart, $3  }
0xc7: {  	[dreg:$0x1] =	wrdreg $0xFFFFFFFF  }
0xc8: {  	_ =	task.clear_ibuf [dreg:s9], $0x2FFFF;
	_ =	strace $0x9FFFFFFF  }
0xc9: {  	(tm) =	ssettm $0x7FFFFFFF  }
tec
execute0_lowered:
.L_overlay_start_1:
0x0: {  	(tag) =	ssettag $0x1  }
0x1: {  	s1 =	srdreg.scid;
	s2 =	rddreg [dreg:$0x0]  }
0x2: {  	s0 =	stileid.u32;
	s3 =	rddreg [dreg:$0x1]  }
0x3: {  	s4 =	rddreg [dreg:$0x2];
	s6 =	simm.s32 $0x1;
	s1 =	sshll.u32 s1, $0x6  }
0x4: {  	s9 =	simm.s32 $0x1;
	s5 =	sshll.u32 s0, $0x7;
	s1 =	sand.u32 $0x40, s1  }
0x5: {  	s10 =	simm.s32 $0x3;
	s13 =	simm.s32 $0x0;
	s5 =	sor.u32 s5, s1  }
0x6: {  	s12 =	simm.s32 $0x0;
	s1 =	rddreg [dreg:$0x3];
	s8 =	ssub.s32 $0x1000, s5  }
.Ltmp0:
0x7: {  	_ =	strace $0x8000005C;
	s7 =	sand.u32 $0x7C0, s8;
	(pc) =	sbr.rel .LBB2_1-.Ltmp0, $4  }
0x8: {  	[sflag:s6] =	ssyncpa.u1 $0x0;
	s11 =	smov.u32 s5;
	p0 =	sne.s32 s7, $0x0  }
0x9: {  	s8 =	sshrl.u32 s8, $0xB;
	s7 =	simm.s32 $0x2;
	s9 =	simm.s32 @!p0 $0x0  }
0xa: {  	[sflag:s7] =	ssyncpa.u1 $0x0;
	p0 =	por $0x0, $0x0;
	s8 =	sadd.s32 s9, s8  }
0xb: {  	vm0 =	vmmov $0xffff;
	[sflag:s10] =	ssyncpa.u1 $0x0;
	s10 =	simm.s32 $0x0;
	s9 =	sadd.s32 $0x1, s8  }
.LBB2_4:
0xc: {  	v2 =	vnsel vm1, $0x0, v2  }
0xd: {  	vm1 =	vgt.s32 v0, $0x0;
	v2 =	vmin.u32 v2, $0xFFF  }
0xe: {  	v0 =	vnsel vm1, $0x0, v0  }
0xf: {  	v0 =	vmin.u32 v0, $0xFFF  }
0x10: {  	[tilespmem:s15], [sflag:$0x1] =	stream.indirect_vreg.gather [hbm4b:s2+s10], $0x1, v1, vm0, $0x4038;
	[tilespmem:$0x100] =	vst v63  }
0x11: {  	(ifvalue) =	ssetifvalue $0x7FFFFFFF  }
0x12: {  	[tilespmem:s16], [sflag:$0x1] =	stream.indirect_vreg.gather [hbm4b:s2+s10], $0x1, v2, vm0, $0x4038;
	[tilespmem:$0x100] =	vst v63  }
0x13: {  	s29 =	sadd.s32 $0x10, s16;
	(ifvalue) =	ssetifvalue $0x7FFFFFFF  }
0x14: {  	[tilespmem:s29], [sflag:$0x1] =	stream.indirect_vreg.gather [hbm4b:s2+s10], $0x1, v0, vm0, $0x4038;
	[tilespmem:$0x100] =	vst v63  }
0x15: {  	_ =	swait.ge [sflag:s6], $0x40  }
0x16: {  	s30 =	sshrl.u32 s13, $0x3;
	[sflag:s6] =	ssyncset.done $0x0  }
0x17: {  	s31 =	sand.u32 $0x7, s13;
	s15 =	sadd.s32 s4, s30;
	[sflag:s6] =	ssyncadd.s32 $0xFFFFFFC0  }
0x18: {  	[hbm4b:s15+s31] =	stream.linear.scatter [tilespmem:s14], [sflag:$0x3], $0x40, $0x38;
	[tilespmem:$0x100] =	vst v63  }
.LBB2_5:
0x19: {  	s15 =	sadd.s32 $0x800, s11  }
0x1a: {  	p2 =	sgt.s32 s15, $0xFFF  }
0x1b: {  	s15 =	smov.u32 @p2 s5;
	p2 =	sne.s32 s12, s9  }
.Ltmp1:
0x1c: {  	p1 =	slt.u32 s12, $0x2;
	(pc) =	sbr.rel @!p2 .LBB2_6-.Ltmp1, $4  }
0x1d: {  	s14 =	simm.s32 @!p1 $0x3  }
0x1e: {  	s16 =	sadd.s32 $0x1, s12;
	_ =	swait.ge @!p1 [sflag:s14], $0x40  }
0x1f: {  	s13 =	smov.u32 s11;
	p0 =	por !p0, !p0;
	[sflag:s14] =	ssyncset.done @!p1 $0x0  }
0x20: {  	s12 =	smov.u32 s16;
	s11 =	smov.u32 s15;
	[sflag:s14] =	ssyncadd.s32 @!p1 $0xFFFFFFC0  }
.LBB2_1:
0x21: {  	p1 =	sge.u32 s12, s8  }
0x22: {  	s14 =	sxor.u32 @!p1 $0xFFFFFFFF, s12  }
0x23: {  	s31 =	sadd.s32 $0xFFFFFFFF, s12;
	s15 =	sshrl.u32 @!p1 s11, $0x3;
	s14 =	sshll.u32 @!p1 s14, $0x6  }
0x24: {  	s16 =	sand.u32 @!p1 $0x7, s11;
	s15 =	sadd.s32 @!p1 s3, s15;
	s14 =	sand.u32 @!p1 $0x40, s14  }
0x25: {  	[tilespmem:s14], [sflag:$0x2] =	stream.linear.gather @!p1 [hbm4b:s15+s16], $0x40, $0x38;
	[tilespmem:$0x100] =	vst v63  }
0x26: {  	p1 =	sge.u32 s31, s8  }
.Ltmp2:
0x27: {  	_ = 	snop;
	(pc) =	sbr.rel @p1 .LBB2_5-.Ltmp2, $1  }
0x28: {  	_ =	sdelay $0x3  }
0x29: {  	s14 =	simm.s32 $0x1  }
0x2a: {  	_ =	swait.ge [sflag:s7], $0x40;
	s14 =	simm.s32 @!p0 $0x0  }
0x2b: {  	[sflag:s7] =	ssyncset.done $0x0;
	s14 =	sshll.u32 s14, $0x6  }
0x2c: {  	[sflag:s7] =	ssyncadd.s32 $0xFFFFFFC0;
	(ifvalue) =	ssetifvalue $0x7FFFFFFF;
	v0 =	vld.msk [tilespmem:s14+$0x0 ss:$0x1], $0xffff;
	_ =	sdelay $0x4  }
0x2d: {  	s15 =	sadd.s32 $0x10, s14;
	vm1 =	vgt.s32 v0, $0x0  }
0x2e: {  	v2 =	vld.msk [tilespmem:s15+$0x0 ss:$0x1], $0xffff;
	v1 =	vnsel vm1, $0x0, v0  }
0x2f: {  	v1 =	vmin.u32 v1, $0xFFF;
	_ =	sdelay $0x1  }
0x30: {  	s16 =	sshll.u32 s12, $0x6;
	s18 =	simm.s32 $0x20  }
0x31: {  	s16 =	sand.u32 $0x40, s16;
	s17 =	sadd.s32 $0x10, s15;
	s15 =	sor.u32 $0x80, s14  }
0x32: {  	s14 =	sor.u32 $0x80, s16;
	s16 =	sadd.s32 $0x10, s15;
	v0 =	vld.msk [tilespmem:s17+$0x0 ss:$0x1], $0xffff;
	vm1 =	vgt.s32 v2, $0x0;
	(ifvalue) =	ssetifvalue $0x7FFFFFFF  }
.LBB2_3:
0x33: {  	[tilespmem:s15], [sflag:$0x1] =	stream.indirect_vreg.gather [hbm4b:s2+s10], $0x1, v1, vm0, $0x4038;
	[tilespmem:$0x100] =	vst v63  }
0x34: {  	s18 =	sadd.s32 $0x10, s18  }
0x35: {  	v2 =	vnsel vm1, $0x0, v2;
	p1 =	slt.u32 s18, $0x30  }
.Ltmp3:
0x36: {  	s15 =	smov.u32 s16;
	v1 =	vmin.u32 v2, $0xFFF;
	(pc) =	sbr.rel @p1 .LBB2_3-.Ltmp3, $3  }
0x37: {  	_ =	sdelay $0x1  }
0x38: {  	s17 =	sadd.s32 $0x10, s17  }
0x39: {  	vm1 =	vgt.s32 v0, $0x0;
	s16 =	sadd.s32 $0x10, s16;
	v2 =	vmov v0;
	(ifvalue) =	ssetifvalue $0x7FFFFFFF;
	v0 =	vld.msk [tilespmem:s17+$0x0 ss:$0x1], $0xffff  }
.Ltmp4:
0x3a: {  	_ = 	snop;
	(pc) =	sbr.rel .LBB2_4-.Ltmp4, $1  }
0x3b: {  	_ =	sdelay $0x3  }
.LBB2_6:
0x3c: {  	_ =	sfence.sel $0x180000  }
0x3d: {  	s2 =	simm.s32 $0x2;
	[bflag:$0x0] =	sbarrier.arrive $0xFFFF  }
0x3e: {  	s30 =	simm.s32 $0x3;
	[sflag:s2] =	ssyncpa.u1 $0x1  }
0x3f: {  	s31 =	simm.s32 $0x1;
	[sflag:s30] =	ssyncpa.u1 $0x1  }
0x40: {  	[sflag:s31] =	ssyncpa.u1 $0x1  }
0x41: {  	p0 =	sne.s32 s0, $0x0;
	_ =	strace $0x9000005C  }
0x42: {  	s0 =	sadd.s32 @!p0 $0x100000, s1;
	[bflag:$0x2] =	sbarrier.arrive $0xFFFF  }
0x43: {  	[sflag:s0] =	ssyncadd.tile.s32 @!p0 $0x1;
	_ =	shalt  }
.Lfunc_end2:
_tile_overlayer_lowered:
.L_overlay_start_2:
0x44: {  	(tag) =	ssettag $0x2  }
0x45: {  	s0 =	rddreg [dreg:$0x0];
	s2 =	stileid.u32  }
0x46: {  	s1 =	rddreg [dreg:$0x1];
	p0 =	sne.s32 s2, $0x0  }
0x47: {  	s3 =	rddreg [dreg:$0x2];
	[bflag:$0x3] =	sbarrier.arrive $0xFFFF;
	s2 =	simm.s32 @!p0 $0x1C01  }
0x48: {  	[timem:s3], [sflag:s2] =	dma.local @!p0 [hbm:s0], s1  }
0x49: {  	s0 =	simm.s32 @!p0 $0x1  }
0x4a: {  	_ =	swait.ge @!p0 [sflag:s0], s1  }
0x4b: {  	s1 =	ssub.s32 @!p0 $0x0, s1;
	[sflag:s0] =	ssyncset.done @!p0 $0x0  }
0x4c: {  	[sflag:s0] =	ssyncadd.s32 @!p0 s1  }
0x4d: {  	[bflag:$0x3] =	sbarrier.arrive $0xFFFF  }
0x4e: {  	_ =	shalt  }

// kernel: gather_offload_async_start
scs
__scs_entry_jumppad:
0x0: {  	(pc) =	sbr.rel $0x88, $3  }
0x1: {  	(tag) =	ssettag $0x0;
	lr =	simm.s32 $0x1  }
0x2: {  	[smem:$0x3F9B] =	sst lr;
	_ =	strace $0xD0000000  }
0x3: {  	_ = 	snop  }
0x4: {  	_ = 	snop  }
0x5: {  	_ = 	snop  }
0x6: {  	_ = 	snop  }
0x7: {  	_ = 	snop  }
__scs_overlays_trampoline_lowered:
0x8: {  	[smem:$0x3FAA] =	sst s0  }
0x9: {  	[smem:$0x3FAB] =	sst s1  }
0xa: {  	[smem:$0x3FAC] =	sst s2  }
0xb: {  	[smem:$0x3FAD] =	sst s3  }
0xc: {  	[smem:$0x3FAE] =	sst s4  }
0xd: {  	[smem:$0x3FAF] =	sst s5  }
0xe: {  	[smem:$0x3FB0] =	sst s6  }
0xf: {  	[smem:$0x3FB1] =	sst s7  }
0x10: {  	[smem:$0x3FB2] =	sst s8  }
0x11: {  	[smem:$0x3FB3] =	sst s9;
	s0 =	simm.s32 @!p0 $0x0  }
0x12: {  	s1 =	sld [smem:$0x3F99];
	s0 =	simm.s32 @p0 $0x1  }
0x13: {  	[smem:$0x3FB4] =	sst s0;
	s0 =	simm.s32 @!p1 $0x0  }
0x14: {  	s2 =	sld [smem:$0x3F98];
	s0 =	simm.s32 @p1 $0x1  }
0x15: {  	[smem:$0x3FB5] =	sst s0;
	s0 =	simm.s32 @!p2 $0x0  }
0x16: {  	s3 =	sld [smem:$0x3FDB];
	s0 =	simm.s32 @p2 $0x1  }
0x17: {  	s4 =	simm.s32 $0x1BF5;
	[smem:$0x3FB7] =	sst s0  }
0x18: {  	s0 =	sld [smem:$0x3F9A];
	_ =	swait.ge [sflag:s4], $0x0  }
0x19: {  	s7 =	sld [smem:$0x3F9B]  }
0x1a: {  	s8 =	sadd.s32 $0xFFFFE003, lr  }
0x1b: {  	s9 =	sadd.s32 $0xFFFFFEF7, lr;
	s5 =	simm.s32 $0xFFFFFFFF;
	p2 =	slt.u32 s8, $0xFFFFF086  }
0x1c: {  	p1 =	slt.u32 s9, $0xF7A;
	s5 =	simm.s32 @!p2 $0x0  }
0x1d: {  	s5 =	simm.s32 @p1 $0x1;
	p0 =	seq.s32 s7, s2  }
0x1e: {  	s7 =	smul.u32 @!p0 $0xF7A, s2;
	p2 =	seq.s32 @!p0 s5, $0x0  }
0x1f: {  	s9 =	smul.u32 $0xF7A, s1;
	s8 =	simm.s32 @!p0 $0x1BF5;
	p2 =	por !p2, p0  }
0x20: {  	[sflag:s8] =	ssyncset.s32 @!p0 $0xFFFFF086;
	s6 =	sadd.s32 @!p0 s3, s7;
	s7 =	simm.s32 @!p0 $0x108  }
0x21: {  	s3 =	sadd.s32 s3, s9;
	s6 =	sadd.s32 @!p0 $0x88, s6;
	s7 =	simm.s32 @p2 $0x1082  }
0x22: {  	[simem:s7], [sflag:s8] =	dma.local @!p0 [hbm:s6], $0xF7A  }
0x23: {  	s9 =	sor.u32 $0xD0000000, s2;
	s6 =	simm.s32 $0x108;
	_ =	swait.ge @!p0 [sflag:s8], $0x0  }
0x24: {  	s3 =	sadd.s32 $0x88, s3;
	s6 =	simm.s32 @!p1 $0x1082;
	[sflag:s4] =	ssyncset.s32 $0xFFFFF086  }
0x25: {  	[simem:s6], [sflag:s4] =	dma.local [hbm:s3], $0xF7A  }
0x26: {  	[smem:$0x3F9B] =	sst s1;
	(tag) =	ssettag s2;
	_ =	strace s9  }
0x27: {  	s1 =	sld [smem:$0x3FAB]  }
0x28: {  	s2 =	sld [smem:$0x3FAC]  }
0x29: {  	s4 =	sld [smem:$0x3FAE]  }
0x2a: {  	p0 =	seq.s32 s5, $0x0;
	s5 =	sld [smem:$0x3FAF]  }
0x2b: {  	s6 =	sld [smem:$0x3FB0]  }
0x2c: {  	s7 =	sld [smem:$0x3FB1]  }
0x2d: {  	s3 =	simm.s32 $0x108;
	s8 =	sld [smem:$0x3FB2]  }
0x2e: {  	s3 =	simm.s32 @!p0 $0x1082;
	s9 =	sld [smem:$0x3FB3]  }
0x2f: {  	lr =	sadd.s32 s0, s3;
	s0 =	sld [smem:$0x3FAA]  }
0x30: {  	s3 =	sld [smem:$0x3FAD]  }
0x31: {  	[smem:$0x3FB6] =	sst s10  }
0x32: {  	s10 =	sld [smem:$0x3FB4];
	_ =	sdelay $0x3  }
0x33: {  	p0 =	seq.s32 s10, $0x1;
	s10 =	sld [smem:$0x3FB6];
	_ =	sdelay $0x3  }
0x34: {  	[smem:$0x3FB6] =	sst s10  }
0x35: {  	s10 =	sld [smem:$0x3FB5];
	_ =	sdelay $0x3  }
0x36: {  	p1 =	seq.s32 s10, $0x1;
	s10 =	sld [smem:$0x3FB6];
	_ =	sdelay $0x3  }
0x37: {  	[smem:$0x3FB6] =	sst s10  }
0x38: {  	s10 =	sld [smem:$0x3FB7]  }
0x39: {  	_ = 	snop;
	(pc) =	sbr.ind lr, $3  }
0x3a: {  	_ = 	snop  }
0x3b: {  	_ = 	snop  }
0x3c: {  	p2 =	seq.s32 s10, $0x1;
	s10 =	sld [smem:$0x3FB6]  }
0x3d: {  	_ =	shalt  }
0x3e: {  	_ =	shalt  }
0x3f: {  	_ =	shalt  }
0x40: {  	_ =	shalt  }
0x41: {  	_ =	shalt  }
0x42: {  	_ =	shalt  }
0x43: {  	_ =	shalt  }
0x44: {  	_ =	shalt  }
0x45: {  	_ =	shalt  }
0x46: {  	_ =	shalt  }
0x47: {  	_ =	shalt  }
0x48: {  	_ =	shalt  }
0x49: {  	_ =	shalt  }
0x4a: {  	_ =	shalt  }
0x4b: {  	_ =	shalt  }
0x4c: {  	_ =	shalt  }
0x4d: {  	_ =	shalt  }
0x4e: {  	_ =	shalt  }
0x4f: {  	_ =	shalt  }
0x50: {  	_ =	shalt  }
0x51: {  	_ =	shalt  }
0x52: {  	_ =	shalt  }
0x53: {  	_ =	shalt  }
0x54: {  	_ =	shalt  }
0x55: {  	_ =	shalt  }
0x56: {  	_ =	shalt  }
0x57: {  	_ =	shalt  }
0x58: {  	_ =	shalt  }
0x59: {  	_ =	shalt  }
0x5a: {  	_ =	shalt  }
0x5b: {  	_ =	shalt  }
0x5c: {  	_ =	shalt  }
0x5d: {  	_ =	shalt  }
0x5e: {  	_ =	shalt  }
0x5f: {  	_ =	shalt  }
0x60: {  	_ =	shalt  }
0x61: {  	_ =	shalt  }
0x62: {  	_ =	shalt  }
0x63: {  	_ =	shalt  }
0x64: {  	_ =	shalt  }
0x65: {  	_ =	shalt  }
0x66: {  	_ =	shalt  }
0x67: {  	_ =	shalt  }
0x68: {  	_ =	shalt  }
0x69: {  	_ =	shalt  }
0x6a: {  	_ =	shalt  }
0x6b: {  	_ =	shalt  }
0x6c: {  	_ =	shalt  }
0x6d: {  	_ =	shalt  }
0x6e: {  	_ =	shalt  }
0x6f: {  	_ =	shalt  }
0x70: {  	_ =	shalt  }
0x71: {  	_ =	shalt  }
0x72: {  	_ =	shalt  }
0x73: {  	_ =	shalt  }
0x74: {  	_ =	shalt  }
0x75: {  	_ =	shalt  }
0x76: {  	_ =	shalt  }
0x77: {  	_ =	shalt  }
0x78: {  	_ =	shalt  }
0x79: {  	_ =	shalt  }
0x7a: {  	_ =	shalt  }
0x7b: {  	_ =	shalt  }
0x7c: {  	_ =	shalt  }
0x7d: {  	_ =	shalt  }
0x7e: {  	_ =	shalt  }
0x7f: {  	_ =	shalt  }
0x80: {  	_ =	shalt  }
0x81: {  	_ =	shalt  }
0x82: {  	_ =	shalt  }
0x83: {  	_ =	shalt  }
0x84: {  	_ =	shalt  }
0x85: {  	_ =	shalt  }
0x86: {  	_ =	shalt  }
0x87: {  	_ =	shalt  }
.Lfunc_end0:
.L_simem_size_0:
called_computation.2_lowered:
.L_overlay_start_0:
0x88: {  	s2 =	sld [smem:$0x3FD9]  }
0x89: {  	s3 =	sld [smem:$0x3FFE];
	_ =	sdelay $0x1  }
0x8a: {  	s1 =	srdreg.scid  }
0x8b: {  	s0 =	sand.u32 $0x1, s1  }
0x8c: {  	s14 =	sshll.u32 s0, $0xA;
	s2 =	sadd.s32 s3, s2  }
0x8d: {  	s2 =	sadd.s32 s2, s14  }
0x8e: {  	[smem:$0x3FC2] =	sst s2  }
0x8f: {  	_ = 	snop  }
0x90: {  	s2 =	sld [smem:$0x3FD0];
	_ =	sdelay $0x2  }
0x91: {  	s15 =	simm.s32 $0xB;
	s4 =	simm.s32 $0x10  }
0x92: {  	[smem:s4], [sflag:s15] =	dma.local [hbm:s2], $0x1  }
0x93: {  	_ =	swait.eq [sflag:s15], $0x1  }
0x94: {  	[sflag:s15] =	ssyncset.done $0x0  }
0x95: {  	s16 =	sld [smem:$0x12];
	[sflag:s15] =	ssyncadd.s32 $0xFFFFFFFF  }
0x96: {  	s17 =	sld [smem:$0x14];
	(tm) =	ssettm $0x1  }
0x97: {  	s18 =	sld [smem:$0x3FFB];
	_ =	sdelay $0x3  }
0x98: {  	_ =	strace s18  }
0x99: {  	s4 =	sld [smem:$0x3FFC];
	_ =	sdelay $0x3  }
0x9a: {  	_ =	strace s4  }
0x9b: {  	s4 =	sld [smem:$0x3FFD];
	_ =	sdelay $0x3  }
0x9c: {  	_ =	strace s4  }
0x9d: {  	_ =	strace $0x8FFFFFFF  }
0x9e: {  	s19 =	sld [smem:$0x3FDB];
	_ =	sdelay $0x1  }
0x9f: {  	s5 =	simm.s32 $_scs_section_size  }
0xa0: {  	s6 =	simm.s32 $_size__tile_overlayer_lowered;
	s7 =	simm.s32 $_tile_overlayer_lowered  }
0xa1: {  	s22 =	simm.s32 $0x1BFF;
	s21 =	sshll.u32 s7, $0x1;
	s4 =	sadd.s32 s5, s19  }
0xa2: {  	s8 =	simm.s32 $0x0;
	s20 =	sshll.u32 s6, $0x1;
	s6 =	sadd.s32 s21, s4  }
0xa3: {  	[timem:s8], [sflag:s22] =	dma.local [hbm:s6], s20  }
0xa4: {  	_ =	swait.ge [sflag:s22], s20  }
0xa5: {  	s5 =	ssub.s32 $0x0, s20;
	[sflag:s22] =	ssyncset.done $0x0  }
0xa6: {  	[sflag:s22] =	ssyncadd.s32 s5;
	_ =	sdelay $0x1  }
0xa7: {  	s23 =	simm.s32 $0x1B8B  }
0xa8: {  	_ =	swait.ge [sflag:s23], $0x1  }
0xa9: {  	[sflag:s23] =	ssyncset.done $0x0  }
0xaa: {  	s25 =	simm.s32 $0x1B8E;
	s24 =	sld [smem:$0x3FFE];
	[sflag:s23] =	ssyncadd.s32 $0xFFFFFFFF  }
0xab: {  	s26 =	simm.s32 $execute0_lowered;
	[smem:$0x3FD2] =	sst s25  }
0xac: {  	s6 =	sshll.u32 s26, $0x1;
	_ =	strace $0x80000061;
	[dreg:$0x1] =	wrdreg $0xFFFFFFFF  }
0xad: {  	s28 =	simm.s32 $_size_execute0_lowered;
	s4 =	sadd.s32 s4, s6;
	[dreg:$0x0] =	wrdreg $0x0  }
0xae: {  	s6 =	sshll.u32 s28, $0x1;
	[dreg:$0x2] =	wrdreg s4  }
0xaf: {  	[dreg:$0x3] =	wrdreg s6  }
0xb0: {  	[dreg:$0x4] =	wrdreg $0xC0  }
0xb1: {  	_ =	task [dreg:s8], $0x5FFFF  }
0xb2: {  	[dreg:$0x1] =	wrdreg $0xFFFFFFFF  }
0xb3: {  	[dreg:$0x0] =	wrdreg $0x60  }
0xb4: {  	[dreg:$0x2] =	wrdreg s17  }
0xb5: {  	[dreg:$0x3] =	wrdreg s16  }
0xb6: {  	[dreg:$0x4] =	wrdreg s24  }
0xb7: {  	[dreg:$0x5] =	wrdreg $0x9  }
0xb8: {  	_ =	task.clear_ibuf [dreg:s8], $0x6FFFF;
	_ =	strace $0x90000061  }
0xb9: {  	s29 =	simm.s32 $0x9;
	_ =	strace $0x80000063  }
0xba: {  	_ =	swait.ge [sflag:s29], $0x1  }
0xbb: {  	[sflag:s29] =	ssyncadd.s32 $0xFFFFFFFF  }
0xbc: {  	_ =	strace $0x90000063  }
0xbd: {  	_ =	sfence  }
0xbe: {  	s30 =	sld [smem:$0x0];
	_ =	sdelay $0x2  }
0xbf: {  	s31 =	sshll.u32 s1, $0xD;
	s1 =	sshrl.u32 s1, $0x2  }
0xc0: {  	s3 =	sand.u32 $0x4000, s31;
	s1 =	sadd.s32 s1, s30  }
0xc1: {  	s0 =	sor.u32 s3, s0;
	s1 =	sshll.u32 s1, $0x11  }
0xc2: {  	s0 =	sor.u32 s1, s0  }
0xc3: {  	s0 =	sadd.s32 $0x8F2B, s0  }
0xc4: {  	[sflag:s0] =	ssyncadd.remote.s32 $0x1  }
0xc5: {  	_ =	sfence.sel $0xFFFF  }
0xc6: {  	[dreg:$0x0] =	wrdreg $0xFFFFFFFF;
	(pc) =	sbr.abs _section_cstart, $3  }
0xc7: {  	[dreg:$0x1] =	wrdreg $0xFFFFFFFF  }
0xc8: {  	_ =	task.clear_ibuf [dreg:s8], $0x2FFFF;
	_ =	strace $0x9FFFFFFF  }
0xc9: {  	(tm) =	ssettm $0x7FFFFFFF  }
tec
execute0_lowered:
.L_overlay_start_1:
0x0: {  	(tag) =	ssettag $0x1  }
0x1: {  	s1 =	srdreg.scid;
	s2 =	rddreg [dreg:$0x0]  }
0x2: {  	s0 =	stileid.u32;
	s3 =	rddreg [dreg:$0x1];
	s1 =	sshll.u32 s1, $0x5  }
0x3: {  	s6 =	rddreg [dreg:$0x2];
	s4 =	sshll.u32 s0, $0x6;
	s1 =	sand.u32 $0x20, s1  }
0x4: {  	s7 =	simm.s32 $0x1;
	s30 =	simm.s32 $0x2;
	s4 =	sor.u32 s4, s1  }
0x5: {  	s31 =	simm.s32 $0x3;
	s11 =	simm.s32 $0x0;
	s5 =	ssub.s32 $0x800, s4  }
0x6: {  	s9 =	simm.s32 $0x0;
	s6 =	sadd.s32 $0x400, s6;
	s8 =	sand.u32 $0x3E0, s5  }
0x7: {  	s1 =	rddreg [dreg:$0x3];
	_ =	strace $0x80000062;
	p0 =	sne.s32 s8, $0x0  }
0x8: {  	[sflag:s7] =	ssyncpa.u1 $0x0;
	s5 =	sshrl.u32 s5, $0xA;
	s7 =	simm.s32 @!p0 $0x0  }
0x9: {  	s10 =	smov.u32 s4;
	[sflag:s30] =	ssyncpa.u1 $0x0;
	s5 =	sadd.s32 s7, s5  }
0xa: {  	[sflag:s31] =	ssyncpa.u1 $0x0;
	s8 =	simm.s32 $0x0;
	s7 =	sadd.s32 $0x1, s5  }
.LBB2_1:
0xb: {  	p0 =	sge.u32 s9, s5  }
0xc: {  	s31 =	sadd.s32 $0xFFFFFFFF, s9;
	s12 =	sxor.u32 @!p0 $0xFFFFFFFF, s8;
	s13 =	sshrl.u32 @!p0 s10, $0x3  }
0xd: {  	s14 =	sand.u32 @!p0 $0x7, s10;
	s12 =	sand.u32 @!p0 $0x20, s12;
	s13 =	sadd.s32 @!p0 s3, s13  }
0xe: {  	[tilespmem:s12], [sflag:$0x2] =	stream.linear.gather @!p0 [hbm4b:s13+s14], $0x20, $0x38;
	[tilespmem:$0x80] =	vst v63  }
0xf: {  	p0 =	sge.u32 s31, s5  }
0x10: {  	s12 =	simm.s32 @!p0 $0x2  }
0x11: {  	_ =	swait.ge @!p0 [sflag:s12], $0x20  }
0x12: {  	[sflag:s12] =	ssyncset.done @!p0 $0x0  }
0x13: {  	[sflag:s12] =	ssyncadd.s32 @!p0 $0xFFFFFFE0;
	s12 =	sand.u32 @!p0 $0x20, s8  }
0x14: {  	(ifvalue) =	ssetifvalue @!p0 $0x7FFFFFFF;
	v0 =	vld.msk @!p0 [tilespmem:s12+$0x0 ss:$0x1], $0xffff;
	_ =	sdelay $0x4  }
0x15: {  	vm0 =	vgt.s32 @!p0 v0, $0x0  }
0x16: {  	v0 =	vnsel @!p0 vm0, $0x0, v0  }
0x17: {  	v0 =	vmin.u32 @!p0 v0, $0xFFF;
	_ =	sdelay $0x2  }
0x18: {  	s14 =	simm.s32 @!p0 $0x0  }
0x19: {  	s13 =	sor.u32 @!p0 $0x40, s12;
	(ifvalue) =	ssetifvalue @!p0 $0x7FFFFFFF;
	s15 =	sor.u32 @!p0 $0x10, s12;
	vm0 =	vmmov @!p0 $0xffff  }
0x1a: {  	[tilespmem:s13], [sflag:$0x1] =	stream.indirect_vreg.gather @!p0 [hbm4b:s2+s14], $0x1, v0, vm0, $0x4038;
	[tilespmem:$0x80] =	vst v63  }
0x1b: {  	v0 =	vld.msk @!p0 [tilespmem:s15+$0x0 ss:$0x1], $0xffff;
	_ =	sdelay $0x4  }
0x1c: {  	vm1 =	vgt.s32 @!p0 v0, $0x0  }
0x1d: {  	v0 =	vnsel @!p0 vm1, $0x0, v0  }
0x1e: {  	v0 =	vmin.u32 @!p0 v0, $0xFFF;
	_ =	sdelay $0x3  }
0x1f: {  	s12 =	sor.u32 @!p0 $0x50, s12;
	(ifvalue) =	ssetifvalue @!p0 $0x7FFFFFFF  }
0x20: {  	[tilespmem:s12], [sflag:$0x1] =	stream.indirect_vreg.gather @!p0 [hbm4b:s2+s14], $0x1, v0, vm0, $0x4038;
	[tilespmem:$0x80] =	vst v63  }
0x21: {  	s12 =	simm.s32 @!p0 $0x1  }
0x22: {  	_ =	swait.ge @!p0 [sflag:s12], $0x20  }
0x23: {  	s14 =	sshrl.u32 @!p0 s11, $0x3;
	[sflag:s12] =	ssyncset.done @!p0 $0x0  }
0x24: {  	s11 =	sand.u32 @!p0 $0x7, s11;
	[sflag:s12] =	ssyncadd.s32 @!p0 $0xFFFFFFE0;
	s12 =	sadd.s32 @!p0 s6, s14  }
0x25: {  	[hbm4b:s12+s11] =	stream.linear.scatter @!p0 [tilespmem:s13], [sflag:$0x3], $0x20, $0x38;
	[tilespmem:$0x80] =	vst v63  }
0x26: {  	s13 =	sadd.s32 $0x400, s10  }
0x27: {  	p1 =	sgt.s32 s13, $0x7FF  }
0x28: {  	s13 =	smov.u32 @p1 s4;
	p1 =	sne.s32 s9, s7  }
.Ltmp0:
0x29: {  	p0 =	slt.u32 s9, $0x2;
	(pc) =	sbr.rel @p1 .LBB2_1-.Ltmp0, $4  }
0x2a: {  	s12 =	simm.s32 @!p0 $0x3  }
0x2b: {  	_ =	swait.ge @!p0 [sflag:s12], $0x20  }
0x2c: {  	s8 =	sadd.s32 $0x20, s8;
	s11 =	smov.u32 s10;
	[sflag:s12] =	ssyncset.done @!p0 $0x0  }
0x2d: {  	s9 =	sadd.s32 $0x1, s9;
	s10 =	smov.u32 s13;
	[sflag:s12] =	ssyncadd.s32 @!p0 $0xFFFFFFE0  }
0x2e: {  	_ =	sfence.sel $0x180000  }
0x2f: {  	s2 =	simm.s32 $0x2;
	[bflag:$0x0] =	sbarrier.arrive $0xFFFF  }
0x30: {  	s30 =	simm.s32 $0x3;
	[sflag:s2] =	ssyncpa.u1 $0x1  }
0x31: {  	s31 =	simm.s32 $0x1;
	[sflag:s30] =	ssyncpa.u1 $0x1  }
0x32: {  	[sflag:s31] =	ssyncpa.u1 $0x1  }
0x33: {  	p0 =	sne.s32 s0, $0x0;
	_ =	strace $0x90000062  }
0x34: {  	s0 =	sadd.s32 @!p0 $0x100000, s1;
	[bflag:$0x2] =	sbarrier.arrive $0xFFFF  }
0x35: {  	[sflag:s0] =	ssyncadd.tile.s32 @!p0 $0x1;
	_ =	shalt  }
.Lfunc_end2:
_tile_overlayer_lowered:
.L_overlay_start_2:
0x36: {  	(tag) =	ssettag $0x2  }
0x37: {  	s0 =	rddreg [dreg:$0x0];
	s2 =	stileid.u32  }
0x38: {  	s1 =	rddreg [dreg:$0x1];
	p0 =	sne.s32 s2, $0x0  }
0x39: {  	s3 =	rddreg [dreg:$0x2];
	[bflag:$0x3] =	sbarrier.arrive $0xFFFF;
	s2 =	simm.s32 @!p0 $0x1C01  }
0x3a: {  	[timem:s3], [sflag:s2] =	dma.local @!p0 [hbm:s0], s1  }
0x3b: {  	s0 =	simm.s32 @!p0 $0x1  }
0x3c: {  	_ =	swait.ge @!p0 [sflag:s0], s1  }
0x3d: {  	s1 =	ssub.s32 @!p0 $0x0, s1;
	[sflag:s0] =	ssyncset.done @!p0 $0x0  }
0x3e: {  	[sflag:s0] =	ssyncadd.s32 @!p0 s1  }
0x3f: {  	[bflag:$0x3] =	sbarrier.arrive $0xFFFF  }
0x40: {  	_ =	shalt  }

// kernel: kernel.3.cloned.1.call-start
scs
__scs_entry_jumppad:
0x0: {  	(pc) =	sbr.rel $0x88, $3  }
0x1: {  	(tag) =	ssettag $0x0;
	lr =	simm.s32 $0x1  }
0x2: {  	[smem:$0x3F9B] =	sst lr;
	_ =	strace $0xD0000000  }
0x3: {  	_ = 	snop  }
0x4: {  	_ = 	snop  }
0x5: {  	_ = 	snop  }
0x6: {  	_ = 	snop  }
0x7: {  	_ = 	snop  }
__scs_overlays_trampoline_lowered:
0x8: {  	[smem:$0x3FAA] =	sst s0  }
0x9: {  	[smem:$0x3FAB] =	sst s1  }
0xa: {  	[smem:$0x3FAC] =	sst s2  }
0xb: {  	[smem:$0x3FAD] =	sst s3  }
0xc: {  	[smem:$0x3FAE] =	sst s4  }
0xd: {  	[smem:$0x3FAF] =	sst s5  }
0xe: {  	[smem:$0x3FB0] =	sst s6  }
0xf: {  	[smem:$0x3FB1] =	sst s7  }
0x10: {  	[smem:$0x3FB2] =	sst s8  }
0x11: {  	[smem:$0x3FB3] =	sst s9;
	s0 =	simm.s32 @!p0 $0x0  }
0x12: {  	s1 =	sld [smem:$0x3F99];
	s0 =	simm.s32 @p0 $0x1  }
0x13: {  	[smem:$0x3FB4] =	sst s0;
	s0 =	simm.s32 @!p1 $0x0  }
0x14: {  	s2 =	sld [smem:$0x3F98];
	s0 =	simm.s32 @p1 $0x1  }
0x15: {  	[smem:$0x3FB5] =	sst s0;
	s0 =	simm.s32 @!p2 $0x0  }
0x16: {  	s3 =	sld [smem:$0x3FDB];
	s0 =	simm.s32 @p2 $0x1  }
0x17: {  	s4 =	simm.s32 $0x1BF5;
	[smem:$0x3FB7] =	sst s0  }
0x18: {  	s0 =	sld [smem:$0x3F9A];
	_ =	swait.ge [sflag:s4], $0x0  }
0x19: {  	s7 =	sld [smem:$0x3F9B]  }
0x1a: {  	s8 =	sadd.s32 $0xFFFFE003, lr  }
0x1b: {  	s9 =	sadd.s32 $0xFFFFFEF7, lr;
	s5 =	simm.s32 $0xFFFFFFFF;
	p2 =	slt.u32 s8, $0xFFFFF086  }
0x1c: {  	p1 =	slt.u32 s9, $0xF7A;
	s5 =	simm.s32 @!p2 $0x0  }
0x1d: {  	s5 =	simm.s32 @p1 $0x1;
	p0 =	seq.s32 s7, s2  }
0x1e: {  	s7 =	smul.u32 @!p0 $0xF7A, s2;
	p2 =	seq.s32 @!p0 s5, $0x0  }
0x1f: {  	s9 =	smul.u32 $0xF7A, s1;
	s8 =	simm.s32 @!p0 $0x1BF5;
	p2 =	por !p2, p0  }
0x20: {  	[sflag:s8] =	ssyncset.s32 @!p0 $0xFFFFF086;
	s6 =	sadd.s32 @!p0 s3, s7;
	s7 =	simm.s32 @!p0 $0x108  }
0x21: {  	s3 =	sadd.s32 s3, s9;
	s6 =	sadd.s32 @!p0 $0x88, s6;
	s7 =	simm.s32 @p2 $0x1082  }
0x22: {  	[simem:s7], [sflag:s8] =	dma.local @!p0 [hbm:s6], $0xF7A  }
0x23: {  	s9 =	sor.u32 $0xD0000000, s2;
	s6 =	simm.s32 $0x108;
	_ =	swait.ge @!p0 [sflag:s8], $0x0  }
0x24: {  	s3 =	sadd.s32 $0x88, s3;
	s6 =	simm.s32 @!p1 $0x1082;
	[sflag:s4] =	ssyncset.s32 $0xFFFFF086  }
0x25: {  	[simem:s6], [sflag:s4] =	dma.local [hbm:s3], $0xF7A  }
0x26: {  	[smem:$0x3F9B] =	sst s1;
	(tag) =	ssettag s2;
	_ =	strace s9  }
0x27: {  	s1 =	sld [smem:$0x3FAB]  }
0x28: {  	s2 =	sld [smem:$0x3FAC]  }
0x29: {  	s4 =	sld [smem:$0x3FAE]  }
0x2a: {  	p0 =	seq.s32 s5, $0x0;
	s5 =	sld [smem:$0x3FAF]  }
0x2b: {  	s6 =	sld [smem:$0x3FB0]  }
0x2c: {  	s7 =	sld [smem:$0x3FB1]  }
0x2d: {  	s3 =	simm.s32 $0x108;
	s8 =	sld [smem:$0x3FB2]  }
0x2e: {  	s3 =	simm.s32 @!p0 $0x1082;
	s9 =	sld [smem:$0x3FB3]  }
0x2f: {  	lr =	sadd.s32 s0, s3;
	s0 =	sld [smem:$0x3FAA]  }
0x30: {  	s3 =	sld [smem:$0x3FAD]  }
0x31: {  	[smem:$0x3FB6] =	sst s10  }
0x32: {  	s10 =	sld [smem:$0x3FB4];
	_ =	sdelay $0x3  }
0x33: {  	p0 =	seq.s32 s10, $0x1;
	s10 =	sld [smem:$0x3FB6];
	_ =	sdelay $0x3  }
0x34: {  	[smem:$0x3FB6] =	sst s10  }
0x35: {  	s10 =	sld [smem:$0x3FB5];
	_ =	sdelay $0x3  }
0x36: {  	p1 =	seq.s32 s10, $0x1;
	s10 =	sld [smem:$0x3FB6];
	_ =	sdelay $0x3  }
0x37: {  	[smem:$0x3FB6] =	sst s10  }
0x38: {  	s10 =	sld [smem:$0x3FB7]  }
0x39: {  	_ = 	snop;
	(pc) =	sbr.ind lr, $3  }
0x3a: {  	_ = 	snop  }
0x3b: {  	_ = 	snop  }
0x3c: {  	p2 =	seq.s32 s10, $0x1;
	s10 =	sld [smem:$0x3FB6]  }
0x3d: {  	_ =	shalt  }
0x3e: {  	_ =	shalt  }
0x3f: {  	_ =	shalt  }
0x40: {  	_ =	shalt  }
0x41: {  	_ =	shalt  }
0x42: {  	_ =	shalt  }
0x43: {  	_ =	shalt  }
0x44: {  	_ =	shalt  }
0x45: {  	_ =	shalt  }
0x46: {  	_ =	shalt  }
0x47: {  	_ =	shalt  }
0x48: {  	_ =	shalt  }
0x49: {  	_ =	shalt  }
0x4a: {  	_ =	shalt  }
0x4b: {  	_ =	shalt  }
0x4c: {  	_ =	shalt  }
0x4d: {  	_ =	shalt  }
0x4e: {  	_ =	shalt  }
0x4f: {  	_ =	shalt  }
0x50: {  	_ =	shalt  }
0x51: {  	_ =	shalt  }
0x52: {  	_ =	shalt  }
0x53: {  	_ =	shalt  }
0x54: {  	_ =	shalt  }
0x55: {  	_ =	shalt  }
0x56: {  	_ =	shalt  }
0x57: {  	_ =	shalt  }
0x58: {  	_ =	shalt  }
0x59: {  	_ =	shalt  }
0x5a: {  	_ =	shalt  }
0x5b: {  	_ =	shalt  }
0x5c: {  	_ =	shalt  }
0x5d: {  	_ =	shalt  }
0x5e: {  	_ =	shalt  }
0x5f: {  	_ =	shalt  }
0x60: {  	_ =	shalt  }
0x61: {  	_ =	shalt  }
0x62: {  	_ =	shalt  }
0x63: {  	_ =	shalt  }
0x64: {  	_ =	shalt  }
0x65: {  	_ =	shalt  }
0x66: {  	_ =	shalt  }
0x67: {  	_ =	shalt  }
0x68: {  	_ =	shalt  }
0x69: {  	_ =	shalt  }
0x6a: {  	_ =	shalt  }
0x6b: {  	_ =	shalt  }
0x6c: {  	_ =	shalt  }
0x6d: {  	_ =	shalt  }
0x6e: {  	_ =	shalt  }
0x6f: {  	_ =	shalt  }
0x70: {  	_ =	shalt  }
0x71: {  	_ =	shalt  }
0x72: {  	_ =	shalt  }
0x73: {  	_ =	shalt  }
0x74: {  	_ =	shalt  }
0x75: {  	_ =	shalt  }
0x76: {  	_ =	shalt  }
0x77: {  	_ =	shalt  }
0x78: {  	_ =	shalt  }
0x79: {  	_ =	shalt  }
0x7a: {  	_ =	shalt  }
0x7b: {  	_ =	shalt  }
0x7c: {  	_ =	shalt  }
0x7d: {  	_ =	shalt  }
0x7e: {  	_ =	shalt  }
0x7f: {  	_ =	shalt  }
0x80: {  	_ =	shalt  }
0x81: {  	_ =	shalt  }
0x82: {  	_ =	shalt  }
0x83: {  	_ =	shalt  }
0x84: {  	_ =	shalt  }
0x85: {  	_ =	shalt  }
0x86: {  	_ =	shalt  }
0x87: {  	_ =	shalt  }
.Lfunc_end0:
.L_simem_size_0:
called_computation.9_lowered:
.L_overlay_start_0:
0x88: {  	s2 =	sld [smem:$0x3FD9]  }
0x89: {  	s3 =	sld [smem:$0x3FFE];
	_ =	sdelay $0x1  }
0x8a: {  	s1 =	srdreg.scid  }
0x8b: {  	s0 =	sand.u32 $0x1, s1  }
0x8c: {  	s14 =	sshll.u32 s0, $0xA;
	s2 =	sadd.s32 s3, s2  }
0x8d: {  	s2 =	sadd.s32 s2, s14  }
0x8e: {  	[smem:$0x3FC2] =	sst s2  }
0x8f: {  	_ = 	snop  }
0x90: {  	s2 =	sld [smem:$0x3FD0]  }
0x91: {  	s15 =	sld [smem:$0x3FC9]  }
0x92: {  	s4 =	sld [smem:$0x3FC8]  }
0x93: {  	s6 =	simm.s32 $0xB;
	s7 =	simm.s32 $0x10;
	s5 =	sld [smem:$0x3FC7]  }
0x94: {  	[smem:s7], [sflag:s6] =	dma.local [hbm:s2], $0x1  }
0x95: {  	_ =	swait.eq [sflag:s6], $0x1  }
0x96: {  	s16 =	sld [smem:$0x10]  }
0x97: {  	s17 =	sld [smem:$0x11];
	[sflag:s6] =	ssyncset.done $0x0  }
0x98: {  	s8 =	sld [smem:$0x12];
	[sflag:s6] =	ssyncadd.s32 $0xFFFFFFFF  }
0x99: {  	s18 =	sld [smem:$0x14];
	(tm) =	ssettm $0x1  }
0x9a: {  	s9 =	sld [smem:$0x3FFB];
	_ =	sdelay $0x3  }
0x9b: {  	_ =	strace s9  }
0x9c: {  	s9 =	sld [smem:$0x3FFC];
	_ =	sdelay $0x3  }
0x9d: {  	_ =	strace s9  }
0x9e: {  	s9 =	sld [smem:$0x3FFD];
	_ =	sdelay $0x3  }
0x9f: {  	_ =	strace s9  }
0xa0: {  	_ =	strace $0x8FFFFFFF  }
0xa1: {  	s19 =	sld [smem:$0x3FDB];
	_ =	sdelay $0x1  }
0xa2: {  	s10 =	simm.s32 $_scs_section_size  }
0xa3: {  	s11 =	simm.s32 $_size__tile_overlayer_lowered;
	s12 =	simm.s32 $_tile_overlayer_lowered  }
0xa4: {  	s22 =	simm.s32 $0x1BFF;
	s21 =	sshll.u32 s12, $0x1;
	s9 =	sadd.s32 s10, s19  }
0xa5: {  	s13 =	simm.s32 $0x0;
	s20 =	sshll.u32 s11, $0x1;
	s11 =	sadd.s32 s21, s9  }
0xa6: {  	[timem:s13], [sflag:s22] =	dma.local [hbm:s11], s20  }
0xa7: {  	_ =	swait.ge [sflag:s22], s20  }
0xa8: {  	s10 =	ssub.s32 $0x0, s20;
	[sflag:s22] =	ssyncset.done $0x0  }
0xa9: {  	[sflag:s22] =	ssyncadd.s32 s10;
	_ =	sdelay $0x1  }
0xaa: {  	s23 =	simm.s32 $0x1B8B  }
0xab: {  	_ =	swait.ge [sflag:s23], $0x1  }
0xac: {  	[sflag:s23] =	ssyncset.done $0x0  }
0xad: {  	s25 =	simm.s32 $0x1B8E;
	s24 =	sld [smem:$0x3FFE];
	[sflag:s23] =	ssyncadd.s32 $0xFFFFFFFF  }
0xae: {  	s26 =	simm.s32 $execute0_lowered;
	[smem:$0x3FD2] =	sst s25  }
0xaf: {  	s11 =	sshll.u32 s26, $0x1;
	_ =	strace $0x8000005E;
	[dreg:$0x1] =	wrdreg $0xFFFFFFFF  }
0xb0: {  	s28 =	simm.s32 $_size_execute0_lowered;
	s9 =	sadd.s32 s9, s11;
	[dreg:$0x0] =	wrdreg $0x0  }
0xb1: {  	s11 =	sshll.u32 s28, $0x1;
	[dreg:$0x2] =	wrdreg s9  }
0xb2: {  	[dreg:$0x3] =	wrdreg s11  }
0xb3: {  	[dreg:$0x4] =	wrdreg $0xC0  }
0xb4: {  	_ =	task [dreg:s13], $0x5FFFF  }
0xb5: {  	[dreg:$0x1] =	wrdreg $0xFFFFFFFF  }
0xb6: {  	[dreg:$0x0] =	wrdreg $0x60  }
0xb7: {  	[dreg:$0x2] =	wrdreg s15  }
0xb8: {  	[dreg:$0x3] =	wrdreg s4  }
0xb9: {  	[dreg:$0x4] =	wrdreg s5  }
0xba: {  	[dreg:$0x5] =	wrdreg s24  }
0xbb: {  	[dreg:$0x6] =	wrdreg s18  }
0xbc: {  	[dreg:$0x7] =	wrdreg s16  }
0xbd: {  	[dreg:$0x8] =	wrdreg s17  }
0xbe: {  	[dreg:$0x9] =	wrdreg s8  }
0xbf: {  	[dreg:$0xa] =	wrdreg $0x9  }
0xc0: {  	_ =	task.clear_ibuf [dreg:s13], $0xBFFFF;
	_ =	strace $0x9000005E  }
0xc1: {  	s29 =	simm.s32 $0x9;
	_ =	strace $0x80000060  }
0xc2: {  	_ =	swait.ge [sflag:s29], $0x1  }
0xc3: {  	[sflag:s29] =	ssyncadd.s32 $0xFFFFFFFF  }
0xc4: {  	_ =	strace $0x90000060  }
0xc5: {  	_ =	sfence  }
0xc6: {  	s30 =	sld [smem:$0x0];
	_ =	sdelay $0x2  }
0xc7: {  	s31 =	sshll.u32 s1, $0xD;
	s1 =	sshrl.u32 s1, $0x2  }
0xc8: {  	s3 =	sand.u32 $0x4000, s31;
	s1 =	sadd.s32 s1, s30  }
0xc9: {  	s0 =	sor.u32 s3, s0;
	s1 =	sshll.u32 s1, $0x11  }
0xca: {  	s0 =	sor.u32 s1, s0  }
0xcb: {  	s0 =	sadd.s32 $0x8F2B, s0  }
0xcc: {  	[sflag:s0] =	ssyncadd.remote.s32 $0x1  }
0xcd: {  	_ =	sfence.sel $0xFFFF  }
0xce: {  	[dreg:$0x0] =	wrdreg $0xFFFFFFFF;
	(pc) =	sbr.abs _section_cstart, $3  }
0xcf: {  	[dreg:$0x1] =	wrdreg $0xFFFFFFFF  }
0xd0: {  	_ =	task.clear_ibuf [dreg:s13], $0x2FFFF;
	_ =	strace $0x9FFFFFFF  }
0xd1: {  	(tm) =	ssettm $0x7FFFFFFF  }
tec
execute0_lowered:
.L_overlay_start_1:
0x0: {  	(tag) =	ssettag $0x1  }
0x1: {  	s3 =	rddreg [dreg:$0x0]  }
0x2: {  	s0 =	rddreg [dreg:$0x1]  }
0x3: {  	s1 =	rddreg [dreg:$0x2]  }
0x4: {  	s6 =	rddreg [dreg:$0x3]  }
0x5: {  	s7 =	rddreg [dreg:$0x4]  }
0x6: {  	s15 =	rddreg [dreg:$0x5]  }
0x7: {  	s4 =	rddreg [dreg:$0x6]  }
0x8: {  	s2 =	rddreg [dreg:$0x7]  }
0x9: {  	s8 =	srdreg.scid;
	s5 =	simm.s32 $0x0;
	s9 =	stileid.u32  }
0xa: {  	s30 =	simm.s32 $0x1;
	s31 =	simm.s32 $0x2;
	s8 =	sand.u32 $0x1, s8  }
0xb: {  	[smem:$0x7FF] =	sst s5;
	s9 =	sshll.u32 s9, $0x8;
	s25 =	sadd.s32 $0x1400, s6  }
0xc: {  	s10 =	sshll.u32 s8, $0x7;
	_ =	strace $0x8000005F;
	s8 =	ssub.s32 $0x2, s8  }
0xd: {  	[dreg:$0x9] =	wrdreg s25;
	s9 =	sor.u32 s10, s9;
	s20 =	sshrl.u32 s8, $0x1  }
0xe: {  	s11 =	sshll.u32 s9, $0x4;
	s14 =	sshrl.u32 s9, $0x3;
	s26 =	sshll.u32 s9, $0x8  }
0xf: {  	s28 =	sshll.u32 s9, $0x7;
	s9 =	sadd.s32 $0x400, s3;
	s6 =	sadd.s32 s11, s6  }
0x10: {  	s7 =	sadd.s32 s7, s14;
	s29 =	smul.u32 $0x300, s14;
	s10 =	sadd.s32 s4, s28  }
0x11: {  	s12 =	sor.u32 $0x2, s14;
	s19 =	sor.u32 $0x4, s14;
	[dreg:$0xa] =	wrdreg s7  }
0x12: {  	s24 =	sor.u32 $0x6, s14;
	s6 =	sadd.s32 $0x11400, s6;
	[dreg:$0xd] =	wrdreg s10  }
0x13: {  	s13 =	sshll.u32 s12, $0xB;
	s16 =	sshll.u32 s12, $0xA;
	s7 =	smul.u32 $0x300, s12  }
0x14: {  	s21 =	sshll.u32 s19, $0xB;
	[dreg:$0xb] =	wrdreg s6;
	s6 =	sadd.s32 s15, s26  }
0x15: {  	s22 =	sshll.u32 s19, $0xA;
	s11 =	sadd.s32 s2, s29;
	[dreg:$0xc] =	wrdreg s6  }
0x16: {  	s25 =	sshll.u32 s24, $0xB;
	s17 =	sadd.s32 s4, s16;
	[dreg:$0xe] =	wrdreg s11  }
0x17: {  	s28 =	sshll.u32 s24, $0xA;
	s23 =	sadd.s32 s4, s22;
	[dreg:$0x10] =	wrdreg s17  }
0x18: {  	s26 =	sadd.s32 s15, s25;
	s29 =	sadd.s32 s4, s28;
	[dreg:$0x13] =	wrdreg s23  }
0x19: {  	s6 =	sadd.s32 s15, s13;
	s18 =	sadd.s32 s2, s7;
	[dreg:$0x15] =	wrdreg s26  }
0x1a: {  	s7 =	smul.u32 $0x300, s19;
	[dreg:$0x16] =	wrdreg s29;
	s11 =	sor.u32 $0x8, s14  }
0x1b: {  	s19 =	sor.u32 $0xA, s14;
	s23 =	sor.u32 $0xC, s14;
	[dreg:$0xf] =	wrdreg s6  }
0x1c: {  	s26 =	sor.u32 $0xE, s14;
	s14 =	sadd.s32 $0x200, s0;
	[dreg:$0x11] =	wrdreg s18  }
0x1d: {  	s6 =	sadd.s32 s15, s21;
	s18 =	ssub.s32 s8, s20;
	s8 =	smul.u32 $0x300, s24  }
0x1e: {  	s12 =	sshll.u32 s11, $0xB;
	s20 =	sshll.u32 s19, $0xB;
	s24 =	sshll.u32 s23, $0xB  }
0x1f: {  	s28 =	sshll.u32 s26, $0xB;
	s29 =	sshll.u32 s26, $0xA;
	[dreg:$0x12] =	wrdreg s6  }
0x20: {  	s7 =	sadd.s32 s2, s7;
	s6 =	sadd.s32 $0x100, s3;
	s13 =	sadd.s32 s15, s12  }
0x21: {  	s12 =	sshll.u32 s11, $0xA;
	[dreg:$0x14] =	wrdreg s7;
	s7 =	sadd.s32 $0x200, s3  }
0x22: {  	s10 =	sadd.s32 s2, s8;
	s8 =	sadd.s32 $0x300, s3;
	[dreg:$0x18] =	wrdreg s13  }
0x23: {  	s16 =	sadd.s32 s4, s12;
	s13 =	sadd.s32 s15, s20;
	[dreg:$0x17] =	wrdreg s10  }
0x24: {  	s12 =	smul.u32 $0x300, s19;
	[dreg:$0x19] =	wrdreg s16;
	s16 =	sshll.u32 s19, $0xA  }
0x25: {  	s10 =	smul.u32 $0x300, s11;
	[dreg:$0x1b] =	wrdreg s13;
	s21 =	sadd.s32 s4, s16  }
0x26: {  	s19 =	sshll.u32 s23, $0xA;
	s22 =	sadd.s32 s2, s12;
	[dreg:$0x1c] =	wrdreg s21  }
0x27: {  	s11 =	sadd.s32 $0x600, s3;
	s25 =	sadd.s32 s4, s19;
	[dreg:$0x1d] =	wrdreg s22  }
0x28: {  	s13 =	sadd.s32 $0x100, s0;
	s4 =	sadd.s32 s4, s29;
	[dreg:$0x1f] =	wrdreg s25  }
0x29: {  	s16 =	smul.u32 $0x300, s23;
	s17 =	sadd.s32 s2, s10;
	[smem:$0x7FC] =	sst s4  }
0x2a: {  	s12 =	sadd.s32 $0x700, s3;
	[dreg:$0x1a] =	wrdreg s17;
	s17 =	sadd.s32 s15, s24  }
0x2b: {  	s19 =	simm.s32 $0x5;
	s16 =	sadd.s32 s2, s16;
	[dreg:$0x1e] =	wrdreg s17  }
0x2c: {  	s10 =	sadd.s32 $0x500, s3;
	[smem:$0x7FA] =	sst s16;
	s17 =	smul.u32 $0x300, s26  }
0x2d: {  	v2 =	vlaneseq.u32;
	s16 =	sadd.s32 s15, s28;
	s15 =	sadd.s32 $0x300, s0;
	s0 =	smax.u32 s18, $0x1  }
0x2e: {  	vm0 =	vmmov $0xffff;
	v1 =	vshrl.u32 v2, $0x3;
	[smem:$0x7FB] =	sst s16;
	s16 =	sadd.s32 $0x100, s1;
	s2 =	sadd.s32 s2, s17  }
0x2f: {  	v0 =	vand.u32 $0x7, v2;
	v2 =	vor.u32 $0x8, v2;
	v1 =	vmul.u32 $0x8, v1;
	s17 =	sadd.s32 $0x200, s1;
	[smem:$0x7FD] =	sst s2;
	s2 =	simm.s32 $0x3  }
.LBB2_1:
0x30: {  	[smem:$0x7F9] =	sst s0  }
0x31: {  	s4 =	rddreg [dreg:$0xa]  }
0x32: {  	[tilespmem:s5], [sflag:$0x5] =	stream.linear.gather [hbm4b:s4+s5], $0x80, $0x38;
	[tilespmem:$0x13080] =	vst v63  }
0x33: {  	_ =	swait.ge [sflag:s19], $0x80  }
0x34: {  	s21 =	simm.s32 $0xF080;
	[sflag:s19] =	ssyncset.done $0x0  }
0x35: {  	s23 =	simm.s32 $0x80;
	s22 =	rddreg [dreg:$0x9];
	[sflag:s19] =	ssyncadd.s32 $0xFFFFFF80  }
0x36: {  	[tilespmem:s21], [sflag:$0x4] =	stream.indirect.gather [hbm4b:s22+s23], $0x80, s5, s23, $0xb8;
	[tilespmem:$0x13080] =	vst v63  }
0x37: {  	s23 =	simm.s32 $0x4  }
0x38: {  	_ =	swait.ge [sflag:s23], $0x4000  }
0x39: {  	[sflag:s23] =	ssyncset.done $0x0  }
0x3a: {  	s25 =	rddreg [dreg:$0xb];
	[sflag:s23] =	ssyncadd.s32 $0xFFFFC000  }
0x3b: {  	[hbm4b:s25+s5] =	stream.linear.scatter [tilespmem:s21], [sflag:$0x5], $0x4000, $0x38;
	[tilespmem:$0x13080] =	vst v63  }
0x3c: {  	_ =	swait.ge [sflag:s19], $0x4000  }
0x3d: {  	[sflag:s19] =	ssyncset.done $0x0  }
0x3e: {  	[sflag:s19] =	ssyncadd.s32 $0xFFFFC000  }
0x3f: {  	v3 =	vld [tilespmem:$0x0];
	_ =	sdelay $0x4  }
0x40: {  	v4 =	vshrl.u32 v3, $0x3  }
0x41: {  	v3 =	vand.u32 $0x7, v3;
	v5 =	vshll.u32 v4, $0x7  }
0x42: {  	v5 =	vor.u32 v3, v5  }
0x43: {  	v6 =	vperm.xlane v5, v0;
	_ =	sdelay $0x1  }
0x44: {  	v6 =	vadd.s32 v1, v6;
	_ =	sdelay $0x3  }
0x45: {  	s24 =	simm.s32 $0x80;
	s23 =	rddreg [dreg:$0x0]  }
0x46: {  	[tilespmem:s24], [sflag:$0x1] =	stream.indirect_vreg.gather [hbm4b:s23+s5], $0x80, v6, vm0, $0xb8;
	[tilespmem:$0x13080] =	vst v63  }
0x47: {  	s26 =	simm.s32 $0x880  }
0x48: {  	[tilespmem:s26], [sflag:$0x1] =	stream.indirect_vreg.gather [hbm4b:s6+s5], $0x80, v6, vm0, $0xb8;
	[tilespmem:$0x13080] =	vst v63  }
0x49: {  	s28 =	simm.s32 $0x1080  }
0x4a: {  	[tilespmem:s28], [sflag:$0x1] =	stream.indirect_vreg.gather [hbm4b:s7+s5], $0x80, v6, vm0, $0xb8;
	[tilespmem:$0x13080] =	vst v63  }
0x4b: {  	s3 =	simm.s32 $0x1880  }
0x4c: {  	[tilespmem:s3], [sflag:$0x1] =	stream.indirect_vreg.gather [hbm4b:s8+s5], $0x80, v6, vm0, $0xb8;
	[tilespmem:$0x13080] =	vst v63  }
0x4d: {  	s29 =	simm.s32 $0x2080  }
0x4e: {  	[tilespmem:s29], [sflag:$0x1] =	stream.indirect_vreg.gather [hbm4b:s9+s5], $0x80, v6, vm0, $0xb8;
	[tilespmem:$0x13080] =	vst v63  }
0x4f: {  	s0 =	simm.s32 $0x2880;
	v5 =	vperm.xlane v5, v2  }
0x50: {  	[tilespmem:s0], [sflag:$0x1] =	stream.indirect_vreg.gather [hbm4b:s10+s5], $0x80, v6, vm0, $0xb8;
	[tilespmem:$0x13080] =	vst v63  }
0x51: {  	s1 =	simm.s32 $0x3080;
	v5 =	vadd.s32 v1, v5  }
0x52: {  	[tilespmem:s1], [sflag:$0x1] =	stream.indirect_vreg.gather [hbm4b:s11+s5], $0x80, v6, vm0, $0xb8;
	[tilespmem:$0x13080] =	vst v63  }
0x53: {  	s3 =	simm.s32 $0x3880  }
0x54: {  	[tilespmem:s3], [sflag:$0x1] =	stream.indirect_vreg.gather [hbm4b:s12+s5], $0x80, v6, vm0, $0xb8;
	[tilespmem:$0x13080] =	vst v63  }
0x55: {  	s18 =	simm.s32 $0x4080  }
0x56: {  	[tilespmem:s18], [sflag:$0x1] =	stream.indirect_vreg.gather [hbm4b:s23+s5], $0x80, v5, vm0, $0xb8;
	[tilespmem:$0x13080] =	vst v63  }
0x57: {  	s20 =	simm.s32 $0x4880  }
0x58: {  	[tilespmem:s20], [sflag:$0x1] =	stream.indirect_vreg.gather [hbm4b:s6+s5], $0x80, v5, vm0, $0xb8;
	[tilespmem:$0x13080] =	vst v63  }
0x59: {  	s21 =	simm.s32 $0x5080  }
0x5a: {  	[tilespmem:s21], [sflag:$0x1] =	stream.indirect_vreg.gather [hbm4b:s7+s5], $0x80, v5, vm0, $0xb8;
	[tilespmem:$0x13080] =	vst v63  }
0x5b: {  	s22 =	simm.s32 $0x5880  }
0x5c: {  	[tilespmem:s22], [sflag:$0x1] =	stream.indirect_vreg.gather [hbm4b:s8+s5], $0x80, v5, vm0, $0xb8;
	[tilespmem:$0x13080] =	vst v63  }
0x5d: {  	v20 =	vshll.u32 v4, $0x6;
	s29 =	simm.s32 $0x6080  }
0x5e: {  	v6 =	vor.u32 v3, v20;
	[tilespmem:s29], [sflag:$0x1] =	stream.indirect_vreg.gather [hbm4b:s9+s5], $0x80, v5, vm0, $0xb8;
	[tilespmem:$0x13080] =	vst v63  }
0x5f: {  	s0 =	simm.s32 $0x6880;
	v7 =	vperm.xlane v6, v0  }
0x60: {  	[tilespmem:s0], [sflag:$0x1] =	stream.indirect_vreg.gather [hbm4b:s10+s5], $0x80, v5, vm0, $0xb8;
	[tilespmem:$0x13080] =	vst v63  }
0x61: {  	s1 =	simm.s32 $0x7080;
	v7 =	vadd.s32 v1, v7  }
0x62: {  	[tilespmem:s1], [sflag:$0x1] =	stream.indirect_vreg.gather [hbm4b:s11+s5], $0x80, v5, vm0, $0xb8;
	[tilespmem:$0x13080] =	vst v63  }
0x63: {  	s3 =	simm.s32 $0x7880  }
0x64: {  	[tilespmem:s3], [sflag:$0x1] =	stream.indirect_vreg.gather [hbm4b:s12+s5], $0x80, v5, vm0, $0xb8;
	[tilespmem:$0x13080] =	vst v63  }
0x65: {  	s21 =	rddreg [dreg:$0x1];
	s1 =	simm.s32 $0x8080  }
0x66: {  	[tilespmem:s1], [sflag:$0x2] =	stream.indirect_vreg.gather [hbm4b:s21+s5], $0x80, v7, vm0, $0xb8;
	[tilespmem:$0x13080] =	vst v63  }
0x67: {  	v21 =	vperm.xlane v6, v2;
	s18 =	simm.s32 $0x8880  }
0x68: {  	[tilespmem:s18], [sflag:$0x2] =	stream.indirect_vreg.gather [hbm4b:s13+s5], $0x80, v7, vm0, $0xb8;
	[tilespmem:$0x13080] =	vst v63  }
0x69: {  	s22 =	simm.s32 $0x9080;
	v5 =	vadd.s32 v1, v21  }
0x6a: {  	[tilespmem:s22], [sflag:$0x2] =	stream.indirect_vreg.gather [hbm4b:s14+s5], $0x80, v7, vm0, $0xb8;
	[tilespmem:$0x13080] =	vst v63  }
0x6b: {  	s0 =	simm.s32 $0x9880  }
0x6c: {  	v4 =	vmul.u32 $0x30, v4;
	[tilespmem:s0], [sflag:$0x2] =	stream.indirect_vreg.gather [hbm4b:s15+s5], $0x80, v7, vm0, $0xb8;
	[tilespmem:$0x13080] =	vst v63  }
0x6d: {  	s1 =	simm.s32 $0xA080  }
0x6e: {  	v3 =	vor.u32 v3, v4;
	[tilespmem:s1], [sflag:$0x2] =	stream.indirect_vreg.gather [hbm4b:s21+s5], $0x80, v5, vm0, $0xb8;
	[tilespmem:$0x13080] =	vst v63  }
0x6f: {  	v4 =	vperm.xlane v3, v0;
	s3 =	simm.s32 $0xA880  }
0x70: {  	[tilespmem:s3], [sflag:$0x2] =	stream.indirect_vreg.gather [hbm4b:s13+s5], $0x80, v5, vm0, $0xb8;
	[tilespmem:$0x13080] =	vst v63  }
0x71: {  	v4 =	vadd.s32 v1, v4;
	s18 =	simm.s32 $0xB080  }
0x72: {  	[tilespmem:s18], [sflag:$0x2] =	stream.indirect_vreg.gather [hbm4b:s14+s5], $0x80, v5, vm0, $0xb8;
	[tilespmem:$0x13080] =	vst v63  }
0x73: {  	s22 =	simm.s32 $0xB880  }
0x74: {  	[tilespmem:s22], [sflag:$0x2] =	stream.indirect_vreg.gather [hbm4b:s15+s5], $0x80, v5, vm0, $0xb8;
	[tilespmem:$0x13080] =	vst v63  }
0x75: {  	v3 =	vperm.xlane v3, v2;
	s0 =	simm.s32 $0xC080;
	s18 =	rddreg [dreg:$0x2]  }
0x76: {  	[tilespmem:s0], [sflag:$0x3] =	stream.indirect_vreg.gather [hbm4b:s18+s5], $0x80, v4, vm0, $0xb8;
	[tilespmem:$0x13080] =	vst v63  }
0x77: {  	v3 =	vadd.s32 v1, v3;
	s1 =	simm.s32 $0xC880  }
0x78: {  	[tilespmem:s1], [sflag:$0x3] =	stream.indirect_vreg.gather [hbm4b:s16+s5], $0x80, v4, vm0, $0xb8;
	[tilespmem:$0x13080] =	vst v63  }
0x79: {  	s3 =	simm.s32 $0xD080  }
0x7a: {  	[tilespmem:s3], [sflag:$0x3] =	stream.indirect_vreg.gather [hbm4b:s17+s5], $0x80, v4, vm0, $0xb8;
	[tilespmem:$0x13080] =	vst v63  }
0x7b: {  	s0 =	simm.s32 $0xD880  }
0x7c: {  	[tilespmem:s0], [sflag:$0x3] =	stream.indirect_vreg.gather [hbm4b:s18+s5], $0x80, v3, vm0, $0xb8;
	[tilespmem:$0x13080] =	vst v63  }
0x7d: {  	s1 =	simm.s32 $0xE080  }
0x7e: {  	[tilespmem:s1], [sflag:$0x3] =	stream.indirect_vreg.gather [hbm4b:s16+s5], $0x80, v3, vm0, $0xb8;
	[tilespmem:$0x13080] =	vst v63  }
0x7f: {  	s3 =	simm.s32 $0xE880  }
0x80: {  	[tilespmem:s3], [sflag:$0x3] =	stream.indirect_vreg.gather [hbm4b:s17+s5], $0x80, v3, vm0, $0xb8;
	[tilespmem:$0x13080] =	vst v63  }
0x81: {  	_ =	swait.ge [sflag:s30], $0x8000  }
0x82: {  	[sflag:s30] =	ssyncset.done $0x0  }
0x83: {  	[sflag:s30] =	ssyncadd.s32 $0xFFFF8000  }
0x84: {  	_ =	swait.ge [sflag:s31], $0x4000  }
0x85: {  	[sflag:s31] =	ssyncset.done $0x0  }
0x86: {  	[sflag:s31] =	ssyncadd.s32 $0xFFFFC000  }
0x87: {  	_ =	swait.ge [sflag:s2], $0x3000  }
0x88: {  	[sflag:s2] =	ssyncset.done $0x0  }
0x89: {  	s3 =	simm.s32 $0x80;
	s0 =	rddreg [dreg:$0xc];
	[sflag:s2] =	ssyncadd.s32 $0xFFFFD000  }
0x8a: {  	[hbm4b:s0+s5] =	stream.linear.scatter [tilespmem:s3], [sflag:$0x5], $0x8000, $0x38;
	[tilespmem:$0x13080] =	vst v63  }
0x8b: {  	_ =	swait.ge [sflag:s19], $0x8000  }
0x8c: {  	[sflag:s19] =	ssyncset.done $0x0  }
0x8d: {  	s20 =	simm.s32 $0x8080;
	s1 =	rddreg [dreg:$0xd];
	[sflag:s19] =	ssyncadd.s32 $0xFFFF8000  }
0x8e: {  	[hbm4b:s1+s5] =	stream.linear.scatter [tilespmem:s20], [sflag:$0x5], $0x4000, $0x38;
	[tilespmem:$0x13080] =	vst v63  }
0x8f: {  	_ =	swait.ge [sflag:s19], $0x4000  }
0x90: {  	[sflag:s19] =	ssyncset.done $0x0  }
0x91: {  	s22 =	simm.s32 $0xC080;
	s0 =	rddreg [dreg:$0xe];
	[sflag:s19] =	ssyncadd.s32 $0xFFFFC000  }
0x92: {  	[hbm4b:s0+s5] =	stream.linear.scatter [tilespmem:s22], [sflag:$0x5], $0x3000, $0x38;
	[tilespmem:$0x13080] =	vst v63  }
0x93: {  	_ =	swait.ge [sflag:s19], $0x3000  }
0x94: {  	[sflag:s19] =	ssyncset.done $0x0  }
0x95: {  	[sflag:s19] =	ssyncadd.s32 $0xFFFFD000  }
0x96: {  	v3 =	vld [tilespmem:$0x10];
	_ =	sdelay $0x4  }
0x97: {  	v22 =	vshrl.u32 v3, $0x3  }
0x98: {  	v3 =	vand.u32 $0x7, v3;
	v23 =	vshll.u32 v22, $0x7  }
0x99: {  	v5 =	vor.u32 v3, v23  }
0x9a: {  	v24 =	vperm.xlane v5, v0;
	_ =	sdelay $0x1  }
0x9b: {  	v6 =	vadd.s32 v1, v24;
	_ =	sdelay $0x4  }
0x9c: {  	[tilespmem:s3], [sflag:$0x1] =	stream.indirect_vreg.gather [hbm4b:s23+s5], $0x80, v6, vm0, $0xb8;
	[tilespmem:$0x13080] =	vst v63  }
0x9d: {  	s26 =	simm.s32 $0x880  }
0x9e: {  	[tilespmem:s26], [sflag:$0x1] =	stream.indirect_vreg.gather [hbm4b:s6+s5], $0x80, v6, vm0, $0xb8;
	[tilespmem:$0x13080] =	vst v63  }
0x9f: {  	s26 =	simm.s32 $0x1080  }
0xa0: {  	[tilespmem:s26], [sflag:$0x1] =	stream.indirect_vreg.gather [hbm4b:s7+s5], $0x80, v6, vm0, $0xb8;
	[tilespmem:$0x13080] =	vst v63  }
0xa1: {  	s22 =	simm.s32 $0x1880  }
0xa2: {  	[tilespmem:s22], [sflag:$0x1] =	stream.indirect_vreg.gather [hbm4b:s8+s5], $0x80, v6, vm0, $0xb8;
	[tilespmem:$0x13080] =	vst v63  }
0xa3: {  	s24 =	simm.s32 $0x2080  }
0xa4: {  	[tilespmem:s24], [sflag:$0x1] =	stream.indirect_vreg.gather [hbm4b:s9+s5], $0x80, v6, vm0, $0xb8;
	[tilespmem:$0x13080] =	vst v63  }
0xa5: {  	s25 =	simm.s32 $0x2880;
	v5 =	vperm.xlane v5, v2  }
0xa6: {  	[tilespmem:s25], [sflag:$0x1] =	stream.indirect_vreg.gather [hbm4b:s10+s5], $0x80, v6, vm0, $0xb8;
	[tilespmem:$0x13080] =	vst v63  }
0xa7: {  	v5 =	vadd.s32 v1, v5;
	s24 =	simm.s32 $0x3080  }
0xa8: {  	[tilespmem:s24], [sflag:$0x1] =	stream.indirect_vreg.gather [hbm4b:s11+s5], $0x80, v6, vm0, $0xb8;
	[tilespmem:$0x13080] =	vst v63  }
0xa9: {  	s1 =	simm.s32 $0x3880  }
0xaa: {  	[tilespmem:s1], [sflag:$0x1] =	stream.indirect_vreg.gather [hbm4b:s12+s5], $0x80, v6, vm0, $0xb8;
	[tilespmem:$0x13080] =	vst v63  }
0xab: {  	s28 =	simm.s32 $0x4080  }
0xac: {  	[tilespmem:s28], [sflag:$0x1] =	stream.indirect_vreg.gather [hbm4b:s23+s5], $0x80, v5, vm0, $0xb8;
	[tilespmem:$0x13080] =	vst v63  }
0xad: {  	s25 =	simm.s32 $0x4880  }
0xae: {  	[tilespmem:s25], [sflag:$0x1] =	stream.indirect_vreg.gather [hbm4b:s6+s5], $0x80, v5, vm0, $0xb8;
	[tilespmem:$0x13080] =	vst v63  }
0xaf: {  	s28 =	simm.s32 $0x5080  }
0xb0: {  	[tilespmem:s28], [sflag:$0x1] =	stream.indirect_vreg.gather [hbm4b:s7+s5], $0x80, v5, vm0, $0xb8;
	[tilespmem:$0x13080] =	vst v63  }
0xb1: {  	s25 =	simm.s32 $0x5880  }
0xb2: {  	[tilespmem:s25], [sflag:$0x1] =	stream.indirect_vreg.gather [hbm4b:s8+s5], $0x80, v5, vm0, $0xb8;
	[tilespmem:$0x13080] =	vst v63  }
0xb3: {  	v25 =	vshll.u32 v22, $0x6;
	s1 =	simm.s32 $0x6080  }
0xb4: {  	v6 =	vor.u32 v3, v25;
	[tilespmem:s1], [sflag:$0x1] =	stream.indirect_vreg.gather [hbm4b:s9+s5], $0x80, v5, vm0, $0xb8;
	[tilespmem:$0x13080] =	vst v63  }
0xb5: {  	v26 =	vperm.xlane v6, v0;
	s28 =	simm.s32 $0x6880  }
0xb6: {  	[tilespmem:s28], [sflag:$0x1] =	stream.indirect_vreg.gather [hbm4b:s10+s5], $0x80, v5, vm0, $0xb8;
	[tilespmem:$0x13080] =	vst v63  }
0xb7: {  	s29 =	simm.s32 $0x7080;
	v7 =	vadd.s32 v1, v26  }
0xb8: {  	[tilespmem:s29], [sflag:$0x1] =	stream.indirect_vreg.gather [hbm4b:s11+s5], $0x80, v5, vm0, $0xb8;
	[tilespmem:$0x13080] =	vst v63  }
0xb9: {  	s28 =	simm.s32 $0x7880  }
0xba: {  	[tilespmem:s28], [sflag:$0x1] =	stream.indirect_vreg.gather [hbm4b:s12+s5], $0x80, v5, vm0, $0xb8;
	[tilespmem:$0x13080] =	vst v63  }
0xbb: {  	s20 =	simm.s32 $0x8080  }
0xbc: {  	[tilespmem:s20], [sflag:$0x2] =	stream.indirect_vreg.gather [hbm4b:s21+s5], $0x80, v7, vm0, $0xb8;
	[tilespmem:$0x13080] =	vst v63  }
0xbd: {  	v27 =	vperm.xlane v6, v2;
	s29 =	simm.s32 $0x8880  }
0xbe: {  	[tilespmem:s29], [sflag:$0x2] =	stream.indirect_vreg.gather [hbm4b:s13+s5], $0x80, v7, vm0, $0xb8;
	[tilespmem:$0x13080] =	vst v63  }
0xbf: {  	v5 =	vadd.s32 v1, v27;
	s20 =	simm.s32 $0x9080  }
0xc0: {  	[tilespmem:s20], [sflag:$0x2] =	stream.indirect_vreg.gather [hbm4b:s14+s5], $0x80, v7, vm0, $0xb8;
	[tilespmem:$0x13080] =	vst v63  }
0xc1: {  	s29 =	simm.s32 $0x9880  }
0xc2: {  	v4 =	vmul.u32 $0x30, v22;
	[tilespmem:s29], [sflag:$0x2] =	stream.indirect_vreg.gather [hbm4b:s15+s5], $0x80, v7, vm0, $0xb8;
	[tilespmem:$0x13080] =	vst v63  }
0xc3: {  	s20 =	simm.s32 $0xA080  }
0xc4: {  	v3 =	vor.u32 v3, v4;
	[tilespmem:s20], [sflag:$0x2] =	stream.indirect_vreg.gather [hbm4b:s21+s5], $0x80, v5, vm0, $0xb8;
	[tilespmem:$0x13080] =	vst v63  }
0xc5: {  	v4 =	vperm.xlane v3, v0;
	s29 =	simm.s32 $0xA880  }
0xc6: {  	[tilespmem:s29], [sflag:$0x2] =	stream.indirect_vreg.gather [hbm4b:s13+s5], $0x80, v5, vm0, $0xb8;
	[tilespmem:$0x13080] =	vst v63  }
0xc7: {  	v4 =	vadd.s32 v1, v4;
	s29 =	simm.s32 $0xB080  }
0xc8: {  	[tilespmem:s29], [sflag:$0x2] =	stream.indirect_vreg.gather [hbm4b:s14+s5], $0x80, v5, vm0, $0xb8;
	[tilespmem:$0x13080] =	vst v63  }
0xc9: {  	s20 =	simm.s32 $0xB880  }
0xca: {  	[tilespmem:s20], [sflag:$0x2] =	stream.indirect_vreg.gather [hbm4b:s15+s5], $0x80, v5, vm0, $0xb8;
	[tilespmem:$0x13080] =	vst v63  }
0xcb: {  	s4 =	simm.s32 $0xC080;
	v3 =	vperm.xlane v3, v2  }
0xcc: {  	[tilespmem:s4], [sflag:$0x3] =	stream.indirect_vreg.gather [hbm4b:s18+s5], $0x80, v4, vm0, $0xb8;
	[tilespmem:$0x13080] =	vst v63  }
0xcd: {  	v3 =	vadd.s32 v1, v3;
	s20 =	simm.s32 $0xC880  }
0xce: {  	[tilespmem:s20], [sflag:$0x3] =	stream.indirect_vreg.gather [hbm4b:s16+s5], $0x80, v4, vm0, $0xb8;
	[tilespmem:$0x13080] =	vst v63  }
0xcf: {  	s20 =	simm.s32 $0xD080  }
0xd0: {  	[tilespmem:s20], [sflag:$0x3] =	stream.indirect_vreg.gather [hbm4b:s17+s5], $0x80, v4, vm0, $0xb8;
	[tilespmem:$0x13080] =	vst v63  }
0xd1: {  	s20 =	simm.s32 $0xD880  }
0xd2: {  	[tilespmem:s20], [sflag:$0x3] =	stream.indirect_vreg.gather [hbm4b:s18+s5], $0x80, v3, vm0, $0xb8;
	[tilespmem:$0x13080] =	vst v63  }
0xd3: {  	s20 =	simm.s32 $0xE080  }
0xd4: {  	[tilespmem:s20], [sflag:$0x3] =	stream.indirect_vreg.gather [hbm4b:s16+s5], $0x80, v3, vm0, $0xb8;
	[tilespmem:$0x13080] =	vst v63  }
0xd5: {  	s20 =	simm.s32 $0xE880  }
0xd6: {  	[tilespmem:s20], [sflag:$0x3] =	stream.indirect_vreg.gather [hbm4b:s17+s5], $0x80, v3, vm0, $0xb8;
	[tilespmem:$0x13080] =	vst v63  }
0xd7: {  	_ =	swait.ge [sflag:s30], $0x8000  }
0xd8: {  	[sflag:s30] =	ssyncset.done $0x0  }
0xd9: {  	[sflag:s30] =	ssyncadd.s32 $0xFFFF8000  }
0xda: {  	_ =	swait.ge [sflag:s31], $0x4000  }
0xdb: {  	[sflag:s31] =	ssyncset.done $0x0  }
0xdc: {  	[sflag:s31] =	ssyncadd.s32 $0xFFFFC000  }
0xdd: {  	_ =	swait.ge [sflag:s2], $0x3000  }
0xde: {  	[sflag:s2] =	ssyncset.done $0x0  }
0xdf: {  	s3 =	simm.s32 $0x80;
	s4 =	rddreg [dreg:$0xf];
	[sflag:s2] =	ssyncadd.s32 $0xFFFFD000  }
0xe0: {  	[hbm4b:s4+s5] =	stream.linear.scatter [tilespmem:s3], [sflag:$0x5], $0x8000, $0x38;
	[tilespmem:$0x13080] =	vst v63  }
0xe1: {  	_ =	swait.ge [sflag:s19], $0x8000  }
0xe2: {  	[sflag:s19] =	ssyncset.done $0x0  }
0xe3: {  	s1 =	simm.s32 $0x8080;
	s4 =	rddreg [dreg:$0x10];
	[sflag:s19] =	ssyncadd.s32 $0xFFFF8000  }
0xe4: {  	[hbm4b:s4+s5] =	stream.linear.scatter [tilespmem:s1], [sflag:$0x5], $0x4000, $0x38;
	[tilespmem:$0x13080] =	vst v63  }
0xe5: {  	_ =	swait.ge [sflag:s19], $0x4000  }
0xe6: {  	[sflag:s19] =	ssyncset.done $0x0  }
0xe7: {  	s0 =	simm.s32 $0xC080;
	s4 =	rddreg [dreg:$0x11];
	[sflag:s19] =	ssyncadd.s32 $0xFFFFC000  }
0xe8: {  	[hbm4b:s4+s5] =	stream.linear.scatter [tilespmem:s0], [sflag:$0x5], $0x3000, $0x38;
	[tilespmem:$0x13080] =	vst v63  }
0xe9: {  	_ =	swait.ge [sflag:s19], $0x3000  }
0xea: {  	[sflag:s19] =	ssyncset.done $0x0  }
0xeb: {  	[sflag:s19] =	ssyncadd.s32 $0xFFFFD000  }
0xec: {  	v3 =	vld [tilespmem:$0x20];
	_ =	sdelay $0x4  }
0xed: {  	v28 =	vshrl.u32 v3, $0x3  }
0xee: {  	v3 =	vand.u32 $0x7, v3;
	v29 =	vshll.u32 v28, $0x7  }
0xef: {  	v5 =	vor.u32 v3, v29  }
0xf0: {  	v30 =	vperm.xlane v5, v0;
	_ =	sdelay $0x1  }
0xf1: {  	v6 =	vadd.s32 v1, v30;
	_ =	sdelay $0x4  }
0xf2: {  	[tilespmem:s3], [sflag:$0x1] =	stream.indirect_vreg.gather [hbm4b:s23+s5], $0x80, v6, vm0, $0xb8;
	[tilespmem:$0x13080] =	vst v63  }
0xf3: {  	s3 =	simm.s32 $0x880  }
0xf4: {  	[tilespmem:s3], [sflag:$0x1] =	stream.indirect_vreg.gather [hbm4b:s6+s5], $0x80, v6, vm0, $0xb8;
	[tilespmem:$0x13080] =	vst v63  }
0xf5: {  	_ = 	snop  }
0xf6: {  	[tilespmem:s26], [sflag:$0x1] =	stream.indirect_vreg.gather [hbm4b:s7+s5], $0x80, v6, vm0, $0xb8;
	[tilespmem:$0x13080] =	vst v63  }
0xf7: {  	_ = 	snop  }
0xf8: {  	[tilespmem:s22], [sflag:$0x1] =	stream.indirect_vreg.gather [hbm4b:s8+s5], $0x80, v6, vm0, $0xb8;
	[tilespmem:$0x13080] =	vst v63  }
0xf9: {  	s22 =	simm.s32 $0x2080  }
0xfa: {  	[tilespmem:s22], [sflag:$0x1] =	stream.indirect_vreg.gather [hbm4b:s9+s5], $0x80, v6, vm0, $0xb8;
	[tilespmem:$0x13080] =	vst v63  }
0xfb: {  	v5 =	vperm.xlane v5, v2;
	s3 =	simm.s32 $0x2880  }
0xfc: {  	[tilespmem:s3], [sflag:$0x1] =	stream.indirect_vreg.gather [hbm4b:s10+s5], $0x80, v6, vm0, $0xb8;
	[tilespmem:$0x13080] =	vst v63  }
0xfd: {  	v5 =	vadd.s32 v1, v5  }
0xfe: {  	[tilespmem:s24], [sflag:$0x1] =	stream.indirect_vreg.gather [hbm4b:s11+s5], $0x80, v6, vm0, $0xb8;
	[tilespmem:$0x13080] =	vst v63  }
0xff: {  	s24 =	simm.s32 $0x3880  }
0x100: {  	[tilespmem:s24], [sflag:$0x1] =	stream.indirect_vreg.gather [hbm4b:s12+s5], $0x80, v6, vm0, $0xb8;
	[tilespmem:$0x13080] =	vst v63  }
0x101: {  	s26 =	simm.s32 $0x4080  }
0x102: {  	[tilespmem:s26], [sflag:$0x1] =	stream.indirect_vreg.gather [hbm4b:s23+s5], $0x80, v5, vm0, $0xb8;
	[tilespmem:$0x13080] =	vst v63  }
0x103: {  	s3 =	simm.s32 $0x4880  }
0x104: {  	[tilespmem:s3], [sflag:$0x1] =	stream.indirect_vreg.gather [hbm4b:s6+s5], $0x80, v5, vm0, $0xb8;
	[tilespmem:$0x13080] =	vst v63  }
0x105: {  	s26 =	simm.s32 $0x5080  }
0x106: {  	[tilespmem:s26], [sflag:$0x1] =	stream.indirect_vreg.gather [hbm4b:s7+s5], $0x80, v5, vm0, $0xb8;
	[tilespmem:$0x13080] =	vst v63  }
0x107: {  	_ = 	snop  }
0x108: {  	[tilespmem:s25], [sflag:$0x1] =	stream.indirect_vreg.gather [hbm4b:s8+s5], $0x80, v5, vm0, $0xb8;
	[tilespmem:$0x13080] =	vst v63  }
0x109: {  	v31 =	vshll.u32 v28, $0x6;
	s3 =	simm.s32 $0x6080  }
0x10a: {  	v6 =	vor.u32 v3, v31;
	[tilespmem:s3], [sflag:$0x1] =	stream.indirect_vreg.gather [hbm4b:s9+s5], $0x80, v5, vm0, $0xb8;
	[tilespmem:$0x13080] =	vst v63  }
0x10b: {  	v32 =	vperm.xlane v6, v0;
	s25 =	simm.s32 $0x6880  }
0x10c: {  	[tilespmem:s25], [sflag:$0x1] =	stream.indirect_vreg.gather [hbm4b:s10+s5], $0x80, v5, vm0, $0xb8;
	[tilespmem:$0x13080] =	vst v63  }
0x10d: {  	v7 =	vadd.s32 v1, v32;
	s26 =	simm.s32 $0x7080  }
0x10e: {  	[tilespmem:s26], [sflag:$0x1] =	stream.indirect_vreg.gather [hbm4b:s11+s5], $0x80, v5, vm0, $0xb8;
	[tilespmem:$0x13080] =	vst v63  }
0x10f: {  	_ = 	snop  }
0x110: {  	[tilespmem:s28], [sflag:$0x1] =	stream.indirect_vreg.gather [hbm4b:s12+s5], $0x80, v5, vm0, $0xb8;
	[tilespmem:$0x13080] =	vst v63  }
0x111: {  	s1 =	simm.s32 $0x8080  }
0x112: {  	[tilespmem:s1], [sflag:$0x2] =	stream.indirect_vreg.gather [hbm4b:s21+s5], $0x80, v7, vm0, $0xb8;
	[tilespmem:$0x13080] =	vst v63  }
0x113: {  	v33 =	vperm.xlane v6, v2;
	s28 =	simm.s32 $0x8880  }
0x114: {  	[tilespmem:s28], [sflag:$0x2] =	stream.indirect_vreg.gather [hbm4b:s13+s5], $0x80, v7, vm0, $0xb8;
	[tilespmem:$0x13080] =	vst v63  }
0x115: {  	s3 =	simm.s32 $0x9080;
	v5 =	vadd.s32 v1, v33  }
0x116: {  	[tilespmem:s3], [sflag:$0x2] =	stream.indirect_vreg.gather [hbm4b:s14+s5], $0x80, v7, vm0, $0xb8;
	[tilespmem:$0x13080] =	vst v63  }
0x117: {  	s25 =	simm.s32 $0x9880  }
0x118: {  	v4 =	vmul.u32 $0x30, v28;
	[tilespmem:s25], [sflag:$0x2] =	stream.indirect_vreg.gather [hbm4b:s15+s5], $0x80, v7, vm0, $0xb8;
	[tilespmem:$0x13080] =	vst v63  }
0x119: {  	s26 =	simm.s32 $0xA080  }
0x11a: {  	v3 =	vor.u32 v3, v4;
	[tilespmem:s26], [sflag:$0x2] =	stream.indirect_vreg.gather [hbm4b:s21+s5], $0x80, v5, vm0, $0xb8;
	[tilespmem:$0x13080] =	vst v63  }
0x11b: {  	v4 =	vperm.xlane v3, v0;
	s28 =	simm.s32 $0xA880  }
0x11c: {  	[tilespmem:s28], [sflag:$0x2] =	stream.indirect_vreg.gather [hbm4b:s13+s5], $0x80, v5, vm0, $0xb8;
	[tilespmem:$0x13080] =	vst v63  }
0x11d: {  	v4 =	vadd.s32 v1, v4  }
0x11e: {  	[tilespmem:s29], [sflag:$0x2] =	stream.indirect_vreg.gather [hbm4b:s14+s5], $0x80, v5, vm0, $0xb8;
	[tilespmem:$0x13080] =	vst v63  }
0x11f: {  	s3 =	simm.s32 $0xB880  }
0x120: {  	[tilespmem:s3], [sflag:$0x2] =	stream.indirect_vreg.gather [hbm4b:s15+s5], $0x80, v5, vm0, $0xb8;
	[tilespmem:$0x13080] =	vst v63  }
0x121: {  	s4 =	simm.s32 $0xC080;
	v3 =	vperm.xlane v3, v2  }
0x122: {  	[tilespmem:s4], [sflag:$0x3] =	stream.indirect_vreg.gather [hbm4b:s18+s5], $0x80, v4, vm0, $0xb8;
	[tilespmem:$0x13080] =	vst v63  }
0x123: {  	v3 =	vadd.s32 v1, v3;
	s4 =	simm.s32 $0xC880  }
0x124: {  	[tilespmem:s4], [sflag:$0x3] =	stream.indirect_vreg.gather [hbm4b:s16+s5], $0x80, v4, vm0, $0xb8;
	[tilespmem:$0x13080] =	vst v63  }
0x125: {  	s26 =	simm.s32 $0xD080  }
0x126: {  	[tilespmem:s26], [sflag:$0x3] =	stream.indirect_vreg.gather [hbm4b:s17+s5], $0x80, v4, vm0, $0xb8;
	[tilespmem:$0x13080] =	vst v63  }
0x127: {  	s28 =	simm.s32 $0xD880  }
0x128: {  	[tilespmem:s28], [sflag:$0x3] =	stream.indirect_vreg.gather [hbm4b:s18+s5], $0x80, v3, vm0, $0xb8;
	[tilespmem:$0x13080] =	vst v63  }
0x129: {  	s29 =	simm.s32 $0xE080  }
0x12a: {  	[tilespmem:s29], [sflag:$0x3] =	stream.indirect_vreg.gather [hbm4b:s16+s5], $0x80, v3, vm0, $0xb8;
	[tilespmem:$0x13080] =	vst v63  }
0x12b: {  	_ = 	snop  }
0x12c: {  	[tilespmem:s20], [sflag:$0x3] =	stream.indirect_vreg.gather [hbm4b:s17+s5], $0x80, v3, vm0, $0xb8;
	[tilespmem:$0x13080] =	vst v63  }
0x12d: {  	_ =	swait.ge [sflag:s30], $0x8000  }
0x12e: {  	[sflag:s30] =	ssyncset.done $0x0  }
0x12f: {  	[sflag:s30] =	ssyncadd.s32 $0xFFFF8000  }
0x130: {  	_ =	swait.ge [sflag:s31], $0x4000  }
0x131: {  	[sflag:s31] =	ssyncset.done $0x0  }
0x132: {  	[sflag:s31] =	ssyncadd.s32 $0xFFFFC000  }
0x133: {  	_ =	swait.ge [sflag:s2], $0x3000  }
0x134: {  	[sflag:s2] =	ssyncset.done $0x0  }
0x135: {  	s3 =	simm.s32 $0x80;
	s20 =	rddreg [dreg:$0x12];
	[sflag:s2] =	ssyncadd.s32 $0xFFFFD000  }
0x136: {  	[hbm4b:s20+s5] =	stream.linear.scatter [tilespmem:s3], [sflag:$0x5], $0x8000, $0x38;
	[tilespmem:$0x13080] =	vst v63  }
0x137: {  	_ =	swait.ge [sflag:s19], $0x8000  }
0x138: {  	[sflag:s19] =	ssyncset.done $0x0  }
0x139: {  	s0 =	simm.s32 $0x8080;
	s25 =	rddreg [dreg:$0x13];
	[sflag:s19] =	ssyncadd.s32 $0xFFFF8000  }
0x13a: {  	[hbm4b:s25+s5] =	stream.linear.scatter [tilespmem:s0], [sflag:$0x5], $0x4000, $0x38;
	[tilespmem:$0x13080] =	vst v63  }
0x13b: {  	_ =	swait.ge [sflag:s19], $0x4000  }
0x13c: {  	[sflag:s19] =	ssyncset.done $0x0  }
0x13d: {  	s1 =	simm.s32 $0xC080;
	s0 =	rddreg [dreg:$0x14];
	[sflag:s19] =	ssyncadd.s32 $0xFFFFC000  }
0x13e: {  	[hbm4b:s0+s5] =	stream.linear.scatter [tilespmem:s1], [sflag:$0x5], $0x3000, $0x38;
	[tilespmem:$0x13080] =	vst v63  }
0x13f: {  	_ =	swait.ge [sflag:s19], $0x3000  }
0x140: {  	[sflag:s19] =	ssyncset.done $0x0  }
0x141: {  	[sflag:s19] =	ssyncadd.s32 $0xFFFFD000  }
0x142: {  	v3 =	vld [tilespmem:$0x30];
	_ =	sdelay $0x4  }
0x143: {  	v34 =	vshrl.u32 v3, $0x3  }
0x144: {  	v3 =	vand.u32 $0x7, v3;
	v35 =	vshll.u32 v34, $0x7  }
0x145: {  	v5 =	vor.u32 v3, v35  }
0x146: {  	v36 =	vperm.xlane v5, v0;
	_ =	sdelay $0x1  }
0x147: {  	v6 =	vadd.s32 v1, v36;
	_ =	sdelay $0x4  }
0x148: {  	[tilespmem:s3], [sflag:$0x1] =	stream.indirect_vreg.gather [hbm4b:s23+s5], $0x80, v6, vm0, $0xb8;
	[tilespmem:$0x13080] =	vst v63  }
0x149: {  	s25 =	simm.s32 $0x880  }
0x14a: {  	[tilespmem:s25], [sflag:$0x1] =	stream.indirect_vreg.gather [hbm4b:s6+s5], $0x80, v6, vm0, $0xb8;
	[tilespmem:$0x13080] =	vst v63  }
0x14b: {  	s25 =	simm.s32 $0x1080  }
0x14c: {  	[tilespmem:s25], [sflag:$0x1] =	stream.indirect_vreg.gather [hbm4b:s7+s5], $0x80, v6, vm0, $0xb8;
	[tilespmem:$0x13080] =	vst v63  }
0x14d: {  	s1 =	simm.s32 $0x1880  }
0x14e: {  	[tilespmem:s1], [sflag:$0x1] =	stream.indirect_vreg.gather [hbm4b:s8+s5], $0x80, v6, vm0, $0xb8;
	[tilespmem:$0x13080] =	vst v63  }
0x14f: {  	_ = 	snop  }
0x150: {  	[tilespmem:s22], [sflag:$0x1] =	stream.indirect_vreg.gather [hbm4b:s9+s5], $0x80, v6, vm0, $0xb8;
	[tilespmem:$0x13080] =	vst v63  }
0x151: {  	v5 =	vperm.xlane v5, v2;
	s1 =	simm.s32 $0x2880  }
0x152: {  	[tilespmem:s1], [sflag:$0x1] =	stream.indirect_vreg.gather [hbm4b:s10+s5], $0x80, v6, vm0, $0xb8;
	[tilespmem:$0x13080] =	vst v63  }
0x153: {  	v5 =	vadd.s32 v1, v5;
	s22 =	simm.s32 $0x3080  }
0x154: {  	[tilespmem:s22], [sflag:$0x1] =	stream.indirect_vreg.gather [hbm4b:s11+s5], $0x80, v6, vm0, $0xb8;
	[tilespmem:$0x13080] =	vst v63  }
0x155: {  	_ = 	snop  }
0x156: {  	[tilespmem:s24], [sflag:$0x1] =	stream.indirect_vreg.gather [hbm4b:s12+s5], $0x80, v6, vm0, $0xb8;
	[tilespmem:$0x13080] =	vst v63  }
0x157: {  	s1 =	simm.s32 $0x4080  }
0x158: {  	[tilespmem:s1], [sflag:$0x1] =	stream.indirect_vreg.gather [hbm4b:s23+s5], $0x80, v5, vm0, $0xb8;
	[tilespmem:$0x13080] =	vst v63  }
0x159: {  	s22 =	simm.s32 $0x4880  }
0x15a: {  	[tilespmem:s22], [sflag:$0x1] =	stream.indirect_vreg.gather [hbm4b:s6+s5], $0x80, v5, vm0, $0xb8;
	[tilespmem:$0x13080] =	vst v63  }
0x15b: {  	s24 =	simm.s32 $0x5080  }
0x15c: {  	[tilespmem:s24], [sflag:$0x1] =	stream.indirect_vreg.gather [hbm4b:s7+s5], $0x80, v5, vm0, $0xb8;
	[tilespmem:$0x13080] =	vst v63  }
0x15d: {  	s22 =	simm.s32 $0x5880  }
0x15e: {  	[tilespmem:s22], [sflag:$0x1] =	stream.indirect_vreg.gather [hbm4b:s8+s5], $0x80, v5, vm0, $0xb8;
	[tilespmem:$0x13080] =	vst v63  }
0x15f: {  	v37 =	vshll.u32 v34, $0x6;
	s1 =	simm.s32 $0x6080  }
0x160: {  	v6 =	vor.u32 v3, v37;
	[tilespmem:s1], [sflag:$0x1] =	stream.indirect_vreg.gather [hbm4b:s9+s5], $0x80, v5, vm0, $0xb8;
	[tilespmem:$0x13080] =	vst v63  }
0x161: {  	v38 =	vperm.xlane v6, v0;
	s24 =	simm.s32 $0x6880  }
0x162: {  	[tilespmem:s24], [sflag:$0x1] =	stream.indirect_vreg.gather [hbm4b:s10+s5], $0x80, v5, vm0, $0xb8;
	[tilespmem:$0x13080] =	vst v63  }
0x163: {  	v7 =	vadd.s32 v1, v38;
	s1 =	simm.s32 $0x7080  }
0x164: {  	[tilespmem:s1], [sflag:$0x1] =	stream.indirect_vreg.gather [hbm4b:s11+s5], $0x80, v5, vm0, $0xb8;
	[tilespmem:$0x13080] =	vst v63  }
0x165: {  	s24 =	simm.s32 $0x7880  }
0x166: {  	[tilespmem:s24], [sflag:$0x1] =	stream.indirect_vreg.gather [hbm4b:s12+s5], $0x80, v5, vm0, $0xb8;
	[tilespmem:$0x13080] =	vst v63  }
0x167: {  	s20 =	simm.s32 $0x8080  }
0x168: {  	[tilespmem:s20], [sflag:$0x2] =	stream.indirect_vreg.gather [hbm4b:s21+s5], $0x80, v7, vm0, $0xb8;
	[tilespmem:$0x13080] =	vst v63  }
0x169: {  	v39 =	vperm.xlane v6, v2;
	s20 =	simm.s32 $0x8880  }
0x16a: {  	[tilespmem:s20], [sflag:$0x2] =	stream.indirect_vreg.gather [hbm4b:s13+s5], $0x80, v7, vm0, $0xb8;
	[tilespmem:$0x13080] =	vst v63  }
0x16b: {  	v5 =	vadd.s32 v1, v39;
	s20 =	simm.s32 $0x9080  }
0x16c: {  	[tilespmem:s20], [sflag:$0x2] =	stream.indirect_vreg.gather [hbm4b:s14+s5], $0x80, v7, vm0, $0xb8;
	[tilespmem:$0x13080] =	vst v63  }
0x16d: {  	s20 =	simm.s32 $0x9880  }
0x16e: {  	v4 =	vmul.u32 $0x30, v34;
	[tilespmem:s20], [sflag:$0x2] =	stream.indirect_vreg.gather [hbm4b:s15+s5], $0x80, v7, vm0, $0xb8;
	[tilespmem:$0x13080] =	vst v63  }
0x16f: {  	s20 =	simm.s32 $0xA080  }
0x170: {  	v3 =	vor.u32 v3, v4;
	[tilespmem:s20], [sflag:$0x2] =	stream.indirect_vreg.gather [hbm4b:s21+s5], $0x80, v5, vm0, $0xb8;
	[tilespmem:$0x13080] =	vst v63  }
0x171: {  	v4 =	vperm.xlane v3, v0;
	s20 =	simm.s32 $0xA880  }
0x172: {  	[tilespmem:s20], [sflag:$0x2] =	stream.indirect_vreg.gather [hbm4b:s13+s5], $0x80, v5, vm0, $0xb8;
	[tilespmem:$0x13080] =	vst v63  }
0x173: {  	v4 =	vadd.s32 v1, v4;
	s20 =	simm.s32 $0xB080  }
0x174: {  	[tilespmem:s20], [sflag:$0x2] =	stream.indirect_vreg.gather [hbm4b:s14+s5], $0x80, v5, vm0, $0xb8;
	[tilespmem:$0x13080] =	vst v63  }
0x175: {  	s20 =	simm.s32 $0xB880  }
0x176: {  	[tilespmem:s20], [sflag:$0x2] =	stream.indirect_vreg.gather [hbm4b:s15+s5], $0x80, v5, vm0, $0xb8;
	[tilespmem:$0x13080] =	vst v63  }
0x177: {  	s4 =	simm.s32 $0xC080;
	v3 =	vperm.xlane v3, v2  }
0x178: {  	[tilespmem:s4], [sflag:$0x3] =	stream.indirect_vreg.gather [hbm4b:s18+s5], $0x80, v4, vm0, $0xb8;
	[tilespmem:$0x13080] =	vst v63  }
0x179: {  	v3 =	vadd.s32 v1, v3;
	s20 =	simm.s32 $0xC880  }
0x17a: {  	[tilespmem:s20], [sflag:$0x3] =	stream.indirect_vreg.gather [hbm4b:s16+s5], $0x80, v4, vm0, $0xb8;
	[tilespmem:$0x13080] =	vst v63  }
0x17b: {  	_ = 	snop  }
0x17c: {  	[tilespmem:s26], [sflag:$0x3] =	stream.indirect_vreg.gather [hbm4b:s17+s5], $0x80, v4, vm0, $0xb8;
	[tilespmem:$0x13080] =	vst v63  }
0x17d: {  	_ = 	snop  }
0x17e: {  	[tilespmem:s28], [sflag:$0x3] =	stream.indirect_vreg.gather [hbm4b:s18+s5], $0x80, v3, vm0, $0xb8;
	[tilespmem:$0x13080] =	vst v63  }
0x17f: {  	_ = 	snop  }
0x180: {  	[tilespmem:s29], [sflag:$0x3] =	stream.indirect_vreg.gather [hbm4b:s16+s5], $0x80, v3, vm0, $0xb8;
	[tilespmem:$0x13080] =	vst v63  }
0x181: {  	s20 =	simm.s32 $0xE880  }
0x182: {  	[tilespmem:s20], [sflag:$0x3] =	stream.indirect_vreg.gather [hbm4b:s17+s5], $0x80, v3, vm0, $0xb8;
	[tilespmem:$0x13080] =	vst v63  }
0x183: {  	_ =	swait.ge [sflag:s30], $0x8000  }
0x184: {  	[sflag:s30] =	ssyncset.done $0x0  }
0x185: {  	[sflag:s30] =	ssyncadd.s32 $0xFFFF8000  }
0x186: {  	_ =	swait.ge [sflag:s31], $0x4000  }
0x187: {  	[sflag:s31] =	ssyncset.done $0x0  }
0x188: {  	[sflag:s31] =	ssyncadd.s32 $0xFFFFC000  }
0x189: {  	_ =	swait.ge [sflag:s2], $0x3000  }
0x18a: {  	[sflag:s2] =	ssyncset.done $0x0  }
0x18b: {  	s3 =	simm.s32 $0x80;
	s4 =	rddreg [dreg:$0x15];
	[sflag:s2] =	ssyncadd.s32 $0xFFFFD000  }
0x18c: {  	[hbm4b:s4+s5] =	stream.linear.scatter [tilespmem:s3], [sflag:$0x5], $0x8000, $0x38;
	[tilespmem:$0x13080] =	vst v63  }
0x18d: {  	_ =	swait.ge [sflag:s19], $0x8000  }
0x18e: {  	[sflag:s19] =	ssyncset.done $0x0  }
0x18f: {  	s1 =	simm.s32 $0x8080;
	s4 =	rddreg [dreg:$0x16];
	[sflag:s19] =	ssyncadd.s32 $0xFFFF8000  }
0x190: {  	[hbm4b:s4+s5] =	stream.linear.scatter [tilespmem:s1], [sflag:$0x5], $0x4000, $0x38;
	[tilespmem:$0x13080] =	vst v63  }
0x191: {  	_ =	swait.ge [sflag:s19], $0x4000  }
0x192: {  	[sflag:s19] =	ssyncset.done $0x0  }
0x193: {  	s0 =	simm.s32 $0xC080;
	s4 =	rddreg [dreg:$0x17];
	[sflag:s19] =	ssyncadd.s32 $0xFFFFC000  }
0x194: {  	[hbm4b:s4+s5] =	stream.linear.scatter [tilespmem:s0], [sflag:$0x5], $0x3000, $0x38;
	[tilespmem:$0x13080] =	vst v63  }
0x195: {  	_ =	swait.ge [sflag:s19], $0x3000  }
0x196: {  	[sflag:s19] =	ssyncset.done $0x0  }
0x197: {  	[sflag:s19] =	ssyncadd.s32 $0xFFFFD000  }
0x198: {  	v3 =	vld [tilespmem:$0x40];
	_ =	sdelay $0x4  }
0x199: {  	v40 =	vshrl.u32 v3, $0x3  }
0x19a: {  	v3 =	vand.u32 $0x7, v3;
	v41 =	vshll.u32 v40, $0x7  }
0x19b: {  	v5 =	vor.u32 v3, v41  }
0x19c: {  	v42 =	vperm.xlane v5, v0;
	_ =	sdelay $0x1  }
0x19d: {  	v6 =	vadd.s32 v1, v42;
	_ =	sdelay $0x4  }
0x19e: {  	[tilespmem:s3], [sflag:$0x1] =	stream.indirect_vreg.gather [hbm4b:s23+s5], $0x80, v6, vm0, $0xb8;
	[tilespmem:$0x13080] =	vst v63  }
0x19f: {  	s4 =	simm.s32 $0x880  }
0x1a0: {  	[tilespmem:s4], [sflag:$0x1] =	stream.indirect_vreg.gather [hbm4b:s6+s5], $0x80, v6, vm0, $0xb8;
	[tilespmem:$0x13080] =	vst v63  }
0x1a1: {  	_ = 	snop  }
0x1a2: {  	[tilespmem:s25], [sflag:$0x1] =	stream.indirect_vreg.gather [hbm4b:s7+s5], $0x80, v6, vm0, $0xb8;
	[tilespmem:$0x13080] =	vst v63  }
0x1a3: {  	s4 =	simm.s32 $0x1880  }
0x1a4: {  	[tilespmem:s4], [sflag:$0x1] =	stream.indirect_vreg.gather [hbm4b:s8+s5], $0x80, v6, vm0, $0xb8;
	[tilespmem:$0x13080] =	vst v63  }
0x1a5: {  	s25 =	simm.s32 $0x2080  }
0x1a6: {  	[tilespmem:s25], [sflag:$0x1] =	stream.indirect_vreg.gather [hbm4b:s9+s5], $0x80, v6, vm0, $0xb8;
	[tilespmem:$0x13080] =	vst v63  }
0x1a7: {  	v5 =	vperm.xlane v5, v2;
	s4 =	simm.s32 $0x2880  }
0x1a8: {  	[tilespmem:s4], [sflag:$0x1] =	stream.indirect_vreg.gather [hbm4b:s10+s5], $0x80, v6, vm0, $0xb8;
	[tilespmem:$0x13080] =	vst v63  }
0x1a9: {  	v5 =	vadd.s32 v1, v5;
	s25 =	simm.s32 $0x3080  }
0x1aa: {  	[tilespmem:s25], [sflag:$0x1] =	stream.indirect_vreg.gather [hbm4b:s11+s5], $0x80, v6, vm0, $0xb8;
	[tilespmem:$0x13080] =	vst v63  }
0x1ab: {  	s4 =	simm.s32 $0x3880  }
0x1ac: {  	[tilespmem:s4], [sflag:$0x1] =	stream.indirect_vreg.gather [hbm4b:s12+s5], $0x80, v6, vm0, $0xb8;
	[tilespmem:$0x13080] =	vst v63  }
0x1ad: {  	s25 =	simm.s32 $0x4080  }
0x1ae: {  	[tilespmem:s25], [sflag:$0x1] =	stream.indirect_vreg.gather [hbm4b:s23+s5], $0x80, v5, vm0, $0xb8;
	[tilespmem:$0x13080] =	vst v63  }
0x1af: {  	s4 =	simm.s32 $0x4880  }
0x1b0: {  	[tilespmem:s4], [sflag:$0x1] =	stream.indirect_vreg.gather [hbm4b:s6+s5], $0x80, v5, vm0, $0xb8;
	[tilespmem:$0x13080] =	vst v63  }
0x1b1: {  	s25 =	simm.s32 $0x5080  }
0x1b2: {  	[tilespmem:s25], [sflag:$0x1] =	stream.indirect_vreg.gather [hbm4b:s7+s5], $0x80, v5, vm0, $0xb8;
	[tilespmem:$0x13080] =	vst v63  }
0x1b3: {  	_ = 	snop  }
0x1b4: {  	[tilespmem:s22], [sflag:$0x1] =	stream.indirect_vreg.gather [hbm4b:s8+s5], $0x80, v5, vm0, $0xb8;
	[tilespmem:$0x13080] =	vst v63  }
0x1b5: {  	v43 =	vshll.u32 v40, $0x6;
	s4 =	simm.s32 $0x6080  }
0x1b6: {  	v6 =	vor.u32 v3, v43;
	[tilespmem:s4], [sflag:$0x1] =	stream.indirect_vreg.gather [hbm4b:s9+s5], $0x80, v5, vm0, $0xb8;
	[tilespmem:$0x13080] =	vst v63  }
0x1b7: {  	v44 =	vperm.xlane v6, v0;
	s22 =	simm.s32 $0x6880  }
0x1b8: {  	[tilespmem:s22], [sflag:$0x1] =	stream.indirect_vreg.gather [hbm4b:s10+s5], $0x80, v5, vm0, $0xb8;
	[tilespmem:$0x13080] =	vst v63  }
0x1b9: {  	v7 =	vadd.s32 v1, v44;
	s25 =	simm.s32 $0x7080  }
0x1ba: {  	[tilespmem:s25], [sflag:$0x1] =	stream.indirect_vreg.gather [hbm4b:s11+s5], $0x80, v5, vm0, $0xb8;
	[tilespmem:$0x13080] =	vst v63  }
0x1bb: {  	_ = 	snop  }
0x1bc: {  	[tilespmem:s24], [sflag:$0x1] =	stream.indirect_vreg.gather [hbm4b:s12+s5], $0x80, v5, vm0, $0xb8;
	[tilespmem:$0x13080] =	vst v63  }
0x1bd: {  	s1 =	simm.s32 $0x8080  }
0x1be: {  	[tilespmem:s1], [sflag:$0x2] =	stream.indirect_vreg.gather [hbm4b:s21+s5], $0x80, v7, vm0, $0xb8;
	[tilespmem:$0x13080] =	vst v63  }
0x1bf: {  	v45 =	vperm.xlane v6, v2;
	s4 =	simm.s32 $0x8880  }
0x1c0: {  	[tilespmem:s4], [sflag:$0x2] =	stream.indirect_vreg.gather [hbm4b:s13+s5], $0x80, v7, vm0, $0xb8;
	[tilespmem:$0x13080] =	vst v63  }
0x1c1: {  	s22 =	simm.s32 $0x9080;
	v5 =	vadd.s32 v1, v45  }
0x1c2: {  	[tilespmem:s22], [sflag:$0x2] =	stream.indirect_vreg.gather [hbm4b:s14+s5], $0x80, v7, vm0, $0xb8;
	[tilespmem:$0x13080] =	vst v63  }
0x1c3: {  	s24 =	simm.s32 $0x9880  }
0x1c4: {  	v4 =	vmul.u32 $0x30, v40;
	[tilespmem:s24], [sflag:$0x2] =	stream.indirect_vreg.gather [hbm4b:s15+s5], $0x80, v7, vm0, $0xb8;
	[tilespmem:$0x13080] =	vst v63  }
0x1c5: {  	s4 =	simm.s32 $0xA080  }
0x1c6: {  	v3 =	vor.u32 v3, v4;
	[tilespmem:s4], [sflag:$0x2] =	stream.indirect_vreg.gather [hbm4b:s21+s5], $0x80, v5, vm0, $0xb8;
	[tilespmem:$0x13080] =	vst v63  }
0x1c7: {  	v4 =	vperm.xlane v3, v0;
	s22 =	simm.s32 $0xA880  }
0x1c8: {  	[tilespmem:s22], [sflag:$0x2] =	stream.indirect_vreg.gather [hbm4b:s13+s5], $0x80, v5, vm0, $0xb8;
	[tilespmem:$0x13080] =	vst v63  }
0x1c9: {  	v4 =	vadd.s32 v1, v4;
	s24 =	simm.s32 $0xB080  }
0x1ca: {  	[tilespmem:s24], [sflag:$0x2] =	stream.indirect_vreg.gather [hbm4b:s14+s5], $0x80, v5, vm0, $0xb8;
	[tilespmem:$0x13080] =	vst v63  }
0x1cb: {  	s4 =	simm.s32 $0xB880  }
0x1cc: {  	[tilespmem:s4], [sflag:$0x2] =	stream.indirect_vreg.gather [hbm4b:s15+s5], $0x80, v5, vm0, $0xb8;
	[tilespmem:$0x13080] =	vst v63  }
0x1cd: {  	s0 =	simm.s32 $0xC080;
	v3 =	vperm.xlane v3, v2  }
0x1ce: {  	[tilespmem:s0], [sflag:$0x3] =	stream.indirect_vreg.gather [hbm4b:s18+s5], $0x80, v4, vm0, $0xb8;
	[tilespmem:$0x13080] =	vst v63  }
0x1cf: {  	v3 =	vadd.s32 v1, v3;
	s22 =	simm.s32 $0xC880  }
0x1d0: {  	[tilespmem:s22], [sflag:$0x3] =	stream.indirect_vreg.gather [hbm4b:s16+s5], $0x80, v4, vm0, $0xb8;
	[tilespmem:$0x13080] =	vst v63  }
0x1d1: {  	s26 =	simm.s32 $0xD080  }
0x1d2: {  	[tilespmem:s26], [sflag:$0x3] =	stream.indirect_vreg.gather [hbm4b:s17+s5], $0x80, v4, vm0, $0xb8;
	[tilespmem:$0x13080] =	vst v63  }
0x1d3: {  	s28 =	simm.s32 $0xD880  }
0x1d4: {  	[tilespmem:s28], [sflag:$0x3] =	stream.indirect_vreg.gather [hbm4b:s18+s5], $0x80, v3, vm0, $0xb8;
	[tilespmem:$0x13080] =	vst v63  }
0x1d5: {  	s29 =	simm.s32 $0xE080  }
0x1d6: {  	[tilespmem:s29], [sflag:$0x3] =	stream.indirect_vreg.gather [hbm4b:s16+s5], $0x80, v3, vm0, $0xb8;
	[tilespmem:$0x13080] =	vst v63  }
0x1d7: {  	_ = 	snop  }
0x1d8: {  	[tilespmem:s20], [sflag:$0x3] =	stream.indirect_vreg.gather [hbm4b:s17+s5], $0x80, v3, vm0, $0xb8;
	[tilespmem:$0x13080] =	vst v63  }
0x1d9: {  	_ =	swait.ge [sflag:s30], $0x8000  }
0x1da: {  	[sflag:s30] =	ssyncset.done $0x0  }
0x1db: {  	[sflag:s30] =	ssyncadd.s32 $0xFFFF8000  }
0x1dc: {  	_ =	swait.ge [sflag:s31], $0x4000  }
0x1dd: {  	[sflag:s31] =	ssyncset.done $0x0  }
0x1de: {  	[sflag:s31] =	ssyncadd.s32 $0xFFFFC000  }
0x1df: {  	_ =	swait.ge [sflag:s2], $0x3000  }
0x1e0: {  	[sflag:s2] =	ssyncset.done $0x0  }
0x1e1: {  	s26 =	simm.s32 $0x80;
	s24 =	rddreg [dreg:$0x18];
	[sflag:s2] =	ssyncadd.s32 $0xFFFFD000  }
0x1e2: {  	[hbm4b:s24+s5] =	stream.linear.scatter [tilespmem:s26], [sflag:$0x5], $0x8000, $0x38;
	[tilespmem:$0x13080] =	vst v63  }
0x1e3: {  	_ =	swait.ge [sflag:s19], $0x8000  }
0x1e4: {  	[sflag:s19] =	ssyncset.done $0x0  }
0x1e5: {  	s1 =	simm.s32 $0x8080;
	s28 =	rddreg [dreg:$0x19];
	[sflag:s19] =	ssyncadd.s32 $0xFFFF8000  }
0x1e6: {  	[hbm4b:s28+s5] =	stream.linear.scatter [tilespmem:s1], [sflag:$0x5], $0x4000, $0x38;
	[tilespmem:$0x13080] =	vst v63  }
0x1e7: {  	_ =	swait.ge [sflag:s19], $0x4000  }
0x1e8: {  	[sflag:s19] =	ssyncset.done $0x0  }
0x1e9: {  	s0 =	simm.s32 $0xC080;
	s29 =	rddreg [dreg:$0x1a];
	[sflag:s19] =	ssyncadd.s32 $0xFFFFC000  }
0x1ea: {  	[hbm4b:s29+s5] =	stream.linear.scatter [tilespmem:s0], [sflag:$0x5], $0x3000, $0x38;
	[tilespmem:$0x13080] =	vst v63  }
0x1eb: {  	_ =	swait.ge [sflag:s19], $0x3000  }
0x1ec: {  	[sflag:s19] =	ssyncset.done $0x0  }
0x1ed: {  	[sflag:s19] =	ssyncadd.s32 $0xFFFFD000  }
0x1ee: {  	v3 =	vld [tilespmem:$0x50];
	_ =	sdelay $0x4  }
0x1ef: {  	v46 =	vshrl.u32 v3, $0x3  }
0x1f0: {  	v3 =	vand.u32 $0x7, v3;
	v47 =	vshll.u32 v46, $0x7  }
0x1f1: {  	v5 =	vor.u32 v3, v47  }
0x1f2: {  	v48 =	vperm.xlane v5, v0;
	_ =	sdelay $0x1  }
0x1f3: {  	v6 =	vadd.s32 v1, v48;
	_ =	sdelay $0x4  }
0x1f4: {  	[tilespmem:s26], [sflag:$0x1] =	stream.indirect_vreg.gather [hbm4b:s23+s5], $0x80, v6, vm0, $0xb8;
	[tilespmem:$0x13080] =	vst v63  }
0x1f5: {  	s22 =	simm.s32 $0x880  }
0x1f6: {  	[tilespmem:s22], [sflag:$0x1] =	stream.indirect_vreg.gather [hbm4b:s6+s5], $0x80, v6, vm0, $0xb8;
	[tilespmem:$0x13080] =	vst v63  }
0x1f7: {  	s0 =	simm.s32 $0x1080  }
0x1f8: {  	[tilespmem:s0], [sflag:$0x1] =	stream.indirect_vreg.gather [hbm4b:s7+s5], $0x80, v6, vm0, $0xb8;
	[tilespmem:$0x13080] =	vst v63  }
0x1f9: {  	s4 =	simm.s32 $0x1880  }
0x1fa: {  	[tilespmem:s4], [sflag:$0x1] =	stream.indirect_vreg.gather [hbm4b:s8+s5], $0x80, v6, vm0, $0xb8;
	[tilespmem:$0x13080] =	vst v63  }
0x1fb: {  	s24 =	simm.s32 $0x2080  }
0x1fc: {  	[tilespmem:s24], [sflag:$0x1] =	stream.indirect_vreg.gather [hbm4b:s9+s5], $0x80, v6, vm0, $0xb8;
	[tilespmem:$0x13080] =	vst v63  }
0x1fd: {  	v5 =	vperm.xlane v5, v2;
	s26 =	simm.s32 $0x2880  }
0x1fe: {  	[tilespmem:s26], [sflag:$0x1] =	stream.indirect_vreg.gather [hbm4b:s10+s5], $0x80, v6, vm0, $0xb8;
	[tilespmem:$0x13080] =	vst v63  }
0x1ff: {  	s28 =	simm.s32 $0x3080;
	v5 =	vadd.s32 v1, v5  }
0x200: {  	[tilespmem:s28], [sflag:$0x1] =	stream.indirect_vreg.gather [hbm4b:s11+s5], $0x80, v6, vm0, $0xb8;
	[tilespmem:$0x13080] =	vst v63  }
0x201: {  	s29 =	simm.s32 $0x3880  }
0x202: {  	[tilespmem:s29], [sflag:$0x1] =	stream.indirect_vreg.gather [hbm4b:s12+s5], $0x80, v6, vm0, $0xb8;
	[tilespmem:$0x13080] =	vst v63  }
0x203: {  	s1 =	simm.s32 $0x4080  }
0x204: {  	[tilespmem:s1], [sflag:$0x1] =	stream.indirect_vreg.gather [hbm4b:s23+s5], $0x80, v5, vm0, $0xb8;
	[tilespmem:$0x13080] =	vst v63  }
0x205: {  	s4 =	simm.s32 $0x4880  }
0x206: {  	[tilespmem:s4], [sflag:$0x1] =	stream.indirect_vreg.gather [hbm4b:s6+s5], $0x80, v5, vm0, $0xb8;
	[tilespmem:$0x13080] =	vst v63  }
0x207: {  	s24 =	simm.s32 $0x5080  }
0x208: {  	[tilespmem:s24], [sflag:$0x1] =	stream.indirect_vreg.gather [hbm4b:s7+s5], $0x80, v5, vm0, $0xb8;
	[tilespmem:$0x13080] =	vst v63  }
0x209: {  	s26 =	simm.s32 $0x5880  }
0x20a: {  	[tilespmem:s26], [sflag:$0x1] =	stream.indirect_vreg.gather [hbm4b:s8+s5], $0x80, v5, vm0, $0xb8;
	[tilespmem:$0x13080] =	vst v63  }
0x20b: {  	v49 =	vshll.u32 v46, $0x6;
	s28 =	simm.s32 $0x6080  }
0x20c: {  	v6 =	vor.u32 v3, v49;
	[tilespmem:s28], [sflag:$0x1] =	stream.indirect_vreg.gather [hbm4b:s9+s5], $0x80, v5, vm0, $0xb8;
	[tilespmem:$0x13080] =	vst v63  }
0x20d: {  	s29 =	simm.s32 $0x6880;
	v50 =	vperm.xlane v6, v0  }
0x20e: {  	[tilespmem:s29], [sflag:$0x1] =	stream.indirect_vreg.gather [hbm4b:s10+s5], $0x80, v5, vm0, $0xb8;
	[tilespmem:$0x13080] =	vst v63  }
0x20f: {  	v7 =	vadd.s32 v1, v50;
	s24 =	simm.s32 $0x7080  }
0x210: {  	[tilespmem:s24], [sflag:$0x1] =	stream.indirect_vreg.gather [hbm4b:s11+s5], $0x80, v5, vm0, $0xb8;
	[tilespmem:$0x13080] =	vst v63  }
0x211: {  	s0 =	simm.s32 $0x7880  }
0x212: {  	[tilespmem:s0], [sflag:$0x1] =	stream.indirect_vreg.gather [hbm4b:s12+s5], $0x80, v5, vm0, $0xb8;
	[tilespmem:$0x13080] =	vst v63  }
0x213: {  	s3 =	simm.s32 $0x8080  }
0x214: {  	[tilespmem:s3], [sflag:$0x2] =	stream.indirect_vreg.gather [hbm4b:s21+s5], $0x80, v7, vm0, $0xb8;
	[tilespmem:$0x13080] =	vst v63  }
0x215: {  	v51 =	vperm.xlane v6, v2;
	s1 =	simm.s32 $0x8880  }
0x216: {  	[tilespmem:s1], [sflag:$0x2] =	stream.indirect_vreg.gather [hbm4b:s13+s5], $0x80, v7, vm0, $0xb8;
	[tilespmem:$0x13080] =	vst v63  }
0x217: {  	s25 =	simm.s32 $0x9080;
	v5 =	vadd.s32 v1, v51  }
0x218: {  	[tilespmem:s25], [sflag:$0x2] =	stream.indirect_vreg.gather [hbm4b:s14+s5], $0x80, v7, vm0, $0xb8;
	[tilespmem:$0x13080] =	vst v63  }
0x219: {  	s1 =	simm.s32 $0x9880  }
0x21a: {  	v4 =	vmul.u32 $0x30, v46;
	[tilespmem:s1], [sflag:$0x2] =	stream.indirect_vreg.gather [hbm4b:s15+s5], $0x80, v7, vm0, $0xb8;
	[tilespmem:$0x13080] =	vst v63  }
0x21b: {  	s26 =	simm.s32 $0xA080  }
0x21c: {  	v3 =	vor.u32 v3, v4;
	[tilespmem:s26], [sflag:$0x2] =	stream.indirect_vreg.gather [hbm4b:s21+s5], $0x80, v5, vm0, $0xb8;
	[tilespmem:$0x13080] =	vst v63  }
0x21d: {  	v4 =	vperm.xlane v3, v0;
	s28 =	simm.s32 $0xA880  }
0x21e: {  	[tilespmem:s28], [sflag:$0x2] =	stream.indirect_vreg.gather [hbm4b:s13+s5], $0x80, v5, vm0, $0xb8;
	[tilespmem:$0x13080] =	vst v63  }
0x21f: {  	v4 =	vadd.s32 v1, v4;
	s29 =	simm.s32 $0xB080  }
0x220: {  	[tilespmem:s29], [sflag:$0x2] =	stream.indirect_vreg.gather [hbm4b:s14+s5], $0x80, v5, vm0, $0xb8;
	[tilespmem:$0x13080] =	vst v63  }
0x221: {  	s0 =	simm.s32 $0xB880  }
0x222: {  	[tilespmem:s0], [sflag:$0x2] =	stream.indirect_vreg.gather [hbm4b:s15+s5], $0x80, v5, vm0, $0xb8;
	[tilespmem:$0x13080] =	vst v63  }
0x223: {  	v3 =	vperm.xlane v3, v2;
	s0 =	simm.s32 $0xC080  }
0x224: {  	[tilespmem:s0], [sflag:$0x3] =	stream.indirect_vreg.gather [hbm4b:s18+s5], $0x80, v4, vm0, $0xb8;
	[tilespmem:$0x13080] =	vst v63  }
0x225: {  	v3 =	vadd.s32 v1, v3;
	s25 =	simm.s32 $0xC880  }
0x226: {  	[tilespmem:s25], [sflag:$0x3] =	stream.indirect_vreg.gather [hbm4b:s16+s5], $0x80, v4, vm0, $0xb8;
	[tilespmem:$0x13080] =	vst v63  }
0x227: {  	s26 =	simm.s32 $0xD080  }
0x228: {  	[tilespmem:s26], [sflag:$0x3] =	stream.indirect_vreg.gather [hbm4b:s17+s5], $0x80, v4, vm0, $0xb8;
	[tilespmem:$0x13080] =	vst v63  }
0x229: {  	s28 =	simm.s32 $0xD880  }
0x22a: {  	[tilespmem:s28], [sflag:$0x3] =	stream.indirect_vreg.gather [hbm4b:s18+s5], $0x80, v3, vm0, $0xb8;
	[tilespmem:$0x13080] =	vst v63  }
0x22b: {  	s29 =	simm.s32 $0xE080  }
0x22c: {  	[tilespmem:s29], [sflag:$0x3] =	stream.indirect_vreg.gather [hbm4b:s16+s5], $0x80, v3, vm0, $0xb8;
	[tilespmem:$0x13080] =	vst v63  }
0x22d: {  	s4 =	simm.s32 $0xE880  }
0x22e: {  	[tilespmem:s4], [sflag:$0x3] =	stream.indirect_vreg.gather [hbm4b:s17+s5], $0x80, v3, vm0, $0xb8;
	[tilespmem:$0x13080] =	vst v63  }
0x22f: {  	_ =	swait.ge [sflag:s30], $0x8000  }
0x230: {  	[sflag:s30] =	ssyncset.done $0x0  }
0x231: {  	[sflag:s30] =	ssyncadd.s32 $0xFFFF8000  }
0x232: {  	_ =	swait.ge [sflag:s31], $0x4000  }
0x233: {  	[sflag:s31] =	ssyncset.done $0x0  }
0x234: {  	[sflag:s31] =	ssyncadd.s32 $0xFFFFC000  }
0x235: {  	_ =	swait.ge [sflag:s2], $0x3000  }
0x236: {  	[sflag:s2] =	ssyncset.done $0x0  }
0x237: {  	s20 =	simm.s32 $0x80;
	s4 =	rddreg [dreg:$0x1b];
	[sflag:s2] =	ssyncadd.s32 $0xFFFFD000  }
0x238: {  	[hbm4b:s4+s5] =	stream.linear.scatter [tilespmem:s20], [sflag:$0x5], $0x8000, $0x38;
	[tilespmem:$0x13080] =	vst v63  }
0x239: {  	_ =	swait.ge [sflag:s19], $0x8000  }
0x23a: {  	[sflag:s19] =	ssyncset.done $0x0  }
0x23b: {  	s4 =	rddreg [dreg:$0x1c];
	[sflag:s19] =	ssyncadd.s32 $0xFFFF8000  }
0x23c: {  	[hbm4b:s4+s5] =	stream.linear.scatter [tilespmem:s3], [sflag:$0x5], $0x4000, $0x38;
	[tilespmem:$0x13080] =	vst v63  }
0x23d: {  	_ =	swait.ge [sflag:s19], $0x4000  }
0x23e: {  	[sflag:s19] =	ssyncset.done $0x0  }
0x23f: {  	s3 =	rddreg [dreg:$0x1d];
	[sflag:s19] =	ssyncadd.s32 $0xFFFFC000  }
0x240: {  	[hbm4b:s3+s5] =	stream.linear.scatter [tilespmem:s0], [sflag:$0x5], $0x3000, $0x38;
	[tilespmem:$0x13080] =	vst v63  }
0x241: {  	_ =	swait.ge [sflag:s19], $0x3000  }
0x242: {  	[sflag:s19] =	ssyncset.done $0x0  }
0x243: {  	[sflag:s19] =	ssyncadd.s32 $0xFFFFD000  }
0x244: {  	v3 =	vld [tilespmem:$0x60];
	_ =	sdelay $0x4  }
0x245: {  	v52 =	vshrl.u32 v3, $0x3  }
0x246: {  	v3 =	vand.u32 $0x7, v3;
	v53 =	vshll.u32 v52, $0x7  }
0x247: {  	v5 =	vor.u32 v3, v53  }
0x248: {  	v54 =	vperm.xlane v5, v0;
	_ =	sdelay $0x1  }
0x249: {  	v6 =	vadd.s32 v1, v54;
	_ =	sdelay $0x4  }
0x24a: {  	[tilespmem:s20], [sflag:$0x1] =	stream.indirect_vreg.gather [hbm4b:s23+s5], $0x80, v6, vm0, $0xb8;
	[tilespmem:$0x13080] =	vst v63  }
0x24b: {  	_ = 	snop  }
0x24c: {  	[tilespmem:s22], [sflag:$0x1] =	stream.indirect_vreg.gather [hbm4b:s6+s5], $0x80, v6, vm0, $0xb8;
	[tilespmem:$0x13080] =	vst v63  }
0x24d: {  	s20 =	simm.s32 $0x1080  }
0x24e: {  	[tilespmem:s20], [sflag:$0x1] =	stream.indirect_vreg.gather [hbm4b:s7+s5], $0x80, v6, vm0, $0xb8;
	[tilespmem:$0x13080] =	vst v63  }
0x24f: {  	s22 =	simm.s32 $0x1880  }
0x250: {  	[tilespmem:s22], [sflag:$0x1] =	stream.indirect_vreg.gather [hbm4b:s8+s5], $0x80, v6, vm0, $0xb8;
	[tilespmem:$0x13080] =	vst v63  }
0x251: {  	s4 =	simm.s32 $0x2080  }
0x252: {  	[tilespmem:s4], [sflag:$0x1] =	stream.indirect_vreg.gather [hbm4b:s9+s5], $0x80, v6, vm0, $0xb8;
	[tilespmem:$0x13080] =	vst v63  }
0x253: {  	v5 =	vperm.xlane v5, v2;
	s20 =	simm.s32 $0x2880  }
0x254: {  	[tilespmem:s20], [sflag:$0x1] =	stream.indirect_vreg.gather [hbm4b:s10+s5], $0x80, v6, vm0, $0xb8;
	[tilespmem:$0x13080] =	vst v63  }
0x255: {  	v5 =	vadd.s32 v1, v5;
	s22 =	simm.s32 $0x3080  }
0x256: {  	[tilespmem:s22], [sflag:$0x1] =	stream.indirect_vreg.gather [hbm4b:s11+s5], $0x80, v6, vm0, $0xb8;
	[tilespmem:$0x13080] =	vst v63  }
0x257: {  	s4 =	simm.s32 $0x3880  }
0x258: {  	[tilespmem:s4], [sflag:$0x1] =	stream.indirect_vreg.gather [hbm4b:s12+s5], $0x80, v6, vm0, $0xb8;
	[tilespmem:$0x13080] =	vst v63  }
0x259: {  	s20 =	simm.s32 $0x4080  }
0x25a: {  	[tilespmem:s20], [sflag:$0x1] =	stream.indirect_vreg.gather [hbm4b:s23+s5], $0x80, v5, vm0, $0xb8;
	[tilespmem:$0x13080] =	vst v63  }
0x25b: {  	s22 =	simm.s32 $0x4880  }
0x25c: {  	[tilespmem:s22], [sflag:$0x1] =	stream.indirect_vreg.gather [hbm4b:s6+s5], $0x80, v5, vm0, $0xb8;
	[tilespmem:$0x13080] =	vst v63  }
0x25d: {  	s4 =	simm.s32 $0x5080  }
0x25e: {  	[tilespmem:s4], [sflag:$0x1] =	stream.indirect_vreg.gather [hbm4b:s7+s5], $0x80, v5, vm0, $0xb8;
	[tilespmem:$0x13080] =	vst v63  }
0x25f: {  	s20 =	simm.s32 $0x5880  }
0x260: {  	[tilespmem:s20], [sflag:$0x1] =	stream.indirect_vreg.gather [hbm4b:s8+s5], $0x80, v5, vm0, $0xb8;
	[tilespmem:$0x13080] =	vst v63  }
0x261: {  	s0 =	simm.s32 $0x6080;
	v55 =	vshll.u32 v52, $0x6  }
0x262: {  	v6 =	vor.u32 v3, v55;
	[tilespmem:s0], [sflag:$0x1] =	stream.indirect_vreg.gather [hbm4b:s9+s5], $0x80, v5, vm0, $0xb8;
	[tilespmem:$0x13080] =	vst v63  }
0x263: {  	v56 =	vperm.xlane v6, v0;
	s20 =	simm.s32 $0x6880  }
0x264: {  	[tilespmem:s20], [sflag:$0x1] =	stream.indirect_vreg.gather [hbm4b:s10+s5], $0x80, v5, vm0, $0xb8;
	[tilespmem:$0x13080] =	vst v63  }
0x265: {  	v7 =	vadd.s32 v1, v56  }
0x266: {  	[tilespmem:s24], [sflag:$0x1] =	stream.indirect_vreg.gather [hbm4b:s11+s5], $0x80, v5, vm0, $0xb8;
	[tilespmem:$0x13080] =	vst v63  }
0x267: {  	s0 =	simm.s32 $0x7880  }
0x268: {  	[tilespmem:s0], [sflag:$0x1] =	stream.indirect_vreg.gather [hbm4b:s12+s5], $0x80, v5, vm0, $0xb8;
	[tilespmem:$0x13080] =	vst v63  }
0x269: {  	s0 =	simm.s32 $0x8080  }
0x26a: {  	[tilespmem:s0], [sflag:$0x2] =	stream.indirect_vreg.gather [hbm4b:s21+s5], $0x80, v7, vm0, $0xb8;
	[tilespmem:$0x13080] =	vst v63  }
0x26b: {  	v57 =	vperm.xlane v6, v2;
	s20 =	simm.s32 $0x8880  }
0x26c: {  	[tilespmem:s20], [sflag:$0x2] =	stream.indirect_vreg.gather [hbm4b:s13+s5], $0x80, v7, vm0, $0xb8;
	[tilespmem:$0x13080] =	vst v63  }
0x26d: {  	v5 =	vadd.s32 v1, v57;
	s20 =	simm.s32 $0x9080  }
0x26e: {  	[tilespmem:s20], [sflag:$0x2] =	stream.indirect_vreg.gather [hbm4b:s14+s5], $0x80, v7, vm0, $0xb8;
	[tilespmem:$0x13080] =	vst v63  }
0x26f: {  	_ = 	snop  }
0x270: {  	v4 =	vmul.u32 $0x30, v52;
	[tilespmem:s1], [sflag:$0x2] =	stream.indirect_vreg.gather [hbm4b:s15+s5], $0x80, v7, vm0, $0xb8;
	[tilespmem:$0x13080] =	vst v63  }
0x271: {  	s20 =	simm.s32 $0xA080  }
0x272: {  	v3 =	vor.u32 v3, v4;
	[tilespmem:s20], [sflag:$0x2] =	stream.indirect_vreg.gather [hbm4b:s21+s5], $0x80, v5, vm0, $0xb8;
	[tilespmem:$0x13080] =	vst v63  }
0x273: {  	v4 =	vperm.xlane v3, v0;
	s1 =	simm.s32 $0xA880  }
0x274: {  	[tilespmem:s1], [sflag:$0x2] =	stream.indirect_vreg.gather [hbm4b:s13+s5], $0x80, v5, vm0, $0xb8;
	[tilespmem:$0x13080] =	vst v63  }
0x275: {  	v4 =	vadd.s32 v1, v4;
	s20 =	simm.s32 $0xB080  }
0x276: {  	[tilespmem:s20], [sflag:$0x2] =	stream.indirect_vreg.gather [hbm4b:s14+s5], $0x80, v5, vm0, $0xb8;
	[tilespmem:$0x13080] =	vst v63  }
0x277: {  	s1 =	simm.s32 $0xB880  }
0x278: {  	[tilespmem:s1], [sflag:$0x2] =	stream.indirect_vreg.gather [hbm4b:s15+s5], $0x80, v5, vm0, $0xb8;
	[tilespmem:$0x13080] =	vst v63  }
0x279: {  	s3 =	simm.s32 $0xC080;
	v3 =	vperm.xlane v3, v2  }
0x27a: {  	[tilespmem:s3], [sflag:$0x3] =	stream.indirect_vreg.gather [hbm4b:s18+s5], $0x80, v4, vm0, $0xb8;
	[tilespmem:$0x13080] =	vst v63  }
0x27b: {  	v3 =	vadd.s32 v1, v3  }
0x27c: {  	[tilespmem:s25], [sflag:$0x3] =	stream.indirect_vreg.gather [hbm4b:s16+s5], $0x80, v4, vm0, $0xb8;
	[tilespmem:$0x13080] =	vst v63  }
0x27d: {  	_ = 	snop  }
0x27e: {  	[tilespmem:s26], [sflag:$0x3] =	stream.indirect_vreg.gather [hbm4b:s17+s5], $0x80, v4, vm0, $0xb8;
	[tilespmem:$0x13080] =	vst v63  }
0x27f: {  	_ = 	snop  }
0x280: {  	[tilespmem:s28], [sflag:$0x3] =	stream.indirect_vreg.gather [hbm4b:s18+s5], $0x80, v3, vm0, $0xb8;
	[tilespmem:$0x13080] =	vst v63  }
0x281: {  	_ = 	snop  }
0x282: {  	[tilespmem:s29], [sflag:$0x3] =	stream.indirect_vreg.gather [hbm4b:s16+s5], $0x80, v3, vm0, $0xb8;
	[tilespmem:$0x13080] =	vst v63  }
0x283: {  	s20 =	simm.s32 $0xE880  }
0x284: {  	[tilespmem:s20], [sflag:$0x3] =	stream.indirect_vreg.gather [hbm4b:s17+s5], $0x80, v3, vm0, $0xb8;
	[tilespmem:$0x13080] =	vst v63  }
0x285: {  	_ =	swait.ge [sflag:s30], $0x8000  }
0x286: {  	[sflag:s30] =	ssyncset.done $0x0  }
0x287: {  	[sflag:s30] =	ssyncadd.s32 $0xFFFF8000  }
0x288: {  	_ =	swait.ge [sflag:s31], $0x4000  }
0x289: {  	[sflag:s31] =	ssyncset.done $0x0  }
0x28a: {  	[sflag:s31] =	ssyncadd.s32 $0xFFFFC000  }
0x28b: {  	_ =	swait.ge [sflag:s2], $0x3000  }
0x28c: {  	[sflag:s2] =	ssyncset.done $0x0  }
0x28d: {  	s20 =	simm.s32 $0x80;
	s1 =	rddreg [dreg:$0x1e];
	[sflag:s2] =	ssyncadd.s32 $0xFFFFD000  }
0x28e: {  	[hbm4b:s1+s5] =	stream.linear.scatter [tilespmem:s20], [sflag:$0x5], $0x8000, $0x38;
	[tilespmem:$0x13080] =	vst v63  }
0x28f: {  	_ =	swait.ge [sflag:s19], $0x8000  }
0x290: {  	[sflag:s19] =	ssyncset.done $0x0  }
0x291: {  	s1 =	rddreg [dreg:$0x1f];
	[sflag:s19] =	ssyncadd.s32 $0xFFFF8000  }
0x292: {  	[hbm4b:s1+s5] =	stream.linear.scatter [tilespmem:s0], [sflag:$0x5], $0x4000, $0x38;
	[tilespmem:$0x13080] =	vst v63  }
0x293: {  	_ =	swait.ge [sflag:s19], $0x4000  }
0x294: {  	s0 =	sld [smem:$0x7FA]  }
0x295: {  	[sflag:s19] =	ssyncset.done $0x0  }
0x296: {  	[sflag:s19] =	ssyncadd.s32 $0xFFFFC000  }
0x297: {  	[hbm4b:s0+s5] =	stream.linear.scatter [tilespmem:s3], [sflag:$0x5], $0x3000, $0x38;
	[tilespmem:$0x13080] =	vst v63  }
0x298: {  	_ =	swait.ge [sflag:s19], $0x3000  }
0x299: {  	[sflag:s19] =	ssyncset.done $0x0  }
0x29a: {  	[sflag:s19] =	ssyncadd.s32 $0xFFFFD000  }
0x29b: {  	v3 =	vld [tilespmem:$0x70];
	_ =	sdelay $0x4  }
0x29c: {  	v58 =	vshrl.u32 v3, $0x3  }
0x29d: {  	v3 =	vand.u32 $0x7, v3;
	v59 =	vshll.u32 v58, $0x7  }
0x29e: {  	v5 =	vor.u32 v3, v59  }
0x29f: {  	v60 =	vperm.xlane v5, v0;
	_ =	sdelay $0x1  }
0x2a0: {  	v6 =	vadd.s32 v1, v60;
	_ =	sdelay $0x4  }
0x2a1: {  	[tilespmem:s20], [sflag:$0x1] =	stream.indirect_vreg.gather [hbm4b:s23+s5], $0x80, v6, vm0, $0xb8;
	[tilespmem:$0x13080] =	vst v63  }
0x2a2: {  	s4 =	simm.s32 $0x880  }
0x2a3: {  	[tilespmem:s4], [sflag:$0x1] =	stream.indirect_vreg.gather [hbm4b:s6+s5], $0x80, v6, vm0, $0xb8;
	[tilespmem:$0x13080] =	vst v63  }
0x2a4: {  	s4 =	simm.s32 $0x1080  }
0x2a5: {  	[tilespmem:s4], [sflag:$0x1] =	stream.indirect_vreg.gather [hbm4b:s7+s5], $0x80, v6, vm0, $0xb8;
	[tilespmem:$0x13080] =	vst v63  }
0x2a6: {  	s4 =	simm.s32 $0x1880  }
0x2a7: {  	[tilespmem:s4], [sflag:$0x1] =	stream.indirect_vreg.gather [hbm4b:s8+s5], $0x80, v6, vm0, $0xb8;
	[tilespmem:$0x13080] =	vst v63  }
0x2a8: {  	s4 =	simm.s32 $0x2080  }
0x2a9: {  	[tilespmem:s4], [sflag:$0x1] =	stream.indirect_vreg.gather [hbm4b:s9+s5], $0x80, v6, vm0, $0xb8;
	[tilespmem:$0x13080] =	vst v63  }
0x2aa: {  	v5 =	vperm.xlane v5, v2;
	s4 =	simm.s32 $0x2880  }
0x2ab: {  	[tilespmem:s4], [sflag:$0x1] =	stream.indirect_vreg.gather [hbm4b:s10+s5], $0x80, v6, vm0, $0xb8;
	[tilespmem:$0x13080] =	vst v63  }
0x2ac: {  	v5 =	vadd.s32 v1, v5;
	s4 =	simm.s32 $0x3080  }
0x2ad: {  	[tilespmem:s4], [sflag:$0x1] =	stream.indirect_vreg.gather [hbm4b:s11+s5], $0x80, v6, vm0, $0xb8;
	[tilespmem:$0x13080] =	vst v63  }
0x2ae: {  	s4 =	simm.s32 $0x3880  }
0x2af: {  	[tilespmem:s4], [sflag:$0x1] =	stream.indirect_vreg.gather [hbm4b:s12+s5], $0x80, v6, vm0, $0xb8;
	[tilespmem:$0x13080] =	vst v63  }
0x2b0: {  	s4 =	simm.s32 $0x4080  }
0x2b1: {  	[tilespmem:s4], [sflag:$0x1] =	stream.indirect_vreg.gather [hbm4b:s23+s5], $0x80, v5, vm0, $0xb8;
	[tilespmem:$0x13080] =	vst v63  }
0x2b2: {  	s23 =	simm.s32 $0x4880  }
0x2b3: {  	[tilespmem:s23], [sflag:$0x1] =	stream.indirect_vreg.gather [hbm4b:s6+s5], $0x80, v5, vm0, $0xb8;
	[tilespmem:$0x13080] =	vst v63  }
0x2b4: {  	s22 =	simm.s32 $0x5080  }
0x2b5: {  	[tilespmem:s22], [sflag:$0x1] =	stream.indirect_vreg.gather [hbm4b:s7+s5], $0x80, v5, vm0, $0xb8;
	[tilespmem:$0x13080] =	vst v63  }
0x2b6: {  	s4 =	simm.s32 $0x5880  }
0x2b7: {  	[tilespmem:s4], [sflag:$0x1] =	stream.indirect_vreg.gather [hbm4b:s8+s5], $0x80, v5, vm0, $0xb8;
	[tilespmem:$0x13080] =	vst v63  }
0x2b8: {  	v61 =	vshll.u32 v58, $0x6;
	s22 =	simm.s32 $0x6080  }
0x2b9: {  	v6 =	vor.u32 v3, v61;
	[tilespmem:s22], [sflag:$0x1] =	stream.indirect_vreg.gather [hbm4b:s9+s5], $0x80, v5, vm0, $0xb8;
	[tilespmem:$0x13080] =	vst v63  }
0x2ba: {  	v62 =	vperm.xlane v6, v0;
	s23 =	simm.s32 $0x6880  }
0x2bb: {  	[tilespmem:s23], [sflag:$0x1] =	stream.indirect_vreg.gather [hbm4b:s10+s5], $0x80, v5, vm0, $0xb8;
	[tilespmem:$0x13080] =	vst v63  }
0x2bc: {  	s24 =	simm.s32 $0x7080;
	v7 =	vadd.s32 v1, v62  }
0x2bd: {  	[tilespmem:s24], [sflag:$0x1] =	stream.indirect_vreg.gather [hbm4b:s11+s5], $0x80, v5, vm0, $0xb8;
	[tilespmem:$0x13080] =	vst v63  }
0x2be: {  	s4 =	simm.s32 $0x7880  }
0x2bf: {  	[tilespmem:s4], [sflag:$0x1] =	stream.indirect_vreg.gather [hbm4b:s12+s5], $0x80, v5, vm0, $0xb8;
	[tilespmem:$0x13080] =	vst v63  }
0x2c0: {  	s1 =	simm.s32 $0x8080  }
0x2c1: {  	[tilespmem:s1], [sflag:$0x2] =	stream.indirect_vreg.gather [hbm4b:s21+s5], $0x80, v7, vm0, $0xb8;
	[tilespmem:$0x13080] =	vst v63  }
0x2c2: {  	v63 =	vperm.xlane v6, v2;
	s22 =	simm.s32 $0x8880  }
0x2c3: {  	[tilespmem:s22], [sflag:$0x2] =	stream.indirect_vreg.gather [hbm4b:s13+s5], $0x80, v7, vm0, $0xb8;
	[tilespmem:$0x13080] =	vst v63  }
0x2c4: {  	s23 =	simm.s32 $0x9080;
	v5 =	vadd.s32 v1, v63  }
0x2c5: {  	[tilespmem:s23], [sflag:$0x2] =	stream.indirect_vreg.gather [hbm4b:s14+s5], $0x80, v7, vm0, $0xb8;
	[tilespmem:$0x13080] =	vst v63  }
0x2c6: {  	s24 =	simm.s32 $0x9880  }
0x2c7: {  	v4 =	vmul.u32 $0x30, v58;
	[tilespmem:s24], [sflag:$0x2] =	stream.indirect_vreg.gather [hbm4b:s15+s5], $0x80, v7, vm0, $0xb8;
	[tilespmem:$0x13080] =	vst v63  }
0x2c8: {  	s4 =	simm.s32 $0xA080  }
0x2c9: {  	v3 =	vor.u32 v3, v4;
	[tilespmem:s4], [sflag:$0x2] =	stream.indirect_vreg.gather [hbm4b:s21+s5], $0x80, v5, vm0, $0xb8;
	[tilespmem:$0x13080] =	vst v63  }
0x2ca: {  	v4 =	vperm.xlane v3, v0;
	s22 =	simm.s32 $0xA880  }
0x2cb: {  	[tilespmem:s22], [sflag:$0x2] =	stream.indirect_vreg.gather [hbm4b:s13+s5], $0x80, v5, vm0, $0xb8;
	[tilespmem:$0x13080] =	vst v63  }
0x2cc: {  	v4 =	vadd.s32 v1, v4;
	s23 =	simm.s32 $0xB080  }
0x2cd: {  	[tilespmem:s23], [sflag:$0x2] =	stream.indirect_vreg.gather [hbm4b:s14+s5], $0x80, v5, vm0, $0xb8;
	[tilespmem:$0x13080] =	vst v63  }
0x2ce: {  	s24 =	simm.s32 $0xB880  }
0x2cf: {  	[tilespmem:s24], [sflag:$0x2] =	stream.indirect_vreg.gather [hbm4b:s15+s5], $0x80, v5, vm0, $0xb8;
	[tilespmem:$0x13080] =	vst v63  }
0x2d0: {  	v3 =	vperm.xlane v3, v2  }
0x2d1: {  	[tilespmem:s3], [sflag:$0x3] =	stream.indirect_vreg.gather [hbm4b:s18+s5], $0x80, v4, vm0, $0xb8;
	[tilespmem:$0x13080] =	vst v63  }
0x2d2: {  	s25 =	simm.s32 $0xC880;
	v3 =	vadd.s32 v1, v3  }
0x2d3: {  	[tilespmem:s25], [sflag:$0x3] =	stream.indirect_vreg.gather [hbm4b:s16+s5], $0x80, v4, vm0, $0xb8;
	[tilespmem:$0x13080] =	vst v63  }
0x2d4: {  	s26 =	simm.s32 $0xD080  }
0x2d5: {  	[tilespmem:s26], [sflag:$0x3] =	stream.indirect_vreg.gather [hbm4b:s17+s5], $0x80, v4, vm0, $0xb8;
	[tilespmem:$0x13080] =	vst v63  }
0x2d6: {  	s28 =	simm.s32 $0xD880  }
0x2d7: {  	[tilespmem:s28], [sflag:$0x3] =	stream.indirect_vreg.gather [hbm4b:s18+s5], $0x80, v3, vm0, $0xb8;
	[tilespmem:$0x13080] =	vst v63  }
0x2d8: {  	s29 =	simm.s32 $0xE080  }
0x2d9: {  	[tilespmem:s29], [sflag:$0x3] =	stream.indirect_vreg.gather [hbm4b:s16+s5], $0x80, v3, vm0, $0xb8;
	[tilespmem:$0x13080] =	vst v63  }
0x2da: {  	s25 =	simm.s32 $0xE880  }
0x2db: {  	[tilespmem:s25], [sflag:$0x3] =	stream.indirect_vreg.gather [hbm4b:s17+s5], $0x80, v3, vm0, $0xb8;
	[tilespmem:$0x13080] =	vst v63  }
0x2dc: {  	s21 =	sld [smem:$0x7F9];
	_ =	swait.ge [sflag:s30], $0x8000  }
0x2dd: {  	[sflag:s30] =	ssyncset.done $0x0  }
0x2de: {  	[sflag:s30] =	ssyncadd.s32 $0xFFFF8000  }
0x2df: {  	_ =	swait.ge [sflag:s31], $0x4000  }
0x2e0: {  	[sflag:s31] =	ssyncset.done $0x0  }
0x2e1: {  	[sflag:s31] =	ssyncadd.s32 $0xFFFFC000  }
0x2e2: {  	_ =	swait.ge [sflag:s2], $0x3000  }
0x2e3: {  	s26 =	sld [smem:$0x7FB]  }
0x2e4: {  	[sflag:s2] =	ssyncset.done $0x0  }
0x2e5: {  	s20 =	simm.s32 $0x80;
	[sflag:s2] =	ssyncadd.s32 $0xFFFFD000  }
0x2e6: {  	[hbm4b:s26+s5] =	stream.linear.scatter [tilespmem:s20], [sflag:$0x5], $0x8000, $0x38;
	[tilespmem:$0x13080] =	vst v63  }
0x2e7: {  	_ =	swait.ge [sflag:s19], $0x8000  }
0x2e8: {  	s28 =	sld [smem:$0x7FC]  }
0x2e9: {  	[sflag:s19] =	ssyncset.done $0x0  }
0x2ea: {  	[sflag:s19] =	ssyncadd.s32 $0xFFFF8000  }
0x2eb: {  	[hbm4b:s28+s5] =	stream.linear.scatter [tilespmem:s1], [sflag:$0x5], $0x4000, $0x38;
	[tilespmem:$0x13080] =	vst v63  }
0x2ec: {  	_ =	swait.ge [sflag:s19], $0x4000  }
0x2ed: {  	s29 =	sld [smem:$0x7FD]  }
0x2ee: {  	p0 =	sne.s32 s21, $0x1;
	[sflag:s19] =	ssyncset.done $0x0  }
.Ltmp0:
0x2ef: {  	[sflag:s19] =	ssyncadd.s32 $0xFFFFC000;
	(pc) =	sbr.rel @p0 .LBB2_1-.Ltmp0, $4  }
0x2f0: {  	[hbm4b:s29+s5] =	stream.linear.scatter [tilespmem:s3], [sflag:$0x5], $0x3000, $0x38;
	[tilespmem:$0x13080] =	vst v63  }
0x2f1: {  	_ =	swait.ge [sflag:s19], $0x3000  }
0x2f2: {  	[sflag:s19] =	ssyncset.done $0x0  }
0x2f3: {  	s0 =	sadd.s32 $0xFFFFFFFF, s21;
	[sflag:s19] =	ssyncadd.s32 $0xFFFFD000  }
0x2f4: {  	_ =	sfence.sel $0x180000  }
0x2f5: {  	[bflag:$0x0] =	sbarrier.arrive $0xFFFF  }
0x2f6: {  	_ =	strace $0x9000005F  }
0x2f7: {  	s0 =	stileid.u32;
	[bflag:$0x2] =	sbarrier.arrive $0xFFFF  }
0x2f8: {  	p0 =	sne.s32 s0, $0x0;
	s0 =	rddreg [dreg:$0x8]  }
0x2f9: {  	s0 =	sadd.s32 @!p0 $0x100000, s0  }
0x2fa: {  	[sflag:s0] =	ssyncadd.tile.s32 @!p0 $0x1;
	_ =	shalt  }
.Lfunc_end2:
_tile_overlayer_lowered:
.L_overlay_start_2:
0x2fb: {  	(tag) =	ssettag $0x2  }
0x2fc: {  	s0 =	rddreg [dreg:$0x0];
	s2 =	stileid.u32  }
0x2fd: {  	s1 =	rddreg [dreg:$0x1];
	p0 =	sne.s32 s2, $0x0  }
0x2fe: {  	s3 =	rddreg [dreg:$0x2];
	[bflag:$0x3] =	sbarrier.arrive $0xFFFF;
	s2 =	simm.s32 @!p0 $0x1C05  }
0x2ff: {  	[timem:s3], [sflag:s2] =	dma.local @!p0 [hbm:s0], s1  }
0x300: {  	s0 =	simm.s32 @!p0 $0x5  }
0x301: {  	_ =	swait.ge @!p0 [sflag:s0], s1  }
0x302: {  	s1 =	ssub.s32 @!p0 $0x0, s1;
	[sflag:s0] =	ssyncset.done @!p0 $0x0  }
0x303: {  	[sflag:s0] =	ssyncadd.s32 @!p0 s1  }
0x304: {  	[bflag:$0x3] =	sbarrier.arrive $0xFFFF  }
0x305: {  	_ =	shalt  }

// kernel: scatter_offload_async_start.1
scs
__scs_entry_jumppad:
0x0: {  	(pc) =	sbr.rel $0x88, $3  }
0x1: {  	(tag) =	ssettag $0x0;
	lr =	simm.s32 $0x1  }
0x2: {  	[smem:$0x3F9B] =	sst lr;
	_ =	strace $0xD0000000  }
0x3: {  	_ = 	snop  }
0x4: {  	_ = 	snop  }
0x5: {  	_ = 	snop  }
0x6: {  	_ = 	snop  }
0x7: {  	_ = 	snop  }
__scs_overlays_trampoline_lowered:
0x8: {  	[smem:$0x3FAA] =	sst s0  }
0x9: {  	[smem:$0x3FAB] =	sst s1  }
0xa: {  	[smem:$0x3FAC] =	sst s2  }
0xb: {  	[smem:$0x3FAD] =	sst s3  }
0xc: {  	[smem:$0x3FAE] =	sst s4  }
0xd: {  	[smem:$0x3FAF] =	sst s5  }
0xe: {  	[smem:$0x3FB0] =	sst s6  }
0xf: {  	[smem:$0x3FB1] =	sst s7  }
0x10: {  	[smem:$0x3FB2] =	sst s8  }
0x11: {  	[smem:$0x3FB3] =	sst s9;
	s0 =	simm.s32 @!p0 $0x0  }
0x12: {  	s1 =	sld [smem:$0x3F99];
	s0 =	simm.s32 @p0 $0x1  }
0x13: {  	[smem:$0x3FB4] =	sst s0;
	s0 =	simm.s32 @!p1 $0x0  }
0x14: {  	s2 =	sld [smem:$0x3F98];
	s0 =	simm.s32 @p1 $0x1  }
0x15: {  	[smem:$0x3FB5] =	sst s0;
	s0 =	simm.s32 @!p2 $0x0  }
0x16: {  	s3 =	sld [smem:$0x3FDB];
	s0 =	simm.s32 @p2 $0x1  }
0x17: {  	s4 =	simm.s32 $0x1BF5;
	[smem:$0x3FB7] =	sst s0  }
0x18: {  	s0 =	sld [smem:$0x3F9A];
	_ =	swait.ge [sflag:s4], $0x0  }
0x19: {  	s7 =	sld [smem:$0x3F9B]  }
0x1a: {  	s8 =	sadd.s32 $0xFFFFE003, lr  }
0x1b: {  	s9 =	sadd.s32 $0xFFFFFEF7, lr;
	s5 =	simm.s32 $0xFFFFFFFF;
	p2 =	slt.u32 s8, $0xFFFFF086  }
0x1c: {  	p1 =	slt.u32 s9, $0xF7A;
	s5 =	simm.s32 @!p2 $0x0  }
0x1d: {  	s5 =	simm.s32 @p1 $0x1;
	p0 =	seq.s32 s7, s2  }
0x1e: {  	s7 =	smul.u32 @!p0 $0xF7A, s2;
	p2 =	seq.s32 @!p0 s5, $0x0  }
0x1f: {  	s9 =	smul.u32 $0xF7A, s1;
	s8 =	simm.s32 @!p0 $0x1BF5;
	p2 =	por !p2, p0  }
0x20: {  	[sflag:s8] =	ssyncset.s32 @!p0 $0xFFFFF086;
	s6 =	sadd.s32 @!p0 s3, s7;
	s7 =	simm.s32 @!p0 $0x108  }
0x21: {  	s3 =	sadd.s32 s3, s9;
	s6 =	sadd.s32 @!p0 $0x88, s6;
	s7 =	simm.s32 @p2 $0x1082  }
0x22: {  	[simem:s7], [sflag:s8] =	dma.local @!p0 [hbm:s6], $0xF7A  }
0x23: {  	s9 =	sor.u32 $0xD0000000, s2;
	s6 =	simm.s32 $0x108;
	_ =	swait.ge @!p0 [sflag:s8], $0x0  }
0x24: {  	s3 =	sadd.s32 $0x88, s3;
	s6 =	simm.s32 @!p1 $0x1082;
	[sflag:s4] =	ssyncset.s32 $0xFFFFF086  }
0x25: {  	[simem:s6], [sflag:s4] =	dma.local [hbm:s3], $0xF7A  }
0x26: {  	[smem:$0x3F9B] =	sst s1;
	(tag) =	ssettag s2;
	_ =	strace s9  }
0x27: {  	s1 =	sld [smem:$0x3FAB]  }
0x28: {  	s2 =	sld [smem:$0x3FAC]  }
0x29: {  	s4 =	sld [smem:$0x3FAE]  }
0x2a: {  	p0 =	seq.s32 s5, $0x0;
	s5 =	sld [smem:$0x3FAF]  }
0x2b: {  	s6 =	sld [smem:$0x3FB0]  }
0x2c: {  	s7 =	sld [smem:$0x3FB1]  }
0x2d: {  	s3 =	simm.s32 $0x108;
	s8 =	sld [smem:$0x3FB2]  }
0x2e: {  	s3 =	simm.s32 @!p0 $0x1082;
	s9 =	sld [smem:$0x3FB3]  }
0x2f: {  	lr =	sadd.s32 s0, s3;
	s0 =	sld [smem:$0x3FAA]  }
0x30: {  	s3 =	sld [smem:$0x3FAD]  }
0x31: {  	[smem:$0x3FB6] =	sst s10  }
0x32: {  	s10 =	sld [smem:$0x3FB4];
	_ =	sdelay $0x3  }
0x33: {  	p0 =	seq.s32 s10, $0x1;
	s10 =	sld [smem:$0x3FB6];
	_ =	sdelay $0x3  }
0x34: {  	[smem:$0x3FB6] =	sst s10  }
0x35: {  	s10 =	sld [smem:$0x3FB5];
	_ =	sdelay $0x3  }
0x36: {  	p1 =	seq.s32 s10, $0x1;
	s10 =	sld [smem:$0x3FB6];
	_ =	sdelay $0x3  }
0x37: {  	[smem:$0x3FB6] =	sst s10  }
0x38: {  	s10 =	sld [smem:$0x3FB7]  }
0x39: {  	_ = 	snop;
	(pc) =	sbr.ind lr, $3  }
0x3a: {  	_ = 	snop  }
0x3b: {  	_ = 	snop  }
0x3c: {  	p2 =	seq.s32 s10, $0x1;
	s10 =	sld [smem:$0x3FB6]  }
0x3d: {  	_ =	shalt  }
0x3e: {  	_ =	shalt  }
0x3f: {  	_ =	shalt  }
0x40: {  	_ =	shalt  }
0x41: {  	_ =	shalt  }
0x42: {  	_ =	shalt  }
0x43: {  	_ =	shalt  }
0x44: {  	_ =	shalt  }
0x45: {  	_ =	shalt  }
0x46: {  	_ =	shalt  }
0x47: {  	_ =	shalt  }
0x48: {  	_ =	shalt  }
0x49: {  	_ =	shalt  }
0x4a: {  	_ =	shalt  }
0x4b: {  	_ =	shalt  }
0x4c: {  	_ =	shalt  }
0x4d: {  	_ =	shalt  }
0x4e: {  	_ =	shalt  }
0x4f: {  	_ =	shalt  }
0x50: {  	_ =	shalt  }
0x51: {  	_ =	shalt  }
0x52: {  	_ =	shalt  }
0x53: {  	_ =	shalt  }
0x54: {  	_ =	shalt  }
0x55: {  	_ =	shalt  }
0x56: {  	_ =	shalt  }
0x57: {  	_ =	shalt  }
0x58: {  	_ =	shalt  }
0x59: {  	_ =	shalt  }
0x5a: {  	_ =	shalt  }
0x5b: {  	_ =	shalt  }
0x5c: {  	_ =	shalt  }
0x5d: {  	_ =	shalt  }
0x5e: {  	_ =	shalt  }
0x5f: {  	_ =	shalt  }
0x60: {  	_ =	shalt  }
0x61: {  	_ =	shalt  }
0x62: {  	_ =	shalt  }
0x63: {  	_ =	shalt  }
0x64: {  	_ =	shalt  }
0x65: {  	_ =	shalt  }
0x66: {  	_ =	shalt  }
0x67: {  	_ =	shalt  }
0x68: {  	_ =	shalt  }
0x69: {  	_ =	shalt  }
0x6a: {  	_ =	shalt  }
0x6b: {  	_ =	shalt  }
0x6c: {  	_ =	shalt  }
0x6d: {  	_ =	shalt  }
0x6e: {  	_ =	shalt  }
0x6f: {  	_ =	shalt  }
0x70: {  	_ =	shalt  }
0x71: {  	_ =	shalt  }
0x72: {  	_ =	shalt  }
0x73: {  	_ =	shalt  }
0x74: {  	_ =	shalt  }
0x75: {  	_ =	shalt  }
0x76: {  	_ =	shalt  }
0x77: {  	_ =	shalt  }
0x78: {  	_ =	shalt  }
0x79: {  	_ =	shalt  }
0x7a: {  	_ =	shalt  }
0x7b: {  	_ =	shalt  }
0x7c: {  	_ =	shalt  }
0x7d: {  	_ =	shalt  }
0x7e: {  	_ =	shalt  }
0x7f: {  	_ =	shalt  }
0x80: {  	_ =	shalt  }
0x81: {  	_ =	shalt  }
0x82: {  	_ =	shalt  }
0x83: {  	_ =	shalt  }
0x84: {  	_ =	shalt  }
0x85: {  	_ =	shalt  }
0x86: {  	_ =	shalt  }
0x87: {  	_ =	shalt  }
.Lfunc_end0:
.L_simem_size_0:
called_computation.1_lowered:
.L_overlay_start_0:
0x88: {  	s0 =	sld [smem:$0x3FD9]  }
0x89: {  	s1 =	sld [smem:$0x3FFE];
	_ =	sdelay $0x3  }
0x8a: {  	s0 =	sadd.s32 s1, s0  }
0x8b: {  	[smem:$0x3FC2] =	sst s0  }
0x8c: {  	_ = 	snop  }
0x8d: {  	s0 =	sld [smem:$0x3FD0];
	_ =	sdelay $0x2  }
0x8e: {  	s14 =	simm.s32 $0xB;
	s2 =	simm.s32 $0x10  }
0x8f: {  	[smem:s2], [sflag:s14] =	dma.local [hbm:s0], $0x1  }
0x90: {  	_ =	swait.eq [sflag:s14], $0x1  }
0x91: {  	s15 =	sld [smem:$0x12];
	[sflag:s14] =	ssyncset.done $0x0  }
0x92: {  	s16 =	sld [smem:$0x13];
	[sflag:s14] =	ssyncadd.s32 $0xFFFFFFFF  }
0x93: {  	s17 =	sld [smem:$0x14];
	(tm) =	ssettm $0x1  }
0x94: {  	s3 =	sld [smem:$0x3FFB];
	_ =	sdelay $0x3  }
0x95: {  	_ =	strace s3  }
0x96: {  	s3 =	sld [smem:$0x3FFC];
	_ =	sdelay $0x3  }
0x97: {  	_ =	strace s3  }
0x98: {  	s3 =	sld [smem:$0x3FFD];
	_ =	sdelay $0x3  }
0x99: {  	_ =	strace s3  }
0x9a: {  	_ =	strace $0x8FFFFFFF  }
0x9b: {  	s18 =	sld [smem:$0x3FDB];
	_ =	sdelay $0x1  }
0x9c: {  	s4 =	simm.s32 $_scs_section_size  }
0x9d: {  	s5 =	simm.s32 $_size__tile_overlayer_lowered;
	s6 =	simm.s32 $_tile_overlayer_lowered  }
0x9e: {  	s21 =	simm.s32 $0x1BFF;
	s20 =	sshll.u32 s6, $0x1;
	s3 =	sadd.s32 s4, s18  }
0x9f: {  	s7 =	simm.s32 $0x0;
	s19 =	sshll.u32 s5, $0x1;
	s5 =	sadd.s32 s20, s3  }
0xa0: {  	[timem:s7], [sflag:s21] =	dma.local [hbm:s5], s19  }
0xa1: {  	_ =	swait.ge [sflag:s21], s19  }
0xa2: {  	s4 =	ssub.s32 $0x0, s19;
	[sflag:s21] =	ssyncset.done $0x0  }
0xa3: {  	[sflag:s21] =	ssyncadd.s32 s4;
	_ =	sdelay $0x1  }
0xa4: {  	s22 =	simm.s32 $0x1B8B  }
0xa5: {  	_ =	swait.ge [sflag:s22], $0x1  }
0xa6: {  	[sflag:s22] =	ssyncset.done $0x0  }
0xa7: {  	s23 =	simm.s32 $0x1B8E;
	[sflag:s22] =	ssyncadd.s32 $0xFFFFFFFF  }
0xa8: {  	s24 =	simm.s32 $execute0_lowered;
	[smem:$0x3FD2] =	sst s23  }
0xa9: {  	s4 =	sshll.u32 s24, $0x1;
	_ =	strace $0x8000004C;
	[dreg:$0x1] =	wrdreg $0xFFFFFFFF  }
0xaa: {  	s25 =	simm.s32 $_size_execute0_lowered;
	s3 =	sadd.s32 s3, s4;
	[dreg:$0x0] =	wrdreg $0x0  }
0xab: {  	s4 =	sshll.u32 s25, $0x1;
	[dreg:$0x2] =	wrdreg s3  }
0xac: {  	[dreg:$0x3] =	wrdreg s4  }
0xad: {  	[dreg:$0x4] =	wrdreg $0xC0  }
0xae: {  	_ =	task [dreg:s7], $0x5FFFF  }
0xaf: {  	[dreg:$0x1] =	wrdreg $0xFFFFFFFF  }
0xb0: {  	[dreg:$0x0] =	wrdreg $0x60  }
0xb1: {  	[dreg:$0x2] =	wrdreg s16  }
0xb2: {  	[dreg:$0x3] =	wrdreg s17  }
0xb3: {  	[dreg:$0x4] =	wrdreg s15  }
0xb4: {  	[dreg:$0x5] =	wrdreg $0x9  }
0xb5: {  	_ =	task.clear_ibuf [dreg:s7], $0x6FFFF;
	_ =	strace $0x9000004C  }
0xb6: {  	s26 =	simm.s32 $0x9;
	_ =	strace $0x8000004E  }
0xb7: {  	_ =	swait.ge [sflag:s26], $0x1  }
0xb8: {  	[sflag:s26] =	ssyncadd.s32 $0xFFFFFFFF  }
0xb9: {  	_ =	strace $0x9000004E  }
0xba: {  	_ =	sfence  }
0xbb: {  	s28 =	sld [smem:$0x0];
	_ =	sdelay $0x1  }
0xbc: {  	s29 =	srdreg.scid  }
0xbd: {  	s30 =	sshll.u32 s29, $0xD;
	s31 =	sshrl.u32 s29, $0x2  }
0xbe: {  	s1 =	sand.u32 $0x1, s29;
	s2 =	sand.u32 $0x4000, s30;
	s0 =	sadd.s32 s31, s28  }
0xbf: {  	s1 =	sor.u32 s2, s1;
	s0 =	sshll.u32 s0, $0x11  }
0xc0: {  	s0 =	sor.u32 s0, s1  }
0xc1: {  	s0 =	sadd.s32 $0x8F2B, s0  }
0xc2: {  	[sflag:s0] =	ssyncadd.remote.s32 $0x1  }
0xc3: {  	_ =	sfence.sel $0xFFFF  }
0xc4: {  	[dreg:$0x0] =	wrdreg $0xFFFFFFFF;
	(pc) =	sbr.abs _section_cstart, $3  }
0xc5: {  	[dreg:$0x1] =	wrdreg $0xFFFFFFFF  }
0xc6: {  	_ =	task.clear_ibuf [dreg:s7], $0x2FFFF;
	_ =	strace $0x9FFFFFFF  }
0xc7: {  	(tm) =	ssettm $0x7FFFFFFF  }
tec
execute0_lowered:
.L_overlay_start_1:
0x0: {  	(tag) =	ssettag $0x1  }
0x1: {  	s1 =	rddreg [dreg:$0x0]  }
0x2: {  	s5 =	rddreg [dreg:$0x1]  }
0x3: {  	s6 =	rddreg [dreg:$0x2]  }
0x4: {  	s0 =	rddreg [dreg:$0x3];
	s7 =	stileid.u32  }
0x5: {  	_ =	strace $0x8000004D;
	s3 =	simm.s32 $0x3E;
	p0 =	sne.s32 s7, $0x0  }
0x6: {  	[sflag:s3] =	ssyncpa.u1 $0x0;
	s4 =	simm.s32 @!p0 $0x1C3E;
	s2 =	simm.s32 @!p0 $0x0  }
0x7: {  	[spmem:s2], [sflag:s4] =	dma.local @!p0 [hbm:s1], $0x200  }
0x8: {  	s4 =	simm.s32 @!p0 $0x3E  }
0x9: {  	_ =	swait.ge @!p0 [sflag:s4], $0x200  }
0xa: {  	[sflag:s4] =	ssyncset.done @!p0 $0x0  }
0xb: {  	[sflag:s4] =	ssyncadd.s32 @!p0 $0xFFFFFE00  }
0xc: {  	s9 =	simm.s32 $0x200;
	[bflag:$0x0] =	sbarrier.arrive $0xFFFF  }
0xd: {  	s7 =	sshll.u32 s7, $0x5;
	[sflag:s3] =	ssyncpa.u1 $0x1;
	s3 =	simm.s32 $0x1  }
0xe: {  	s8 =	sadd.s32 s5, s7;
	s4 =	simm.s32 $0x2;
	[sflag:s3] =	ssyncpa.u1 $0x0  }
0xf: {  	s5 =	simm.s32 $0x0;
	(ifvalue) =	ssetifvalue $0x1000;
	[sflag:s4] =	ssyncpa.u1 $0x0  }
0x10: {  	[tilespmem:s9], [sflag:$0x2] =	stream.linear.gather [hbm4b:s8+s5], $0x100, $0x38;
	[tilespmem:$0x500] =	vst v63  }
0x11: {  	s23 =	simm.s32 $0x400;
	s6 =	sadd.s32 s6, s7  }
0x12: {  	[tilespmem:s23], [sflag:$0x2] =	stream.linear.gather [hbm4b:s6+s5], $0x100, $0x38;
	[tilespmem:$0x500] =	vst v63  }
0x13: {  	_ =	swait.ge [sflag:s4], $0x200  }
0x14: {  	[sflag:s4] =	ssyncset.done $0x0  }
0x15: {  	[sflag:s4] =	ssyncadd.s32 $0xFFFFFE00  }
0x16: {  	v0 =	vld.msk [tilespmem:s9+$0x0 ss:$0x1], $0xffff;
	_ =	sdelay $0x4  }
0x17: {  	v0 =	vmin.u32 v0, $0x1000;
	_ =	sdelay $0x3  }
0x18: {  	vm0 =	vmmov $0xffff;
	s24 =	simm.s32 $0x210  }
0x19: {  	[spmem:s5] =	stream.indirect_vreg.scatter.add.s32 [tilespmem:s23], [sflag:$0x1], $0x1, v0, vm0, $0x4038;
	[tilespmem:$0x500] =	vst v63  }
0x1a: {  	v0 =	vld.msk [tilespmem:s24+$0x0 ss:$0x1], $0xffff;
	_ =	sdelay $0x4  }
0x1b: {  	v0 =	vmin.u32 v0, $0x1000;
	_ =	sdelay $0x3  }
0x1c: {  	s25 =	simm.s32 $0x410;
	s26 =	simm.s32 $0x220  }
0x1d: {  	[spmem:s5] =	stream.indirect_vreg.scatter.add.s32 [tilespmem:s25], [sflag:$0x1], $0x1, v0, vm0, $0x4038;
	[tilespmem:$0x500] =	vst v63  }
0x1e: {  	v0 =	vld.msk [tilespmem:s26+$0x0 ss:$0x1], $0xffff;
	_ =	sdelay $0x4  }
0x1f: {  	v0 =	vmin.u32 v0, $0x1000;
	_ =	sdelay $0x3  }
0x20: {  	s28 =	simm.s32 $0x420;
	s29 =	simm.s32 $0x230  }
0x21: {  	[spmem:s5] =	stream.indirect_vreg.scatter.add.s32 [tilespmem:s28], [sflag:$0x1], $0x1, v0, vm0, $0x4038;
	[tilespmem:$0x500] =	vst v63  }
0x22: {  	v0 =	vld.msk [tilespmem:s29+$0x0 ss:$0x1], $0xffff;
	_ =	sdelay $0x4  }
0x23: {  	v0 =	vmin.u32 v0, $0x1000;
	_ =	sdelay $0x3  }
0x24: {  	s30 =	simm.s32 $0x430;
	s31 =	simm.s32 $0x240  }
0x25: {  	[spmem:s5] =	stream.indirect_vreg.scatter.add.s32 [tilespmem:s30], [sflag:$0x1], $0x1, v0, vm0, $0x4038;
	[tilespmem:$0x500] =	vst v63  }
0x26: {  	v0 =	vld.msk [tilespmem:s31+$0x0 ss:$0x1], $0xffff;
	_ =	sdelay $0x4  }
0x27: {  	v0 =	vmin.u32 v0, $0x1000;
	_ =	sdelay $0x3  }
0x28: {  	s7 =	simm.s32 $0x440;
	s8 =	simm.s32 $0x250  }
0x29: {  	[spmem:s5] =	stream.indirect_vreg.scatter.add.s32 [tilespmem:s7], [sflag:$0x1], $0x1, v0, vm0, $0x4038;
	[tilespmem:$0x500] =	vst v63  }
0x2a: {  	v0 =	vld.msk [tilespmem:s8+$0x0 ss:$0x1], $0xffff;
	_ =	sdelay $0x4  }
0x2b: {  	v0 =	vmin.u32 v0, $0x1000;
	_ =	sdelay $0x3  }
0x2c: {  	s10 =	simm.s32 $0x260;
	s9 =	simm.s32 $0x450  }
0x2d: {  	[spmem:s5] =	stream.indirect_vreg.scatter.add.s32 [tilespmem:s9], [sflag:$0x1], $0x1, v0, vm0, $0x4038;
	[tilespmem:$0x500] =	vst v63  }
0x2e: {  	v0 =	vld.msk [tilespmem:s10+$0x0 ss:$0x1], $0xffff;
	_ =	sdelay $0x4  }
0x2f: {  	v0 =	vmin.u32 v0, $0x1000;
	_ =	sdelay $0x3  }
0x30: {  	s11 =	simm.s32 $0x460;
	s12 =	simm.s32 $0x270  }
0x31: {  	[spmem:s5] =	stream.indirect_vreg.scatter.add.s32 [tilespmem:s11], [sflag:$0x1], $0x1, v0, vm0, $0x4038;
	[tilespmem:$0x500] =	vst v63  }
0x32: {  	v0 =	vld.msk [tilespmem:s12+$0x0 ss:$0x1], $0xffff;
	_ =	sdelay $0x4  }
0x33: {  	v0 =	vmin.u32 v0, $0x1000;
	_ =	sdelay $0x3  }
0x34: {  	s13 =	simm.s32 $0x470;
	s14 =	simm.s32 $0x280  }
0x35: {  	[spmem:s5] =	stream.indirect_vreg.scatter.add.s32 [tilespmem:s13], [sflag:$0x1], $0x1, v0, vm0, $0x4038;
	[tilespmem:$0x500] =	vst v63  }
0x36: {  	v0 =	vld.msk [tilespmem:s14+$0x0 ss:$0x1], $0xffff;
	_ =	sdelay $0x4  }
0x37: {  	v0 =	vmin.u32 v0, $0x1000;
	_ =	sdelay $0x3  }
0x38: {  	s15 =	simm.s32 $0x480;
	s16 =	simm.s32 $0x290  }
0x39: {  	[spmem:s5] =	stream.indirect_vreg.scatter.add.s32 [tilespmem:s15], [sflag:$0x1], $0x1, v0, vm0, $0x4038;
	[tilespmem:$0x500] =	vst v63  }
0x3a: {  	v0 =	vld.msk [tilespmem:s16+$0x0 ss:$0x1], $0xffff;
	_ =	sdelay $0x4  }
0x3b: {  	v0 =	vmin.u32 v0, $0x1000;
	_ =	sdelay $0x3  }
0x3c: {  	s17 =	simm.s32 $0x490;
	s18 =	simm.s32 $0x2A0  }
0x3d: {  	[spmem:s5] =	stream.indirect_vreg.scatter.add.s32 [tilespmem:s17], [sflag:$0x1], $0x1, v0, vm0, $0x4038;
	[tilespmem:$0x500] =	vst v63  }
0x3e: {  	v0 =	vld.msk [tilespmem:s18+$0x0 ss:$0x1], $0xffff;
	_ =	sdelay $0x4  }
0x3f: {  	v0 =	vmin.u32 v0, $0x1000;
	_ =	sdelay $0x3  }
0x40: {  	s19 =	simm.s32 $0x4A0;
	s20 =	simm.s32 $0x2B0  }
0x41: {  	[spmem:s5] =	stream.indirect_vreg.scatter.add.s32 [tilespmem:s19], [sflag:$0x1], $0x1, v0, vm0, $0x4038;
	[tilespmem:$0x500] =	vst v63  }
0x42: {  	v0 =	vld.msk [tilespmem:s20+$0x0 ss:$0x1], $0xffff;
	_ =	sdelay $0x4  }
0x43: {  	v0 =	vmin.u32 v0, $0x1000;
	_ =	sdelay $0x3  }
0x44: {  	s21 =	simm.s32 $0x4B0;
	s22 =	simm.s32 $0x2C0  }
0x45: {  	[spmem:s5] =	stream.indirect_vreg.scatter.add.s32 [tilespmem:s21], [sflag:$0x1], $0x1, v0, vm0, $0x4038;
	[tilespmem:$0x500] =	vst v63  }
0x46: {  	v0 =	vld.msk [tilespmem:s22+$0x0 ss:$0x1], $0xffff;
	_ =	sdelay $0x4  }
0x47: {  	v0 =	vmin.u32 v0, $0x1000;
	_ =	sdelay $0x3  }
0x48: {  	s23 =	simm.s32 $0x4C0;
	s24 =	simm.s32 $0x2D0  }
0x49: {  	[spmem:s5] =	stream.indirect_vreg.scatter.add.s32 [tilespmem:s23], [sflag:$0x1], $0x1, v0, vm0, $0x4038;
	[tilespmem:$0x500] =	vst v63  }
0x4a: {  	v0 =	vld.msk [tilespmem:s24+$0x0 ss:$0x1], $0xffff;
	_ =	sdelay $0x4  }
0x4b: {  	v0 =	vmin.u32 v0, $0x1000;
	_ =	sdelay $0x3  }
0x4c: {  	s25 =	simm.s32 $0x4D0;
	s26 =	simm.s32 $0x2E0  }
0x4d: {  	[spmem:s5] =	stream.indirect_vreg.scatter.add.s32 [tilespmem:s25], [sflag:$0x1], $0x1, v0, vm0, $0x4038;
	[tilespmem:$0x500] =	vst v63  }
0x4e: {  	v0 =	vld.msk [tilespmem:s26+$0x0 ss:$0x1], $0xffff;
	_ =	sdelay $0x4  }
0x4f: {  	v0 =	vmin.u32 v0, $0x1000;
	_ =	sdelay $0x3  }
0x50: {  	s28 =	simm.s32 $0x4E0;
	s29 =	simm.s32 $0x2F0  }
0x51: {  	[spmem:s5] =	stream.indirect_vreg.scatter.add.s32 [tilespmem:s28], [sflag:$0x1], $0x1, v0, vm0, $0x4038;
	[tilespmem:$0x500] =	vst v63  }
0x52: {  	v0 =	vld.msk [tilespmem:s29+$0x0 ss:$0x1], $0xffff;
	_ =	sdelay $0x4  }
0x53: {  	v0 =	vmin.u32 v0, $0x1000;
	_ =	sdelay $0x3  }
0x54: {  	s30 =	simm.s32 $0x4F0  }
0x55: {  	[spmem:s5] =	stream.indirect_vreg.scatter.add.s32 [tilespmem:s30], [sflag:$0x1], $0x1, v0, vm0, $0x4038;
	[tilespmem:$0x500] =	vst v63  }
0x56: {  	_ =	swait.ge [sflag:s3], $0x100  }
0x57: {  	[sflag:s3] =	ssyncset.done $0x0  }
0x58: {  	[sflag:s3] =	ssyncadd.s32 $0xFFFFFF00  }
0x59: {  	_ =	sfence.sel $0x180000  }
0x5a: {  	[bflag:$0x0] =	sbarrier.arrive $0xFFFF  }
0x5b: {  	[sflag:s4] =	ssyncpa.u1 $0x1  }
0x5c: {  	[sflag:s3] =	ssyncpa.u1 $0x1  }
0x5d: {  	_ =	sfence.stream.spmem  }
0x5e: {  	s31 =	simm.s32 $0x3D;
	[bflag:$0x0] =	sbarrier.arrive $0xFFFF  }
0x5f: {  	s3 =	simm.s32 @p0 $0x3D;
	[sflag:s31] =	ssyncpa.u1 $0x0  }
0x60: {  	[sflag:s3] =	ssyncpa.u1 @p0 $0x1  }
0x61: {  	[bflag:$0x0] =	sbarrier.arrive @p0 $0xFFFF  }
0x62: {  	_ =	strace @p0 $0x9000004D  }
0x63: {  	s3 =	simm.s32 @!p0 $0x1C3D;
	[bflag:$0x2] =	sbarrier.arrive @p0 $0xFFFF  }
0x64: {  	[hbm:s1], [sflag:s3] =	dma.local @!p0 [spmem:s2], $0x200  }
0x65: {  	s1 =	simm.s32 @!p0 $0x3D  }
0x66: {  	_ =	swait.ge @!p0 [sflag:s1], $0x200  }
0x67: {  	[sflag:s1] =	ssyncset.done @!p0 $0x0  }
0x68: {  	[sflag:s1] =	ssyncadd.s32 @!p0 $0xFFFFFE00  }
0x69: {  	[sflag:s1] =	ssyncpa.u1 @!p0 $0x1  }
0x6a: {  	[bflag:$0x0] =	sbarrier.arrive @!p0 $0xFFFF  }
0x6b: {  	_ =	strace @!p0 $0x9000004D  }
0x6c: {  	s0 =	sadd.s32 @!p0 $0x100000, s0;
	[bflag:$0x2] =	sbarrier.arrive @!p0 $0xFFFF  }
0x6d: {  	[sflag:s0] =	ssyncadd.tile.s32 @!p0 $0x1;
	_ =	shalt  }
.Lfunc_end2:
_tile_overlayer_lowered:
.L_overlay_start_2:
0x6e: {  	(tag) =	ssettag $0x2  }
0x6f: {  	s0 =	rddreg [dreg:$0x0];
	s2 =	stileid.u32  }
0x70: {  	s1 =	rddreg [dreg:$0x1];
	p0 =	sne.s32 s2, $0x0  }
0x71: {  	s3 =	rddreg [dreg:$0x2];
	[bflag:$0x3] =	sbarrier.arrive $0xFFFF;
	s2 =	simm.s32 @!p0 $0x1C01  }
0x72: {  	[timem:s3], [sflag:s2] =	dma.local @!p0 [hbm:s0], s1  }
0x73: {  	s0 =	simm.s32 @!p0 $0x1  }
0x74: {  	_ =	swait.ge @!p0 [sflag:s0], s1  }
0x75: {  	s1 =	ssub.s32 @!p0 $0x0, s1;
	[sflag:s0] =	ssyncset.done @!p0 $0x0  }
0x76: {  	[sflag:s0] =	ssyncadd.s32 @!p0 s1  }
0x77: {  	[bflag:$0x3] =	sbarrier.arrive $0xFFFF  }
0x78: {  	_ =	shalt  }

// kernel: scatter_offload_async_start
scs
__scs_entry_jumppad:
0x0: {  	(pc) =	sbr.rel $0x88, $3  }
0x1: {  	(tag) =	ssettag $0x0;
	lr =	simm.s32 $0x1  }
0x2: {  	[smem:$0x3F9B] =	sst lr;
	_ =	strace $0xD0000000  }
0x3: {  	_ = 	snop  }
0x4: {  	_ = 	snop  }
0x5: {  	_ = 	snop  }
0x6: {  	_ = 	snop  }
0x7: {  	_ = 	snop  }
__scs_overlays_trampoline_lowered:
0x8: {  	[smem:$0x3FAA] =	sst s0  }
0x9: {  	[smem:$0x3FAB] =	sst s1  }
0xa: {  	[smem:$0x3FAC] =	sst s2  }
0xb: {  	[smem:$0x3FAD] =	sst s3  }
0xc: {  	[smem:$0x3FAE] =	sst s4  }
0xd: {  	[smem:$0x3FAF] =	sst s5  }
0xe: {  	[smem:$0x3FB0] =	sst s6  }
0xf: {  	[smem:$0x3FB1] =	sst s7  }
0x10: {  	[smem:$0x3FB2] =	sst s8  }
0x11: {  	[smem:$0x3FB3] =	sst s9;
	s0 =	simm.s32 @!p0 $0x0  }
0x12: {  	s1 =	sld [smem:$0x3F99];
	s0 =	simm.s32 @p0 $0x1  }
0x13: {  	[smem:$0x3FB4] =	sst s0;
	s0 =	simm.s32 @!p1 $0x0  }
0x14: {  	s2 =	sld [smem:$0x3F98];
	s0 =	simm.s32 @p1 $0x1  }
0x15: {  	[smem:$0x3FB5] =	sst s0;
	s0 =	simm.s32 @!p2 $0x0  }
0x16: {  	s3 =	sld [smem:$0x3FDB];
	s0 =	simm.s32 @p2 $0x1  }
0x17: {  	s4 =	simm.s32 $0x1BF5;
	[smem:$0x3FB7] =	sst s0  }
0x18: {  	s0 =	sld [smem:$0x3F9A];
	_ =	swait.ge [sflag:s4], $0x0  }
0x19: {  	s7 =	sld [smem:$0x3F9B]  }
0x1a: {  	s8 =	sadd.s32 $0xFFFFE003, lr  }
0x1b: {  	s9 =	sadd.s32 $0xFFFFFEF7, lr;
	s5 =	simm.s32 $0xFFFFFFFF;
	p2 =	slt.u32 s8, $0xFFFFF086  }
0x1c: {  	p1 =	slt.u32 s9, $0xF7A;
	s5 =	simm.s32 @!p2 $0x0  }
0x1d: {  	s5 =	simm.s32 @p1 $0x1;
	p0 =	seq.s32 s7, s2  }
0x1e: {  	s7 =	smul.u32 @!p0 $0xF7A, s2;
	p2 =	seq.s32 @!p0 s5, $0x0  }
0x1f: {  	s9 =	smul.u32 $0xF7A, s1;
	s8 =	simm.s32 @!p0 $0x1BF5;
	p2 =	por !p2, p0  }
0x20: {  	[sflag:s8] =	ssyncset.s32 @!p0 $0xFFFFF086;
	s6 =	sadd.s32 @!p0 s3, s7;
	s7 =	simm.s32 @!p0 $0x108  }
0x21: {  	s3 =	sadd.s32 s3, s9;
	s6 =	sadd.s32 @!p0 $0x88, s6;
	s7 =	simm.s32 @p2 $0x1082  }
0x22: {  	[simem:s7], [sflag:s8] =	dma.local @!p0 [hbm:s6], $0xF7A  }
0x23: {  	s9 =	sor.u32 $0xD0000000, s2;
	s6 =	simm.s32 $0x108;
	_ =	swait.ge @!p0 [sflag:s8], $0x0  }
0x24: {  	s3 =	sadd.s32 $0x88, s3;
	s6 =	simm.s32 @!p1 $0x1082;
	[sflag:s4] =	ssyncset.s32 $0xFFFFF086  }
0x25: {  	[simem:s6], [sflag:s4] =	dma.local [hbm:s3], $0xF7A  }
0x26: {  	[smem:$0x3F9B] =	sst s1;
	(tag) =	ssettag s2;
	_ =	strace s9  }
0x27: {  	s1 =	sld [smem:$0x3FAB]  }
0x28: {  	s2 =	sld [smem:$0x3FAC]  }
0x29: {  	s4 =	sld [smem:$0x3FAE]  }
0x2a: {  	p0 =	seq.s32 s5, $0x0;
	s5 =	sld [smem:$0x3FAF]  }
0x2b: {  	s6 =	sld [smem:$0x3FB0]  }
0x2c: {  	s7 =	sld [smem:$0x3FB1]  }
0x2d: {  	s3 =	simm.s32 $0x108;
	s8 =	sld [smem:$0x3FB2]  }
0x2e: {  	s3 =	simm.s32 @!p0 $0x1082;
	s9 =	sld [smem:$0x3FB3]  }
0x2f: {  	lr =	sadd.s32 s0, s3;
	s0 =	sld [smem:$0x3FAA]  }
0x30: {  	s3 =	sld [smem:$0x3FAD]  }
0x31: {  	[smem:$0x3FB6] =	sst s10  }
0x32: {  	s10 =	sld [smem:$0x3FB4];
	_ =	sdelay $0x3  }
0x33: {  	p0 =	seq.s32 s10, $0x1;
	s10 =	sld [smem:$0x3FB6];
	_ =	sdelay $0x3  }
0x34: {  	[smem:$0x3FB6] =	sst s10  }
0x35: {  	s10 =	sld [smem:$0x3FB5];
	_ =	sdelay $0x3  }
0x36: {  	p1 =	seq.s32 s10, $0x1;
	s10 =	sld [smem:$0x3FB6];
	_ =	sdelay $0x3  }
0x37: {  	[smem:$0x3FB6] =	sst s10  }
0x38: {  	s10 =	sld [smem:$0x3FB7]  }
0x39: {  	_ = 	snop;
	(pc) =	sbr.ind lr, $3  }
0x3a: {  	_ = 	snop  }
0x3b: {  	_ = 	snop  }
0x3c: {  	p2 =	seq.s32 s10, $0x1;
	s10 =	sld [smem:$0x3FB6]  }
0x3d: {  	_ =	shalt  }
0x3e: {  	_ =	shalt  }
0x3f: {  	_ =	shalt  }
0x40: {  	_ =	shalt  }
0x41: {  	_ =	shalt  }
0x42: {  	_ =	shalt  }
0x43: {  	_ =	shalt  }
0x44: {  	_ =	shalt  }
0x45: {  	_ =	shalt  }
0x46: {  	_ =	shalt  }
0x47: {  	_ =	shalt  }
0x48: {  	_ =	shalt  }
0x49: {  	_ =	shalt  }
0x4a: {  	_ =	shalt  }
0x4b: {  	_ =	shalt  }
0x4c: {  	_ =	shalt  }
0x4d: {  	_ =	shalt  }
0x4e: {  	_ =	shalt  }
0x4f: {  	_ =	shalt  }
0x50: {  	_ =	shalt  }
0x51: {  	_ =	shalt  }
0x52: {  	_ =	shalt  }
0x53: {  	_ =	shalt  }
0x54: {  	_ =	shalt  }
0x55: {  	_ =	shalt  }
0x56: {  	_ =	shalt  }
0x57: {  	_ =	shalt  }
0x58: {  	_ =	shalt  }
0x59: {  	_ =	shalt  }
0x5a: {  	_ =	shalt  }
0x5b: {  	_ =	shalt  }
0x5c: {  	_ =	shalt  }
0x5d: {  	_ =	shalt  }
0x5e: {  	_ =	shalt  }
0x5f: {  	_ =	shalt  }
0x60: {  	_ =	shalt  }
0x61: {  	_ =	shalt  }
0x62: {  	_ =	shalt  }
0x63: {  	_ =	shalt  }
0x64: {  	_ =	shalt  }
0x65: {  	_ =	shalt  }
0x66: {  	_ =	shalt  }
0x67: {  	_ =	shalt  }
0x68: {  	_ =	shalt  }
0x69: {  	_ =	shalt  }
0x6a: {  	_ =	shalt  }
0x6b: {  	_ =	shalt  }
0x6c: {  	_ =	shalt  }
0x6d: {  	_ =	shalt  }
0x6e: {  	_ =	shalt  }
0x6f: {  	_ =	shalt  }
0x70: {  	_ =	shalt  }
0x71: {  	_ =	shalt  }
0x72: {  	_ =	shalt  }
0x73: {  	_ =	shalt  }
0x74: {  	_ =	shalt  }
0x75: {  	_ =	shalt  }
0x76: {  	_ =	shalt  }
0x77: {  	_ =	shalt  }
0x78: {  	_ =	shalt  }
0x79: {  	_ =	shalt  }
0x7a: {  	_ =	shalt  }
0x7b: {  	_ =	shalt  }
0x7c: {  	_ =	shalt  }
0x7d: {  	_ =	shalt  }
0x7e: {  	_ =	shalt  }
0x7f: {  	_ =	shalt  }
0x80: {  	_ =	shalt  }
0x81: {  	_ =	shalt  }
0x82: {  	_ =	shalt  }
0x83: {  	_ =	shalt  }
0x84: {  	_ =	shalt  }
0x85: {  	_ =	shalt  }
0x86: {  	_ =	shalt  }
0x87: {  	_ =	shalt  }
.Lfunc_end0:
.L_simem_size_0:
called_computation_lowered:
.L_overlay_start_0:
0x88: {  	s0 =	sld [smem:$0x3FD9]  }
0x89: {  	s1 =	sld [smem:$0x3FFE];
	_ =	sdelay $0x3  }
0x8a: {  	s0 =	sadd.s32 s1, s0  }
0x8b: {  	[smem:$0x3FC2] =	sst s0  }
0x8c: {  	_ = 	snop  }
0x8d: {  	s0 =	sld [smem:$0x3FD0];
	_ =	sdelay $0x2  }
0x8e: {  	s3 =	simm.s32 $0xB;
	s12 =	simm.s32 $0x10  }
0x8f: {  	[smem:s12], [sflag:s3] =	dma.local [hbm:s0], $0x1  }
0x90: {  	_ =	swait.eq [sflag:s3], $0x1  }
0x91: {  	s13 =	sld [smem:$0x11];
	[sflag:s3] =	ssyncset.done $0x0  }
0x92: {  	s2 =	sld [smem:$0x12];
	[sflag:s3] =	ssyncadd.s32 $0xFFFFFFFF  }
0x93: {  	s14 =	sld [smem:$0x13];
	(tm) =	ssettm $0x1  }
0x94: {  	s15 =	sld [smem:$0x3FFB];
	_ =	sdelay $0x3  }
0x95: {  	_ =	strace s15  }
0x96: {  	s0 =	sld [smem:$0x3FFC];
	_ =	sdelay $0x3  }
0x97: {  	_ =	strace s0  }
0x98: {  	s0 =	sld [smem:$0x3FFD];
	_ =	sdelay $0x3  }
0x99: {  	_ =	strace s0  }
0x9a: {  	_ =	strace $0x8FFFFFFF  }
0x9b: {  	s16 =	sld [smem:$0x3FDB];
	_ =	sdelay $0x1  }
0x9c: {  	s4 =	simm.s32 $_scs_section_size  }
0x9d: {  	s5 =	simm.s32 $_size__tile_overlayer_lowered;
	s6 =	simm.s32 $_tile_overlayer_lowered  }
0x9e: {  	s7 =	simm.s32 $0x1BFF;
	s17 =	sshll.u32 s6, $0x1;
	s4 =	sadd.s32 s4, s16  }
0x9f: {  	s18 =	simm.s32 $0x0;
	s5 =	sshll.u32 s5, $0x1;
	s6 =	sadd.s32 s17, s4  }
0xa0: {  	[timem:s18], [sflag:s7] =	dma.local [hbm:s6], s5  }
0xa1: {  	_ =	swait.ge [sflag:s7], s5  }
0xa2: {  	s5 =	ssub.s32 $0x0, s5;
	[sflag:s7] =	ssyncset.done $0x0  }
0xa3: {  	[sflag:s7] =	ssyncadd.s32 s5;
	_ =	sdelay $0x1  }
0xa4: {  	s19 =	simm.s32 $0x1B8B  }
0xa5: {  	_ =	swait.ge [sflag:s19], $0x1  }
0xa6: {  	[sflag:s19] =	ssyncset.done $0x0  }
0xa7: {  	s21 =	simm.s32 $0x1B8E;
	s20 =	sld [smem:$0x3FFE];
	[sflag:s19] =	ssyncadd.s32 $0xFFFFFFFF  }
0xa8: {  	s22 =	simm.s32 $execute0_lowered;
	[smem:$0x3FD2] =	sst s21  }
0xa9: {  	s6 =	sshll.u32 s22, $0x1;
	_ =	strace $0x80000046;
	[dreg:$0x1] =	wrdreg $0xFFFFFFFF  }
0xaa: {  	s23 =	simm.s32 $_size_execute0_lowered;
	s6 =	sadd.s32 s4, s6;
	[dreg:$0x0] =	wrdreg $0x0  }
0xab: {  	s7 =	sshll.u32 s23, $0x1;
	[dreg:$0x2] =	wrdreg s6  }
0xac: {  	[dreg:$0x3] =	wrdreg s7  }
0xad: {  	[dreg:$0x4] =	wrdreg $0xC0  }
0xae: {  	s24 =	simm.s32 $execute1_lowered;
	_ =	task [dreg:s18], $0x5FFFF  }
0xaf: {  	s6 =	sshll.u32 s24, $0x1;
	[dreg:$0x1] =	wrdreg $0xFFFFFFFF  }
0xb0: {  	s4 =	sadd.s32 s4, s6;
	[dreg:$0x0] =	wrdreg $0x60  }
0xb1: {  	[dreg:$0x2] =	wrdreg s4  }
0xb2: {  	[dreg:$0x3] =	wrdreg s14  }
0xb3: {  	[dreg:$0x4] =	wrdreg s20  }
0xb4: {  	[dreg:$0x5] =	wrdreg $0x9  }
0xb5: {  	_ =	task.clear_ibuf [dreg:s18], $0x6FFFF;
	_ =	strace $0x90000046  }
0xb6: {  	s25 =	simm.s32 $0x9;
	_ =	strace $0x80000048  }
0xb7: {  	_ =	swait.ge [sflag:s25], $0x1  }
0xb8: {  	[sflag:s25] =	ssyncadd.s32 $0xFFFFFFFF  }
0xb9: {  	_ =	strace $0x90000048  }
0xba: {  	_ =	strace $0x80000049;
	[dreg:$0x1] =	wrdreg $0xFFFFFFFF  }
0xbb: {  	[dreg:$0x0] =	wrdreg $0x2030  }
0xbc: {  	[dreg:$0x2] =	wrdreg s20  }
0xbd: {  	[dreg:$0x3] =	wrdreg s13  }
0xbe: {  	[dreg:$0x4] =	wrdreg s2  }
0xbf: {  	[dreg:$0x5] =	wrdreg $0xA  }
0xc0: {  	_ =	task.clear_ibuf [dreg:s18], $0x6FFFF;
	_ =	strace $0x90000049  }
0xc1: {  	s26 =	simm.s32 $0xA;
	_ =	strace $0x8000004B  }
0xc2: {  	_ =	swait.ge [sflag:s26], $0x1  }
0xc3: {  	[sflag:s26] =	ssyncadd.s32 $0xFFFFFFFF  }
0xc4: {  	_ =	strace $0x9000004B  }
0xc5: {  	_ =	sfence  }
0xc6: {  	s28 =	sld [smem:$0x0];
	_ =	sdelay $0x1  }
0xc7: {  	s29 =	srdreg.scid  }
0xc8: {  	s30 =	sshll.u32 s29, $0xD;
	s31 =	sshrl.u32 s29, $0x2  }
0xc9: {  	s3 =	sand.u32 $0x4000, s30;
	s2 =	sand.u32 $0x1, s29;
	s1 =	sadd.s32 s31, s28  }
0xca: {  	s2 =	sor.u32 s3, s2;
	s1 =	sshll.u32 s1, $0x11  }
0xcb: {  	s1 =	sor.u32 s1, s2  }
0xcc: {  	s1 =	sadd.s32 $0x8F2B, s1  }
0xcd: {  	[sflag:s1] =	ssyncadd.remote.s32 $0x1  }
0xce: {  	_ =	sfence.sel $0xFFFF  }
0xcf: {  	[dreg:$0x0] =	wrdreg $0xFFFFFFFF;
	(pc) =	sbr.abs _section_cstart, $3  }
0xd0: {  	[dreg:$0x1] =	wrdreg $0xFFFFFFFF  }
0xd1: {  	_ =	task.clear_ibuf [dreg:s18], $0x2FFFF;
	_ =	strace $0x9FFFFFFF  }
0xd2: {  	(tm) =	ssettm $0x7FFFFFFF  }
0xd3: {  	_ =	shalt  }
tec
execute0_lowered:
.L_overlay_start_1:
0x0: {  	(tag) =	ssettag $0x1  }
0x1: {  	s2 =	rddreg [dreg:$0x0]  }
0x2: {  	s6 =	rddreg [dreg:$0x1]  }
0x3: {  	s3 =	rddreg [dreg:$0x2]  }
0x4: {  	s0 =	rddreg [dreg:$0x3];
	s7 =	stileid.u32  }
0x5: {  	[bflag:$0x3] =	sbarrier.arrive $0xFFFF;
	s1 =	simm.s32 $_size_execute1_lowered;
	p0 =	sne.s32 s7, $0x0  }
0x6: {  	s1 =	sshll.u32 s1, $0x1;
	s4 =	simm.s32 @!p0 $0x1C3F;
	s5 =	simm.s32 @!p0 $0x4060  }
0x7: {  	[timem:s5], [sflag:s4] =	dma.local @!p0 [hbm:s2], s1  }
0x8: {  	s4 =	sshll.u32 s7, $0x8  }
0x9: {  	s8 =	ssub.s32 $0x1000, s4  }
0xa: {  	s31 =	sand.u32 $0xF00, s8  }
0xb: {  	s9 =	simm.s32 $0x1;
	p1 =	sne.s32 s31, $0x0  }
0xc: {  	s8 =	sshrl.u32 s8, $0xC;
	s9 =	simm.s32 @!p1 $0x0  }
0xd: {  	s8 =	sadd.s32 s9, s8  }
0xe: {  	s11 =	sadd.s32 $0x1, s8  }
0xf: {  	s15 =	simm.s32 $0x1;
	s10 =	simm.s32 $0xFFFFFFFF;
	p2 =	sne.s32 s11, $0x0  }
.Ltmp0:
0x10: {  	p3 =	por $0x0, $0x0;
	s5 =	sadd.s32 $0x1200, s3;
	(pc) =	sbr.rel @!p2 .LBB2_1-.Ltmp0, $4  }
0x11: {  	s2 =	simm.s32 $0x1;
	s7 =	sshll.u32 s7, $0x5;
	_ =	strace $0x80000047  }
0x12: {  	s7 =	sadd.s32 s7, s6;
	s6 =	simm.s32 $0x0;
	p1 =	sle.u32 s8, $0x0  }
0x13: {  	s3 =	simm.s32 $0x2;
	[sflag:s2] =	ssyncpa.u1 $0x0;
	s9 =	sxor.u32 @!p1 $0xFFFFFFFF, s6  }
0x14: {  	[sflag:s3] =	ssyncpa.u1 $0x0;
	s17 =	sand.u32 @!p1 $0x100, s9;
	p1 =	por p1, p1  }
0x15: {  	p2 =	sle.u32 s8, $0xFFFFFFFF  }
0x16: {  	s9 =	simm.s32 @!p1 $0x0;
	s10 =	simm.s32 @!p2 $0x1  }
0x17: {  	[tilespmem:s17], [sflag:$0x1] =	stream.linear.gather @!p1 [hbm4b:s7+s9], $0x100, $0x38;
	[tilespmem:$0x400] =	vst v63  }
0x18: {  	_ =	swait.ge @!p2 [sflag:s10], $0x100  }
0x19: {  	[sflag:s10] =	ssyncset.done @!p2 $0x0  }
0x1a: {  	s12 =	sand.u32 @!p2 $0x100, s6;
	[sflag:s10] =	ssyncadd.s32 @!p2 $0xFFFFFF00  }
0x1b: {  	v2 =	vld @!p2 [tilespmem:s12+$0xF0]  }
0x1c: {  	v3 =	vld @!p2 [tilespmem:s12+$0xE0]  }
0x1d: {  	v4 =	vld @!p2 [tilespmem:s12+$0xC0]  }
0x1e: {  	p4 =	sne.s32 s11, $0x1;
	v5 =	vld @!p2 [tilespmem:s12+$0xD0]  }
.Ltmp1:
0x1f: {  	v0 =	vld @!p2 [tilespmem:s12+$0xB0];
	(pc) =	sbr.rel @!p4 .LBB2_3-.Ltmp1, $4  }
0x20: {  	s14 =	simm.s32 $0x2;
	s9 =	simm.s32 $0x100;
	p1 =	sle.u32 s8, $0x1;
	v1 =	vld @!p2 [tilespmem:s12+$0x90];
	[tilespmem:s12+$0x2F0] =	vst @!p2 v2  }
0x21: {  	p3 =	por $0x1, $0x1;
	s16 =	sshrl.u32 @!p2 s4, $0x3;
	s13 =	sxor.u32 @!p1 $0xFFFFFFFF, s9;
	v2 =	vld @!p2 [tilespmem:s12+$0x70];
	[tilespmem:s12+$0x2E0] =	vst @!p2 v3  }
0x22: {  	s18 =	simm.s32 $0x100;
	s17 =	sand.u32 @!p1 $0x100, s13;
	s13 =	sadd.s32 @!p2 s5, s16;
	v3 =	vld @!p2 [tilespmem:s12+$0x60];
	[tilespmem:s12+$0x2C0] =	vst @!p2 v4  }
0x23: {  	s16 =	sor.u32 @!p2 $0x200, s12;
	p1 =	por p1, p1;
	s10 =	simm.s32 $0x0;
	v4 =	vld @!p2 [tilespmem:s12+$0xA0];
	[tilespmem:s12+$0x2D0] =	vst @!p2 v5  }
.LBB2_4:
0x24: {  	p4 =	sne.s32 s14, s11  }
0x25: {  	s18 =	sadd.s32 $0x100, s18;
	v5 =	vld @!p2 [tilespmem:s12+$0x40];
	[tilespmem:s12+$0x2B0] =	vst @!p2 v0;
	s19 =	smov.u32 s14;
	s14 =	sadd.s32 $0x1, s14  }
0x26: {  	v0 =	vld @!p2 [tilespmem:s12+$0x0];
	[tilespmem:s12+$0x290] =	vst @!p2 v1  }
0x27: {  	v1 =	vld @!p2 [tilespmem:s12+$0x30];
	[tilespmem:s12+$0x270] =	vst @!p2 v2  }
0x28: {  	v2 =	vld @!p2 [tilespmem:s12+$0x50];
	[tilespmem:s12+$0x260] =	vst @!p2 v3  }
0x29: {  	v3 =	vld @!p2 [tilespmem:s12+$0x80];
	[tilespmem:s12+$0x2A0] =	vst @!p2 v4  }
0x2a: {  	v4 =	vld @!p2 [tilespmem:s12+$0x20];
	[tilespmem:s12+$0x240] =	vst @!p2 v5  }
0x2b: {  	[tilespmem:s12+$0x200] =	vst @!p2 v0;
	v0 =	vld @!p2 [tilespmem:s12+$0x10]  }
0x2c: {  	[tilespmem:s12+$0x230] =	vst @!p2 v1  }
0x2d: {  	[tilespmem:s12+$0x250] =	vst @!p2 v2  }
0x2e: {  	[tilespmem:s12+$0x280] =	vst @!p2 v3  }
0x2f: {  	s20 =	simm.s32 @!p2 $0x0;
	p6 =	slt.u32 s6, $0x2;
	s6 =	smov.u32 s15;
	[tilespmem:s12+$0x220] =	vst @!p2 v4  }
0x30: {  	s15 =	simm.s32 @!p1 $0x0;
	p5 =	sge.u32 s19, s8;
	[tilespmem:s12+$0x210] =	vst @!p2 v0;
	s12 =	simm.s32 @!p6 $0x2  }
0x31: {  	[hbm4b:s13+s20] =	stream.linear.scatter @!p2 [tilespmem:s16], [sflag:$0x2], $0x100, $0x38;
	[tilespmem:$0x400] =	vst v63  }
0x32: {  	s13 =	sxor.u32 @!p5 $0xFFFFFFFF, s18;
	s16 =	sadd.s32 $0xFFFFFFFF, s19;
	_ =	swait.ge @!p6 [sflag:s12], $0x100  }
0x33: {  	p2 =	sge.u32 s10, s8;
	s20 =	sand.u32 @!p5 $0x100, s13;
	[sflag:s12] =	ssyncset.done @!p6 $0x0  }
0x34: {  	s21 =	simm.s32 @!p2 $0x1;
	s10 =	sshrl.u32 @!p2 s4, $0x3;
	[sflag:s12] =	ssyncadd.s32 @!p6 $0xFFFFFF00  }
0x35: {  	[tilespmem:s17], [sflag:$0x1] =	stream.linear.gather @!p1 [hbm4b:s7+s15], $0x100, $0x38;
	[tilespmem:$0x400] =	vst v63  }
0x36: {  	s13 =	sadd.s32 @!p2 s5, s10;
	s15 =	smov.u32 s19;
	_ =	swait.ge @!p2 [sflag:s21], $0x100  }
0x37: {  	s10 =	smov.u32 s16;
	s17 =	smov.u32 s20;
	[sflag:s21] =	ssyncset.done @!p2 $0x0  }
0x38: {  	s12 =	sand.u32 @!p2 $0x100, s9;
	s9 =	smov.u32 s18;
	[sflag:s21] =	ssyncadd.s32 @!p2 $0xFFFFFF00  }
0x39: {  	s16 =	sor.u32 @!p2 $0x200, s12;
	p1 =	por p5, p5;
	v2 =	vld @!p2 [tilespmem:s12+$0xF0]  }
0x3a: {  	v3 =	vld @!p2 [tilespmem:s12+$0xE0]  }
0x3b: {  	v4 =	vld @!p2 [tilespmem:s12+$0xC0]  }
0x3c: {  	v5 =	vld @!p2 [tilespmem:s12+$0xD0]  }
.Ltmp2:
0x3d: {  	v0 =	vld @!p2 [tilespmem:s12+$0xB0];
	(pc) =	sbr.rel @p4 .LBB2_4-.Ltmp2, $4  }
0x3e: {  	v1 =	vld @!p2 [tilespmem:s12+$0x90];
	[tilespmem:s12+$0x2F0] =	vst @!p2 v2  }
0x3f: {  	v2 =	vld @!p2 [tilespmem:s12+$0x70];
	[tilespmem:s12+$0x2E0] =	vst @!p2 v3  }
0x40: {  	v3 =	vld @!p2 [tilespmem:s12+$0x60];
	[tilespmem:s12+$0x2C0] =	vst @!p2 v4  }
0x41: {  	v4 =	vld @!p2 [tilespmem:s12+$0xA0];
	[tilespmem:s12+$0x2D0] =	vst @!p2 v5  }
0x42: {  	s11 =	smov.u32 s6;
	s6 =	smov.u32 s15  }
.LBB2_6:
0x43: {  	p2 =	por p2, !p3  }
0x44: {  	v5 =	vld @!p2 [tilespmem:s12+$0x40];
	[tilespmem:s12+$0x2B0] =	vst @!p2 v0  }
0x45: {  	v0 =	vld @!p2 [tilespmem:s12+$0x0];
	[tilespmem:s12+$0x290] =	vst @!p2 v1  }
0x46: {  	v1 =	vld @!p2 [tilespmem:s12+$0x30];
	[tilespmem:s12+$0x270] =	vst @!p2 v2  }
0x47: {  	v2 =	vld @!p2 [tilespmem:s12+$0x50];
	[tilespmem:s12+$0x260] =	vst @!p2 v3  }
0x48: {  	v3 =	vld @!p2 [tilespmem:s12+$0x80];
	[tilespmem:s12+$0x2A0] =	vst @!p2 v4  }
0x49: {  	v4 =	vld @!p2 [tilespmem:s12+$0x20];
	[tilespmem:s12+$0x240] =	vst @!p2 v5  }
0x4a: {  	[tilespmem:s12+$0x200] =	vst @!p2 v0;
	v0 =	vld @!p2 [tilespmem:s12+$0x10]  }
0x4b: {  	[tilespmem:s12+$0x230] =	vst @!p2 v1  }
0x4c: {  	[tilespmem:s12+$0x250] =	vst @!p2 v2  }
0x4d: {  	p4 =	slt.u32 @p3 s11, $0x2;
	[tilespmem:s12+$0x280] =	vst @!p2 v3  }
0x4e: {  	p3 =	por p4, !p3;
	[tilespmem:s12+$0x220] =	vst @!p2 v4  }
0x4f: {  	s11 =	simm.s32 @!p2 $0x0;
	[tilespmem:s12+$0x210] =	vst @!p2 v0;
	s12 =	simm.s32 @!p3 $0x2  }
0x50: {  	[hbm4b:s13+s11] =	stream.linear.scatter @!p2 [tilespmem:s16], [sflag:$0x2], $0x100, $0x38;
	[tilespmem:$0x400] =	vst v63  }
0x51: {  	_ =	swait.ge @!p3 [sflag:s12], $0x100  }
0x52: {  	p2 =	sge.u32 s10, s8;
	[sflag:s12] =	ssyncset.done @!p3 $0x0  }
0x53: {  	s8 =	simm.s32 @!p1 $0x0;
	s10 =	simm.s32 @!p2 $0x1;
	[sflag:s12] =	ssyncadd.s32 @!p3 $0xFFFFFF00  }
0x54: {  	[tilespmem:s17], [sflag:$0x1] =	stream.linear.gather @!p1 [hbm4b:s7+s8], $0x100, $0x38;
	[tilespmem:$0x400] =	vst v63  }
0x55: {  	_ =	swait.ge @!p2 [sflag:s10], $0x100  }
0x56: {  	[sflag:s10] =	ssyncset.done @!p2 $0x0  }
0x57: {  	s7 =	sand.u32 @!p2 $0x100, s9;
	[sflag:s10] =	ssyncadd.s32 @!p2 $0xFFFFFF00  }
0x58: {  	v0 =	vld @!p2 [tilespmem:s7+$0xF0]  }
0x59: {  	v1 =	vld @!p2 [tilespmem:s7+$0xE0]  }
0x5a: {  	v2 =	vld @!p2 [tilespmem:s7+$0xC0]  }
0x5b: {  	v3 =	vld @!p2 [tilespmem:s7+$0xD0]  }
0x5c: {  	v4 =	vld @!p2 [tilespmem:s7+$0xB0]  }
0x5d: {  	v5 =	vld @!p2 [tilespmem:s7+$0x90];
	[tilespmem:s7+$0x2F0] =	vst @!p2 v0  }
0x5e: {  	v0 =	vld @!p2 [tilespmem:s7+$0x70];
	[tilespmem:s7+$0x2E0] =	vst @!p2 v1  }
0x5f: {  	v1 =	vld @!p2 [tilespmem:s7+$0x60];
	[tilespmem:s7+$0x2C0] =	vst @!p2 v2  }
0x60: {  	v2 =	vld @!p2 [tilespmem:s7+$0xA0];
	[tilespmem:s7+$0x2D0] =	vst @!p2 v3  }
0x61: {  	v3 =	vld @!p2 [tilespmem:s7+$0x40];
	[tilespmem:s7+$0x2B0] =	vst @!p2 v4  }
0x62: {  	v4 =	vld @!p2 [tilespmem:s7+$0x0];
	[tilespmem:s7+$0x290] =	vst @!p2 v5  }
0x63: {  	v5 =	vld @!p2 [tilespmem:s7+$0x30];
	[tilespmem:s7+$0x270] =	vst @!p2 v0  }
0x64: {  	v0 =	vld @!p2 [tilespmem:s7+$0x50];
	[tilespmem:s7+$0x260] =	vst @!p2 v1  }
0x65: {  	v1 =	vld @!p2 [tilespmem:s7+$0x80];
	[tilespmem:s7+$0x2A0] =	vst @!p2 v2  }
0x66: {  	v2 =	vld @!p2 [tilespmem:s7+$0x20];
	[tilespmem:s7+$0x240] =	vst @!p2 v3  }
0x67: {  	[tilespmem:s7+$0x200] =	vst @!p2 v4;
	v3 =	vld @!p2 [tilespmem:s7+$0x10]  }
0x68: {  	[tilespmem:s7+$0x230] =	vst @!p2 v5  }
0x69: {  	[tilespmem:s7+$0x250] =	vst @!p2 v0  }
0x6a: {  	s4 =	sshrl.u32 @!p2 s4, $0x3;
	[tilespmem:s7+$0x280] =	vst @!p2 v1  }
0x6b: {  	s4 =	sadd.s32 @!p2 s5, s4;
	p1 =	slt.u32 s6, $0x2;
	[tilespmem:s7+$0x220] =	vst @!p2 v2  }
0x6c: {  	s6 =	simm.s32 @!p2 $0x0;
	s5 =	sor.u32 @!p2 $0x200, s7;
	[tilespmem:s7+$0x210] =	vst @!p2 v3;
	s7 =	simm.s32 @!p1 $0x2  }
0x6d: {  	[hbm4b:s4+s6] =	stream.linear.scatter @!p2 [tilespmem:s5], [sflag:$0x2], $0x100, $0x38;
	[tilespmem:$0x400] =	vst v63  }
0x6e: {  	_ =	swait.ge @!p1 [sflag:s7], $0x100  }
0x6f: {  	[sflag:s7] =	ssyncset.done @!p1 $0x0  }
0x70: {  	[sflag:s7] =	ssyncadd.s32 @!p1 $0xFFFFFF00  }
0x71: {  	_ =	sfence.sel $0x180000  }
0x72: {  	[bflag:$0x0] =	sbarrier.arrive $0xFFFF  }
0x73: {  	[sflag:s2] =	ssyncpa.u1 $0x1  }
0x74: {  	[sflag:s3] =	ssyncpa.u1 $0x1  }
0x75: {  	_ =	strace $0x90000047  }
0x76: {  	s0 =	sadd.s32 @!p0 $0x100000, s0;
	[bflag:$0x2] =	sbarrier.arrive $0xFFFF  }
0x77: {  	[sflag:s0] =	ssyncadd.tile.s32 @!p0 $0x1;
	s0 =	simm.s32 @!p0 $0x3F  }
0x78: {  	_ =	swait.ge @!p0 [sflag:s0], s1  }
0x79: {  	s1 =	ssub.s32 @!p0 $0x0, s1;
	[sflag:s0] =	ssyncset.done @!p0 $0x0  }
0x7a: {  	[sflag:s0] =	ssyncadd.s32 @!p0 s1  }
0x7b: {  	[bflag:$0x3] =	sbarrier.arrive $0xFFFF  }
0x7c: {  	_ =	shalt  }
.LBB2_1:
.Ltmp3:
0x7d: {  	(pc) =	sbr.rel .LBB2_6-.Ltmp3, $2  }
0x7e: {  	_ =	sdelay $0x2  }
0x7f: {  	s9 =	simm.s32 $0x0  }
.LBB2_3:
.Ltmp4:
0x80: {  	(pc) =	sbr.rel .LBB2_6-.Ltmp4, $2  }
0x81: {  	_ =	sdelay $0x2  }
0x82: {  	s11 =	simm.s32 $0x0;
	s6 =	simm.s32 $0x1  }
.Lfunc_end2:
execute1_lowered:
.L_overlay_start_2:
0x83: {  	(tag) =	ssettag $0x2  }
0x84: {  	s1 =	rddreg [dreg:$0x0]  }
0x85: {  	s5 =	rddreg [dreg:$0x1]  }
0x86: {  	s6 =	rddreg [dreg:$0x2]  }
0x87: {  	s0 =	rddreg [dreg:$0x3];
	_ =	strace $0x8000004A;
	s7 =	stileid.u32  }
0x88: {  	s3 =	simm.s32 $0x3E;
	s1 =	sadd.s32 $0x1200, s1;
	p0 =	sne.s32 s7, $0x0  }
0x89: {  	[sflag:s3] =	ssyncpa.u1 $0x0;
	s4 =	simm.s32 @!p0 $0x1C3E;
	s2 =	simm.s32 @!p0 $0x0  }
0x8a: {  	[spmem:s2], [sflag:s4] =	dma.local @!p0 [hbm:s1], $0x200  }
0x8b: {  	s4 =	simm.s32 @!p0 $0x3E  }
0x8c: {  	_ =	swait.ge @!p0 [sflag:s4], $0x200  }
0x8d: {  	[sflag:s4] =	ssyncset.done @!p0 $0x0  }
0x8e: {  	[sflag:s4] =	ssyncadd.s32 @!p0 $0xFFFFFE00  }
0x8f: {  	s9 =	simm.s32 $0x200;
	[bflag:$0x0] =	sbarrier.arrive $0xFFFF  }
0x90: {  	s7 =	sshll.u32 s7, $0x5;
	[sflag:s3] =	ssyncpa.u1 $0x1;
	s3 =	simm.s32 $0x1  }
0x91: {  	s8 =	sadd.s32 s5, s7;
	s4 =	simm.s32 $0x2;
	[sflag:s3] =	ssyncpa.u1 $0x0  }
0x92: {  	s5 =	simm.s32 $0x0;
	(ifvalue) =	ssetifvalue $0x1000;
	[sflag:s4] =	ssyncpa.u1 $0x0  }
0x93: {  	[tilespmem:s9], [sflag:$0x2] =	stream.linear.gather [hbm4b:s8+s5], $0x100, $0x38;
	[tilespmem:$0x500] =	vst v63  }
0x94: {  	s23 =	simm.s32 $0x400;
	s6 =	sadd.s32 s6, s7  }
0x95: {  	[tilespmem:s23], [sflag:$0x2] =	stream.linear.gather [hbm4b:s6+s5], $0x100, $0x38;
	[tilespmem:$0x500] =	vst v63  }
0x96: {  	_ =	swait.ge [sflag:s4], $0x200  }
0x97: {  	[sflag:s4] =	ssyncset.done $0x0  }
0x98: {  	[sflag:s4] =	ssyncadd.s32 $0xFFFFFE00  }
0x99: {  	v0 =	vld.msk [tilespmem:s9+$0x0 ss:$0x1], $0xffff;
	_ =	sdelay $0x4  }
0x9a: {  	v0 =	vmin.u32 v0, $0x1000;
	_ =	sdelay $0x3  }
0x9b: {  	vm0 =	vmmov $0xffff;
	s24 =	simm.s32 $0x210  }
0x9c: {  	[spmem:s5] =	stream.indirect_vreg.scatter.add.s32 [tilespmem:s23], [sflag:$0x1], $0x1, v0, vm0, $0x4038;
	[tilespmem:$0x500] =	vst v63  }
0x9d: {  	v0 =	vld.msk [tilespmem:s24+$0x0 ss:$0x1], $0xffff;
	_ =	sdelay $0x4  }
0x9e: {  	v0 =	vmin.u32 v0, $0x1000;
	_ =	sdelay $0x3  }
0x9f: {  	s25 =	simm.s32 $0x410;
	s26 =	simm.s32 $0x220  }
0xa0: {  	[spmem:s5] =	stream.indirect_vreg.scatter.add.s32 [tilespmem:s25], [sflag:$0x1], $0x1, v0, vm0, $0x4038;
	[tilespmem:$0x500] =	vst v63  }
0xa1: {  	v0 =	vld.msk [tilespmem:s26+$0x0 ss:$0x1], $0xffff;
	_ =	sdelay $0x4  }
0xa2: {  	v0 =	vmin.u32 v0, $0x1000;
	_ =	sdelay $0x3  }
0xa3: {  	s28 =	simm.s32 $0x420;
	s29 =	simm.s32 $0x230  }
0xa4: {  	[spmem:s5] =	stream.indirect_vreg.scatter.add.s32 [tilespmem:s28], [sflag:$0x1], $0x1, v0, vm0, $0x4038;
	[tilespmem:$0x500] =	vst v63  }
0xa5: {  	v0 =	vld.msk [tilespmem:s29+$0x0 ss:$0x1], $0xffff;
	_ =	sdelay $0x4  }
0xa6: {  	v0 =	vmin.u32 v0, $0x1000;
	_ =	sdelay $0x3  }
0xa7: {  	s30 =	simm.s32 $0x430;
	s31 =	simm.s32 $0x240  }
0xa8: {  	[spmem:s5] =	stream.indirect_vreg.scatter.add.s32 [tilespmem:s30], [sflag:$0x1], $0x1, v0, vm0, $0x4038;
	[tilespmem:$0x500] =	vst v63  }
0xa9: {  	v0 =	vld.msk [tilespmem:s31+$0x0 ss:$0x1], $0xffff;
	_ =	sdelay $0x4  }
0xaa: {  	v0 =	vmin.u32 v0, $0x1000;
	_ =	sdelay $0x3  }
0xab: {  	s7 =	simm.s32 $0x440;
	s8 =	simm.s32 $0x250  }
0xac: {  	[spmem:s5] =	stream.indirect_vreg.scatter.add.s32 [tilespmem:s7], [sflag:$0x1], $0x1, v0, vm0, $0x4038;
	[tilespmem:$0x500] =	vst v63  }
0xad: {  	v0 =	vld.msk [tilespmem:s8+$0x0 ss:$0x1], $0xffff;
	_ =	sdelay $0x4  }
0xae: {  	v0 =	vmin.u32 v0, $0x1000;
	_ =	sdelay $0x3  }
0xaf: {  	s10 =	simm.s32 $0x260;
	s9 =	simm.s32 $0x450  }
0xb0: {  	[spmem:s5] =	stream.indirect_vreg.scatter.add.s32 [tilespmem:s9], [sflag:$0x1], $0x1, v0, vm0, $0x4038;
	[tilespmem:$0x500] =	vst v63  }
0xb1: {  	v0 =	vld.msk [tilespmem:s10+$0x0 ss:$0x1], $0xffff;
	_ =	sdelay $0x4  }
0xb2: {  	v0 =	vmin.u32 v0, $0x1000;
	_ =	sdelay $0x3  }
0xb3: {  	s11 =	simm.s32 $0x460;
	s12 =	simm.s32 $0x270  }
0xb4: {  	[spmem:s5] =	stream.indirect_vreg.scatter.add.s32 [tilespmem:s11], [sflag:$0x1], $0x1, v0, vm0, $0x4038;
	[tilespmem:$0x500] =	vst v63  }
0xb5: {  	v0 =	vld.msk [tilespmem:s12+$0x0 ss:$0x1], $0xffff;
	_ =	sdelay $0x4  }
0xb6: {  	v0 =	vmin.u32 v0, $0x1000;
	_ =	sdelay $0x3  }
0xb7: {  	s13 =	simm.s32 $0x470;
	s14 =	simm.s32 $0x280  }
0xb8: {  	[spmem:s5] =	stream.indirect_vreg.scatter.add.s32 [tilespmem:s13], [sflag:$0x1], $0x1, v0, vm0, $0x4038;
	[tilespmem:$0x500] =	vst v63  }
0xb9: {  	v0 =	vld.msk [tilespmem:s14+$0x0 ss:$0x1], $0xffff;
	_ =	sdelay $0x4  }
0xba: {  	v0 =	vmin.u32 v0, $0x1000;
	_ =	sdelay $0x3  }
0xbb: {  	s15 =	simm.s32 $0x480;
	s16 =	simm.s32 $0x290  }
0xbc: {  	[spmem:s5] =	stream.indirect_vreg.scatter.add.s32 [tilespmem:s15], [sflag:$0x1], $0x1, v0, vm0, $0x4038;
	[tilespmem:$0x500] =	vst v63  }
0xbd: {  	v0 =	vld.msk [tilespmem:s16+$0x0 ss:$0x1], $0xffff;
	_ =	sdelay $0x4  }
0xbe: {  	v0 =	vmin.u32 v0, $0x1000;
	_ =	sdelay $0x3  }
0xbf: {  	s17 =	simm.s32 $0x490;
	s18 =	simm.s32 $0x2A0  }
0xc0: {  	[spmem:s5] =	stream.indirect_vreg.scatter.add.s32 [tilespmem:s17], [sflag:$0x1], $0x1, v0, vm0, $0x4038;
	[tilespmem:$0x500] =	vst v63  }
0xc1: {  	v0 =	vld.msk [tilespmem:s18+$0x0 ss:$0x1], $0xffff;
	_ =	sdelay $0x4  }
0xc2: {  	v0 =	vmin.u32 v0, $0x1000;
	_ =	sdelay $0x3  }
0xc3: {  	s19 =	simm.s32 $0x4A0;
	s20 =	simm.s32 $0x2B0  }
0xc4: {  	[spmem:s5] =	stream.indirect_vreg.scatter.add.s32 [tilespmem:s19], [sflag:$0x1], $0x1, v0, vm0, $0x4038;
	[tilespmem:$0x500] =	vst v63  }
0xc5: {  	v0 =	vld.msk [tilespmem:s20+$0x0 ss:$0x1], $0xffff;
	_ =	sdelay $0x4  }
0xc6: {  	v0 =	vmin.u32 v0, $0x1000;
	_ =	sdelay $0x3  }
0xc7: {  	s21 =	simm.s32 $0x4B0;
	s22 =	simm.s32 $0x2C0  }
0xc8: {  	[spmem:s5] =	stream.indirect_vreg.scatter.add.s32 [tilespmem:s21], [sflag:$0x1], $0x1, v0, vm0, $0x4038;
	[tilespmem:$0x500] =	vst v63  }
0xc9: {  	v0 =	vld.msk [tilespmem:s22+$0x0 ss:$0x1], $0xffff;
	_ =	sdelay $0x4  }
0xca: {  	v0 =	vmin.u32 v0, $0x1000;
	_ =	sdelay $0x3  }
0xcb: {  	s23 =	simm.s32 $0x4C0;
	s24 =	simm.s32 $0x2D0  }
0xcc: {  	[spmem:s5] =	stream.indirect_vreg.scatter.add.s32 [tilespmem:s23], [sflag:$0x1], $0x1, v0, vm0, $0x4038;
	[tilespmem:$0x500] =	vst v63  }
0xcd: {  	v0 =	vld.msk [tilespmem:s24+$0x0 ss:$0x1], $0xffff;
	_ =	sdelay $0x4  }
0xce: {  	v0 =	vmin.u32 v0, $0x1000;
	_ =	sdelay $0x3  }
0xcf: {  	s25 =	simm.s32 $0x4D0;
	s26 =	simm.s32 $0x2E0  }
0xd0: {  	[spmem:s5] =	stream.indirect_vreg.scatter.add.s32 [tilespmem:s25], [sflag:$0x1], $0x1, v0, vm0, $0x4038;
	[tilespmem:$0x500] =	vst v63  }
0xd1: {  	v0 =	vld.msk [tilespmem:s26+$0x0 ss:$0x1], $0xffff;
	_ =	sdelay $0x4  }
0xd2: {  	v0 =	vmin.u32 v0, $0x1000;
	_ =	sdelay $0x3  }
0xd3: {  	s28 =	simm.s32 $0x4E0;
	s29 =	simm.s32 $0x2F0  }
0xd4: {  	[spmem:s5] =	stream.indirect_vreg.scatter.add.s32 [tilespmem:s28], [sflag:$0x1], $0x1, v0, vm0, $0x4038;
	[tilespmem:$0x500] =	vst v63  }
0xd5: {  	v0 =	vld.msk [tilespmem:s29+$0x0 ss:$0x1], $0xffff;
	_ =	sdelay $0x4  }
0xd6: {  	v0 =	vmin.u32 v0, $0x1000;
	_ =	sdelay $0x3  }
0xd7: {  	s30 =	simm.s32 $0x4F0  }
0xd8: {  	[spmem:s5] =	stream.indirect_vreg.scatter.add.s32 [tilespmem:s30], [sflag:$0x1], $0x1, v0, vm0, $0x4038;
	[tilespmem:$0x500] =	vst v63  }
0xd9: {  	_ =	swait.ge [sflag:s3], $0x100  }
0xda: {  	[sflag:s3] =	ssyncset.done $0x0  }
0xdb: {  	[sflag:s3] =	ssyncadd.s32 $0xFFFFFF00  }
0xdc: {  	_ =	sfence.sel $0x180000  }
0xdd: {  	[bflag:$0x0] =	sbarrier.arrive $0xFFFF  }
0xde: {  	[sflag:s4] =	ssyncpa.u1 $0x1  }
0xdf: {  	[sflag:s3] =	ssyncpa.u1 $0x1  }
0xe0: {  	_ =	sfence.stream.spmem  }
0xe1: {  	s31 =	simm.s32 $0x3D;
	[bflag:$0x0] =	sbarrier.arrive $0xFFFF  }
0xe2: {  	s3 =	simm.s32 @p0 $0x3D;
	[sflag:s31] =	ssyncpa.u1 $0x0  }
0xe3: {  	[sflag:s3] =	ssyncpa.u1 @p0 $0x1  }
0xe4: {  	[bflag:$0x0] =	sbarrier.arrive @p0 $0xFFFF  }
0xe5: {  	_ =	strace @p0 $0x9000004A  }
0xe6: {  	s3 =	simm.s32 @!p0 $0x1C3D;
	[bflag:$0x2] =	sbarrier.arrive @p0 $0xFFFF  }
0xe7: {  	[hbm:s1], [sflag:s3] =	dma.local @!p0 [spmem:s2], $0x200  }
0xe8: {  	s1 =	simm.s32 @!p0 $0x3D  }
0xe9: {  	_ =	swait.ge @!p0 [sflag:s1], $0x200  }
0xea: {  	[sflag:s1] =	ssyncset.done @!p0 $0x0  }
0xeb: {  	[sflag:s1] =	ssyncadd.s32 @!p0 $0xFFFFFE00  }
0xec: {  	[sflag:s1] =	ssyncpa.u1 @!p0 $0x1  }
0xed: {  	[bflag:$0x0] =	sbarrier.arrive @!p0 $0xFFFF  }
0xee: {  	_ =	strace @!p0 $0x9000004A  }
0xef: {  	s0 =	sadd.s32 @!p0 $0x100000, s0;
	[bflag:$0x2] =	sbarrier.arrive @!p0 $0xFFFF  }
0xf0: {  	[sflag:s0] =	ssyncadd.tile.s32 @!p0 $0x1;
	_ =	shalt  }
.Lfunc_end3:
_tile_overlayer_lowered:
.L_overlay_start_3:
0xf1: {  	(tag) =	ssettag $0x3  }
0xf2: {  	s0 =	rddreg [dreg:$0x0];
	s2 =	stileid.u32  }
0xf3: {  	s1 =	rddreg [dreg:$0x1];
	p0 =	sne.s32 s2, $0x0  }
0xf4: {  	s3 =	rddreg [dreg:$0x2];
	[bflag:$0x3] =	sbarrier.arrive $0xFFFF;
	s2 =	simm.s32 @!p0 $0x1C01  }
0xf5: {  	[timem:s3], [sflag:s2] =	dma.local @!p0 [hbm:s0], s1  }
0xf6: {  	s0 =	simm.s32 @!p0 $0x1  }
0xf7: {  	_ =	swait.ge @!p0 [sflag:s0], s1  }
0xf8: {  	s1 =	ssub.s32 @!p0 $0x0, s1;
	[sflag:s0] =	ssyncset.done @!p0 $0x0  }
0xf9: {  	[sflag:s0] =	ssyncadd.s32 @!p0 s1  }
0xfa: {  	[bflag:$0x3] =	sbarrier.arrive $0xFFFF  }
0xfb: {  	_ =	shalt  }

</sc_bundles>
